<compile_context>
chip_gen: v7x
topology: tpu7x:2x2x1
jax: 0.10.2.dev20260603
libtpu: 0.0.44.dev20260713+nightly
codegen_flags: <defaults>
</compile_context>

<pallas_src>
import functools

import jax
import jax.numpy as jnp
from jax import lax
from jax.experimental import pallas as pl
from jax.experimental.pallas import tpu as pltpu
from jax.experimental.pallas import tpu_sc as plsc

_SEQ = 1048576
_V = 25
_D = 25
_L = 16
_NC = 2
_NS = 16
_NW = _NC * _NS
_TOK_PER_W = _SEQ // _NW
_CHUNK = 1024
_N_CHUNK = _TOK_PER_W // _CHUNK
_GROUPS = _CHUNK // _L

_mesh = plsc.VectorSubcoreMesh(core_axis_name="c", subcore_axis_name="s")


@functools.partial(
    pl.kernel,
    mesh=_mesh,
    out_type=jax.ShapeDtypeStruct((_D, _SEQ), jnp.float32),
    compiler_params=pltpu.CompilerParams(
        needs_layout_passes=False,
        use_tc_tiling_on_sc=True,
        disable_bounds_checks=True,
        disable_semaphore_checks=True,
    ),
    scratch_types=[
        pltpu.VMEM((_V * _D,), jnp.float32),
        pltpu.VMEM((_TOK_PER_W,), jnp.int32),
        pltpu.VMEM((8, _CHUNK), jnp.float32),
        pltpu.VMEM((8, _CHUNK), jnp.float32),
        pltpu.VMEM((8, _CHUNK), jnp.float32),
        pltpu.VMEM((1, _CHUNK), jnp.float32),
        pltpu.VMEM((8, _CHUNK), jnp.float32),
        pltpu.VMEM((8, _CHUNK), jnp.float32),
        pltpu.VMEM((8, _CHUNK), jnp.float32),
        pltpu.VMEM((1, _CHUNK), jnp.float32),
        pltpu.SemaphoreType.DMA,
    ],
)
def _embed(seq_hbm, table_hbm, out_hbm, table_v, idx_v,
           a0, a1, a2, a3, b0, b1, b2, b3, sem_o):
    wid = lax.axis_index("s") * _NC + lax.axis_index("c")
    tok0 = wid * _TOK_PER_W
    pltpu.sync_copy(table_hbm, table_v)
    pltpu.sync_copy(seq_hbm.at[pl.ds(tok0, _TOK_PER_W)], idx_v)
    bufsets = ((a0, a1, a2, a3), (b0, b1, b2, b3))

    def compute_chunk(c, bufs):
        @plsc.parallel_loop(0, _GROUPS, 1, unroll=1)
        def _(m):
            idx16 = idx_v[pl.ds(c * _CHUNK + m * _L, _L)]
            srow = idx16 * _D
            for j in range(_D):
                g, jr = divmod(j, 8)
                vals = plsc.load_gather(table_v, [srow + j])
                bufs[g][jr if g < 3 else 0, pl.ds(m * _L, _L)] = vals

    def put_chunk(c, bufs):
        t0 = tok0 + c * _CHUNK
        for g in range(3):
            dst = out_hbm.at[pl.ds(g * 8, 8), pl.ds(t0, _CHUNK)]
            pltpu.async_copy(bufs[g], dst, sem_o)
        dst = out_hbm.at[pl.ds(24, 1), pl.ds(t0, _CHUNK)]
        pltpu.async_copy(bufs[3], dst, sem_o)

    def wait_out(bufs):
        for g in range(3):
            dst = out_hbm.at[pl.ds(g * 8, 8), pl.ds(tok0, _CHUNK)]
            pltpu.make_async_copy(bufs[g], dst, sem_o).wait()
        dst = out_hbm.at[pl.ds(24, 1), pl.ds(tok0, _CHUNK)]
        pltpu.make_async_copy(bufs[3], dst, sem_o).wait()

    compute_chunk(0, bufsets[0])
    put_chunk(0, bufsets[0])
    compute_chunk(1, bufsets[1])
    put_chunk(1, bufsets[1])

    def pair_body(i, carry):
        c0 = 2 * i
        wait_out(bufsets[0])
        compute_chunk(c0, bufsets[0])
        put_chunk(c0, bufsets[0])
        wait_out(bufsets[1])
        compute_chunk(c0 + 1, bufsets[1])
        put_chunk(c0 + 1, bufsets[1])
        return carry

    lax.fori_loop(1, _N_CHUNK // 2, pair_body, 0)
    wait_out(bufsets[0])
    wait_out(bufsets[1])


def kernel(sequence, table):
    res = _embed(sequence, table.reshape(-1))
    return res.T

# --- scband reference (transcript-rebuilt; emitter-appended) ---
"""Pipeline reference for scband-sequence-embedding-58411555226241 (READ-ONLY COPY).

The authoritative reference and input builder live on the scoring server;
editing this copy changes nothing except your own understanding.
"""

import jax, jax.numpy as jnp
import numpy as np

VOCAB = 25  # amino-acid alphabet incl. ambiguity codes
SEQ_LEN = 1048576

def setup_inputs(seed: int = 0) -> dict:
    key = jax.random.key(seed)
    k1, _ = jax.random.split(key)
    sequence = jax.random.randint(k1, (SEQ_LEN,), 0, VOCAB, dtype=jnp.int32)
    # seq2tensor maps each character to its one-hot row; materialize the
    # encoding table as a float parameter so the op is a table gather.
    table = jnp.eye(VOCAB, dtype=jnp.float32)
    return {"sequence": sequence, "table": table}

def reference(sequence, table):
    # SequenceEmbedding.forward: seq2tensor(sequence)
    # == per-token row lookup into the one-hot encoding table
    return jnp.take(table, sequence, axis=0)

if __name__ == "__main__":
    import jax
    _d = setup_inputs()
    print(jax.jit(kernel)(*tuple(_d.values())))

</pallas_src>

<mosaic_0001>
#map = affine_map<(d0, d1) -> (0)>
#map1 = affine_map<(d0, d1) -> (0, 0)>
module attributes {stable_mosaic.version = 14 : i64} {
  func.func @_embed(%arg0: i32, %arg1: i32, %arg2: memref<1048576xi32, #tpu.memory_space<hbm>>, %arg3: memref<625xf32, #tpu.memory_space<hbm>>, %arg4: memref<25x1048576xf32, #tpu.memory_space<hbm>>, %arg5: memref<625xf32, #tpu.memory_space<vmem>>, %arg6: memref<32768xi32, #tpu.memory_space<vmem>>, %arg7: memref<8x1024xf32, #tpu.memory_space<vmem>>, %arg8: memref<8x1024xf32, #tpu.memory_space<vmem>>, %arg9: memref<8x1024xf32, #tpu.memory_space<vmem>>, %arg10: memref<1x1024xf32, #tpu.memory_space<vmem>>, %arg11: memref<8x1024xf32, #tpu.memory_space<vmem>>, %arg12: memref<8x1024xf32, #tpu.memory_space<vmem>>, %arg13: memref<8x1024xf32, #tpu.memory_space<vmem>>, %arg14: memref<1x1024xf32, #tpu.memory_space<vmem>>, %arg15: memref<!tpu.dma_semaphore, #tpu.memory_space<semaphore_mem>>) attributes {dimension_semantics = [#tpu.dimension_semantics<core_parallel>, #tpu.dimension_semantics<subcore_parallel>], iteration_bounds = array<i64: 2, 16>, scalar_prefetch = 0 : i64, scratch_operands = 11 : i64, tpu.core_type = #tpu.core_type<sc_vector_subcore>, window_params = [{transform_indices = #map}, {transform_indices = #map}, {transform_indices = #map1}]} {
    %mul3A = arith.constant 2 : i32
    %mul3A_0 = arith.muli %arg1, %mul3A : i32
    %add3A = arith.addi %mul3A_0, %arg0 : i32
    %mul3A_1 = arith.constant 32768 : i32
    %mul3A_2 = arith.muli %add3A, %mul3A_1 : i32
    "tpu.region"() ({
      %run_scoped3A = tpu.sem_alloc : memref<!tpu.dma_semaphore, #tpu.memory_space<semaphore_mem>>
      tpu.enqueue_dma source(%arg3 : memref<625xf32, #tpu.memory_space<hbm>>) target(%arg5 : memref<625xf32, #tpu.memory_space<vmem>>) target_semaphore(%run_scoped3A : memref<!tpu.dma_semaphore, #tpu.memory_space<semaphore_mem>>)
      tpu.wait_dma2 semaphore(%run_scoped3A : memref<!tpu.dma_semaphore, #tpu.memory_space<semaphore_mem>>) src(%arg3 : memref<625xf32, #tpu.memory_space<hbm>>) dst(%arg5 : memref<625xf32, #tpu.memory_space<vmem>>)
      tpu.yield
    }) : () -> ()
    "tpu.region"() ({
      %run_scoped3A = tpu.sem_alloc : memref<!tpu.dma_semaphore, #tpu.memory_space<semaphore_mem>>
      %dma_start3A_79 = tpu.memref_slice %arg2[%mul3A_2] : memref<1048576xi32, #tpu.memory_space<hbm>> -> memref<32768xi32, #tpu.memory_space<hbm>>
      %dma_start3A_80 = tpu.memref_slice %arg2[%mul3A_2] : memref<1048576xi32, #tpu.memory_space<hbm>> -> memref<32768xi32, #tpu.memory_space<hbm>>
      tpu.enqueue_dma source(%dma_start3A_80 : memref<32768xi32, #tpu.memory_space<hbm>>) target(%arg6 : memref<32768xi32, #tpu.memory_space<vmem>>) target_semaphore(%run_scoped3A : memref<!tpu.dma_semaphore, #tpu.memory_space<semaphore_mem>>)
      %dma_wait3A_81 = tpu.memref_slice %arg2[%mul3A_2] : memref<1048576xi32, #tpu.memory_space<hbm>> -> memref<32768xi32, #tpu.memory_space<hbm>>
      %dma_wait3A_82 = tpu.memref_slice %arg2[%mul3A_2] : memref<1048576xi32, #tpu.memory_space<hbm>> -> memref<32768xi32, #tpu.memory_space<hbm>>
      tpu.wait_dma2 semaphore(%run_scoped3A : memref<!tpu.dma_semaphore, #tpu.memory_space<semaphore_mem>>) src(%dma_wait3A_82 : memref<32768xi32, #tpu.memory_space<hbm>>) dst(%arg6 : memref<32768xi32, #tpu.memory_space<vmem>>)
      tpu.yield
    }) : () -> ()
    %parallel_loop3A = arith.constant 0 : i32
    %parallel_loop3A_3 = arith.constant 64 : i32
    %parallel_loop3A_4 = arith.constant 1 : i32
    scf.for %parallel_loop3A_79 = %parallel_loop3A to %parallel_loop3A_3 step %parallel_loop3A_4  : i32 {
      %parallel_loop3A_80 = arith.constant 16 : i32
      %parallel_loop3A_81 = arith.muli %parallel_loop3A_79, %parallel_loop3A_80 : i32
      %parallel_loop3A_82 = arith.constant 0 : i32
      %parallel_loop3A_83 = arith.addi %parallel_loop3A_82, %parallel_loop3A_81 : i32
      %parallel_loop3A_84 = arith.index_cast %parallel_loop3A_83 : i32 to index
      %parallel_loop3A_85 = tpu.vector_load %arg6[%parallel_loop3A_84] {strides = array<i32>} : memref<32768xi32, #tpu.memory_space<vmem>>, vector<16xi32>,
      %parallel_loop3A_86 = arith.constant 25 : i32
      %parallel_loop3A_87 = vector.broadcast %parallel_loop3A_86 : i32 to vector<16xi32>
      %parallel_loop3A_88 = arith.muli %parallel_loop3A_85, %parallel_loop3A_87 : vector<16xi32>
      %parallel_loop3A_89 = arith.constant 0 : i32
      %parallel_loop3A_90 = vector.broadcast %parallel_loop3A_89 : i32 to vector<16xi32>
      %parallel_loop3A_91 = arith.addi %parallel_loop3A_88, %parallel_loop3A_90 : vector<16xi32>
      %parallel_loop3A_92 = tpu.vector_load_idx %arg5[%parallel_loop3A_91] : memref<625xf32, #tpu.memory_space<vmem>>[vector<16xi32>], vector<16xf32>,
      %parallel_loop3A_93 = arith.constant 16 : i32
      %parallel_loop3A_94 = arith.muli %parallel_loop3A_79, %parallel_loop3A_93 : i32
      %parallel_loop3A_95 = arith.constant 0 : i32
      %parallel_loop3A_96 = arith.index_cast %parallel_loop3A_95 : i32 to index
      %parallel_loop3A_97 = arith.index_cast %parallel_loop3A_94 : i32 to index
      %parallel_loop3A_98 = tpu.vector_load %arg7[%parallel_loop3A_96, %parallel_loop3A_97] {strides = array<i32>} : memref<8x1024xf32, #tpu.memory_space<vmem>>, vector<16xf32>,
      tpu.vector_store %arg7[%parallel_loop3A_96, %parallel_loop3A_97], %parallel_loop3A_92 {strides = array<i32>} : memref<8x1024xf32, #tpu.memory_space<vmem>>, vector<16xf32>,
      %parallel_loop3A_99 = arith.constant 1 : i32
      %parallel_loop3A_100 = vector.broadcast %parallel_loop3A_99 : i32 to vector<16xi32>
      %parallel_loop3A_101 = arith.addi %parallel_loop3A_88, %parallel_loop3A_100 : vector<16xi32>
      %parallel_loop3A_102 = tpu.vector_load_idx %arg5[%parallel_loop3A_101] : memref<625xf32, #tpu.memory_space<vmem>>[vector<16xi32>], vector<16xf32>,
      %parallel_loop3A_103 = arith.constant 16 : i32
      %parallel_loop3A_104 = arith.muli %parallel_loop3A_79, %parallel_loop3A_103 : i32
      %parallel_loop3A_105 = arith.constant 1 : i32
      %parallel_loop3A_106 = arith.index_cast %parallel_loop3A_105 : i32 to index
      %parallel_loop3A_107 = arith.index_cast %parallel_loop3A_104 : i32 to index
      %parallel_loop3A_108 = tpu.vector_load %arg7[%parallel_loop3A_106, %parallel_loop3A_107] {strides = array<i32>} : memref<8x1024xf32, #tpu.memory_space<vmem>>, vector<16xf32>,
      tpu.vector_store %arg7[%parallel_loop3A_106, %parallel_loop3A_107], %parallel_loop3A_102 {strides = array<i32>} : memref<8x1024xf32, #tpu.memory_space<vmem>>, vector<16xf32>,
      %parallel_loop3A_109 = arith.constant 2 : i32
      %parallel_loop3A_110 = vector.broadcast %parallel_loop3A_109 : i32 to vector<16xi32>
      %parallel_loop3A_111 = arith.addi %parallel_loop3A_88, %parallel_loop3A_110 : vector<16xi32>
      %parallel_loop3A_112 = tpu.vector_load_idx %arg5[%parallel_loop3A_111] : memref<625xf32, #tpu.memory_space<vmem>>[vector<16xi32>], vector<16xf32>,
      %parallel_loop3A_113 = arith.constant 16 : i32
      %parallel_loop3A_114 = arith.muli %parallel_loop3A_79, %parallel_loop3A_113 : i32
      %parallel_loop3A_115 = arith.constant 2 : i32
      %parallel_loop3A_116 = arith.index_cast %parallel_loop3A_115 : i32 to index
      %parallel_loop3A_117 = arith.index_cast %parallel_loop3A_114 : i32 to index
      %parallel_loop3A_118 = tpu.vector_load %arg7[%parallel_loop3A_116, %parallel_loop3A_117] {strides = array<i32>} : memref<8x1024xf32, #tpu.memory_space<vmem>>, vector<16xf32>,
      tpu.vector_store %arg7[%parallel_loop3A_116, %parallel_loop3A_117], %parallel_loop3A_112 {strides = array<i32>} : memref<8x1024xf32, #tpu.memory_space<vmem>>, vector<16xf32>,
      %parallel_loop3A_119 = arith.constant 3 : i32
      %parallel_loop3A_120 = vector.broadcast %parallel_loop3A_119 : i32 to vector<16xi32>
      %parallel_loop3A_121 = arith.addi %parallel_loop3A_88, %parallel_loop3A_120 : vector<16xi32>
      %parallel_loop3A_122 = tpu.vector_load_idx %arg5[%parallel_loop3A_121] : memref<625xf32, #tpu.memory_space<vmem>>[vector<16xi32>], vector<16xf32>,
      %parallel_loop3A_123 = arith.constant 16 : i32
      %parallel_loop3A_124 = arith.muli %parallel_loop3A_79, %parallel_loop3A_123 : i32
      %parallel_loop3A_125 = arith.constant 3 : i32
      %parallel_loop3A_126 = arith.index_cast %parallel_loop3A_125 : i32 to index
      %parallel_loop3A_127 = arith.index_cast %parallel_loop3A_124 : i32 to index
      %parallel_loop3A_128 = tpu.vector_load %arg7[%parallel_loop3A_126, %parallel_loop3A_127] {strides = array<i32>} : memref<8x1024xf32, #tpu.memory_space<vmem>>, vector<16xf32>,
      tpu.vector_store %arg7[%parallel_loop3A_126, %parallel_loop3A_127], %parallel_loop3A_122 {strides = array<i32>} : memref<8x1024xf32, #tpu.memory_space<vmem>>, vector<16xf32>,
      %parallel_loop3A_129 = arith.constant 4 : i32
      %parallel_loop3A_130 = vector.broadcast %parallel_loop3A_129 : i32 to vector<16xi32>
      %parallel_loop3A_131 = arith.addi %parallel_loop3A_88, %parallel_loop3A_130 : vector<16xi32>
      %parallel_loop3A_132 = tpu.vector_load_idx %arg5[%parallel_loop3A_131] : memref<625xf32, #tpu.memory_space<vmem>>[vector<16xi32>], vector<16xf32>,
      %parallel_loop3A_133 = arith.constant 16 : i32
      %parallel_loop3A_134 = arith.muli %parallel_loop3A_79, %parallel_loop3A_133 : i32
      %parallel_loop3A_135 = arith.constant 4 : i32
      %parallel_loop3A_136 = arith.index_cast %parallel_loop3A_135 : i32 to index
      %parallel_loop3A_137 = arith.index_cast %parallel_loop3A_134 : i32 to index
      %parallel_loop3A_138 = tpu.vector_load %arg7[%parallel_loop3A_136, %parallel_loop3A_137] {strides = array<i32>} : memref<8x1024xf32, #tpu.memory_space<vmem>>, vector<16xf32>,
      tpu.vector_store %arg7[%parallel_loop3A_136, %parallel_loop3A_137], %parallel_loop3A_132 {strides = array<i32>} : memref<8x1024xf32, #tpu.memory_space<vmem>>, vector<16xf32>,
      %parallel_loop3A_139 = arith.constant 5 : i32
      %parallel_loop3A_140 = vector.broadcast %parallel_loop3A_139 : i32 to vector<16xi32>
      %parallel_loop3A_141 = arith.addi %parallel_loop3A_88, %parallel_loop3A_140 : vector<16xi32>
      %parallel_loop3A_142 = tpu.vector_load_idx %arg5[%parallel_loop3A_141] : memref<625xf32, #tpu.memory_space<vmem>>[vector<16xi32>], vector<16xf32>,
      %parallel_loop3A_143 = arith.constant 16 : i32
      %parallel_loop3A_144 = arith.muli %parallel_loop3A_79, %parallel_loop3A_143 : i32
      %parallel_loop3A_145 = arith.constant 5 : i32
      %parallel_loop3A_146 = arith.index_cast %parallel_loop3A_145 : i32 to index
      %parallel_loop3A_147 = arith.index_cast %parallel_loop3A_144 : i32 to index
      %parallel_loop3A_148 = tpu.vector_load %arg7[%parallel_loop3A_146, %parallel_loop3A_147] {strides = array<i32>} : memref<8x1024xf32, #tpu.memory_space<vmem>>, vector<16xf32>,
      tpu.vector_store %arg7[%parallel_loop3A_146, %parallel_loop3A_147], %parallel_loop3A_142 {strides = array<i32>} : memref<8x1024xf32, #tpu.memory_space<vmem>>, vector<16xf32>,
      %parallel_loop3A_149 = arith.constant 6 : i32
      %parallel_loop3A_150 = vector.broadcast %parallel_loop3A_149 : i32 to vector<16xi32>
      %parallel_loop3A_151 = arith.addi %parallel_loop3A_88, %parallel_loop3A_150 : vector<16xi32>
      %parallel_loop3A_152 = tpu.vector_load_idx %arg5[%parallel_loop3A_151] : memref<625xf32, #tpu.memory_space<vmem>>[vector<16xi32>], vector<16xf32>,
      %parallel_loop3A_153 = arith.constant 16 : i32
      %parallel_loop3A_154 = arith.muli %parallel_loop3A_79, %parallel_loop3A_153 : i32
      %parallel_loop3A_155 = arith.constant 6 : i32
      %parallel_loop3A_156 = arith.index_cast %parallel_loop3A_155 : i32 to index
      %parallel_loop3A_157 = arith.index_cast %parallel_loop3A_154 : i32 to index
      %parallel_loop3A_158 = tpu.vector_load %arg7[%parallel_loop3A_156, %parallel_loop3A_157] {strides = array<i32>} : memref<8x1024xf32, #tpu.memory_space<vmem>>, vector<16xf32>,
      tpu.vector_store %arg7[%parallel_loop3A_156, %parallel_loop3A_157], %parallel_loop3A_152 {strides = array<i32>} : memref<8x1024xf32, #tpu.memory_space<vmem>>, vector<16xf32>,
      %parallel_loop3A_159 = arith.constant 7 : i32
      %parallel_loop3A_160 = vector.broadcast %parallel_loop3A_159 : i32 to vector<16xi32>
      %parallel_loop3A_161 = arith.addi %parallel_loop3A_88, %parallel_loop3A_160 : vector<16xi32>
      %parallel_loop3A_162 = tpu.vector_load_idx %arg5[%parallel_loop3A_161] : memref<625xf32, #tpu.memory_space<vmem>>[vector<16xi32>], vector<16xf32>,
      %parallel_loop3A_163 = arith.constant 16 : i32
      %parallel_loop3A_164 = arith.muli %parallel_loop3A_79, %parallel_loop3A_163 : i32
      %parallel_loop3A_165 = arith.constant 7 : i32
      %parallel_loop3A_166 = arith.index_cast %parallel_loop3A_165 : i32 to index
      %parallel_loop3A_167 = arith.index_cast %parallel_loop3A_164 : i32 to index
      %parallel_loop3A_168 = tpu.vector_load %arg7[%parallel_loop3A_166, %parallel_loop3A_167] {strides = array<i32>} : memref<8x1024xf32, #tpu.memory_space<vmem>>, vector<16xf32>,
      tpu.vector_store %arg7[%parallel_loop3A_166, %parallel_loop3A_167], %parallel_loop3A_162 {strides = array<i32>} : memref<8x1024xf32, #tpu.memory_space<vmem>>, vector<16xf32>,
      %parallel_loop3A_169 = arith.constant 8 : i32
      %parallel_loop3A_170 = vector.broadcast %parallel_loop3A_169 : i32 to vector<16xi32>
      %parallel_loop3A_171 = arith.addi %parallel_loop3A_88, %parallel_loop3A_170 : vector<16xi32>
      %parallel_loop3A_172 = tpu.vector_load_idx %arg5[%parallel_loop3A_171] : memref<625xf32, #tpu.memory_space<vmem>>[vector<16xi32>], vector<16xf32>,
      %parallel_loop3A_173 = arith.constant 16 : i32
      %parallel_loop3A_174 = arith.muli %parallel_loop3A_79, %parallel_loop3A_173 : i32
      %parallel_loop3A_175 = arith.constant 0 : i32
      %parallel_loop3A_176 = arith.index_cast %parallel_loop3A_175 : i32 to index
      %parallel_loop3A_177 = arith.index_cast %parallel_loop3A_174 : i32 to index
      %parallel_loop3A_178 = tpu.vector_load %arg8[%parallel_loop3A_176, %parallel_loop3A_177] {strides = array<i32>} : memref<8x1024xf32, #tpu.memory_space<vmem>>, vector<16xf32>,
      tpu.vector_store %arg8[%parallel_loop3A_176, %parallel_loop3A_177], %parallel_loop3A_172 {strides = array<i32>} : memref<8x1024xf32, #tpu.memory_space<vmem>>, vector<16xf32>,
      %parallel_loop3A_179 = arith.constant 9 : i32
      %parallel_loop3A_180 = vector.broadcast %parallel_loop3A_179 : i32 to vector<16xi32>
      %parallel_loop3A_181 = arith.addi %parallel_loop3A_88, %parallel_loop3A_180 : vector<16xi32>
      %parallel_loop3A_182 = tpu.vector_load_idx %arg5[%parallel_loop3A_181] : memref<625xf32, #tpu.memory_space<vmem>>[vector<16xi32>], vector<16xf32>,
      %parallel_loop3A_183 = arith.constant 16 : i32
      %parallel_loop3A_184 = arith.muli %parallel_loop3A_79, %parallel_loop3A_183 : i32
      %parallel_loop3A_185 = arith.constant 1 : i32
      %parallel_loop3A_186 = arith.index_cast %parallel_loop3A_185 : i32 to index
      %parallel_loop3A_187 = arith.index_cast %parallel_loop3A_184 : i32 to index
      %parallel_loop3A_188 = tpu.vector_load %arg8[%parallel_loop3A_186, %parallel_loop3A_187] {strides = array<i32>} : memref<8x1024xf32, #tpu.memory_space<vmem>>, vector<16xf32>,
      tpu.vector_store %arg8[%parallel_loop3A_186, %parallel_loop3A_187], %parallel_loop3A_182 {strides = array<i32>} : memref<8x1024xf32, #tpu.memory_space<vmem>>, vector<16xf32>,
      %parallel_loop3A_189 = arith.constant 10 : i32
      %parallel_loop3A_190 = vector.broadcast %parallel_loop3A_189 : i32 to vector<16xi32>
      %parallel_loop3A_191 = arith.addi %parallel_loop3A_88, %parallel_loop3A_190 : vector<16xi32>
      %parallel_loop3A_192 = tpu.vector_load_idx %arg5[%parallel_loop3A_191] : memref<625xf32, #tpu.memory_space<vmem>>[vector<16xi32>], vector<16xf32>,
      %parallel_loop3A_193 = arith.constant 16 : i32
      %parallel_loop3A_194 = arith.muli %parallel_loop3A_79, %parallel_loop3A_193 : i32
      %parallel_loop3A_195 = arith.constant 2 : i32
      %parallel_loop3A_196 = arith.index_cast %parallel_loop3A_195 : i32 to index
      %parallel_loop3A_197 = arith.index_cast %parallel_loop3A_194 : i32 to index
      %parallel_loop3A_198 = tpu.vector_load %arg8[%parallel_loop3A_196, %parallel_loop3A_197] {strides = array<i32>} : memref<8x1024xf32, #tpu.memory_space<vmem>>, vector<16xf32>,
      tpu.vector_store %arg8[%parallel_loop3A_196, %parallel_loop3A_197], %parallel_loop3A_192 {strides = array<i32>} : memref<8x1024xf32, #tpu.memory_space<vmem>>, vector<16xf32>,
      %parallel_loop3A_199 = arith.constant 11 : i32
      %parallel_loop3A_200 = vector.broadcast %parallel_loop3A_199 : i32 to vector<16xi32>
      %parallel_loop3A_201 = arith.addi %parallel_loop3A_88, %parallel_loop3A_200 : vector<16xi32>
      %parallel_loop3A_202 = tpu.vector_load_idx %arg5[%parallel_loop3A_201] : memref<625xf32, #tpu.memory_space<vmem>>[vector<16xi32>], vector<16xf32>,
      %parallel_loop3A_203 = arith.constant 16 : i32
      %parallel_loop3A_204 = arith.muli %parallel_loop3A_79, %parallel_loop3A_203 : i32
      %parallel_loop3A_205 = arith.constant 3 : i32
      %parallel_loop3A_206 = arith.index_cast %parallel_loop3A_205 : i32 to index
      %parallel_loop3A_207 = arith.index_cast %parallel_loop3A_204 : i32 to index
      %parallel_loop3A_208 = tpu.vector_load %arg8[%parallel_loop3A_206, %parallel_loop3A_207] {strides = array<i32>} : memref<8x1024xf32, #tpu.memory_space<vmem>>, vector<16xf32>,
      tpu.vector_store %arg8[%parallel_loop3A_206, %parallel_loop3A_207], %parallel_loop3A_202 {strides = array<i32>} : memref<8x1024xf32, #tpu.memory_space<vmem>>, vector<16xf32>,
      %parallel_loop3A_209 = arith.constant 12 : i32
      %parallel_loop3A_210 = vector.broadcast %parallel_loop3A_209 : i32 to vector<16xi32>
      %parallel_loop3A_211 = arith.addi %parallel_loop3A_88, %parallel_loop3A_210 : vector<16xi32>
      %parallel_loop3A_212 = tpu.vector_load_idx %arg5[%parallel_loop3A_211] : memref<625xf32, #tpu.memory_space<vmem>>[vector<16xi32>], vector<16xf32>,
      %parallel_loop3A_213 = arith.constant 16 : i32
      %parallel_loop3A_214 = arith.muli %parallel_loop3A_79, %parallel_loop3A_213 : i32
      %parallel_loop3A_215 = arith.constant 4 : i32
      %parallel_loop3A_216 = arith.index_cast %parallel_loop3A_215 : i32 to index
      %parallel_loop3A_217 = arith.index_cast %parallel_loop3A_214 : i32 to index
      %parallel_loop3A_218 = tpu.vector_load %arg8[%parallel_loop3A_216, %parallel_loop3A_217] {strides = array<i32>} : memref<8x1024xf32, #tpu.memory_space<vmem>>, vector<16xf32>,
      tpu.vector_store %arg8[%parallel_loop3A_216, %parallel_loop3A_217], %parallel_loop3A_212 {strides = array<i32>} : memref<8x1024xf32, #tpu.memory_space<vmem>>, vector<16xf32>,
      %parallel_loop3A_219 = arith.constant 13 : i32
      %parallel_loop3A_220 = vector.broadcast %parallel_loop3A_219 : i32 to vector<16xi32>
      %parallel_loop3A_221 = arith.addi %parallel_loop3A_88, %parallel_loop3A_220 : vector<16xi32>
      %parallel_loop3A_222 = tpu.vector_load_idx %arg5[%parallel_loop3A_221] : memref<625xf32, #tpu.memory_space<vmem>>[vector<16xi32>], vector<16xf32>,
      %parallel_loop3A_223 = arith.constant 16 : i32
      %parallel_loop3A_224 = arith.muli %parallel_loop3A_79, %parallel_loop3A_223 : i32
      %parallel_loop3A_225 = arith.constant 5 : i32
      %parallel_loop3A_226 = arith.index_cast %parallel_loop3A_225 : i32 to index
      %parallel_loop3A_227 = arith.index_cast %parallel_loop3A_224 : i32 to index
      %parallel_loop3A_228 = tpu.vector_load %arg8[%parallel_loop3A_226, %parallel_loop3A_227] {strides = array<i32>} : memref<8x1024xf32, #tpu.memory_space<vmem>>, vector<16xf32>,
      tpu.vector_store %arg8[%parallel_loop3A_226, %parallel_loop3A_227], %parallel_loop3A_222 {strides = array<i32>} : memref<8x1024xf32, #tpu.memory_space<vmem>>, vector<16xf32>,
      %parallel_loop3A_229 = arith.constant 14 : i32
      %parallel_loop3A_230 = vector.broadcast %parallel_loop3A_229 : i32 to vector<16xi32>
      %parallel_loop3A_231 = arith.addi %parallel_loop3A_88, %parallel_loop3A_230 : vector<16xi32>
      %parallel_loop3A_232 = tpu.vector_load_idx %arg5[%parallel_loop3A_231] : memref<625xf32, #tpu.memory_space<vmem>>[vector<16xi32>], vector<16xf32>,
      %parallel_loop3A_233 = arith.constant 16 : i32
      %parallel_loop3A_234 = arith.muli %parallel_loop3A_79, %parallel_loop3A_233 : i32
      %parallel_loop3A_235 = arith.constant 6 : i32
      %parallel_loop3A_236 = arith.index_cast %parallel_loop3A_235 : i32 to index
      %parallel_loop3A_237 = arith.index_cast %parallel_loop3A_234 : i32 to index
      %parallel_loop3A_238 = tpu.vector_load %arg8[%parallel_loop3A_236, %parallel_loop3A_237] {strides = array<i32>} : memref<8x1024xf32, #tpu.memory_space<vmem>>, vector<16xf32>,
      tpu.vector_store %arg8[%parallel_loop3A_236, %parallel_loop3A_237], %parallel_loop3A_232 {strides = array<i32>} : memref<8x1024xf32, #tpu.memory_space<vmem>>, vector<16xf32>,
      %parallel_loop3A_239 = arith.constant 15 : i32
      %parallel_loop3A_240 = vector.broadcast %parallel_loop3A_239 : i32 to vector<16xi32>
      %parallel_loop3A_241 = arith.addi %parallel_loop3A_88, %parallel_loop3A_240 : vector<16xi32>
      %parallel_loop3A_242 = tpu.vector_load_idx %arg5[%parallel_loop3A_241] : memref<625xf32, #tpu.memory_space<vmem>>[vector<16xi32>], vector<16xf32>,
      %parallel_loop3A_243 = arith.constant 16 : i32
      %parallel_loop3A_244 = arith.muli %parallel_loop3A_79, %parallel_loop3A_243 : i32
      %parallel_loop3A_245 = arith.constant 7 : i32
      %parallel_loop3A_246 = arith.index_cast %parallel_loop3A_245 : i32 to index
      %parallel_loop3A_247 = arith.index_cast %parallel_loop3A_244 : i32 to index
      %parallel_loop3A_248 = tpu.vector_load %arg8[%parallel_loop3A_246, %parallel_loop3A_247] {strides = array<i32>} : memref<8x1024xf32, #tpu.memory_space<vmem>>, vector<16xf32>,
      tpu.vector_store %arg8[%parallel_loop3A_246, %parallel_loop3A_247], %parallel_loop3A_242 {strides = array<i32>} : memref<8x1024xf32, #tpu.memory_space<vmem>>, vector<16xf32>,
      %parallel_loop3A_249 = arith.constant 16 : i32
      %parallel_loop3A_250 = vector.broadcast %parallel_loop3A_249 : i32 to vector<16xi32>
      %parallel_loop3A_251 = arith.addi %parallel_loop3A_88, %parallel_loop3A_250 : vector<16xi32>
      %parallel_loop3A_252 = tpu.vector_load_idx %arg5[%parallel_loop3A_251] : memref<625xf32, #tpu.memory_space<vmem>>[vector<16xi32>], vector<16xf32>,
      %parallel_loop3A_253 = arith.constant 16 : i32
      %parallel_loop3A_254 = arith.muli %parallel_loop3A_79, %parallel_loop3A_253 : i32
      %parallel_loop3A_255 = arith.constant 0 : i32
      %parallel_loop3A_256 = arith.index_cast %parallel_loop3A_255 : i32 to index
      %parallel_loop3A_257 = arith.index_cast %parallel_loop3A_254 : i32 to index
      %parallel_loop3A_258 = tpu.vector_load %arg9[%parallel_loop3A_256, %parallel_loop3A_257] {strides = array<i32>} : memref<8x1024xf32, #tpu.memory_space<vmem>>, vector<16xf32>,
      tpu.vector_store %arg9[%parallel_loop3A_256, %parallel_loop3A_257], %parallel_loop3A_252 {strides = array<i32>} : memref<8x1024xf32, #tpu.memory_space<vmem>>, vector<16xf32>,
      %parallel_loop3A_259 = arith.constant 17 : i32
      %parallel_loop3A_260 = vector.broadcast %parallel_loop3A_259 : i32 to vector<16xi32>
      %parallel_loop3A_261 = arith.addi %parallel_loop3A_88, %parallel_loop3A_260 : vector<16xi32>
      %parallel_loop3A_262 = tpu.vector_load_idx %arg5[%parallel_loop3A_261] : memref<625xf32, #tpu.memory_space<vmem>>[vector<16xi32>], vector<16xf32>,
      %parallel_loop3A_263 = arith.constant 16 : i32
      %parallel_loop3A_264 = arith.muli %parallel_loop3A_79, %parallel_loop3A_263 : i32
      %parallel_loop3A_265 = arith.constant 1 : i32
      %parallel_loop3A_266 = arith.index_cast %parallel_loop3A_265 : i32 to index
      %parallel_loop3A_267 = arith.index_cast %parallel_loop3A_264 : i32 to index
      %parallel_loop3A_268 = tpu.vector_load %arg9[%parallel_loop3A_266, %parallel_loop3A_267] {strides = array<i32>} : memref<8x1024xf32, #tpu.memory_space<vmem>>, vector<16xf32>,
      tpu.vector_store %arg9[%parallel_loop3A_266, %parallel_loop3A_267], %parallel_loop3A_262 {strides = array<i32>} : memref<8x1024xf32, #tpu.memory_space<vmem>>, vector<16xf32>,
      %parallel_loop3A_269 = arith.constant 18 : i32
      %parallel_loop3A_270 = vector.broadcast %parallel_loop3A_269 : i32 to vector<16xi32>
      %parallel_loop3A_271 = arith.addi %parallel_loop3A_88, %parallel_loop3A_270 : vector<16xi32>
      %parallel_loop3A_272 = tpu.vector_load_idx %arg5[%parallel_loop3A_271] : memref<625xf32, #tpu.memory_space<vmem>>[vector<16xi32>], vector<16xf32>,
      %parallel_loop3A_273 = arith.constant 16 : i32
      %parallel_loop3A_274 = arith.muli %parallel_loop3A_79, %parallel_loop3A_273 : i32
      %parallel_loop3A_275 = arith.constant 2 : i32
      %parallel_loop3A_276 = arith.index_cast %parallel_loop3A_275 : i32 to index
      %parallel_loop3A_277 = arith.index_cast %parallel_loop3A_274 : i32 to index
      %parallel_loop3A_278 = tpu.vector_load %arg9[%parallel_loop3A_276, %parallel_loop3A_277] {strides = array<i32>} : memref<8x1024xf32, #tpu.memory_space<vmem>>, vector<16xf32>,
      tpu.vector_store %arg9[%parallel_loop3A_276, %parallel_loop3A_277], %parallel_loop3A_272 {strides = array<i32>} : memref<8x1024xf32, #tpu.memory_space<vmem>>, vector<16xf32>,
      %parallel_loop3A_279 = arith.constant 19 : i32
      %parallel_loop3A_280 = vector.broadcast %parallel_loop3A_279 : i32 to vector<16xi32>
      %parallel_loop3A_281 = arith.addi %parallel_loop3A_88, %parallel_loop3A_280 : vector<16xi32>
      %parallel_loop3A_282 = tpu.vector_load_idx %arg5[%parallel_loop3A_281] : memref<625xf32, #tpu.memory_space<vmem>>[vector<16xi32>], vector<16xf32>,
      %parallel_loop3A_283 = arith.constant 16 : i32
      %parallel_loop3A_284 = arith.muli %parallel_loop3A_79, %parallel_loop3A_283 : i32
      %parallel_loop3A_285 = arith.constant 3 : i32
      %parallel_loop3A_286 = arith.index_cast %parallel_loop3A_285 : i32 to index
      %parallel_loop3A_287 = arith.index_cast %parallel_loop3A_284 : i32 to index
      %parallel_loop3A_288 = tpu.vector_load %arg9[%parallel_loop3A_286, %parallel_loop3A_287] {strides = array<i32>} : memref<8x1024xf32, #tpu.memory_space<vmem>>, vector<16xf32>,
      tpu.vector_store %arg9[%parallel_loop3A_286, %parallel_loop3A_287], %parallel_loop3A_282 {strides = array<i32>} : memref<8x1024xf32, #tpu.memory_space<vmem>>, vector<16xf32>,
      %parallel_loop3A_289 = arith.constant 20 : i32
      %parallel_loop3A_290 = vector.broadcast %parallel_loop3A_289 : i32 to vector<16xi32>
      %parallel_loop3A_291 = arith.addi %parallel_loop3A_88, %parallel_loop3A_290 : vector<16xi32>
      %parallel_loop3A_292 = tpu.vector_load_idx %arg5[%parallel_loop3A_291] : memref<625xf32, #tpu.memory_space<vmem>>[vector<16xi32>], vector<16xf32>,
      %parallel_loop3A_293 = arith.constant 16 : i32
      %parallel_loop3A_294 = arith.muli %parallel_loop3A_79, %parallel_loop3A_293 : i32
      %parallel_loop3A_295 = arith.constant 4 : i32
      %parallel_loop3A_296 = arith.index_cast %parallel_loop3A_295 : i32 to index
      %parallel_loop3A_297 = arith.index_cast %parallel_loop3A_294 : i32 to index
      %parallel_loop3A_298 = tpu.vector_load %arg9[%parallel_loop3A_296, %parallel_loop3A_297] {strides = array<i32>} : memref<8x1024xf32, #tpu.memory_space<vmem>>, vector<16xf32>,
      tpu.vector_store %arg9[%parallel_loop3A_296, %parallel_loop3A_297], %parallel_loop3A_292 {strides = array<i32>} : memref<8x1024xf32, #tpu.memory_space<vmem>>, vector<16xf32>,
      %parallel_loop3A_299 = arith.constant 21 : i32
      %parallel_loop3A_300 = vector.broadcast %parallel_loop3A_299 : i32 to vector<16xi32>
      %parallel_loop3A_301 = arith.addi %parallel_loop3A_88, %parallel_loop3A_300 : vector<16xi32>
      %parallel_loop3A_302 = tpu.vector_load_idx %arg5[%parallel_loop3A_301] : memref<625xf32, #tpu.memory_space<vmem>>[vector<16xi32>], vector<16xf32>,
      %parallel_loop3A_303 = arith.constant 16 : i32
      %parallel_loop3A_304 = arith.muli %parallel_loop3A_79, %parallel_loop3A_303 : i32
      %parallel_loop3A_305 = arith.constant 5 : i32
      %parallel_loop3A_306 = arith.index_cast %parallel_loop3A_305 : i32 to index
      %parallel_loop3A_307 = arith.index_cast %parallel_loop3A_304 : i32 to index
      %parallel_loop3A_308 = tpu.vector_load %arg9[%parallel_loop3A_306, %parallel_loop3A_307] {strides = array<i32>} : memref<8x1024xf32, #tpu.memory_space<vmem>>, vector<16xf32>,
      tpu.vector_store %arg9[%parallel_loop3A_306, %parallel_loop3A_307], %parallel_loop3A_302 {strides = array<i32>} : memref<8x1024xf32, #tpu.memory_space<vmem>>, vector<16xf32>,
      %parallel_loop3A_309 = arith.constant 22 : i32
      %parallel_loop3A_310 = vector.broadcast %parallel_loop3A_309 : i32 to vector<16xi32>
      %parallel_loop3A_311 = arith.addi %parallel_loop3A_88, %parallel_loop3A_310 : vector<16xi32>
      %parallel_loop3A_312 = tpu.vector_load_idx %arg5[%parallel_loop3A_311] : memref<625xf32, #tpu.memory_space<vmem>>[vector<16xi32>], vector<16xf32>,
      %parallel_loop3A_313 = arith.constant 16 : i32
      %parallel_loop3A_314 = arith.muli %parallel_loop3A_79, %parallel_loop3A_313 : i32
      %parallel_loop3A_315 = arith.constant 6 : i32
      %parallel_loop3A_316 = arith.index_cast %parallel_loop3A_315 : i32 to index
      %parallel_loop3A_317 = arith.index_cast %parallel_loop3A_314 : i32 to index
      %parallel_loop3A_318 = tpu.vector_load %arg9[%parallel_loop3A_316, %parallel_loop3A_317] {strides = array<i32>} : memref<8x1024xf32, #tpu.memory_space<vmem>>, vector<16xf32>,
      tpu.vector_store %arg9[%parallel_loop3A_316, %parallel_loop3A_317], %parallel_loop3A_312 {strides = array<i32>} : memref<8x1024xf32, #tpu.memory_space<vmem>>, vector<16xf32>,
      %parallel_loop3A_319 = arith.constant 23 : i32
      %parallel_loop3A_320 = vector.broadcast %parallel_loop3A_319 : i32 to vector<16xi32>
      %parallel_loop3A_321 = arith.addi %parallel_loop3A_88, %parallel_loop3A_320 : vector<16xi32>
      %parallel_loop3A_322 = tpu.vector_load_idx %arg5[%parallel_loop3A_321] : memref<625xf32, #tpu.memory_space<vmem>>[vector<16xi32>], vector<16xf32>,
      %parallel_loop3A_323 = arith.constant 16 : i32
      %parallel_loop3A_324 = arith.muli %parallel_loop3A_79, %parallel_loop3A_323 : i32
      %parallel_loop3A_325 = arith.constant 7 : i32
      %parallel_loop3A_326 = arith.index_cast %parallel_loop3A_325 : i32 to index
      %parallel_loop3A_327 = arith.index_cast %parallel_loop3A_324 : i32 to index
      %parallel_loop3A_328 = tpu.vector_load %arg9[%parallel_loop3A_326, %parallel_loop3A_327] {strides = array<i32>} : memref<8x1024xf32, #tpu.memory_space<vmem>>, vector<16xf32>,
      tpu.vector_store %arg9[%parallel_loop3A_326, %parallel_loop3A_327], %parallel_loop3A_322 {strides = array<i32>} : memref<8x1024xf32, #tpu.memory_space<vmem>>, vector<16xf32>,
      %parallel_loop3A_329 = arith.constant 24 : i32
      %parallel_loop3A_330 = vector.broadcast %parallel_loop3A_329 : i32 to vector<16xi32>
      %parallel_loop3A_331 = arith.addi %parallel_loop3A_88, %parallel_loop3A_330 : vector<16xi32>
      %parallel_loop3A_332 = tpu.vector_load_idx %arg5[%parallel_loop3A_331] : memref<625xf32, #tpu.memory_space<vmem>>[vector<16xi32>], vector<16xf32>,
      %parallel_loop3A_333 = arith.constant 16 : i32
      %parallel_loop3A_334 = arith.muli %parallel_loop3A_79, %parallel_loop3A_333 : i32
      %parallel_loop3A_335 = arith.constant 0 : i32
      %parallel_loop3A_336 = arith.index_cast %parallel_loop3A_335 : i32 to index
      %parallel_loop3A_337 = arith.index_cast %parallel_loop3A_334 : i32 to index
      %parallel_loop3A_338 = tpu.vector_load %arg10[%parallel_loop3A_336, %parallel_loop3A_337] {strides = array<i32>} : memref<1x1024xf32, #tpu.memory_space<vmem>>, vector<16xf32>,
      tpu.vector_store %arg10[%parallel_loop3A_336, %parallel_loop3A_337], %parallel_loop3A_332 {strides = array<i32>} : memref<1x1024xf32, #tpu.memory_space<vmem>>, vector<16xf32>,
    } {sc.loop_unroll_factor = 1 : i64, sc.parallel_access}
    %add3A_5 = arith.constant 0 : i32
    %add3A_6 = arith.addi %mul3A_2, %add3A_5 : i32
    %dma_start3A = arith.constant 0 : i32
    %dma_start3A_7 = tpu.memref_slice %arg4[%dma_start3A, %add3A_6] : memref<25x1048576xf32, #tpu.memory_space<hbm>> -> memref<8x1024xf32, #tpu.memory_space<hbm>>
    %dma_start3A_8 = arith.constant 0 : i32
    %dma_start3A_9 = tpu.memref_slice %arg4[%dma_start3A_8, %add3A_6] : memref<25x1048576xf32, #tpu.memory_space<hbm>> -> memref<8x1024xf32, #tpu.memory_space<hbm>>
    tpu.enqueue_dma source(%arg7 : memref<8x1024xf32, #tpu.memory_space<vmem>>) target(%dma_start3A_9 : memref<8x1024xf32, #tpu.memory_space<hbm>>) target_semaphore(%arg15 : memref<!tpu.dma_semaphore, #tpu.memory_space<semaphore_mem>>)
    %dma_start3A_10 = arith.constant 8 : i32
    %dma_start3A_11 = tpu.memref_slice %arg4[%dma_start3A_10, %add3A_6] : memref<25x1048576xf32, #tpu.memory_space<hbm>> -> memref<8x1024xf32, #tpu.memory_space<hbm>>
    %dma_start3A_12 = arith.constant 8 : i32
    %dma_start3A_13 = tpu.memref_slice %arg4[%dma_start3A_12, %add3A_6] : memref<25x1048576xf32, #tpu.memory_space<hbm>> -> memref<8x1024xf32, #tpu.memory_space<hbm>>
    tpu.enqueue_dma source(%arg8 : memref<8x1024xf32, #tpu.memory_space<vmem>>) target(%dma_start3A_13 : memref<8x1024xf32, #tpu.memory_space<hbm>>) target_semaphore(%arg15 : memref<!tpu.dma_semaphore, #tpu.memory_space<semaphore_mem>>)
    %dma_start3A_14 = arith.constant 16 : i32
    %dma_start3A_15 = tpu.memref_slice %arg4[%dma_start3A_14, %add3A_6] : memref<25x1048576xf32, #tpu.memory_space<hbm>> -> memref<8x1024xf32, #tpu.memory_space<hbm>>
    %dma_start3A_16 = arith.constant 16 : i32
    %dma_start3A_17 = tpu.memref_slice %arg4[%dma_start3A_16, %add3A_6] : memref<25x1048576xf32, #tpu.memory_space<hbm>> -> memref<8x1024xf32, #tpu.memory_space<hbm>>
    tpu.enqueue_dma source(%arg9 : memref<8x1024xf32, #tpu.memory_space<vmem>>) target(%dma_start3A_17 : memref<8x1024xf32, #tpu.memory_space<hbm>>) target_semaphore(%arg15 : memref<!tpu.dma_semaphore, #tpu.memory_space<semaphore_mem>>)
    %dma_start3A_18 = arith.constant 24 : i32
    %dma_start3A_19 = tpu.memref_slice %arg4[%dma_start3A_18, %add3A_6] : memref<25x1048576xf32, #tpu.memory_space<hbm>> -> memref<1x1024xf32, #tpu.memory_space<hbm>>
    %dma_start3A_20 = arith.constant 24 : i32
    %dma_start3A_21 = tpu.memref_slice %arg4[%dma_start3A_20, %add3A_6] : memref<25x1048576xf32, #tpu.memory_space<hbm>> -> memref<1x1024xf32, #tpu.memory_space<hbm>>
    tpu.enqueue_dma source(%arg10 : memref<1x1024xf32, #tpu.memory_space<vmem>>) target(%dma_start3A_21 : memref<1x1024xf32, #tpu.memory_space<hbm>>) target_semaphore(%arg15 : memref<!tpu.dma_semaphore, #tpu.memory_space<semaphore_mem>>)
    %parallel_loop3A_22 = arith.constant 0 : i32
    %parallel_loop3A_23 = arith.constant 64 : i32
    %parallel_loop3A_24 = arith.constant 1 : i32
    scf.for %parallel_loop3A_79 = %parallel_loop3A_22 to %parallel_loop3A_23 step %parallel_loop3A_24  : i32 {
      %parallel_loop3A_80 = arith.constant 16 : i32
      %parallel_loop3A_81 = arith.muli %parallel_loop3A_79, %parallel_loop3A_80 : i32
      %parallel_loop3A_82 = arith.constant 1024 : i32
      %parallel_loop3A_83 = arith.addi %parallel_loop3A_82, %parallel_loop3A_81 : i32
      %parallel_loop3A_84 = arith.index_cast %parallel_loop3A_83 : i32 to index
      %parallel_loop3A_85 = tpu.vector_load %arg6[%parallel_loop3A_84] {strides = array<i32>} : memref<32768xi32, #tpu.memory_space<vmem>>, vector<16xi32>,
      %parallel_loop3A_86 = arith.constant 25 : i32
      %parallel_loop3A_87 = vector.broadcast %parallel_loop3A_86 : i32 to vector<16xi32>
      %parallel_loop3A_88 = arith.muli %parallel_loop3A_85, %parallel_loop3A_87 : vector<16xi32>
      %parallel_loop3A_89 = arith.constant 0 : i32
      %parallel_loop3A_90 = vector.broadcast %parallel_loop3A_89 : i32 to vector<16xi32>
      %parallel_loop3A_91 = arith.addi %parallel_loop3A_88, %parallel_loop3A_90 : vector<16xi32>
      %parallel_loop3A_92 = tpu.vector_load_idx %arg5[%parallel_loop3A_91] : memref<625xf32, #tpu.memory_space<vmem>>[vector<16xi32>], vector<16xf32>,
      %parallel_loop3A_93 = arith.constant 16 : i32
      %parallel_loop3A_94 = arith.muli %parallel_loop3A_79, %parallel_loop3A_93 : i32
      %parallel_loop3A_95 = arith.constant 0 : i32
      %parallel_loop3A_96 = arith.index_cast %parallel_loop3A_95 : i32 to index
      %parallel_loop3A_97 = arith.index_cast %parallel_loop3A_94 : i32 to index
      %parallel_loop3A_98 = tpu.vector_load %arg11[%parallel_loop3A_96, %parallel_loop3A_97] {strides = array<i32>} : memref<8x1024xf32, #tpu.memory_space<vmem>>, vector<16xf32>,
      tpu.vector_store %arg11[%parallel_loop3A_96, %parallel_loop3A_97], %parallel_loop3A_92 {strides = array<i32>} : memref<8x1024xf32, #tpu.memory_space<vmem>>, vector<16xf32>,
      %parallel_loop3A_99 = arith.constant 1 : i32
      %parallel_loop3A_100 = vector.broadcast %parallel_loop3A_99 : i32 to vector<16xi32>
      %parallel_loop3A_101 = arith.addi %parallel_loop3A_88, %parallel_loop3A_100 : vector<16xi32>
      %parallel_loop3A_102 = tpu.vector_load_idx %arg5[%parallel_loop3A_101] : memref<625xf32, #tpu.memory_space<vmem>>[vector<16xi32>], vector<16xf32>,
      %parallel_loop3A_103 = arith.constant 16 : i32
      %parallel_loop3A_104 = arith.muli %parallel_loop3A_79, %parallel_loop3A_103 : i32
      %parallel_loop3A_105 = arith.constant 1 : i32
      %parallel_loop3A_106 = arith.index_cast %parallel_loop3A_105 : i32 to index
      %parallel_loop3A_107 = arith.index_cast %parallel_loop3A_104 : i32 to index
      %parallel_loop3A_108 = tpu.vector_load %arg11[%parallel_loop3A_106, %parallel_loop3A_107] {strides = array<i32>} : memref<8x1024xf32, #tpu.memory_space<vmem>>, vector<16xf32>,
      tpu.vector_store %arg11[%parallel_loop3A_106, %parallel_loop3A_107], %parallel_loop3A_102 {strides = array<i32>} : memref<8x1024xf32, #tpu.memory_space<vmem>>, vector<16xf32>,
      %parallel_loop3A_109 = arith.constant 2 : i32
      %parallel_loop3A_110 = vector.broadcast %parallel_loop3A_109 : i32 to vector<16xi32>
      %parallel_loop3A_111 = arith.addi %parallel_loop3A_88, %parallel_loop3A_110 : vector<16xi32>
      %parallel_loop3A_112 = tpu.vector_load_idx %arg5[%parallel_loop3A_111] : memref<625xf32, #tpu.memory_space<vmem>>[vector<16xi32>], vector<16xf32>,
      %parallel_loop3A_113 = arith.constant 16 : i32
      %parallel_loop3A_114 = arith.muli %parallel_loop3A_79, %parallel_loop3A_113 : i32
      %parallel_loop3A_115 = arith.constant 2 : i32
      %parallel_loop3A_116 = arith.index_cast %parallel_loop3A_115 : i32 to index
      %parallel_loop3A_117 = arith.index_cast %parallel_loop3A_114 : i32 to index
      %parallel_loop3A_118 = tpu.vector_load %arg11[%parallel_loop3A_116, %parallel_loop3A_117] {strides = array<i32>} : memref<8x1024xf32, #tpu.memory_space<vmem>>, vector<16xf32>,
      tpu.vector_store %arg11[%parallel_loop3A_116, %parallel_loop3A_117], %parallel_loop3A_112 {strides = array<i32>} : memref<8x1024xf32, #tpu.memory_space<vmem>>, vector<16xf32>,
      %parallel_loop3A_119 = arith.constant 3 : i32
      %parallel_loop3A_120 = vector.broadcast %parallel_loop3A_119 : i32 to vector<16xi32>
      %parallel_loop3A_121 = arith.addi %parallel_loop3A_88, %parallel_loop3A_120 : vector<16xi32>
      %parallel_loop3A_122 = tpu.vector_load_idx %arg5[%parallel_loop3A_121] : memref<625xf32, #tpu.memory_space<vmem>>[vector<16xi32>], vector<16xf32>,
      %parallel_loop3A_123 = arith.constant 16 : i32
      %parallel_loop3A_124 = arith.muli %parallel_loop3A_79, %parallel_loop3A_123 : i32
      %parallel_loop3A_125 = arith.constant 3 : i32
      %parallel_loop3A_126 = arith.index_cast %parallel_loop3A_125 : i32 to index
      %parallel_loop3A_127 = arith.index_cast %parallel_loop3A_124 : i32 to index
      %parallel_loop3A_128 = tpu.vector_load %arg11[%parallel_loop3A_126, %parallel_loop3A_127] {strides = array<i32>} : memref<8x1024xf32, #tpu.memory_space<vmem>>, vector<16xf32>,
      tpu.vector_store %arg11[%parallel_loop3A_126, %parallel_loop3A_127], %parallel_loop3A_122 {strides = array<i32>} : memref<8x1024xf32, #tpu.memory_space<vmem>>, vector<16xf32>,
      %parallel_loop3A_129 = arith.constant 4 : i32
      %parallel_loop3A_130 = vector.broadcast %parallel_loop3A_129 : i32 to vector<16xi32>
      %parallel_loop3A_131 = arith.addi %parallel_loop3A_88, %parallel_loop3A_130 : vector<16xi32>
      %parallel_loop3A_132 = tpu.vector_load_idx %arg5[%parallel_loop3A_131] : memref<625xf32, #tpu.memory_space<vmem>>[vector<16xi32>], vector<16xf32>,
      %parallel_loop3A_133 = arith.constant 16 : i32
      %parallel_loop3A_134 = arith.muli %parallel_loop3A_79, %parallel_loop3A_133 : i32
      %parallel_loop3A_135 = arith.constant 4 : i32
      %parallel_loop3A_136 = arith.index_cast %parallel_loop3A_135 : i32 to index
      %parallel_loop3A_137 = arith.index_cast %parallel_loop3A_134 : i32 to index
      %parallel_loop3A_138 = tpu.vector_load %arg11[%parallel_loop3A_136, %parallel_loop3A_137] {strides = array<i32>} : memref<8x1024xf32, #tpu.memory_space<vmem>>, vector<16xf32>,
      tpu.vector_store %arg11[%parallel_loop3A_136, %parallel_loop3A_137], %parallel_loop3A_132 {strides = array<i32>} : memref<8x1024xf32, #tpu.memory_space<vmem>>, vector<16xf32>,
      %parallel_loop3A_139 = arith.constant 5 : i32
      %parallel_loop3A_140 = vector.broadcast %parallel_loop3A_139 : i32 to vector<16xi32>
      %parallel_loop3A_141 = arith.addi %parallel_loop3A_88, %parallel_loop3A_140 : vector<16xi32>
      %parallel_loop3A_142 = tpu.vector_load_idx %arg5[%parallel_loop3A_141] : memref<625xf32, #tpu.memory_space<vmem>>[vector<16xi32>], vector<16xf32>,
      %parallel_loop3A_143 = arith.constant 16 : i32
      %parallel_loop3A_144 = arith.muli %parallel_loop3A_79, %parallel_loop3A_143 : i32
      %parallel_loop3A_145 = arith.constant 5 : i32
      %parallel_loop3A_146 = arith.index_cast %parallel_loop3A_145 : i32 to index
      %parallel_loop3A_147 = arith.index_cast %parallel_loop3A_144 : i32 to index
      %parallel_loop3A_148 = tpu.vector_load %arg11[%parallel_loop3A_146, %parallel_loop3A_147] {strides = array<i32>} : memref<8x1024xf32, #tpu.memory_space<vmem>>, vector<16xf32>,
      tpu.vector_store %arg11[%parallel_loop3A_146, %parallel_loop3A_147], %parallel_loop3A_142 {strides = array<i32>} : memref<8x1024xf32, #tpu.memory_space<vmem>>, vector<16xf32>,
      %parallel_loop3A_149 = arith.constant 6 : i32
      %parallel_loop3A_150 = vector.broadcast %parallel_loop3A_149 : i32 to vector<16xi32>
      %parallel_loop3A_151 = arith.addi %parallel_loop3A_88, %parallel_loop3A_150 : vector<16xi32>
      %parallel_loop3A_152 = tpu.vector_load_idx %arg5[%parallel_loop3A_151] : memref<625xf32, #tpu.memory_space<vmem>>[vector<16xi32>], vector<16xf32>,
      %parallel_loop3A_153 = arith.constant 16 : i32
      %parallel_loop3A_154 = arith.muli %parallel_loop3A_79, %parallel_loop3A_153 : i32
      %parallel_loop3A_155 = arith.constant 6 : i32
      %parallel_loop3A_156 = arith.index_cast %parallel_loop3A_155 : i32 to index
      %parallel_loop3A_157 = arith.index_cast %parallel_loop3A_154 : i32 to index
      %parallel_loop3A_158 = tpu.vector_load %arg11[%parallel_loop3A_156, %parallel_loop3A_157] {strides = array<i32>} : memref<8x1024xf32, #tpu.memory_space<vmem>>, vector<16xf32>,
      tpu.vector_store %arg11[%parallel_loop3A_156, %parallel_loop3A_157], %parallel_loop3A_152 {strides = array<i32>} : memref<8x1024xf32, #tpu.memory_space<vmem>>, vector<16xf32>,
      %parallel_loop3A_159 = arith.constant 7 : i32
      %parallel_loop3A_160 = vector.broadcast %parallel_loop3A_159 : i32 to vector<16xi32>
      %parallel_loop3A_161 = arith.addi %parallel_loop3A_88, %parallel_loop3A_160 : vector<16xi32>
      %parallel_loop3A_162 = tpu.vector_load_idx %arg5[%parallel_loop3A_161] : memref<625xf32, #tpu.memory_space<vmem>>[vector<16xi32>], vector<16xf32>,
      %parallel_loop3A_163 = arith.constant 16 : i32
      %parallel_loop3A_164 = arith.muli %parallel_loop3A_79, %parallel_loop3A_163 : i32
      %parallel_loop3A_165 = arith.constant 7 : i32
      %parallel_loop3A_166 = arith.index_cast %parallel_loop3A_165 : i32 to index
      %parallel_loop3A_167 = arith.index_cast %parallel_loop3A_164 : i32 to index
      %parallel_loop3A_168 = tpu.vector_load %arg11[%parallel_loop3A_166, %parallel_loop3A_167] {strides = array<i32>} : memref<8x1024xf32, #tpu.memory_space<vmem>>, vector<16xf32>,
      tpu.vector_store %arg11[%parallel_loop3A_166, %parallel_loop3A_167], %parallel_loop3A_162 {strides = array<i32>} : memref<8x1024xf32, #tpu.memory_space<vmem>>, vector<16xf32>,
      %parallel_loop3A_169 = arith.constant 8 : i32
      %parallel_loop3A_170 = vector.broadcast %parallel_loop3A_169 : i32 to vector<16xi32>
      %parallel_loop3A_171 = arith.addi %parallel_loop3A_88, %parallel_loop3A_170 : vector<16xi32>
      %parallel_loop3A_172 = tpu.vector_load_idx %arg5[%parallel_loop3A_171] : memref<625xf32, #tpu.memory_space<vmem>>[vector<16xi32>], vector<16xf32>,
      %parallel_loop3A_173 = arith.constant 16 : i32
      %parallel_loop3A_174 = arith.muli %parallel_loop3A_79, %parallel_loop3A_173 : i32
      %parallel_loop3A_175 = arith.constant 0 : i32
      %parallel_loop3A_176 = arith.index_cast %parallel_loop3A_175 : i32 to index
      %parallel_loop3A_177 = arith.index_cast %parallel_loop3A_174 : i32 to index
      %parallel_loop3A_178 = tpu.vector_load %arg12[%parallel_loop3A_176, %parallel_loop3A_177] {strides = array<i32>} : memref<8x1024xf32, #tpu.memory_space<vmem>>, vector<16xf32>,
      tpu.vector_store %arg12[%parallel_loop3A_176, %parallel_loop3A_177], %parallel_loop3A_172 {strides = array<i32>} : memref<8x1024xf32, #tpu.memory_space<vmem>>, vector<16xf32>,
      %parallel_loop3A_179 = arith.constant 9 : i32
      %parallel_loop3A_180 = vector.broadcast %parallel_loop3A_179 : i32 to vector<16xi32>
      %parallel_loop3A_181 = arith.addi %parallel_loop3A_88, %parallel_loop3A_180 : vector<16xi32>
      %parallel_loop3A_182 = tpu.vector_load_idx %arg5[%parallel_loop3A_181] : memref<625xf32, #tpu.memory_space<vmem>>[vector<16xi32>], vector<16xf32>,
      %parallel_loop3A_183 = arith.constant 16 : i32
      %parallel_loop3A_184 = arith.muli %parallel_loop3A_79, %parallel_loop3A_183 : i32
      %parallel_loop3A_185 = arith.constant 1 : i32
      %parallel_loop3A_186 = arith.index_cast %parallel_loop3A_185 : i32 to index
      %parallel_loop3A_187 = arith.index_cast %parallel_loop3A_184 : i32 to index
      %parallel_loop3A_188 = tpu.vector_load %arg12[%parallel_loop3A_186, %parallel_loop3A_187] {strides = array<i32>} : memref<8x1024xf32, #tpu.memory_space<vmem>>, vector<16xf32>,
      tpu.vector_store %arg12[%parallel_loop3A_186, %parallel_loop3A_187], %parallel_loop3A_182 {strides = array<i32>} : memref<8x1024xf32, #tpu.memory_space<vmem>>, vector<16xf32>,
      %parallel_loop3A_189 = arith.constant 10 : i32
      %parallel_loop3A_190 = vector.broadcast %parallel_loop3A_189 : i32 to vector<16xi32>
      %parallel_loop3A_191 = arith.addi %parallel_loop3A_88, %parallel_loop3A_190 : vector<16xi32>
      %parallel_loop3A_192 = tpu.vector_load_idx %arg5[%parallel_loop3A_191] : memref<625xf32, #tpu.memory_space<vmem>>[vector<16xi32>], vector<16xf32>,
      %parallel_loop3A_193 = arith.constant 16 : i32
      %parallel_loop3A_194 = arith.muli %parallel_loop3A_79, %parallel_loop3A_193 : i32
      %parallel_loop3A_195 = arith.constant 2 : i32
      %parallel_loop3A_196 = arith.index_cast %parallel_loop3A_195 : i32 to index
      %parallel_loop3A_197 = arith.index_cast %parallel_loop3A_194 : i32 to index
      %parallel_loop3A_198 = tpu.vector_load %arg12[%parallel_loop3A_196, %parallel_loop3A_197] {strides = array<i32>} : memref<8x1024xf32, #tpu.memory_space<vmem>>, vector<16xf32>,
      tpu.vector_store %arg12[%parallel_loop3A_196, %parallel_loop3A_197], %parallel_loop3A_192 {strides = array<i32>} : memref<8x1024xf32, #tpu.memory_space<vmem>>, vector<16xf32>,
      %parallel_loop3A_199 = arith.constant 11 : i32
      %parallel_loop3A_200 = vector.broadcast %parallel_loop3A_199 : i32 to vector<16xi32>
      %parallel_loop3A_201 = arith.addi %parallel_loop3A_88, %parallel_loop3A_200 : vector<16xi32>
      %parallel_loop3A_202 = tpu.vector_load_idx %arg5[%parallel_loop3A_201] : memref<625xf32, #tpu.memory_space<vmem>>[vector<16xi32>], vector<16xf32>,
      %parallel_loop3A_203 = arith.constant 16 : i32
      %parallel_loop3A_204 = arith.muli %parallel_loop3A_79, %parallel_loop3A_203 : i32
      %parallel_loop3A_205 = arith.constant 3 : i32
      %parallel_loop3A_206 = arith.index_cast %parallel_loop3A_205 : i32 to index
      %parallel_loop3A_207 = arith.index_cast %parallel_loop3A_204 : i32 to index
      %parallel_loop3A_208 = tpu.vector_load %arg12[%parallel_loop3A_206, %parallel_loop3A_207] {strides = array<i32>} : memref<8x1024xf32, #tpu.memory_space<vmem>>, vector<16xf32>,
      tpu.vector_store %arg12[%parallel_loop3A_206, %parallel_loop3A_207], %parallel_loop3A_202 {strides = array<i32>} : memref<8x1024xf32, #tpu.memory_space<vmem>>, vector<16xf32>,
      %parallel_loop3A_209 = arith.constant 12 : i32
      %parallel_loop3A_210 = vector.broadcast %parallel_loop3A_209 : i32 to vector<16xi32>
      %parallel_loop3A_211 = arith.addi %parallel_loop3A_88, %parallel_loop3A_210 : vector<16xi32>
      %parallel_loop3A_212 = tpu.vector_load_idx %arg5[%parallel_loop3A_211] : memref<625xf32, #tpu.memory_space<vmem>>[vector<16xi32>], vector<16xf32>,
      %parallel_loop3A_213 = arith.constant 16 : i32
      %parallel_loop3A_214 = arith.muli %parallel_loop3A_79, %parallel_loop3A_213 : i32
      %parallel_loop3A_215 = arith.constant 4 : i32
      %parallel_loop3A_216 = arith.index_cast %parallel_loop3A_215 : i32 to index
      %parallel_loop3A_217 = arith.index_cast %parallel_loop3A_214 : i32 to index
      %parallel_loop3A_218 = tpu.vector_load %arg12[%parallel_loop3A_216, %parallel_loop3A_217] {strides = array<i32>} : memref<8x1024xf32, #tpu.memory_space<vmem>>, vector<16xf32>,
      tpu.vector_store %arg12[%parallel_loop3A_216, %parallel_loop3A_217], %parallel_loop3A_212 {strides = array<i32>} : memref<8x1024xf32, #tpu.memory_space<vmem>>, vector<16xf32>,
      %parallel_loop3A_219 = arith.constant 13 : i32
      %parallel_loop3A_220 = vector.broadcast %parallel_loop3A_219 : i32 to vector<16xi32>
      %parallel_loop3A_221 = arith.addi %parallel_loop3A_88, %parallel_loop3A_220 : vector<16xi32>
      %parallel_loop3A_222 = tpu.vector_load_idx %arg5[%parallel_loop3A_221] : memref<625xf32, #tpu.memory_space<vmem>>[vector<16xi32>], vector<16xf32>,
      %parallel_loop3A_223 = arith.constant 16 : i32
      %parallel_loop3A_224 = arith.muli %parallel_loop3A_79, %parallel_loop3A_223 : i32
      %parallel_loop3A_225 = arith.constant 5 : i32
      %parallel_loop3A_226 = arith.index_cast %parallel_loop3A_225 : i32 to index
      %parallel_loop3A_227 = arith.index_cast %parallel_loop3A_224 : i32 to index
      %parallel_loop3A_228 = tpu.vector_load %arg12[%parallel_loop3A_226, %parallel_loop3A_227] {strides = array<i32>} : memref<8x1024xf32, #tpu.memory_space<vmem>>, vector<16xf32>,
      tpu.vector_store %arg12[%parallel_loop3A_226, %parallel_loop3A_227], %parallel_loop3A_222 {strides = array<i32>} : memref<8x1024xf32, #tpu.memory_space<vmem>>, vector<16xf32>,
      %parallel_loop3A_229 = arith.constant 14 : i32
      %parallel_loop3A_230 = vector.broadcast %parallel_loop3A_229 : i32 to vector<16xi32>
      %parallel_loop3A_231 = arith.addi %parallel_loop3A_88, %parallel_loop3A_230 : vector<16xi32>
      %parallel_loop3A_232 = tpu.vector_load_idx %arg5[%parallel_loop3A_231] : memref<625xf32, #tpu.memory_space<vmem>>[vector<16xi32>], vector<16xf32>,
      %parallel_loop3A_233 = arith.constant 16 : i32
      %parallel_loop3A_234 = arith.muli %parallel_loop3A_79, %parallel_loop3A_233 : i32
      %parallel_loop3A_235 = arith.constant 6 : i32
      %parallel_loop3A_236 = arith.index_cast %parallel_loop3A_235 : i32 to index
      %parallel_loop3A_237 = arith.index_cast %parallel_loop3A_234 : i32 to index
      %parallel_loop3A_238 = tpu.vector_load %arg12[%parallel_loop3A_236, %parallel_loop3A_237] {strides = array<i32>} : memref<8x1024xf32, #tpu.memory_space<vmem>>, vector<16xf32>,
      tpu.vector_store %arg12[%parallel_loop3A_236, %parallel_loop3A_237], %parallel_loop3A_232 {strides = array<i32>} : memref<8x1024xf32, #tpu.memory_space<vmem>>, vector<16xf32>,
      %parallel_loop3A_239 = arith.constant 15 : i32
      %parallel_loop3A_240 = vector.broadcast %parallel_loop3A_239 : i32 to vector<16xi32>
      %parallel_loop3A_241 = arith.addi %parallel_loop3A_88, %parallel_loop3A_240 : vector<16xi32>
      %parallel_loop3A_242 = tpu.vector_load_idx %arg5[%parallel_loop3A_241] : memref<625xf32, #tpu.memory_space<vmem>>[vector<16xi32>], vector<16xf32>,
      %parallel_loop3A_243 = arith.constant 16 : i32
      %parallel_loop3A_244 = arith.muli %parallel_loop3A_79, %parallel_loop3A_243 : i32
      %parallel_loop3A_245 = arith.constant 7 : i32
      %parallel_loop3A_246 = arith.index_cast %parallel_loop3A_245 : i32 to index
      %parallel_loop3A_247 = arith.index_cast %parallel_loop3A_244 : i32 to index
      %parallel_loop3A_248 = tpu.vector_load %arg12[%parallel_loop3A_246, %parallel_loop3A_247] {strides = array<i32>} : memref<8x1024xf32, #tpu.memory_space<vmem>>, vector<16xf32>,
      tpu.vector_store %arg12[%parallel_loop3A_246, %parallel_loop3A_247], %parallel_loop3A_242 {strides = array<i32>} : memref<8x1024xf32, #tpu.memory_space<vmem>>, vector<16xf32>,
      %parallel_loop3A_249 = arith.constant 16 : i32
      %parallel_loop3A_250 = vector.broadcast %parallel_loop3A_249 : i32 to vector<16xi32>
      %parallel_loop3A_251 = arith.addi %parallel_loop3A_88, %parallel_loop3A_250 : vector<16xi32>
      %parallel_loop3A_252 = tpu.vector_load_idx %arg5[%parallel_loop3A_251] : memref<625xf32, #tpu.memory_space<vmem>>[vector<16xi32>], vector<16xf32>,
      %parallel_loop3A_253 = arith.constant 16 : i32
      %parallel_loop3A_254 = arith.muli %parallel_loop3A_79, %parallel_loop3A_253 : i32
      %parallel_loop3A_255 = arith.constant 0 : i32
      %parallel_loop3A_256 = arith.index_cast %parallel_loop3A_255 : i32 to index
      %parallel_loop3A_257 = arith.index_cast %parallel_loop3A_254 : i32 to index
      %parallel_loop3A_258 = tpu.vector_load %arg13[%parallel_loop3A_256, %parallel_loop3A_257] {strides = array<i32>} : memref<8x1024xf32, #tpu.memory_space<vmem>>, vector<16xf32>,
      tpu.vector_store %arg13[%parallel_loop3A_256, %parallel_loop3A_257], %parallel_loop3A_252 {strides = array<i32>} : memref<8x1024xf32, #tpu.memory_space<vmem>>, vector<16xf32>,
      %parallel_loop3A_259 = arith.constant 17 : i32
      %parallel_loop3A_260 = vector.broadcast %parallel_loop3A_259 : i32 to vector<16xi32>
      %parallel_loop3A_261 = arith.addi %parallel_loop3A_88, %parallel_loop3A_260 : vector<16xi32>
      %parallel_loop3A_262 = tpu.vector_load_idx %arg5[%parallel_loop3A_261] : memref<625xf32, #tpu.memory_space<vmem>>[vector<16xi32>], vector<16xf32>,
      %parallel_loop3A_263 = arith.constant 16 : i32
      %parallel_loop3A_264 = arith.muli %parallel_loop3A_79, %parallel_loop3A_263 : i32
      %parallel_loop3A_265 = arith.constant 1 : i32
      %parallel_loop3A_266 = arith.index_cast %parallel_loop3A_265 : i32 to index
      %parallel_loop3A_267 = arith.index_cast %parallel_loop3A_264 : i32 to index
      %parallel_loop3A_268 = tpu.vector_load %arg13[%parallel_loop3A_266, %parallel_loop3A_267] {strides = array<i32>} : memref<8x1024xf32, #tpu.memory_space<vmem>>, vector<16xf32>,
      tpu.vector_store %arg13[%parallel_loop3A_266, %parallel_loop3A_267], %parallel_loop3A_262 {strides = array<i32>} : memref<8x1024xf32, #tpu.memory_space<vmem>>, vector<16xf32>,
      %parallel_loop3A_269 = arith.constant 18 : i32
      %parallel_loop3A_270 = vector.broadcast %parallel_loop3A_269 : i32 to vector<16xi32>
      %parallel_loop3A_271 = arith.addi %parallel_loop3A_88, %parallel_loop3A_270 : vector<16xi32>
      %parallel_loop3A_272 = tpu.vector_load_idx %arg5[%parallel_loop3A_271] : memref<625xf32, #tpu.memory_space<vmem>>[vector<16xi32>], vector<16xf32>,
      %parallel_loop3A_273 = arith.constant 16 : i32
      %parallel_loop3A_274 = arith.muli %parallel_loop3A_79, %parallel_loop3A_273 : i32
      %parallel_loop3A_275 = arith.constant 2 : i32
      %parallel_loop3A_276 = arith.index_cast %parallel_loop3A_275 : i32 to index
      %parallel_loop3A_277 = arith.index_cast %parallel_loop3A_274 : i32 to index
      %parallel_loop3A_278 = tpu.vector_load %arg13[%parallel_loop3A_276, %parallel_loop3A_277] {strides = array<i32>} : memref<8x1024xf32, #tpu.memory_space<vmem>>, vector<16xf32>,
      tpu.vector_store %arg13[%parallel_loop3A_276, %parallel_loop3A_277], %parallel_loop3A_272 {strides = array<i32>} : memref<8x1024xf32, #tpu.memory_space<vmem>>, vector<16xf32>,
      %parallel_loop3A_279 = arith.constant 19 : i32
      %parallel_loop3A_280 = vector.broadcast %parallel_loop3A_279 : i32 to vector<16xi32>
      %parallel_loop3A_281 = arith.addi %parallel_loop3A_88, %parallel_loop3A_280 : vector<16xi32>
      %parallel_loop3A_282 = tpu.vector_load_idx %arg5[%parallel_loop3A_281] : memref<625xf32, #tpu.memory_space<vmem>>[vector<16xi32>], vector<16xf32>,
      %parallel_loop3A_283 = arith.constant 16 : i32
      %parallel_loop3A_284 = arith.muli %parallel_loop3A_79, %parallel_loop3A_283 : i32
      %parallel_loop3A_285 = arith.constant 3 : i32
      %parallel_loop3A_286 = arith.index_cast %parallel_loop3A_285 : i32 to index
      %parallel_loop3A_287 = arith.index_cast %parallel_loop3A_284 : i32 to index
      %parallel_loop3A_288 = tpu.vector_load %arg13[%parallel_loop3A_286, %parallel_loop3A_287] {strides = array<i32>} : memref<8x1024xf32, #tpu.memory_space<vmem>>, vector<16xf32>,
      tpu.vector_store %arg13[%parallel_loop3A_286, %parallel_loop3A_287], %parallel_loop3A_282 {strides = array<i32>} : memref<8x1024xf32, #tpu.memory_space<vmem>>, vector<16xf32>,
      %parallel_loop3A_289 = arith.constant 20 : i32
      %parallel_loop3A_290 = vector.broadcast %parallel_loop3A_289 : i32 to vector<16xi32>
      %parallel_loop3A_291 = arith.addi %parallel_loop3A_88, %parallel_loop3A_290 : vector<16xi32>
      %parallel_loop3A_292 = tpu.vector_load_idx %arg5[%parallel_loop3A_291] : memref<625xf32, #tpu.memory_space<vmem>>[vector<16xi32>], vector<16xf32>,
      %parallel_loop3A_293 = arith.constant 16 : i32
      %parallel_loop3A_294 = arith.muli %parallel_loop3A_79, %parallel_loop3A_293 : i32
      %parallel_loop3A_295 = arith.constant 4 : i32
      %parallel_loop3A_296 = arith.index_cast %parallel_loop3A_295 : i32 to index
      %parallel_loop3A_297 = arith.index_cast %parallel_loop3A_294 : i32 to index
      %parallel_loop3A_298 = tpu.vector_load %arg13[%parallel_loop3A_296, %parallel_loop3A_297] {strides = array<i32>} : memref<8x1024xf32, #tpu.memory_space<vmem>>, vector<16xf32>,
      tpu.vector_store %arg13[%parallel_loop3A_296, %parallel_loop3A_297], %parallel_loop3A_292 {strides = array<i32>} : memref<8x1024xf32, #tpu.memory_space<vmem>>, vector<16xf32>,
      %parallel_loop3A_299 = arith.constant 21 : i32
      %parallel_loop3A_300 = vector.broadcast %parallel_loop3A_299 : i32 to vector<16xi32>
      %parallel_loop3A_301 = arith.addi %parallel_loop3A_88, %parallel_loop3A_300 : vector<16xi32>
      %parallel_loop3A_302 = tpu.vector_load_idx %arg5[%parallel_loop3A_301] : memref<625xf32, #tpu.memory_space<vmem>>[vector<16xi32>], vector<16xf32>,
      %parallel_loop3A_303 = arith.constant 16 : i32
      %parallel_loop3A_304 = arith.muli %parallel_loop3A_79, %parallel_loop3A_303 : i32
      %parallel_loop3A_305 = arith.constant 5 : i32
      %parallel_loop3A_306 = arith.index_cast %parallel_loop3A_305 : i32 to index
      %parallel_loop3A_307 = arith.index_cast %parallel_loop3A_304 : i32 to index
      %parallel_loop3A_308 = tpu.vector_load %arg13[%parallel_loop3A_306, %parallel_loop3A_307] {strides = array<i32>} : memref<8x1024xf32, #tpu.memory_space<vmem>>, vector<16xf32>,
      tpu.vector_store %arg13[%parallel_loop3A_306, %parallel_loop3A_307], %parallel_loop3A_302 {strides = array<i32>} : memref<8x1024xf32, #tpu.memory_space<vmem>>, vector<16xf32>,
      %parallel_loop3A_309 = arith.constant 22 : i32
      %parallel_loop3A_310 = vector.broadcast %parallel_loop3A_309 : i32 to vector<16xi32>
      %parallel_loop3A_311 = arith.addi %parallel_loop3A_88, %parallel_loop3A_310 : vector<16xi32>
      %parallel_loop3A_312 = tpu.vector_load_idx %arg5[%parallel_loop3A_311] : memref<625xf32, #tpu.memory_space<vmem>>[vector<16xi32>], vector<16xf32>,
      %parallel_loop3A_313 = arith.constant 16 : i32
      %parallel_loop3A_314 = arith.muli %parallel_loop3A_79, %parallel_loop3A_313 : i32
      %parallel_loop3A_315 = arith.constant 6 : i32
      %parallel_loop3A_316 = arith.index_cast %parallel_loop3A_315 : i32 to index
      %parallel_loop3A_317 = arith.index_cast %parallel_loop3A_314 : i32 to index
      %parallel_loop3A_318 = tpu.vector_load %arg13[%parallel_loop3A_316, %parallel_loop3A_317] {strides = array<i32>} : memref<8x1024xf32, #tpu.memory_space<vmem>>, vector<16xf32>,
      tpu.vector_store %arg13[%parallel_loop3A_316, %parallel_loop3A_317], %parallel_loop3A_312 {strides = array<i32>} : memref<8x1024xf32, #tpu.memory_space<vmem>>, vector<16xf32>,
      %parallel_loop3A_319 = arith.constant 23 : i32
      %parallel_loop3A_320 = vector.broadcast %parallel_loop3A_319 : i32 to vector<16xi32>
      %parallel_loop3A_321 = arith.addi %parallel_loop3A_88, %parallel_loop3A_320 : vector<16xi32>
      %parallel_loop3A_322 = tpu.vector_load_idx %arg5[%parallel_loop3A_321] : memref<625xf32, #tpu.memory_space<vmem>>[vector<16xi32>], vector<16xf32>,
      %parallel_loop3A_323 = arith.constant 16 : i32
      %parallel_loop3A_324 = arith.muli %parallel_loop3A_79, %parallel_loop3A_323 : i32
      %parallel_loop3A_325 = arith.constant 7 : i32
      %parallel_loop3A_326 = arith.index_cast %parallel_loop3A_325 : i32 to index
      %parallel_loop3A_327 = arith.index_cast %parallel_loop3A_324 : i32 to index
      %parallel_loop3A_328 = tpu.vector_load %arg13[%parallel_loop3A_326, %parallel_loop3A_327] {strides = array<i32>} : memref<8x1024xf32, #tpu.memory_space<vmem>>, vector<16xf32>,
      tpu.vector_store %arg13[%parallel_loop3A_326, %parallel_loop3A_327], %parallel_loop3A_322 {strides = array<i32>} : memref<8x1024xf32, #tpu.memory_space<vmem>>, vector<16xf32>,
      %parallel_loop3A_329 = arith.constant 24 : i32
      %parallel_loop3A_330 = vector.broadcast %parallel_loop3A_329 : i32 to vector<16xi32>
      %parallel_loop3A_331 = arith.addi %parallel_loop3A_88, %parallel_loop3A_330 : vector<16xi32>
      %parallel_loop3A_332 = tpu.vector_load_idx %arg5[%parallel_loop3A_331] : memref<625xf32, #tpu.memory_space<vmem>>[vector<16xi32>], vector<16xf32>,
      %parallel_loop3A_333 = arith.constant 16 : i32
      %parallel_loop3A_334 = arith.muli %parallel_loop3A_79, %parallel_loop3A_333 : i32
      %parallel_loop3A_335 = arith.constant 0 : i32
      %parallel_loop3A_336 = arith.index_cast %parallel_loop3A_335 : i32 to index
      %parallel_loop3A_337 = arith.index_cast %parallel_loop3A_334 : i32 to index
      %parallel_loop3A_338 = tpu.vector_load %arg14[%parallel_loop3A_336, %parallel_loop3A_337] {strides = array<i32>} : memref<1x1024xf32, #tpu.memory_space<vmem>>, vector<16xf32>,
      tpu.vector_store %arg14[%parallel_loop3A_336, %parallel_loop3A_337], %parallel_loop3A_332 {strides = array<i32>} : memref<1x1024xf32, #tpu.memory_space<vmem>>, vector<16xf32>,
    } {sc.loop_unroll_factor = 1 : i64, sc.parallel_access}
    %add3A_25 = arith.constant 1024 : i32
    %add3A_26 = arith.addi %mul3A_2, %add3A_25 : i32
    %dma_start3A_27 = arith.constant 0 : i32
    %dma_start3A_28 = tpu.memref_slice %arg4[%dma_start3A_27, %add3A_26] : memref<25x1048576xf32, #tpu.memory_space<hbm>> -> memref<8x1024xf32, #tpu.memory_space<hbm>>
    %dma_start3A_29 = arith.constant 0 : i32
    %dma_start3A_30 = tpu.memref_slice %arg4[%dma_start3A_29, %add3A_26] : memref<25x1048576xf32, #tpu.memory_space<hbm>> -> memref<8x1024xf32, #tpu.memory_space<hbm>>
    tpu.enqueue_dma source(%arg11 : memref<8x1024xf32, #tpu.memory_space<vmem>>) target(%dma_start3A_30 : memref<8x1024xf32, #tpu.memory_space<hbm>>) target_semaphore(%arg15 : memref<!tpu.dma_semaphore, #tpu.memory_space<semaphore_mem>>)
    %dma_start3A_31 = arith.constant 8 : i32
    %dma_start3A_32 = tpu.memref_slice %arg4[%dma_start3A_31, %add3A_26] : memref<25x1048576xf32, #tpu.memory_space<hbm>> -> memref<8x1024xf32, #tpu.memory_space<hbm>>
    %dma_start3A_33 = arith.constant 8 : i32
    %dma_start3A_34 = tpu.memref_slice %arg4[%dma_start3A_33, %add3A_26] : memref<25x1048576xf32, #tpu.memory_space<hbm>> -> memref<8x1024xf32, #tpu.memory_space<hbm>>
    tpu.enqueue_dma source(%arg12 : memref<8x1024xf32, #tpu.memory_space<vmem>>) target(%dma_start3A_34 : memref<8x1024xf32, #tpu.memory_space<hbm>>) target_semaphore(%arg15 : memref<!tpu.dma_semaphore, #tpu.memory_space<semaphore_mem>>)
    %dma_start3A_35 = arith.constant 16 : i32
    %dma_start3A_36 = tpu.memref_slice %arg4[%dma_start3A_35, %add3A_26] : memref<25x1048576xf32, #tpu.memory_space<hbm>> -> memref<8x1024xf32, #tpu.memory_space<hbm>>
    %dma_start3A_37 = arith.constant 16 : i32
    %dma_start3A_38 = tpu.memref_slice %arg4[%dma_start3A_37, %add3A_26] : memref<25x1048576xf32, #tpu.memory_space<hbm>> -> memref<8x1024xf32, #tpu.memory_space<hbm>>
    tpu.enqueue_dma source(%arg13 : memref<8x1024xf32, #tpu.memory_space<vmem>>) target(%dma_start3A_38 : memref<8x1024xf32, #tpu.memory_space<hbm>>) target_semaphore(%arg15 : memref<!tpu.dma_semaphore, #tpu.memory_space<semaphore_mem>>)
    %dma_start3A_39 = arith.constant 24 : i32
    %dma_start3A_40 = tpu.memref_slice %arg4[%dma_start3A_39, %add3A_26] : memref<25x1048576xf32, #tpu.memory_space<hbm>> -> memref<1x1024xf32, #tpu.memory_space<hbm>>
    %dma_start3A_41 = arith.constant 24 : i32
    %dma_start3A_42 = tpu.memref_slice %arg4[%dma_start3A_41, %add3A_26] : memref<25x1048576xf32, #tpu.memory_space<hbm>> -> memref<1x1024xf32, #tpu.memory_space<hbm>>
    tpu.enqueue_dma source(%arg14 : memref<1x1024xf32, #tpu.memory_space<vmem>>) target(%dma_start3A_42 : memref<1x1024xf32, #tpu.memory_space<hbm>>) target_semaphore(%arg15 : memref<!tpu.dma_semaphore, #tpu.memory_space<semaphore_mem>>)
    %scan3A = arith.constant 0 : i32
    %scan3A_43 = arith.constant 1 : i32
    %scan3A_44 = arith.constant 15 : i32
    %scan3A_45 = arith.addi %scan3A_43, %scan3A_44 : i32
    %scan3A_46 = arith.constant 1 : i32
    scf.for %scan3A_79 = %scan3A_43 to %scan3A_45 step %scan3A_46  : i32 {
      %mul3A_80 = arith.constant 2 : i32
      %mul3A_81 = arith.muli %mul3A_80, %scan3A_79 : i32
      %dma_wait3A_82 = arith.constant 0 : i32
      %dma_wait3A_83 = tpu.memref_slice %arg4[%dma_wait3A_82, %mul3A_2] : memref<25x1048576xf32, #tpu.memory_space<hbm>> -> memref<8x1024xf32, #tpu.memory_space<hbm>>
      %dma_wait3A_84 = arith.constant 0 : i32
      %dma_wait3A_85 = tpu.memref_slice %arg4[%dma_wait3A_84, %mul3A_2] : memref<25x1048576xf32, #tpu.memory_space<hbm>> -> memref<8x1024xf32, #tpu.memory_space<hbm>>
      tpu.wait_dma2 semaphore(%arg15 : memref<!tpu.dma_semaphore, #tpu.memory_space<semaphore_mem>>) src(%arg7 : memref<8x1024xf32, #tpu.memory_space<vmem>>) dst(%dma_wait3A_85 : memref<8x1024xf32, #tpu.memory_space<hbm>>)
      %dma_wait3A_86 = arith.constant 8 : i32
      %dma_wait3A_87 = tpu.memref_slice %arg4[%dma_wait3A_86, %mul3A_2] : memref<25x1048576xf32, #tpu.memory_space<hbm>> -> memref<8x1024xf32, #tpu.memory_space<hbm>>
      %dma_wait3A_88 = arith.constant 8 : i32
      %dma_wait3A_89 = tpu.memref_slice %arg4[%dma_wait3A_88, %mul3A_2] : memref<25x1048576xf32, #tpu.memory_space<hbm>> -> memref<8x1024xf32, #tpu.memory_space<hbm>>
      tpu.wait_dma2 semaphore(%arg15 : memref<!tpu.dma_semaphore, #tpu.memory_space<semaphore_mem>>) src(%arg8 : memref<8x1024xf32, #tpu.memory_space<vmem>>) dst(%dma_wait3A_89 : memref<8x1024xf32, #tpu.memory_space<hbm>>)
      %dma_wait3A_90 = arith.constant 16 : i32
      %dma_wait3A_91 = tpu.memref_slice %arg4[%dma_wait3A_90, %mul3A_2] : memref<25x1048576xf32, #tpu.memory_space<hbm>> -> memref<8x1024xf32, #tpu.memory_space<hbm>>
      %dma_wait3A_92 = arith.constant 16 : i32
      %dma_wait3A_93 = tpu.memref_slice %arg4[%dma_wait3A_92, %mul3A_2] : memref<25x1048576xf32, #tpu.memory_space<hbm>> -> memref<8x1024xf32, #tpu.memory_space<hbm>>
      tpu.wait_dma2 semaphore(%arg15 : memref<!tpu.dma_semaphore, #tpu.memory_space<semaphore_mem>>) src(%arg9 : memref<8x1024xf32, #tpu.memory_space<vmem>>) dst(%dma_wait3A_93 : memref<8x1024xf32, #tpu.memory_space<hbm>>)
      %dma_wait3A_94 = arith.constant 24 : i32
      %dma_wait3A_95 = tpu.memref_slice %arg4[%dma_wait3A_94, %mul3A_2] : memref<25x1048576xf32, #tpu.memory_space<hbm>> -> memref<1x1024xf32, #tpu.memory_space<hbm>>
      %dma_wait3A_96 = arith.constant 24 : i32
      %dma_wait3A_97 = tpu.memref_slice %arg4[%dma_wait3A_96, %mul3A_2] : memref<25x1048576xf32, #tpu.memory_space<hbm>> -> memref<1x1024xf32, #tpu.memory_space<hbm>>
      tpu.wait_dma2 semaphore(%arg15 : memref<!tpu.dma_semaphore, #tpu.memory_space<semaphore_mem>>) src(%arg10 : memref<1x1024xf32, #tpu.memory_space<vmem>>) dst(%dma_wait3A_97 : memref<1x1024xf32, #tpu.memory_space<hbm>>)
      %parallel_loop3A_98 = arith.constant 0 : i32
      %parallel_loop3A_99 = arith.constant 64 : i32
      %parallel_loop3A_100 = arith.constant 1 : i32
      scf.for %parallel_loop3A_162 = %parallel_loop3A_98 to %parallel_loop3A_99 step %parallel_loop3A_100  : i32 {
        %parallel_loop3A_163 = arith.constant 1024 : i32
        %parallel_loop3A_164 = arith.muli %mul3A_81, %parallel_loop3A_163 : i32
        %parallel_loop3A_165 = arith.constant 16 : i32
        %parallel_loop3A_166 = arith.muli %parallel_loop3A_162, %parallel_loop3A_165 : i32
        %parallel_loop3A_167 = arith.addi %parallel_loop3A_164, %parallel_loop3A_166 : i32
        %parallel_loop3A_168 = arith.index_cast %parallel_loop3A_167 : i32 to index
        %parallel_loop3A_169 = tpu.vector_load %arg6[%parallel_loop3A_168] {strides = array<i32>} : memref<32768xi32, #tpu.memory_space<vmem>>, vector<16xi32>,
        %parallel_loop3A_170 = arith.constant 25 : i32
        %parallel_loop3A_171 = vector.broadcast %parallel_loop3A_170 : i32 to vector<16xi32>
        %parallel_loop3A_172 = arith.muli %parallel_loop3A_169, %parallel_loop3A_171 : vector<16xi32>
        %parallel_loop3A_173 = arith.constant 0 : i32
        %parallel_loop3A_174 = vector.broadcast %parallel_loop3A_173 : i32 to vector<16xi32>
        %parallel_loop3A_175 = arith.addi %parallel_loop3A_172, %parallel_loop3A_174 : vector<16xi32>
        %parallel_loop3A_176 = tpu.vector_load_idx %arg5[%parallel_loop3A_175] : memref<625xf32, #tpu.memory_space<vmem>>[vector<16xi32>], vector<16xf32>,
        %parallel_loop3A_177 = arith.constant 16 : i32
        %parallel_loop3A_178 = arith.muli %parallel_loop3A_162, %parallel_loop3A_177 : i32
        %parallel_loop3A_179 = arith.constant 0 : i32
        %parallel_loop3A_180 = arith.index_cast %parallel_loop3A_179 : i32 to index
        %parallel_loop3A_181 = arith.index_cast %parallel_loop3A_178 : i32 to index
        %parallel_loop3A_182 = tpu.vector_load %arg7[%parallel_loop3A_180, %parallel_loop3A_181] {strides = array<i32>} : memref<8x1024xf32, #tpu.memory_space<vmem>>, vector<16xf32>,
        tpu.vector_store %arg7[%parallel_loop3A_180, %parallel_loop3A_181], %parallel_loop3A_176 {strides = array<i32>} : memref<8x1024xf32, #tpu.memory_space<vmem>>, vector<16xf32>,
        %parallel_loop3A_183 = arith.constant 1 : i32
        %parallel_loop3A_184 = vector.broadcast %parallel_loop3A_183 : i32 to vector<16xi32>
        %parallel_loop3A_185 = arith.addi %parallel_loop3A_172, %parallel_loop3A_184 : vector<16xi32>
        %parallel_loop3A_186 = tpu.vector_load_idx %arg5[%parallel_loop3A_185] : memref<625xf32, #tpu.memory_space<vmem>>[vector<16xi32>], vector<16xf32>,
        %parallel_loop3A_187 = arith.constant 16 : i32
        %parallel_loop3A_188 = arith.muli %parallel_loop3A_162, %parallel_loop3A_187 : i32
        %parallel_loop3A_189 = arith.constant 1 : i32
        %parallel_loop3A_190 = arith.index_cast %parallel_loop3A_189 : i32 to index
        %parallel_loop3A_191 = arith.index_cast %parallel_loop3A_188 : i32 to index
        %parallel_loop3A_192 = tpu.vector_load %arg7[%parallel_loop3A_190, %parallel_loop3A_191] {strides = array<i32>} : memref<8x1024xf32, #tpu.memory_space<vmem>>, vector<16xf32>,
        tpu.vector_store %arg7[%parallel_loop3A_190, %parallel_loop3A_191], %parallel_loop3A_186 {strides = array<i32>} : memref<8x1024xf32, #tpu.memory_space<vmem>>, vector<16xf32>,
        %parallel_loop3A_193 = arith.constant 2 : i32
        %parallel_loop3A_194 = vector.broadcast %parallel_loop3A_193 : i32 to vector<16xi32>
        %parallel_loop3A_195 = arith.addi %parallel_loop3A_172, %parallel_loop3A_194 : vector<16xi32>
        %parallel_loop3A_196 = tpu.vector_load_idx %arg5[%parallel_loop3A_195] : memref<625xf32, #tpu.memory_space<vmem>>[vector<16xi32>], vector<16xf32>,
        %parallel_loop3A_197 = arith.constant 16 : i32
        %parallel_loop3A_198 = arith.muli %parallel_loop3A_162, %parallel_loop3A_197 : i32
        %parallel_loop3A_199 = arith.constant 2 : i32
        %parallel_loop3A_200 = arith.index_cast %parallel_loop3A_199 : i32 to index
        %parallel_loop3A_201 = arith.index_cast %parallel_loop3A_198 : i32 to index
        %parallel_loop3A_202 = tpu.vector_load %arg7[%parallel_loop3A_200, %parallel_loop3A_201] {strides = array<i32>} : memref<8x1024xf32, #tpu.memory_space<vmem>>, vector<16xf32>,
        tpu.vector_store %arg7[%parallel_loop3A_200, %parallel_loop3A_201], %parallel_loop3A_196 {strides = array<i32>} : memref<8x1024xf32, #tpu.memory_space<vmem>>, vector<16xf32>,
        %parallel_loop3A_203 = arith.constant 3 : i32
        %parallel_loop3A_204 = vector.broadcast %parallel_loop3A_203 : i32 to vector<16xi32>
        %parallel_loop3A_205 = arith.addi %parallel_loop3A_172, %parallel_loop3A_204 : vector<16xi32>
        %parallel_loop3A_206 = tpu.vector_load_idx %arg5[%parallel_loop3A_205] : memref<625xf32, #tpu.memory_space<vmem>>[vector<16xi32>], vector<16xf32>,
        %parallel_loop3A_207 = arith.constant 16 : i32
        %parallel_loop3A_208 = arith.muli %parallel_loop3A_162, %parallel_loop3A_207 : i32
        %parallel_loop3A_209 = arith.constant 3 : i32
        %parallel_loop3A_210 = arith.index_cast %parallel_loop3A_209 : i32 to index
        %parallel_loop3A_211 = arith.index_cast %parallel_loop3A_208 : i32 to index
        %parallel_loop3A_212 = tpu.vector_load %arg7[%parallel_loop3A_210, %parallel_loop3A_211] {strides = array<i32>} : memref<8x1024xf32, #tpu.memory_space<vmem>>, vector<16xf32>,
        tpu.vector_store %arg7[%parallel_loop3A_210, %parallel_loop3A_211], %parallel_loop3A_206 {strides = array<i32>} : memref<8x1024xf32, #tpu.memory_space<vmem>>, vector<16xf32>,
        %parallel_loop3A_213 = arith.constant 4 : i32
        %parallel_loop3A_214 = vector.broadcast %parallel_loop3A_213 : i32 to vector<16xi32>
        %parallel_loop3A_215 = arith.addi %parallel_loop3A_172, %parallel_loop3A_214 : vector<16xi32>
        %parallel_loop3A_216 = tpu.vector_load_idx %arg5[%parallel_loop3A_215] : memref<625xf32, #tpu.memory_space<vmem>>[vector<16xi32>], vector<16xf32>,
        %parallel_loop3A_217 = arith.constant 16 : i32
        %parallel_loop3A_218 = arith.muli %parallel_loop3A_162, %parallel_loop3A_217 : i32
        %parallel_loop3A_219 = arith.constant 4 : i32
        %parallel_loop3A_220 = arith.index_cast %parallel_loop3A_219 : i32 to index
        %parallel_loop3A_221 = arith.index_cast %parallel_loop3A_218 : i32 to index
        %parallel_loop3A_222 = tpu.vector_load %arg7[%parallel_loop3A_220, %parallel_loop3A_221] {strides = array<i32>} : memref<8x1024xf32, #tpu.memory_space<vmem>>, vector<16xf32>,
        tpu.vector_store %arg7[%parallel_loop3A_220, %parallel_loop3A_221], %parallel_loop3A_216 {strides = array<i32>} : memref<8x1024xf32, #tpu.memory_space<vmem>>, vector<16xf32>,
        %parallel_loop3A_223 = arith.constant 5 : i32
        %parallel_loop3A_224 = vector.broadcast %parallel_loop3A_223 : i32 to vector<16xi32>
        %parallel_loop3A_225 = arith.addi %parallel_loop3A_172, %parallel_loop3A_224 : vector<16xi32>
        %parallel_loop3A_226 = tpu.vector_load_idx %arg5[%parallel_loop3A_225] : memref<625xf32, #tpu.memory_space<vmem>>[vector<16xi32>], vector<16xf32>,
        %parallel_loop3A_227 = arith.constant 16 : i32
        %parallel_loop3A_228 = arith.muli %parallel_loop3A_162, %parallel_loop3A_227 : i32
        %parallel_loop3A_229 = arith.constant 5 : i32
        %parallel_loop3A_230 = arith.index_cast %parallel_loop3A_229 : i32 to index
        %parallel_loop3A_231 = arith.index_cast %parallel_loop3A_228 : i32 to index
        %parallel_loop3A_232 = tpu.vector_load %arg7[%parallel_loop3A_230, %parallel_loop3A_231] {strides = array<i32>} : memref<8x1024xf32, #tpu.memory_space<vmem>>, vector<16xf32>,
        tpu.vector_store %arg7[%parallel_loop3A_230, %parallel_loop3A_231], %parallel_loop3A_226 {strides = array<i32>} : memref<8x1024xf32, #tpu.memory_space<vmem>>, vector<16xf32>,
        %parallel_loop3A_233 = arith.constant 6 : i32
        %parallel_loop3A_234 = vector.broadcast %parallel_loop3A_233 : i32 to vector<16xi32>
        %parallel_loop3A_235 = arith.addi %parallel_loop3A_172, %parallel_loop3A_234 : vector<16xi32>
        %parallel_loop3A_236 = tpu.vector_load_idx %arg5[%parallel_loop3A_235] : memref<625xf32, #tpu.memory_space<vmem>>[vector<16xi32>], vector<16xf32>,
        %parallel_loop3A_237 = arith.constant 16 : i32
        %parallel_loop3A_238 = arith.muli %parallel_loop3A_162, %parallel_loop3A_237 : i32
        %parallel_loop3A_239 = arith.constant 6 : i32
        %parallel_loop3A_240 = arith.index_cast %parallel_loop3A_239 : i32 to index
        %parallel_loop3A_241 = arith.index_cast %parallel_loop3A_238 : i32 to index
        %parallel_loop3A_242 = tpu.vector_load %arg7[%parallel_loop3A_240, %parallel_loop3A_241] {strides = array<i32>} : memref<8x1024xf32, #tpu.memory_space<vmem>>, vector<16xf32>,
        tpu.vector_store %arg7[%parallel_loop3A_240, %parallel_loop3A_241], %parallel_loop3A_236 {strides = array<i32>} : memref<8x1024xf32, #tpu.memory_space<vmem>>, vector<16xf32>,
        %parallel_loop3A_243 = arith.constant 7 : i32
        %parallel_loop3A_244 = vector.broadcast %parallel_loop3A_243 : i32 to vector<16xi32>
        %parallel_loop3A_245 = arith.addi %parallel_loop3A_172, %parallel_loop3A_244 : vector<16xi32>
        %parallel_loop3A_246 = tpu.vector_load_idx %arg5[%parallel_loop3A_245] : memref<625xf32, #tpu.memory_space<vmem>>[vector<16xi32>], vector<16xf32>,
        %parallel_loop3A_247 = arith.constant 16 : i32
        %parallel_loop3A_248 = arith.muli %parallel_loop3A_162, %parallel_loop3A_247 : i32
        %parallel_loop3A_249 = arith.constant 7 : i32
        %parallel_loop3A_250 = arith.index_cast %parallel_loop3A_249 : i32 to index
        %parallel_loop3A_251 = arith.index_cast %parallel_loop3A_248 : i32 to index
        %parallel_loop3A_252 = tpu.vector_load %arg7[%parallel_loop3A_250, %parallel_loop3A_251] {strides = array<i32>} : memref<8x1024xf32, #tpu.memory_space<vmem>>, vector<16xf32>,
        tpu.vector_store %arg7[%parallel_loop3A_250, %parallel_loop3A_251], %parallel_loop3A_246 {strides = array<i32>} : memref<8x1024xf32, #tpu.memory_space<vmem>>, vector<16xf32>,
        %parallel_loop3A_253 = arith.constant 8 : i32
        %parallel_loop3A_254 = vector.broadcast %parallel_loop3A_253 : i32 to vector<16xi32>
        %parallel_loop3A_255 = arith.addi %parallel_loop3A_172, %parallel_loop3A_254 : vector<16xi32>
        %parallel_loop3A_256 = tpu.vector_load_idx %arg5[%parallel_loop3A_255] : memref<625xf32, #tpu.memory_space<vmem>>[vector<16xi32>], vector<16xf32>,
        %parallel_loop3A_257 = arith.constant 16 : i32
        %parallel_loop3A_258 = arith.muli %parallel_loop3A_162, %parallel_loop3A_257 : i32
        %parallel_loop3A_259 = arith.constant 0 : i32
        %parallel_loop3A_260 = arith.index_cast %parallel_loop3A_259 : i32 to index
        %parallel_loop3A_261 = arith.index_cast %parallel_loop3A_258 : i32 to index
        %parallel_loop3A_262 = tpu.vector_load %arg8[%parallel_loop3A_260, %parallel_loop3A_261] {strides = array<i32>} : memref<8x1024xf32, #tpu.memory_space<vmem>>, vector<16xf32>,
        tpu.vector_store %arg8[%parallel_loop3A_260, %parallel_loop3A_261], %parallel_loop3A_256 {strides = array<i32>} : memref<8x1024xf32, #tpu.memory_space<vmem>>, vector<16xf32>,
        %parallel_loop3A_263 = arith.constant 9 : i32
        %parallel_loop3A_264 = vector.broadcast %parallel_loop3A_263 : i32 to vector<16xi32>
        %parallel_loop3A_265 = arith.addi %parallel_loop3A_172, %parallel_loop3A_264 : vector<16xi32>
        %parallel_loop3A_266 = tpu.vector_load_idx %arg5[%parallel_loop3A_265] : memref<625xf32, #tpu.memory_space<vmem>>[vector<16xi32>], vector<16xf32>,
        %parallel_loop3A_267 = arith.constant 16 : i32
        %parallel_loop3A_268 = arith.muli %parallel_loop3A_162, %parallel_loop3A_267 : i32
        %parallel_loop3A_269 = arith.constant 1 : i32
        %parallel_loop3A_270 = arith.index_cast %parallel_loop3A_269 : i32 to index
        %parallel_loop3A_271 = arith.index_cast %parallel_loop3A_268 : i32 to index
        %parallel_loop3A_272 = tpu.vector_load %arg8[%parallel_loop3A_270, %parallel_loop3A_271] {strides = array<i32>} : memref<8x1024xf32, #tpu.memory_space<vmem>>, vector<16xf32>,
        tpu.vector_store %arg8[%parallel_loop3A_270, %parallel_loop3A_271], %parallel_loop3A_266 {strides = array<i32>} : memref<8x1024xf32, #tpu.memory_space<vmem>>, vector<16xf32>,
        %parallel_loop3A_273 = arith.constant 10 : i32
        %parallel_loop3A_274 = vector.broadcast %parallel_loop3A_273 : i32 to vector<16xi32>
        %parallel_loop3A_275 = arith.addi %parallel_loop3A_172, %parallel_loop3A_274 : vector<16xi32>
        %parallel_loop3A_276 = tpu.vector_load_idx %arg5[%parallel_loop3A_275] : memref<625xf32, #tpu.memory_space<vmem>>[vector<16xi32>], vector<16xf32>,
        %parallel_loop3A_277 = arith.constant 16 : i32
        %parallel_loop3A_278 = arith.muli %parallel_loop3A_162, %parallel_loop3A_277 : i32
        %parallel_loop3A_279 = arith.constant 2 : i32
        %parallel_loop3A_280 = arith.index_cast %parallel_loop3A_279 : i32 to index
        %parallel_loop3A_281 = arith.index_cast %parallel_loop3A_278 : i32 to index
        %parallel_loop3A_282 = tpu.vector_load %arg8[%parallel_loop3A_280, %parallel_loop3A_281] {strides = array<i32>} : memref<8x1024xf32, #tpu.memory_space<vmem>>, vector<16xf32>,
        tpu.vector_store %arg8[%parallel_loop3A_280, %parallel_loop3A_281], %parallel_loop3A_276 {strides = array<i32>} : memref<8x1024xf32, #tpu.memory_space<vmem>>, vector<16xf32>,
        %parallel_loop3A_283 = arith.constant 11 : i32
        %parallel_loop3A_284 = vector.broadcast %parallel_loop3A_283 : i32 to vector<16xi32>
        %parallel_loop3A_285 = arith.addi %parallel_loop3A_172, %parallel_loop3A_284 : vector<16xi32>
        %parallel_loop3A_286 = tpu.vector_load_idx %arg5[%parallel_loop3A_285] : memref<625xf32, #tpu.memory_space<vmem>>[vector<16xi32>], vector<16xf32>,
        %parallel_loop3A_287 = arith.constant 16 : i32
        %parallel_loop3A_288 = arith.muli %parallel_loop3A_162, %parallel_loop3A_287 : i32
        %parallel_loop3A_289 = arith.constant 3 : i32
        %parallel_loop3A_290 = arith.index_cast %parallel_loop3A_289 : i32 to index
        %parallel_loop3A_291 = arith.index_cast %parallel_loop3A_288 : i32 to index
        %parallel_loop3A_292 = tpu.vector_load %arg8[%parallel_loop3A_290, %parallel_loop3A_291] {strides = array<i32>} : memref<8x1024xf32, #tpu.memory_space<vmem>>, vector<16xf32>,
        tpu.vector_store %arg8[%parallel_loop3A_290, %parallel_loop3A_291], %parallel_loop3A_286 {strides = array<i32>} : memref<8x1024xf32, #tpu.memory_space<vmem>>, vector<16xf32>,
        %parallel_loop3A_293 = arith.constant 12 : i32
        %parallel_loop3A_294 = vector.broadcast %parallel_loop3A_293 : i32 to vector<16xi32>
        %parallel_loop3A_295 = arith.addi %parallel_loop3A_172, %parallel_loop3A_294 : vector<16xi32>
        %parallel_loop3A_296 = tpu.vector_load_idx %arg5[%parallel_loop3A_295] : memref<625xf32, #tpu.memory_space<vmem>>[vector<16xi32>], vector<16xf32>,
        %parallel_loop3A_297 = arith.constant 16 : i32
        %parallel_loop3A_298 = arith.muli %parallel_loop3A_162, %parallel_loop3A_297 : i32
        %parallel_loop3A_299 = arith.constant 4 : i32
        %parallel_loop3A_300 = arith.index_cast %parallel_loop3A_299 : i32 to index
        %parallel_loop3A_301 = arith.index_cast %parallel_loop3A_298 : i32 to index
        %parallel_loop3A_302 = tpu.vector_load %arg8[%parallel_loop3A_300, %parallel_loop3A_301] {strides = array<i32>} : memref<8x1024xf32, #tpu.memory_space<vmem>>, vector<16xf32>,
        tpu.vector_store %arg8[%parallel_loop3A_300, %parallel_loop3A_301], %parallel_loop3A_296 {strides = array<i32>} : memref<8x1024xf32, #tpu.memory_space<vmem>>, vector<16xf32>,
        %parallel_loop3A_303 = arith.constant 13 : i32
        %parallel_loop3A_304 = vector.broadcast %parallel_loop3A_303 : i32 to vector<16xi32>
        %parallel_loop3A_305 = arith.addi %parallel_loop3A_172, %parallel_loop3A_304 : vector<16xi32>
        %parallel_loop3A_306 = tpu.vector_load_idx %arg5[%parallel_loop3A_305] : memref<625xf32, #tpu.memory_space<vmem>>[vector<16xi32>], vector<16xf32>,
        %parallel_loop3A_307 = arith.constant 16 : i32
        %parallel_loop3A_308 = arith.muli %parallel_loop3A_162, %parallel_loop3A_307 : i32
        %parallel_loop3A_309 = arith.constant 5 : i32
        %parallel_loop3A_310 = arith.index_cast %parallel_loop3A_309 : i32 to index
        %parallel_loop3A_311 = arith.index_cast %parallel_loop3A_308 : i32 to index
        %parallel_loop3A_312 = tpu.vector_load %arg8[%parallel_loop3A_310, %parallel_loop3A_311] {strides = array<i32>} : memref<8x1024xf32, #tpu.memory_space<vmem>>, vector<16xf32>,
        tpu.vector_store %arg8[%parallel_loop3A_310, %parallel_loop3A_311], %parallel_loop3A_306 {strides = array<i32>} : memref<8x1024xf32, #tpu.memory_space<vmem>>, vector<16xf32>,
        %parallel_loop3A_313 = arith.constant 14 : i32
        %parallel_loop3A_314 = vector.broadcast %parallel_loop3A_313 : i32 to vector<16xi32>
        %parallel_loop3A_315 = arith.addi %parallel_loop3A_172, %parallel_loop3A_314 : vector<16xi32>
        %parallel_loop3A_316 = tpu.vector_load_idx %arg5[%parallel_loop3A_315] : memref<625xf32, #tpu.memory_space<vmem>>[vector<16xi32>], vector<16xf32>,
        %parallel_loop3A_317 = arith.constant 16 : i32
        %parallel_loop3A_318 = arith.muli %parallel_loop3A_162, %parallel_loop3A_317 : i32
        %parallel_loop3A_319 = arith.constant 6 : i32
        %parallel_loop3A_320 = arith.index_cast %parallel_loop3A_319 : i32 to index
        %parallel_loop3A_321 = arith.index_cast %parallel_loop3A_318 : i32 to index
        %parallel_loop3A_322 = tpu.vector_load %arg8[%parallel_loop3A_320, %parallel_loop3A_321] {strides = array<i32>} : memref<8x1024xf32, #tpu.memory_space<vmem>>, vector<16xf32>,
        tpu.vector_store %arg8[%parallel_loop3A_320, %parallel_loop3A_321], %parallel_loop3A_316 {strides = array<i32>} : memref<8x1024xf32, #tpu.memory_space<vmem>>, vector<16xf32>,
        %parallel_loop3A_323 = arith.constant 15 : i32
        %parallel_loop3A_324 = vector.broadcast %parallel_loop3A_323 : i32 to vector<16xi32>
        %parallel_loop3A_325 = arith.addi %parallel_loop3A_172, %parallel_loop3A_324 : vector<16xi32>
        %parallel_loop3A_326 = tpu.vector_load_idx %arg5[%parallel_loop3A_325] : memref<625xf32, #tpu.memory_space<vmem>>[vector<16xi32>], vector<16xf32>,
        %parallel_loop3A_327 = arith.constant 16 : i32
        %parallel_loop3A_328 = arith.muli %parallel_loop3A_162, %parallel_loop3A_327 : i32
        %parallel_loop3A_329 = arith.constant 7 : i32
        %parallel_loop3A_330 = arith.index_cast %parallel_loop3A_329 : i32 to index
        %parallel_loop3A_331 = arith.index_cast %parallel_loop3A_328 : i32 to index
        %parallel_loop3A_332 = tpu.vector_load %arg8[%parallel_loop3A_330, %parallel_loop3A_331] {strides = array<i32>} : memref<8x1024xf32, #tpu.memory_space<vmem>>, vector<16xf32>,
        tpu.vector_store %arg8[%parallel_loop3A_330, %parallel_loop3A_331], %parallel_loop3A_326 {strides = array<i32>} : memref<8x1024xf32, #tpu.memory_space<vmem>>, vector<16xf32>,
        %parallel_loop3A_333 = arith.constant 16 : i32
        %parallel_loop3A_334 = vector.broadcast %parallel_loop3A_333 : i32 to vector<16xi32>
        %parallel_loop3A_335 = arith.addi %parallel_loop3A_172, %parallel_loop3A_334 : vector<16xi32>
        %parallel_loop3A_336 = tpu.vector_load_idx %arg5[%parallel_loop3A_335] : memref<625xf32, #tpu.memory_space<vmem>>[vector<16xi32>], vector<16xf32>,
        %parallel_loop3A_337 = arith.constant 16 : i32
        %parallel_loop3A_338 = arith.muli %parallel_loop3A_162, %parallel_loop3A_337 : i32
        %parallel_loop3A_339 = arith.constant 0 : i32
        %parallel_loop3A_340 = arith.index_cast %parallel_loop3A_339 : i32 to index
        %parallel_loop3A_341 = arith.index_cast %parallel_loop3A_338 : i32 to index
        %parallel_loop3A_342 = tpu.vector_load %arg9[%parallel_loop3A_340, %parallel_loop3A_341] {strides = array<i32>} : memref<8x1024xf32, #tpu.memory_space<vmem>>, vector<16xf32>,
        tpu.vector_store %arg9[%parallel_loop3A_340, %parallel_loop3A_341], %parallel_loop3A_336 {strides = array<i32>} : memref<8x1024xf32, #tpu.memory_space<vmem>>, vector<16xf32>,
        %parallel_loop3A_343 = arith.constant 17 : i32
        %parallel_loop3A_344 = vector.broadcast %parallel_loop3A_343 : i32 to vector<16xi32>
        %parallel_loop3A_345 = arith.addi %parallel_loop3A_172, %parallel_loop3A_344 : vector<16xi32>
        %parallel_loop3A_346 = tpu.vector_load_idx %arg5[%parallel_loop3A_345] : memref<625xf32, #tpu.memory_space<vmem>>[vector<16xi32>], vector<16xf32>,
        %parallel_loop3A_347 = arith.constant 16 : i32
        %parallel_loop3A_348 = arith.muli %parallel_loop3A_162, %parallel_loop3A_347 : i32
        %parallel_loop3A_349 = arith.constant 1 : i32
        %parallel_loop3A_350 = arith.index_cast %parallel_loop3A_349 : i32 to index
        %parallel_loop3A_351 = arith.index_cast %parallel_loop3A_348 : i32 to index
        %parallel_loop3A_352 = tpu.vector_load %arg9[%parallel_loop3A_350, %parallel_loop3A_351] {strides = array<i32>} : memref<8x1024xf32, #tpu.memory_space<vmem>>, vector<16xf32>,
        tpu.vector_store %arg9[%parallel_loop3A_350, %parallel_loop3A_351], %parallel_loop3A_346 {strides = array<i32>} : memref<8x1024xf32, #tpu.memory_space<vmem>>, vector<16xf32>,
        %parallel_loop3A_353 = arith.constant 18 : i32
        %parallel_loop3A_354 = vector.broadcast %parallel_loop3A_353 : i32 to vector<16xi32>
        %parallel_loop3A_355 = arith.addi %parallel_loop3A_172, %parallel_loop3A_354 : vector<16xi32>
        %parallel_loop3A_356 = tpu.vector_load_idx %arg5[%parallel_loop3A_355] : memref<625xf32, #tpu.memory_space<vmem>>[vector<16xi32>], vector<16xf32>,
        %parallel_loop3A_357 = arith.constant 16 : i32
        %parallel_loop3A_358 = arith.muli %parallel_loop3A_162, %parallel_loop3A_357 : i32
        %parallel_loop3A_359 = arith.constant 2 : i32
        %parallel_loop3A_360 = arith.index_cast %parallel_loop3A_359 : i32 to index
        %parallel_loop3A_361 = arith.index_cast %parallel_loop3A_358 : i32 to index
        %parallel_loop3A_362 = tpu.vector_load %arg9[%parallel_loop3A_360, %parallel_loop3A_361] {strides = array<i32>} : memref<8x1024xf32, #tpu.memory_space<vmem>>, vector<16xf32>,
        tpu.vector_store %arg9[%parallel_loop3A_360, %parallel_loop3A_361], %parallel_loop3A_356 {strides = array<i32>} : memref<8x1024xf32, #tpu.memory_space<vmem>>, vector<16xf32>,
        %parallel_loop3A_363 = arith.constant 19 : i32
        %parallel_loop3A_364 = vector.broadcast %parallel_loop3A_363 : i32 to vector<16xi32>
        %parallel_loop3A_365 = arith.addi %parallel_loop3A_172, %parallel_loop3A_364 : vector<16xi32>
        %parallel_loop3A_366 = tpu.vector_load_idx %arg5[%parallel_loop3A_365] : memref<625xf32, #tpu.memory_space<vmem>>[vector<16xi32>], vector<16xf32>,
        %parallel_loop3A_367 = arith.constant 16 : i32
        %parallel_loop3A_368 = arith.muli %parallel_loop3A_162, %parallel_loop3A_367 : i32
        %parallel_loop3A_369 = arith.constant 3 : i32
        %parallel_loop3A_370 = arith.index_cast %parallel_loop3A_369 : i32 to index
        %parallel_loop3A_371 = arith.index_cast %parallel_loop3A_368 : i32 to index
        %parallel_loop3A_372 = tpu.vector_load %arg9[%parallel_loop3A_370, %parallel_loop3A_371] {strides = array<i32>} : memref<8x1024xf32, #tpu.memory_space<vmem>>, vector<16xf32>,
        tpu.vector_store %arg9[%parallel_loop3A_370, %parallel_loop3A_371], %parallel_loop3A_366 {strides = array<i32>} : memref<8x1024xf32, #tpu.memory_space<vmem>>, vector<16xf32>,
        %parallel_loop3A_373 = arith.constant 20 : i32
        %parallel_loop3A_374 = vector.broadcast %parallel_loop3A_373 : i32 to vector<16xi32>
        %parallel_loop3A_375 = arith.addi %parallel_loop3A_172, %parallel_loop3A_374 : vector<16xi32>
        %parallel_loop3A_376 = tpu.vector_load_idx %arg5[%parallel_loop3A_375] : memref<625xf32, #tpu.memory_space<vmem>>[vector<16xi32>], vector<16xf32>,
        %parallel_loop3A_377 = arith.constant 16 : i32
        %parallel_loop3A_378 = arith.muli %parallel_loop3A_162, %parallel_loop3A_377 : i32
        %parallel_loop3A_379 = arith.constant 4 : i32
        %parallel_loop3A_380 = arith.index_cast %parallel_loop3A_379 : i32 to index
        %parallel_loop3A_381 = arith.index_cast %parallel_loop3A_378 : i32 to index
        %parallel_loop3A_382 = tpu.vector_load %arg9[%parallel_loop3A_380, %parallel_loop3A_381] {strides = array<i32>} : memref<8x1024xf32, #tpu.memory_space<vmem>>, vector<16xf32>,
        tpu.vector_store %arg9[%parallel_loop3A_380, %parallel_loop3A_381], %parallel_loop3A_376 {strides = array<i32>} : memref<8x1024xf32, #tpu.memory_space<vmem>>, vector<16xf32>,
        %parallel_loop3A_383 = arith.constant 21 : i32
        %parallel_loop3A_384 = vector.broadcast %parallel_loop3A_383 : i32 to vector<16xi32>
        %parallel_loop3A_385 = arith.addi %parallel_loop3A_172, %parallel_loop3A_384 : vector<16xi32>
        %parallel_loop3A_386 = tpu.vector_load_idx %arg5[%parallel_loop3A_385] : memref<625xf32, #tpu.memory_space<vmem>>[vector<16xi32>], vector<16xf32>,
        %parallel_loop3A_387 = arith.constant 16 : i32
        %parallel_loop3A_388 = arith.muli %parallel_loop3A_162, %parallel_loop3A_387 : i32
        %parallel_loop3A_389 = arith.constant 5 : i32
        %parallel_loop3A_390 = arith.index_cast %parallel_loop3A_389 : i32 to index
        %parallel_loop3A_391 = arith.index_cast %parallel_loop3A_388 : i32 to index
        %parallel_loop3A_392 = tpu.vector_load %arg9[%parallel_loop3A_390, %parallel_loop3A_391] {strides = array<i32>} : memref<8x1024xf32, #tpu.memory_space<vmem>>, vector<16xf32>,
        tpu.vector_store %arg9[%parallel_loop3A_390, %parallel_loop3A_391], %parallel_loop3A_386 {strides = array<i32>} : memref<8x1024xf32, #tpu.memory_space<vmem>>, vector<16xf32>,
        %parallel_loop3A_393 = arith.constant 22 : i32
        %parallel_loop3A_394 = vector.broadcast %parallel_loop3A_393 : i32 to vector<16xi32>
        %parallel_loop3A_395 = arith.addi %parallel_loop3A_172, %parallel_loop3A_394 : vector<16xi32>
        %parallel_loop3A_396 = tpu.vector_load_idx %arg5[%parallel_loop3A_395] : memref<625xf32, #tpu.memory_space<vmem>>[vector<16xi32>], vector<16xf32>,
        %parallel_loop3A_397 = arith.constant 16 : i32
        %parallel_loop3A_398 = arith.muli %parallel_loop3A_162, %parallel_loop3A_397 : i32
        %parallel_loop3A_399 = arith.constant 6 : i32
        %parallel_loop3A_400 = arith.index_cast %parallel_loop3A_399 : i32 to index
        %parallel_loop3A_401 = arith.index_cast %parallel_loop3A_398 : i32 to index
        %parallel_loop3A_402 = tpu.vector_load %arg9[%parallel_loop3A_400, %parallel_loop3A_401] {strides = array<i32>} : memref<8x1024xf32, #tpu.memory_space<vmem>>, vector<16xf32>,
        tpu.vector_store %arg9[%parallel_loop3A_400, %parallel_loop3A_401], %parallel_loop3A_396 {strides = array<i32>} : memref<8x1024xf32, #tpu.memory_space<vmem>>, vector<16xf32>,
        %parallel_loop3A_403 = arith.constant 23 : i32
        %parallel_loop3A_404 = vector.broadcast %parallel_loop3A_403 : i32 to vector<16xi32>
        %parallel_loop3A_405 = arith.addi %parallel_loop3A_172, %parallel_loop3A_404 : vector<16xi32>
        %parallel_loop3A_406 = tpu.vector_load_idx %arg5[%parallel_loop3A_405] : memref<625xf32, #tpu.memory_space<vmem>>[vector<16xi32>], vector<16xf32>,
        %parallel_loop3A_407 = arith.constant 16 : i32
        %parallel_loop3A_408 = arith.muli %parallel_loop3A_162, %parallel_loop3A_407 : i32
        %parallel_loop3A_409 = arith.constant 7 : i32
        %parallel_loop3A_410 = arith.index_cast %parallel_loop3A_409 : i32 to index
        %parallel_loop3A_411 = arith.index_cast %parallel_loop3A_408 : i32 to index
        %parallel_loop3A_412 = tpu.vector_load %arg9[%parallel_loop3A_410, %parallel_loop3A_411] {strides = array<i32>} : memref<8x1024xf32, #tpu.memory_space<vmem>>, vector<16xf32>,
        tpu.vector_store %arg9[%parallel_loop3A_410, %parallel_loop3A_411], %parallel_loop3A_406 {strides = array<i32>} : memref<8x1024xf32, #tpu.memory_space<vmem>>, vector<16xf32>,
        %parallel_loop3A_413 = arith.constant 24 : i32
        %parallel_loop3A_414 = vector.broadcast %parallel_loop3A_413 : i32 to vector<16xi32>
        %parallel_loop3A_415 = arith.addi %parallel_loop3A_172, %parallel_loop3A_414 : vector<16xi32>
        %parallel_loop3A_416 = tpu.vector_load_idx %arg5[%parallel_loop3A_415] : memref<625xf32, #tpu.memory_space<vmem>>[vector<16xi32>], vector<16xf32>,
        %parallel_loop3A_417 = arith.constant 16 : i32
        %parallel_loop3A_418 = arith.muli %parallel_loop3A_162, %parallel_loop3A_417 : i32
        %parallel_loop3A_419 = arith.constant 0 : i32
        %parallel_loop3A_420 = arith.index_cast %parallel_loop3A_419 : i32 to index
        %parallel_loop3A_421 = arith.index_cast %parallel_loop3A_418 : i32 to index
        %parallel_loop3A_422 = tpu.vector_load %arg10[%parallel_loop3A_420, %parallel_loop3A_421] {strides = array<i32>} : memref<1x1024xf32, #tpu.memory_space<vmem>>, vector<16xf32>,
        tpu.vector_store %arg10[%parallel_loop3A_420, %parallel_loop3A_421], %parallel_loop3A_416 {strides = array<i32>} : memref<1x1024xf32, #tpu.memory_space<vmem>>, vector<16xf32>,
      } {sc.loop_unroll_factor = 1 : i64, sc.parallel_access}
      %mul3A_101 = arith.constant 1024 : i32
      %mul3A_102 = arith.muli %mul3A_81, %mul3A_101 : i32
      %add3A_103 = arith.addi %mul3A_2, %mul3A_102 : i32
      %dma_start3A_104 = arith.constant 0 : i32
      %dma_start3A_105 = tpu.memref_slice %arg4[%dma_start3A_104, %add3A_103] : memref<25x1048576xf32, #tpu.memory_space<hbm>> -> memref<8x1024xf32, #tpu.memory_space<hbm>>
      %dma_start3A_106 = arith.constant 0 : i32
      %dma_start3A_107 = tpu.memref_slice %arg4[%dma_start3A_106, %add3A_103] : memref<25x1048576xf32, #tpu.memory_space<hbm>> -> memref<8x1024xf32, #tpu.memory_space<hbm>>
      tpu.enqueue_dma source(%arg7 : memref<8x1024xf32, #tpu.memory_space<vmem>>) target(%dma_start3A_107 : memref<8x1024xf32, #tpu.memory_space<hbm>>) target_semaphore(%arg15 : memref<!tpu.dma_semaphore, #tpu.memory_space<semaphore_mem>>)
      %dma_start3A_108 = arith.constant 8 : i32
      %dma_start3A_109 = tpu.memref_slice %arg4[%dma_start3A_108, %add3A_103] : memref<25x1048576xf32, #tpu.memory_space<hbm>> -> memref<8x1024xf32, #tpu.memory_space<hbm>>
      %dma_start3A_110 = arith.constant 8 : i32
      %dma_start3A_111 = tpu.memref_slice %arg4[%dma_start3A_110, %add3A_103] : memref<25x1048576xf32, #tpu.memory_space<hbm>> -> memref<8x1024xf32, #tpu.memory_space<hbm>>
      tpu.enqueue_dma source(%arg8 : memref<8x1024xf32, #tpu.memory_space<vmem>>) target(%dma_start3A_111 : memref<8x1024xf32, #tpu.memory_space<hbm>>) target_semaphore(%arg15 : memref<!tpu.dma_semaphore, #tpu.memory_space<semaphore_mem>>)
      %dma_start3A_112 = arith.constant 16 : i32
      %dma_start3A_113 = tpu.memref_slice %arg4[%dma_start3A_112, %add3A_103] : memref<25x1048576xf32, #tpu.memory_space<hbm>> -> memref<8x1024xf32, #tpu.memory_space<hbm>>
      %dma_start3A_114 = arith.constant 16 : i32
      %dma_start3A_115 = tpu.memref_slice %arg4[%dma_start3A_114, %add3A_103] : memref<25x1048576xf32, #tpu.memory_space<hbm>> -> memref<8x1024xf32, #tpu.memory_space<hbm>>
      tpu.enqueue_dma source(%arg9 : memref<8x1024xf32, #tpu.memory_space<vmem>>) target(%dma_start3A_115 : memref<8x1024xf32, #tpu.memory_space<hbm>>) target_semaphore(%arg15 : memref<!tpu.dma_semaphore, #tpu.memory_space<semaphore_mem>>)
      %dma_start3A_116 = arith.constant 24 : i32
      %dma_start3A_117 = tpu.memref_slice %arg4[%dma_start3A_116, %add3A_103] : memref<25x1048576xf32, #tpu.memory_space<hbm>> -> memref<1x1024xf32, #tpu.memory_space<hbm>>
      %dma_start3A_118 = arith.constant 24 : i32
      %dma_start3A_119 = tpu.memref_slice %arg4[%dma_start3A_118, %add3A_103] : memref<25x1048576xf32, #tpu.memory_space<hbm>> -> memref<1x1024xf32, #tpu.memory_space<hbm>>
      tpu.enqueue_dma source(%arg10 : memref<1x1024xf32, #tpu.memory_space<vmem>>) target(%dma_start3A_119 : memref<1x1024xf32, #tpu.memory_space<hbm>>) target_semaphore(%arg15 : memref<!tpu.dma_semaphore, #tpu.memory_space<semaphore_mem>>)
      %dma_wait3A_120 = arith.constant 0 : i32
      %dma_wait3A_121 = tpu.memref_slice %arg4[%dma_wait3A_120, %mul3A_2] : memref<25x1048576xf32, #tpu.memory_space<hbm>> -> memref<8x1024xf32, #tpu.memory_space<hbm>>
      %dma_wait3A_122 = arith.constant 0 : i32
      %dma_wait3A_123 = tpu.memref_slice %arg4[%dma_wait3A_122, %mul3A_2] : memref<25x1048576xf32, #tpu.memory_space<hbm>> -> memref<8x1024xf32, #tpu.memory_space<hbm>>
      tpu.wait_dma2 semaphore(%arg15 : memref<!tpu.dma_semaphore, #tpu.memory_space<semaphore_mem>>) src(%arg11 : memref<8x1024xf32, #tpu.memory_space<vmem>>) dst(%dma_wait3A_123 : memref<8x1024xf32, #tpu.memory_space<hbm>>)
      %dma_wait3A_124 = arith.constant 8 : i32
      %dma_wait3A_125 = tpu.memref_slice %arg4[%dma_wait3A_124, %mul3A_2] : memref<25x1048576xf32, #tpu.memory_space<hbm>> -> memref<8x1024xf32, #tpu.memory_space<hbm>>
      %dma_wait3A_126 = arith.constant 8 : i32
      %dma_wait3A_127 = tpu.memref_slice %arg4[%dma_wait3A_126, %mul3A_2] : memref<25x1048576xf32, #tpu.memory_space<hbm>> -> memref<8x1024xf32, #tpu.memory_space<hbm>>
      tpu.wait_dma2 semaphore(%arg15 : memref<!tpu.dma_semaphore, #tpu.memory_space<semaphore_mem>>) src(%arg12 : memref<8x1024xf32, #tpu.memory_space<vmem>>) dst(%dma_wait3A_127 : memref<8x1024xf32, #tpu.memory_space<hbm>>)
      %dma_wait3A_128 = arith.constant 16 : i32
      %dma_wait3A_129 = tpu.memref_slice %arg4[%dma_wait3A_128, %mul3A_2] : memref<25x1048576xf32, #tpu.memory_space<hbm>> -> memref<8x1024xf32, #tpu.memory_space<hbm>>
      %dma_wait3A_130 = arith.constant 16 : i32
      %dma_wait3A_131 = tpu.memref_slice %arg4[%dma_wait3A_130, %mul3A_2] : memref<25x1048576xf32, #tpu.memory_space<hbm>> -> memref<8x1024xf32, #tpu.memory_space<hbm>>
      tpu.wait_dma2 semaphore(%arg15 : memref<!tpu.dma_semaphore, #tpu.memory_space<semaphore_mem>>) src(%arg13 : memref<8x1024xf32, #tpu.memory_space<vmem>>) dst(%dma_wait3A_131 : memref<8x1024xf32, #tpu.memory_space<hbm>>)
      %dma_wait3A_132 = arith.constant 24 : i32
      %dma_wait3A_133 = tpu.memref_slice %arg4[%dma_wait3A_132, %mul3A_2] : memref<25x1048576xf32, #tpu.memory_space<hbm>> -> memref<1x1024xf32, #tpu.memory_space<hbm>>
      %dma_wait3A_134 = arith.constant 24 : i32
      %dma_wait3A_135 = tpu.memref_slice %arg4[%dma_wait3A_134, %mul3A_2] : memref<25x1048576xf32, #tpu.memory_space<hbm>> -> memref<1x1024xf32, #tpu.memory_space<hbm>>
      tpu.wait_dma2 semaphore(%arg15 : memref<!tpu.dma_semaphore, #tpu.memory_space<semaphore_mem>>) src(%arg14 : memref<1x1024xf32, #tpu.memory_space<vmem>>) dst(%dma_wait3A_135 : memref<1x1024xf32, #tpu.memory_space<hbm>>)
      %add3A_136 = arith.constant 1 : i32
      %add3A_137 = arith.addi %mul3A_81, %add3A_136 : i32
      %parallel_loop3A_138 = arith.constant 0 : i32
      %parallel_loop3A_139 = arith.constant 64 : i32
      %parallel_loop3A_140 = arith.constant 1 : i32
      scf.for %parallel_loop3A_162 = %parallel_loop3A_138 to %parallel_loop3A_139 step %parallel_loop3A_140  : i32 {
        %parallel_loop3A_163 = arith.constant 1024 : i32
        %parallel_loop3A_164 = arith.muli %add3A_137, %parallel_loop3A_163 : i32
        %parallel_loop3A_165 = arith.constant 16 : i32
        %parallel_loop3A_166 = arith.muli %parallel_loop3A_162, %parallel_loop3A_165 : i32
        %parallel_loop3A_167 = arith.addi %parallel_loop3A_164, %parallel_loop3A_166 : i32
        %parallel_loop3A_168 = arith.index_cast %parallel_loop3A_167 : i32 to index
        %parallel_loop3A_169 = tpu.vector_load %arg6[%parallel_loop3A_168] {strides = array<i32>} : memref<32768xi32, #tpu.memory_space<vmem>>, vector<16xi32>,
        %parallel_loop3A_170 = arith.constant 25 : i32
        %parallel_loop3A_171 = vector.broadcast %parallel_loop3A_170 : i32 to vector<16xi32>
        %parallel_loop3A_172 = arith.muli %parallel_loop3A_169, %parallel_loop3A_171 : vector<16xi32>
        %parallel_loop3A_173 = arith.constant 0 : i32
        %parallel_loop3A_174 = vector.broadcast %parallel_loop3A_173 : i32 to vector<16xi32>
        %parallel_loop3A_175 = arith.addi %parallel_loop3A_172, %parallel_loop3A_174 : vector<16xi32>
        %parallel_loop3A_176 = tpu.vector_load_idx %arg5[%parallel_loop3A_175] : memref<625xf32, #tpu.memory_space<vmem>>[vector<16xi32>], vector<16xf32>,
        %parallel_loop3A_177 = arith.constant 16 : i32
        %parallel_loop3A_178 = arith.muli %parallel_loop3A_162, %parallel_loop3A_177 : i32
        %parallel_loop3A_179 = arith.constant 0 : i32
        %parallel_loop3A_180 = arith.index_cast %parallel_loop3A_179 : i32 to index
        %parallel_loop3A_181 = arith.index_cast %parallel_loop3A_178 : i32 to index
        %parallel_loop3A_182 = tpu.vector_load %arg11[%parallel_loop3A_180, %parallel_loop3A_181] {strides = array<i32>} : memref<8x1024xf32, #tpu.memory_space<vmem>>, vector<16xf32>,
        tpu.vector_store %arg11[%parallel_loop3A_180, %parallel_loop3A_181], %parallel_loop3A_176 {strides = array<i32>} : memref<8x1024xf32, #tpu.memory_space<vmem>>, vector<16xf32>,
        %parallel_loop3A_183 = arith.constant 1 : i32
        %parallel_loop3A_184 = vector.broadcast %parallel_loop3A_183 : i32 to vector<16xi32>
        %parallel_loop3A_185 = arith.addi %parallel_loop3A_172, %parallel_loop3A_184 : vector<16xi32>
        %parallel_loop3A_186 = tpu.vector_load_idx %arg5[%parallel_loop3A_185] : memref<625xf32, #tpu.memory_space<vmem>>[vector<16xi32>], vector<16xf32>,
        %parallel_loop3A_187 = arith.constant 16 : i32
        %parallel_loop3A_188 = arith.muli %parallel_loop3A_162, %parallel_loop3A_187 : i32
        %parallel_loop3A_189 = arith.constant 1 : i32
        %parallel_loop3A_190 = arith.index_cast %parallel_loop3A_189 : i32 to index
        %parallel_loop3A_191 = arith.index_cast %parallel_loop3A_188 : i32 to index
        %parallel_loop3A_192 = tpu.vector_load %arg11[%parallel_loop3A_190, %parallel_loop3A_191] {strides = array<i32>} : memref<8x1024xf32, #tpu.memory_space<vmem>>, vector<16xf32>,
        tpu.vector_store %arg11[%parallel_loop3A_190, %parallel_loop3A_191], %parallel_loop3A_186 {strides = array<i32>} : memref<8x1024xf32, #tpu.memory_space<vmem>>, vector<16xf32>,
        %parallel_loop3A_193 = arith.constant 2 : i32
        %parallel_loop3A_194 = vector.broadcast %parallel_loop3A_193 : i32 to vector<16xi32>
        %parallel_loop3A_195 = arith.addi %parallel_loop3A_172, %parallel_loop3A_194 : vector<16xi32>
        %parallel_loop3A_196 = tpu.vector_load_idx %arg5[%parallel_loop3A_195] : memref<625xf32, #tpu.memory_space<vmem>>[vector<16xi32>], vector<16xf32>,
        %parallel_loop3A_197 = arith.constant 16 : i32
        %parallel_loop3A_198 = arith.muli %parallel_loop3A_162, %parallel_loop3A_197 : i32
        %parallel_loop3A_199 = arith.constant 2 : i32
        %parallel_loop3A_200 = arith.index_cast %parallel_loop3A_199 : i32 to index
        %parallel_loop3A_201 = arith.index_cast %parallel_loop3A_198 : i32 to index
        %parallel_loop3A_202 = tpu.vector_load %arg11[%parallel_loop3A_200, %parallel_loop3A_201] {strides = array<i32>} : memref<8x1024xf32, #tpu.memory_space<vmem>>, vector<16xf32>,
        tpu.vector_store %arg11[%parallel_loop3A_200, %parallel_loop3A_201], %parallel_loop3A_196 {strides = array<i32>} : memref<8x1024xf32, #tpu.memory_space<vmem>>, vector<16xf32>,
        %parallel_loop3A_203 = arith.constant 3 : i32
        %parallel_loop3A_204 = vector.broadcast %parallel_loop3A_203 : i32 to vector<16xi32>
        %parallel_loop3A_205 = arith.addi %parallel_loop3A_172, %parallel_loop3A_204 : vector<16xi32>
        %parallel_loop3A_206 = tpu.vector_load_idx %arg5[%parallel_loop3A_205] : memref<625xf32, #tpu.memory_space<vmem>>[vector<16xi32>], vector<16xf32>,
        %parallel_loop3A_207 = arith.constant 16 : i32
        %parallel_loop3A_208 = arith.muli %parallel_loop3A_162, %parallel_loop3A_207 : i32
        %parallel_loop3A_209 = arith.constant 3 : i32
        %parallel_loop3A_210 = arith.index_cast %parallel_loop3A_209 : i32 to index
        %parallel_loop3A_211 = arith.index_cast %parallel_loop3A_208 : i32 to index
        %parallel_loop3A_212 = tpu.vector_load %arg11[%parallel_loop3A_210, %parallel_loop3A_211] {strides = array<i32>} : memref<8x1024xf32, #tpu.memory_space<vmem>>, vector<16xf32>,
        tpu.vector_store %arg11[%parallel_loop3A_210, %parallel_loop3A_211], %parallel_loop3A_206 {strides = array<i32>} : memref<8x1024xf32, #tpu.memory_space<vmem>>, vector<16xf32>,
        %parallel_loop3A_213 = arith.constant 4 : i32
        %parallel_loop3A_214 = vector.broadcast %parallel_loop3A_213 : i32 to vector<16xi32>
        %parallel_loop3A_215 = arith.addi %parallel_loop3A_172, %parallel_loop3A_214 : vector<16xi32>
        %parallel_loop3A_216 = tpu.vector_load_idx %arg5[%parallel_loop3A_215] : memref<625xf32, #tpu.memory_space<vmem>>[vector<16xi32>], vector<16xf32>,
        %parallel_loop3A_217 = arith.constant 16 : i32
        %parallel_loop3A_218 = arith.muli %parallel_loop3A_162, %parallel_loop3A_217 : i32
        %parallel_loop3A_219 = arith.constant 4 : i32
        %parallel_loop3A_220 = arith.index_cast %parallel_loop3A_219 : i32 to index
        %parallel_loop3A_221 = arith.index_cast %parallel_loop3A_218 : i32 to index
        %parallel_loop3A_222 = tpu.vector_load %arg11[%parallel_loop3A_220, %parallel_loop3A_221] {strides = array<i32>} : memref<8x1024xf32, #tpu.memory_space<vmem>>, vector<16xf32>,
        tpu.vector_store %arg11[%parallel_loop3A_220, %parallel_loop3A_221], %parallel_loop3A_216 {strides = array<i32>} : memref<8x1024xf32, #tpu.memory_space<vmem>>, vector<16xf32>,
        %parallel_loop3A_223 = arith.constant 5 : i32
        %parallel_loop3A_224 = vector.broadcast %parallel_loop3A_223 : i32 to vector<16xi32>
        %parallel_loop3A_225 = arith.addi %parallel_loop3A_172, %parallel_loop3A_224 : vector<16xi32>
        %parallel_loop3A_226 = tpu.vector_load_idx %arg5[%parallel_loop3A_225] : memref<625xf32, #tpu.memory_space<vmem>>[vector<16xi32>], vector<16xf32>,
        %parallel_loop3A_227 = arith.constant 16 : i32
        %parallel_loop3A_228 = arith.muli %parallel_loop3A_162, %parallel_loop3A_227 : i32
        %parallel_loop3A_229 = arith.constant 5 : i32
        %parallel_loop3A_230 = arith.index_cast %parallel_loop3A_229 : i32 to index
        %parallel_loop3A_231 = arith.index_cast %parallel_loop3A_228 : i32 to index
        %parallel_loop3A_232 = tpu.vector_load %arg11[%parallel_loop3A_230, %parallel_loop3A_231] {strides = array<i32>} : memref<8x1024xf32, #tpu.memory_space<vmem>>, vector<16xf32>,
        tpu.vector_store %arg11[%parallel_loop3A_230, %parallel_loop3A_231], %parallel_loop3A_226 {strides = array<i32>} : memref<8x1024xf32, #tpu.memory_space<vmem>>, vector<16xf32>,
        %parallel_loop3A_233 = arith.constant 6 : i32
        %parallel_loop3A_234 = vector.broadcast %parallel_loop3A_233 : i32 to vector<16xi32>
        %parallel_loop3A_235 = arith.addi %parallel_loop3A_172, %parallel_loop3A_234 : vector<16xi32>
        %parallel_loop3A_236 = tpu.vector_load_idx %arg5[%parallel_loop3A_235] : memref<625xf32, #tpu.memory_space<vmem>>[vector<16xi32>], vector<16xf32>,
        %parallel_loop3A_237 = arith.constant 16 : i32
        %parallel_loop3A_238 = arith.muli %parallel_loop3A_162, %parallel_loop3A_237 : i32
        %parallel_loop3A_239 = arith.constant 6 : i32
        %parallel_loop3A_240 = arith.index_cast %parallel_loop3A_239 : i32 to index
        %parallel_loop3A_241 = arith.index_cast %parallel_loop3A_238 : i32 to index
        %parallel_loop3A_242 = tpu.vector_load %arg11[%parallel_loop3A_240, %parallel_loop3A_241] {strides = array<i32>} : memref<8x1024xf32, #tpu.memory_space<vmem>>, vector<16xf32>,
        tpu.vector_store %arg11[%parallel_loop3A_240, %parallel_loop3A_241], %parallel_loop3A_236 {strides = array<i32>} : memref<8x1024xf32, #tpu.memory_space<vmem>>, vector<16xf32>,
        %parallel_loop3A_243 = arith.constant 7 : i32
        %parallel_loop3A_244 = vector.broadcast %parallel_loop3A_243 : i32 to vector<16xi32>
        %parallel_loop3A_245 = arith.addi %parallel_loop3A_172, %parallel_loop3A_244 : vector<16xi32>
        %parallel_loop3A_246 = tpu.vector_load_idx %arg5[%parallel_loop3A_245] : memref<625xf32, #tpu.memory_space<vmem>>[vector<16xi32>], vector<16xf32>,
        %parallel_loop3A_247 = arith.constant 16 : i32
        %parallel_loop3A_248 = arith.muli %parallel_loop3A_162, %parallel_loop3A_247 : i32
        %parallel_loop3A_249 = arith.constant 7 : i32
        %parallel_loop3A_250 = arith.index_cast %parallel_loop3A_249 : i32 to index
        %parallel_loop3A_251 = arith.index_cast %parallel_loop3A_248 : i32 to index
        %parallel_loop3A_252 = tpu.vector_load %arg11[%parallel_loop3A_250, %parallel_loop3A_251] {strides = array<i32>} : memref<8x1024xf32, #tpu.memory_space<vmem>>, vector<16xf32>,
        tpu.vector_store %arg11[%parallel_loop3A_250, %parallel_loop3A_251], %parallel_loop3A_246 {strides = array<i32>} : memref<8x1024xf32, #tpu.memory_space<vmem>>, vector<16xf32>,
        %parallel_loop3A_253 = arith.constant 8 : i32
        %parallel_loop3A_254 = vector.broadcast %parallel_loop3A_253 : i32 to vector<16xi32>
        %parallel_loop3A_255 = arith.addi %parallel_loop3A_172, %parallel_loop3A_254 : vector<16xi32>
        %parallel_loop3A_256 = tpu.vector_load_idx %arg5[%parallel_loop3A_255] : memref<625xf32, #tpu.memory_space<vmem>>[vector<16xi32>], vector<16xf32>,
        %parallel_loop3A_257 = arith.constant 16 : i32
        %parallel_loop3A_258 = arith.muli %parallel_loop3A_162, %parallel_loop3A_257 : i32
        %parallel_loop3A_259 = arith.constant 0 : i32
        %parallel_loop3A_260 = arith.index_cast %parallel_loop3A_259 : i32 to index
        %parallel_loop3A_261 = arith.index_cast %parallel_loop3A_258 : i32 to index
        %parallel_loop3A_262 = tpu.vector_load %arg12[%parallel_loop3A_260, %parallel_loop3A_261] {strides = array<i32>} : memref<8x1024xf32, #tpu.memory_space<vmem>>, vector<16xf32>,
        tpu.vector_store %arg12[%parallel_loop3A_260, %parallel_loop3A_261], %parallel_loop3A_256 {strides = array<i32>} : memref<8x1024xf32, #tpu.memory_space<vmem>>, vector<16xf32>,
        %parallel_loop3A_263 = arith.constant 9 : i32
        %parallel_loop3A_264 = vector.broadcast %parallel_loop3A_263 : i32 to vector<16xi32>
        %parallel_loop3A_265 = arith.addi %parallel_loop3A_172, %parallel_loop3A_264 : vector<16xi32>
        %parallel_loop3A_266 = tpu.vector_load_idx %arg5[%parallel_loop3A_265] : memref<625xf32, #tpu.memory_space<vmem>>[vector<16xi32>], vector<16xf32>,
        %parallel_loop3A_267 = arith.constant 16 : i32
        %parallel_loop3A_268 = arith.muli %parallel_loop3A_162, %parallel_loop3A_267 : i32
        %parallel_loop3A_269 = arith.constant 1 : i32
        %parallel_loop3A_270 = arith.index_cast %parallel_loop3A_269 : i32 to index
        %parallel_loop3A_271 = arith.index_cast %parallel_loop3A_268 : i32 to index
        %parallel_loop3A_272 = tpu.vector_load %arg12[%parallel_loop3A_270, %parallel_loop3A_271] {strides = array<i32>} : memref<8x1024xf32, #tpu.memory_space<vmem>>, vector<16xf32>,
        tpu.vector_store %arg12[%parallel_loop3A_270, %parallel_loop3A_271], %parallel_loop3A_266 {strides = array<i32>} : memref<8x1024xf32, #tpu.memory_space<vmem>>, vector<16xf32>,
        %parallel_loop3A_273 = arith.constant 10 : i32
        %parallel_loop3A_274 = vector.broadcast %parallel_loop3A_273 : i32 to vector<16xi32>
        %parallel_loop3A_275 = arith.addi %parallel_loop3A_172, %parallel_loop3A_274 : vector<16xi32>
        %parallel_loop3A_276 = tpu.vector_load_idx %arg5[%parallel_loop3A_275] : memref<625xf32, #tpu.memory_space<vmem>>[vector<16xi32>], vector<16xf32>,
        %parallel_loop3A_277 = arith.constant 16 : i32
        %parallel_loop3A_278 = arith.muli %parallel_loop3A_162, %parallel_loop3A_277 : i32
        %parallel_loop3A_279 = arith.constant 2 : i32
        %parallel_loop3A_280 = arith.index_cast %parallel_loop3A_279 : i32 to index
        %parallel_loop3A_281 = arith.index_cast %parallel_loop3A_278 : i32 to index
        %parallel_loop3A_282 = tpu.vector_load %arg12[%parallel_loop3A_280, %parallel_loop3A_281] {strides = array<i32>} : memref<8x1024xf32, #tpu.memory_space<vmem>>, vector<16xf32>,
        tpu.vector_store %arg12[%parallel_loop3A_280, %parallel_loop3A_281], %parallel_loop3A_276 {strides = array<i32>} : memref<8x1024xf32, #tpu.memory_space<vmem>>, vector<16xf32>,
        %parallel_loop3A_283 = arith.constant 11 : i32
        %parallel_loop3A_284 = vector.broadcast %parallel_loop3A_283 : i32 to vector<16xi32>
        %parallel_loop3A_285 = arith.addi %parallel_loop3A_172, %parallel_loop3A_284 : vector<16xi32>
        %parallel_loop3A_286 = tpu.vector_load_idx %arg5[%parallel_loop3A_285] : memref<625xf32, #tpu.memory_space<vmem>>[vector<16xi32>], vector<16xf32>,
        %parallel_loop3A_287 = arith.constant 16 : i32
        %parallel_loop3A_288 = arith.muli %parallel_loop3A_162, %parallel_loop3A_287 : i32
        %parallel_loop3A_289 = arith.constant 3 : i32
        %parallel_loop3A_290 = arith.index_cast %parallel_loop3A_289 : i32 to index
        %parallel_loop3A_291 = arith.index_cast %parallel_loop3A_288 : i32 to index
        %parallel_loop3A_292 = tpu.vector_load %arg12[%parallel_loop3A_290, %parallel_loop3A_291] {strides = array<i32>} : memref<8x1024xf32, #tpu.memory_space<vmem>>, vector<16xf32>,
        tpu.vector_store %arg12[%parallel_loop3A_290, %parallel_loop3A_291], %parallel_loop3A_286 {strides = array<i32>} : memref<8x1024xf32, #tpu.memory_space<vmem>>, vector<16xf32>,
        %parallel_loop3A_293 = arith.constant 12 : i32
        %parallel_loop3A_294 = vector.broadcast %parallel_loop3A_293 : i32 to vector<16xi32>
        %parallel_loop3A_295 = arith.addi %parallel_loop3A_172, %parallel_loop3A_294 : vector<16xi32>
        %parallel_loop3A_296 = tpu.vector_load_idx %arg5[%parallel_loop3A_295] : memref<625xf32, #tpu.memory_space<vmem>>[vector<16xi32>], vector<16xf32>,
        %parallel_loop3A_297 = arith.constant 16 : i32
        %parallel_loop3A_298 = arith.muli %parallel_loop3A_162, %parallel_loop3A_297 : i32
        %parallel_loop3A_299 = arith.constant 4 : i32
        %parallel_loop3A_300 = arith.index_cast %parallel_loop3A_299 : i32 to index
        %parallel_loop3A_301 = arith.index_cast %parallel_loop3A_298 : i32 to index
        %parallel_loop3A_302 = tpu.vector_load %arg12[%parallel_loop3A_300, %parallel_loop3A_301] {strides = array<i32>} : memref<8x1024xf32, #tpu.memory_space<vmem>>, vector<16xf32>,
        tpu.vector_store %arg12[%parallel_loop3A_300, %parallel_loop3A_301], %parallel_loop3A_296 {strides = array<i32>} : memref<8x1024xf32, #tpu.memory_space<vmem>>, vector<16xf32>,
        %parallel_loop3A_303 = arith.constant 13 : i32
        %parallel_loop3A_304 = vector.broadcast %parallel_loop3A_303 : i32 to vector<16xi32>
        %parallel_loop3A_305 = arith.addi %parallel_loop3A_172, %parallel_loop3A_304 : vector<16xi32>
        %parallel_loop3A_306 = tpu.vector_load_idx %arg5[%parallel_loop3A_305] : memref<625xf32, #tpu.memory_space<vmem>>[vector<16xi32>], vector<16xf32>,
        %parallel_loop3A_307 = arith.constant 16 : i32
        %parallel_loop3A_308 = arith.muli %parallel_loop3A_162, %parallel_loop3A_307 : i32
        %parallel_loop3A_309 = arith.constant 5 : i32
        %parallel_loop3A_310 = arith.index_cast %parallel_loop3A_309 : i32 to index
        %parallel_loop3A_311 = arith.index_cast %parallel_loop3A_308 : i32 to index
        %parallel_loop3A_312 = tpu.vector_load %arg12[%parallel_loop3A_310, %parallel_loop3A_311] {strides = array<i32>} : memref<8x1024xf32, #tpu.memory_space<vmem>>, vector<16xf32>,
        tpu.vector_store %arg12[%parallel_loop3A_310, %parallel_loop3A_311], %parallel_loop3A_306 {strides = array<i32>} : memref<8x1024xf32, #tpu.memory_space<vmem>>, vector<16xf32>,
        %parallel_loop3A_313 = arith.constant 14 : i32
        %parallel_loop3A_314 = vector.broadcast %parallel_loop3A_313 : i32 to vector<16xi32>
        %parallel_loop3A_315 = arith.addi %parallel_loop3A_172, %parallel_loop3A_314 : vector<16xi32>
        %parallel_loop3A_316 = tpu.vector_load_idx %arg5[%parallel_loop3A_315] : memref<625xf32, #tpu.memory_space<vmem>>[vector<16xi32>], vector<16xf32>,
        %parallel_loop3A_317 = arith.constant 16 : i32
        %parallel_loop3A_318 = arith.muli %parallel_loop3A_162, %parallel_loop3A_317 : i32
        %parallel_loop3A_319 = arith.constant 6 : i32
        %parallel_loop3A_320 = arith.index_cast %parallel_loop3A_319 : i32 to index
        %parallel_loop3A_321 = arith.index_cast %parallel_loop3A_318 : i32 to index
        %parallel_loop3A_322 = tpu.vector_load %arg12[%parallel_loop3A_320, %parallel_loop3A_321] {strides = array<i32>} : memref<8x1024xf32, #tpu.memory_space<vmem>>, vector<16xf32>,
        tpu.vector_store %arg12[%parallel_loop3A_320, %parallel_loop3A_321], %parallel_loop3A_316 {strides = array<i32>} : memref<8x1024xf32, #tpu.memory_space<vmem>>, vector<16xf32>,
        %parallel_loop3A_323 = arith.constant 15 : i32
        %parallel_loop3A_324 = vector.broadcast %parallel_loop3A_323 : i32 to vector<16xi32>
        %parallel_loop3A_325 = arith.addi %parallel_loop3A_172, %parallel_loop3A_324 : vector<16xi32>
        %parallel_loop3A_326 = tpu.vector_load_idx %arg5[%parallel_loop3A_325] : memref<625xf32, #tpu.memory_space<vmem>>[vector<16xi32>], vector<16xf32>,
        %parallel_loop3A_327 = arith.constant 16 : i32
        %parallel_loop3A_328 = arith.muli %parallel_loop3A_162, %parallel_loop3A_327 : i32
        %parallel_loop3A_329 = arith.constant 7 : i32
        %parallel_loop3A_330 = arith.index_cast %parallel_loop3A_329 : i32 to index
        %parallel_loop3A_331 = arith.index_cast %parallel_loop3A_328 : i32 to index
        %parallel_loop3A_332 = tpu.vector_load %arg12[%parallel_loop3A_330, %parallel_loop3A_331] {strides = array<i32>} : memref<8x1024xf32, #tpu.memory_space<vmem>>, vector<16xf32>,
        tpu.vector_store %arg12[%parallel_loop3A_330, %parallel_loop3A_331], %parallel_loop3A_326 {strides = array<i32>} : memref<8x1024xf32, #tpu.memory_space<vmem>>, vector<16xf32>,
        %parallel_loop3A_333 = arith.constant 16 : i32
        %parallel_loop3A_334 = vector.broadcast %parallel_loop3A_333 : i32 to vector<16xi32>
        %parallel_loop3A_335 = arith.addi %parallel_loop3A_172, %parallel_loop3A_334 : vector<16xi32>
        %parallel_loop3A_336 = tpu.vector_load_idx %arg5[%parallel_loop3A_335] : memref<625xf32, #tpu.memory_space<vmem>>[vector<16xi32>], vector<16xf32>,
        %parallel_loop3A_337 = arith.constant 16 : i32
        %parallel_loop3A_338 = arith.muli %parallel_loop3A_162, %parallel_loop3A_337 : i32
        %parallel_loop3A_339 = arith.constant 0 : i32
        %parallel_loop3A_340 = arith.index_cast %parallel_loop3A_339 : i32 to index
        %parallel_loop3A_341 = arith.index_cast %parallel_loop3A_338 : i32 to index
        %parallel_loop3A_342 = tpu.vector_load %arg13[%parallel_loop3A_340, %parallel_loop3A_341] {strides = array<i32>} : memref<8x1024xf32, #tpu.memory_space<vmem>>, vector<16xf32>,
        tpu.vector_store %arg13[%parallel_loop3A_340, %parallel_loop3A_341], %parallel_loop3A_336 {strides = array<i32>} : memref<8x1024xf32, #tpu.memory_space<vmem>>, vector<16xf32>,
        %parallel_loop3A_343 = arith.constant 17 : i32
        %parallel_loop3A_344 = vector.broadcast %parallel_loop3A_343 : i32 to vector<16xi32>
        %parallel_loop3A_345 = arith.addi %parallel_loop3A_172, %parallel_loop3A_344 : vector<16xi32>
        %parallel_loop3A_346 = tpu.vector_load_idx %arg5[%parallel_loop3A_345] : memref<625xf32, #tpu.memory_space<vmem>>[vector<16xi32>], vector<16xf32>,
        %parallel_loop3A_347 = arith.constant 16 : i32
        %parallel_loop3A_348 = arith.muli %parallel_loop3A_162, %parallel_loop3A_347 : i32
        %parallel_loop3A_349 = arith.constant 1 : i32
        %parallel_loop3A_350 = arith.index_cast %parallel_loop3A_349 : i32 to index
        %parallel_loop3A_351 = arith.index_cast %parallel_loop3A_348 : i32 to index
        %parallel_loop3A_352 = tpu.vector_load %arg13[%parallel_loop3A_350, %parallel_loop3A_351] {strides = array<i32>} : memref<8x1024xf32, #tpu.memory_space<vmem>>, vector<16xf32>,
        tpu.vector_store %arg13[%parallel_loop3A_350, %parallel_loop3A_351], %parallel_loop3A_346 {strides = array<i32>} : memref<8x1024xf32, #tpu.memory_space<vmem>>, vector<16xf32>,
        %parallel_loop3A_353 = arith.constant 18 : i32
        %parallel_loop3A_354 = vector.broadcast %parallel_loop3A_353 : i32 to vector<16xi32>
        %parallel_loop3A_355 = arith.addi %parallel_loop3A_172, %parallel_loop3A_354 : vector<16xi32>
        %parallel_loop3A_356 = tpu.vector_load_idx %arg5[%parallel_loop3A_355] : memref<625xf32, #tpu.memory_space<vmem>>[vector<16xi32>], vector<16xf32>,
        %parallel_loop3A_357 = arith.constant 16 : i32
        %parallel_loop3A_358 = arith.muli %parallel_loop3A_162, %parallel_loop3A_357 : i32
        %parallel_loop3A_359 = arith.constant 2 : i32
        %parallel_loop3A_360 = arith.index_cast %parallel_loop3A_359 : i32 to index
        %parallel_loop3A_361 = arith.index_cast %parallel_loop3A_358 : i32 to index
        %parallel_loop3A_362 = tpu.vector_load %arg13[%parallel_loop3A_360, %parallel_loop3A_361] {strides = array<i32>} : memref<8x1024xf32, #tpu.memory_space<vmem>>, vector<16xf32>,
        tpu.vector_store %arg13[%parallel_loop3A_360, %parallel_loop3A_361], %parallel_loop3A_356 {strides = array<i32>} : memref<8x1024xf32, #tpu.memory_space<vmem>>, vector<16xf32>,
        %parallel_loop3A_363 = arith.constant 19 : i32
        %parallel_loop3A_364 = vector.broadcast %parallel_loop3A_363 : i32 to vector<16xi32>
        %parallel_loop3A_365 = arith.addi %parallel_loop3A_172, %parallel_loop3A_364 : vector<16xi32>
        %parallel_loop3A_366 = tpu.vector_load_idx %arg5[%parallel_loop3A_365] : memref<625xf32, #tpu.memory_space<vmem>>[vector<16xi32>], vector<16xf32>,
        %parallel_loop3A_367 = arith.constant 16 : i32
        %parallel_loop3A_368 = arith.muli %parallel_loop3A_162, %parallel_loop3A_367 : i32
        %parallel_loop3A_369 = arith.constant 3 : i32
        %parallel_loop3A_370 = arith.index_cast %parallel_loop3A_369 : i32 to index
        %parallel_loop3A_371 = arith.index_cast %parallel_loop3A_368 : i32 to index
        %parallel_loop3A_372 = tpu.vector_load %arg13[%parallel_loop3A_370, %parallel_loop3A_371] {strides = array<i32>} : memref<8x1024xf32, #tpu.memory_space<vmem>>, vector<16xf32>,
        tpu.vector_store %arg13[%parallel_loop3A_370, %parallel_loop3A_371], %parallel_loop3A_366 {strides = array<i32>} : memref<8x1024xf32, #tpu.memory_space<vmem>>, vector<16xf32>,
        %parallel_loop3A_373 = arith.constant 20 : i32
        %parallel_loop3A_374 = vector.broadcast %parallel_loop3A_373 : i32 to vector<16xi32>
        %parallel_loop3A_375 = arith.addi %parallel_loop3A_172, %parallel_loop3A_374 : vector<16xi32>
        %parallel_loop3A_376 = tpu.vector_load_idx %arg5[%parallel_loop3A_375] : memref<625xf32, #tpu.memory_space<vmem>>[vector<16xi32>], vector<16xf32>,
        %parallel_loop3A_377 = arith.constant 16 : i32
        %parallel_loop3A_378 = arith.muli %parallel_loop3A_162, %parallel_loop3A_377 : i32
        %parallel_loop3A_379 = arith.constant 4 : i32
        %parallel_loop3A_380 = arith.index_cast %parallel_loop3A_379 : i32 to index
        %parallel_loop3A_381 = arith.index_cast %parallel_loop3A_378 : i32 to index
        %parallel_loop3A_382 = tpu.vector_load %arg13[%parallel_loop3A_380, %parallel_loop3A_381] {strides = array<i32>} : memref<8x1024xf32, #tpu.memory_space<vmem>>, vector<16xf32>,
        tpu.vector_store %arg13[%parallel_loop3A_380, %parallel_loop3A_381], %parallel_loop3A_376 {strides = array<i32>} : memref<8x1024xf32, #tpu.memory_space<vmem>>, vector<16xf32>,
        %parallel_loop3A_383 = arith.constant 21 : i32
        %parallel_loop3A_384 = vector.broadcast %parallel_loop3A_383 : i32 to vector<16xi32>
        %parallel_loop3A_385 = arith.addi %parallel_loop3A_172, %parallel_loop3A_384 : vector<16xi32>
        %parallel_loop3A_386 = tpu.vector_load_idx %arg5[%parallel_loop3A_385] : memref<625xf32, #tpu.memory_space<vmem>>[vector<16xi32>], vector<16xf32>,
        %parallel_loop3A_387 = arith.constant 16 : i32
        %parallel_loop3A_388 = arith.muli %parallel_loop3A_162, %parallel_loop3A_387 : i32
        %parallel_loop3A_389 = arith.constant 5 : i32
        %parallel_loop3A_390 = arith.index_cast %parallel_loop3A_389 : i32 to index
        %parallel_loop3A_391 = arith.index_cast %parallel_loop3A_388 : i32 to index
        %parallel_loop3A_392 = tpu.vector_load %arg13[%parallel_loop3A_390, %parallel_loop3A_391] {strides = array<i32>} : memref<8x1024xf32, #tpu.memory_space<vmem>>, vector<16xf32>,
        tpu.vector_store %arg13[%parallel_loop3A_390, %parallel_loop3A_391], %parallel_loop3A_386 {strides = array<i32>} : memref<8x1024xf32, #tpu.memory_space<vmem>>, vector<16xf32>,
        %parallel_loop3A_393 = arith.constant 22 : i32
        %parallel_loop3A_394 = vector.broadcast %parallel_loop3A_393 : i32 to vector<16xi32>
        %parallel_loop3A_395 = arith.addi %parallel_loop3A_172, %parallel_loop3A_394 : vector<16xi32>
        %parallel_loop3A_396 = tpu.vector_load_idx %arg5[%parallel_loop3A_395] : memref<625xf32, #tpu.memory_space<vmem>>[vector<16xi32>], vector<16xf32>,
        %parallel_loop3A_397 = arith.constant 16 : i32
        %parallel_loop3A_398 = arith.muli %parallel_loop3A_162, %parallel_loop3A_397 : i32
        %parallel_loop3A_399 = arith.constant 6 : i32
        %parallel_loop3A_400 = arith.index_cast %parallel_loop3A_399 : i32 to index
        %parallel_loop3A_401 = arith.index_cast %parallel_loop3A_398 : i32 to index
        %parallel_loop3A_402 = tpu.vector_load %arg13[%parallel_loop3A_400, %parallel_loop3A_401] {strides = array<i32>} : memref<8x1024xf32, #tpu.memory_space<vmem>>, vector<16xf32>,
        tpu.vector_store %arg13[%parallel_loop3A_400, %parallel_loop3A_401], %parallel_loop3A_396 {strides = array<i32>} : memref<8x1024xf32, #tpu.memory_space<vmem>>, vector<16xf32>,
        %parallel_loop3A_403 = arith.constant 23 : i32
        %parallel_loop3A_404 = vector.broadcast %parallel_loop3A_403 : i32 to vector<16xi32>
        %parallel_loop3A_405 = arith.addi %parallel_loop3A_172, %parallel_loop3A_404 : vector<16xi32>
        %parallel_loop3A_406 = tpu.vector_load_idx %arg5[%parallel_loop3A_405] : memref<625xf32, #tpu.memory_space<vmem>>[vector<16xi32>], vector<16xf32>,
        %parallel_loop3A_407 = arith.constant 16 : i32
        %parallel_loop3A_408 = arith.muli %parallel_loop3A_162, %parallel_loop3A_407 : i32
        %parallel_loop3A_409 = arith.constant 7 : i32
        %parallel_loop3A_410 = arith.index_cast %parallel_loop3A_409 : i32 to index
        %parallel_loop3A_411 = arith.index_cast %parallel_loop3A_408 : i32 to index
        %parallel_loop3A_412 = tpu.vector_load %arg13[%parallel_loop3A_410, %parallel_loop3A_411] {strides = array<i32>} : memref<8x1024xf32, #tpu.memory_space<vmem>>, vector<16xf32>,
        tpu.vector_store %arg13[%parallel_loop3A_410, %parallel_loop3A_411], %parallel_loop3A_406 {strides = array<i32>} : memref<8x1024xf32, #tpu.memory_space<vmem>>, vector<16xf32>,
        %parallel_loop3A_413 = arith.constant 24 : i32
        %parallel_loop3A_414 = vector.broadcast %parallel_loop3A_413 : i32 to vector<16xi32>
        %parallel_loop3A_415 = arith.addi %parallel_loop3A_172, %parallel_loop3A_414 : vector<16xi32>
        %parallel_loop3A_416 = tpu.vector_load_idx %arg5[%parallel_loop3A_415] : memref<625xf32, #tpu.memory_space<vmem>>[vector<16xi32>], vector<16xf32>,
        %parallel_loop3A_417 = arith.constant 16 : i32
        %parallel_loop3A_418 = arith.muli %parallel_loop3A_162, %parallel_loop3A_417 : i32
        %parallel_loop3A_419 = arith.constant 0 : i32
        %parallel_loop3A_420 = arith.index_cast %parallel_loop3A_419 : i32 to index
        %parallel_loop3A_421 = arith.index_cast %parallel_loop3A_418 : i32 to index
        %parallel_loop3A_422 = tpu.vector_load %arg14[%parallel_loop3A_420, %parallel_loop3A_421] {strides = array<i32>} : memref<1x1024xf32, #tpu.memory_space<vmem>>, vector<16xf32>,
        tpu.vector_store %arg14[%parallel_loop3A_420, %parallel_loop3A_421], %parallel_loop3A_416 {strides = array<i32>} : memref<1x1024xf32, #tpu.memory_space<vmem>>, vector<16xf32>,
      } {sc.loop_unroll_factor = 1 : i64, sc.parallel_access}
      %add3A_141 = arith.constant 1 : i32
      %add3A_142 = arith.addi %mul3A_81, %add3A_141 : i32
      %mul3A_143 = arith.constant 1024 : i32
      %mul3A_144 = arith.muli %add3A_142, %mul3A_143 : i32
      %add3A_145 = arith.addi %mul3A_2, %mul3A_144 : i32
      %dma_start3A_146 = arith.constant 0 : i32
      %dma_start3A_147 = tpu.memref_slice %arg4[%dma_start3A_146, %add3A_145] : memref<25x1048576xf32, #tpu.memory_space<hbm>> -> memref<8x1024xf32, #tpu.memory_space<hbm>>
      %dma_start3A_148 = arith.constant 0 : i32
      %dma_start3A_149 = tpu.memref_slice %arg4[%dma_start3A_148, %add3A_145] : memref<25x1048576xf32, #tpu.memory_space<hbm>> -> memref<8x1024xf32, #tpu.memory_space<hbm>>
      tpu.enqueue_dma source(%arg11 : memref<8x1024xf32, #tpu.memory_space<vmem>>) target(%dma_start3A_149 : memref<8x1024xf32, #tpu.memory_space<hbm>>) target_semaphore(%arg15 : memref<!tpu.dma_semaphore, #tpu.memory_space<semaphore_mem>>)
      %dma_start3A_150 = arith.constant 8 : i32
      %dma_start3A_151 = tpu.memref_slice %arg4[%dma_start3A_150, %add3A_145] : memref<25x1048576xf32, #tpu.memory_space<hbm>> -> memref<8x1024xf32, #tpu.memory_space<hbm>>
      %dma_start3A_152 = arith.constant 8 : i32
      %dma_start3A_153 = tpu.memref_slice %arg4[%dma_start3A_152, %add3A_145] : memref<25x1048576xf32, #tpu.memory_space<hbm>> -> memref<8x1024xf32, #tpu.memory_space<hbm>>
      tpu.enqueue_dma source(%arg12 : memref<8x1024xf32, #tpu.memory_space<vmem>>) target(%dma_start3A_153 : memref<8x1024xf32, #tpu.memory_space<hbm>>) target_semaphore(%arg15 : memref<!tpu.dma_semaphore, #tpu.memory_space<semaphore_mem>>)
      %dma_start3A_154 = arith.constant 16 : i32
      %dma_start3A_155 = tpu.memref_slice %arg4[%dma_start3A_154, %add3A_145] : memref<25x1048576xf32, #tpu.memory_space<hbm>> -> memref<8x1024xf32, #tpu.memory_space<hbm>>
      %dma_start3A_156 = arith.constant 16 : i32
      %dma_start3A_157 = tpu.memref_slice %arg4[%dma_start3A_156, %add3A_145] : memref<25x1048576xf32, #tpu.memory_space<hbm>> -> memref<8x1024xf32, #tpu.memory_space<hbm>>
      tpu.enqueue_dma source(%arg13 : memref<8x1024xf32, #tpu.memory_space<vmem>>) target(%dma_start3A_157 : memref<8x1024xf32, #tpu.memory_space<hbm>>) target_semaphore(%arg15 : memref<!tpu.dma_semaphore, #tpu.memory_space<semaphore_mem>>)
      %dma_start3A_158 = arith.constant 24 : i32
      %dma_start3A_159 = tpu.memref_slice %arg4[%dma_start3A_158, %add3A_145] : memref<25x1048576xf32, #tpu.memory_space<hbm>> -> memref<1x1024xf32, #tpu.memory_space<hbm>>
      %dma_start3A_160 = arith.constant 24 : i32
      %dma_start3A_161 = tpu.memref_slice %arg4[%dma_start3A_160, %add3A_145] : memref<25x1048576xf32, #tpu.memory_space<hbm>> -> memref<1x1024xf32, #tpu.memory_space<hbm>>
      tpu.enqueue_dma source(%arg14 : memref<1x1024xf32, #tpu.memory_space<vmem>>) target(%dma_start3A_161 : memref<1x1024xf32, #tpu.memory_space<hbm>>) target_semaphore(%arg15 : memref<!tpu.dma_semaphore, #tpu.memory_space<semaphore_mem>>)
    }
    %scan3A_47 = arith.constant 15 : i32
    %dma_wait3A = arith.constant 0 : i32
    %dma_wait3A_48 = tpu.memref_slice %arg4[%dma_wait3A, %mul3A_2] : memref<25x1048576xf32, #tpu.memory_space<hbm>> -> memref<8x1024xf32, #tpu.memory_space<hbm>>
    %dma_wait3A_49 = arith.constant 0 : i32
    %dma_wait3A_50 = tpu.memref_slice %arg4[%dma_wait3A_49, %mul3A_2] : memref<25x1048576xf32, #tpu.memory_space<hbm>> -> memref<8x1024xf32, #tpu.memory_space<hbm>>
    tpu.wait_dma2 semaphore(%arg15 : memref<!tpu.dma_semaphore, #tpu.memory_space<semaphore_mem>>) src(%arg7 : memref<8x1024xf32, #tpu.memory_space<vmem>>) dst(%dma_wait3A_50 : memref<8x1024xf32, #tpu.memory_space<hbm>>)
    %dma_wait3A_51 = arith.constant 8 : i32
    %dma_wait3A_52 = tpu.memref_slice %arg4[%dma_wait3A_51, %mul3A_2] : memref<25x1048576xf32, #tpu.memory_space<hbm>> -> memref<8x1024xf32, #tpu.memory_space<hbm>>
    %dma_wait3A_53 = arith.constant 8 : i32
    %dma_wait3A_54 = tpu.memref_slice %arg4[%dma_wait3A_53, %mul3A_2] : memref<25x1048576xf32, #tpu.memory_space<hbm>> -> memref<8x1024xf32, #tpu.memory_space<hbm>>
    tpu.wait_dma2 semaphore(%arg15 : memref<!tpu.dma_semaphore, #tpu.memory_space<semaphore_mem>>) src(%arg8 : memref<8x1024xf32, #tpu.memory_space<vmem>>) dst(%dma_wait3A_54 : memref<8x1024xf32, #tpu.memory_space<hbm>>)
    %dma_wait3A_55 = arith.constant 16 : i32
    %dma_wait3A_56 = tpu.memref_slice %arg4[%dma_wait3A_55, %mul3A_2] : memref<25x1048576xf32, #tpu.memory_space<hbm>> -> memref<8x1024xf32, #tpu.memory_space<hbm>>
    %dma_wait3A_57 = arith.constant 16 : i32
    %dma_wait3A_58 = tpu.memref_slice %arg4[%dma_wait3A_57, %mul3A_2] : memref<25x1048576xf32, #tpu.memory_space<hbm>> -> memref<8x1024xf32, #tpu.memory_space<hbm>>
    tpu.wait_dma2 semaphore(%arg15 : memref<!tpu.dma_semaphore, #tpu.memory_space<semaphore_mem>>) src(%arg9 : memref<8x1024xf32, #tpu.memory_space<vmem>>) dst(%dma_wait3A_58 : memref<8x1024xf32, #tpu.memory_space<hbm>>)
    %dma_wait3A_59 = arith.constant 24 : i32
    %dma_wait3A_60 = tpu.memref_slice %arg4[%dma_wait3A_59, %mul3A_2] : memref<25x1048576xf32, #tpu.memory_space<hbm>> -> memref<1x1024xf32, #tpu.memory_space<hbm>>
    %dma_wait3A_61 = arith.constant 24 : i32
    %dma_wait3A_62 = tpu.memref_slice %arg4[%dma_wait3A_61, %mul3A_2] : memref<25x1048576xf32, #tpu.memory_space<hbm>> -> memref<1x1024xf32, #tpu.memory_space<hbm>>
    tpu.wait_dma2 semaphore(%arg15 : memref<!tpu.dma_semaphore, #tpu.memory_space<semaphore_mem>>) src(%arg10 : memref<1x1024xf32, #tpu.memory_space<vmem>>) dst(%dma_wait3A_62 : memref<1x1024xf32, #tpu.memory_space<hbm>>)
    %dma_wait3A_63 = arith.constant 0 : i32
    %dma_wait3A_64 = tpu.memref_slice %arg4[%dma_wait3A_63, %mul3A_2] : memref<25x1048576xf32, #tpu.memory_space<hbm>> -> memref<8x1024xf32, #tpu.memory_space<hbm>>
    %dma_wait3A_65 = arith.constant 0 : i32
    %dma_wait3A_66 = tpu.memref_slice %arg4[%dma_wait3A_65, %mul3A_2] : memref<25x1048576xf32, #tpu.memory_space<hbm>> -> memref<8x1024xf32, #tpu.memory_space<hbm>>
    tpu.wait_dma2 semaphore(%arg15 : memref<!tpu.dma_semaphore, #tpu.memory_space<semaphore_mem>>) src(%arg11 : memref<8x1024xf32, #tpu.memory_space<vmem>>) dst(%dma_wait3A_66 : memref<8x1024xf32, #tpu.memory_space<hbm>>)
    %dma_wait3A_67 = arith.constant 8 : i32
    %dma_wait3A_68 = tpu.memref_slice %arg4[%dma_wait3A_67, %mul3A_2] : memref<25x1048576xf32, #tpu.memory_space<hbm>> -> memref<8x1024xf32, #tpu.memory_space<hbm>>
    %dma_wait3A_69 = arith.constant 8 : i32
    %dma_wait3A_70 = tpu.memref_slice %arg4[%dma_wait3A_69, %mul3A_2] : memref<25x1048576xf32, #tpu.memory_space<hbm>> -> memref<8x1024xf32, #tpu.memory_space<hbm>>
    tpu.wait_dma2 semaphore(%arg15 : memref<!tpu.dma_semaphore, #tpu.memory_space<semaphore_mem>>) src(%arg12 : memref<8x1024xf32, #tpu.memory_space<vmem>>) dst(%dma_wait3A_70 : memref<8x1024xf32, #tpu.memory_space<hbm>>)
    %dma_wait3A_71 = arith.constant 16 : i32
    %dma_wait3A_72 = tpu.memref_slice %arg4[%dma_wait3A_71, %mul3A_2] : memref<25x1048576xf32, #tpu.memory_space<hbm>> -> memref<8x1024xf32, #tpu.memory_space<hbm>>
    %dma_wait3A_73 = arith.constant 16 : i32
    %dma_wait3A_74 = tpu.memref_slice %arg4[%dma_wait3A_73, %mul3A_2] : memref<25x1048576xf32, #tpu.memory_space<hbm>> -> memref<8x1024xf32, #tpu.memory_space<hbm>>
    tpu.wait_dma2 semaphore(%arg15 : memref<!tpu.dma_semaphore, #tpu.memory_space<semaphore_mem>>) src(%arg13 : memref<8x1024xf32, #tpu.memory_space<vmem>>) dst(%dma_wait3A_74 : memref<8x1024xf32, #tpu.memory_space<hbm>>)
    %dma_wait3A_75 = arith.constant 24 : i32
    %dma_wait3A_76 = tpu.memref_slice %arg4[%dma_wait3A_75, %mul3A_2] : memref<25x1048576xf32, #tpu.memory_space<hbm>> -> memref<1x1024xf32, #tpu.memory_space<hbm>>
    %dma_wait3A_77 = arith.constant 24 : i32
    %dma_wait3A_78 = tpu.memref_slice %arg4[%dma_wait3A_77, %mul3A_2] : memref<25x1048576xf32, #tpu.memory_space<hbm>> -> memref<1x1024xf32, #tpu.memory_space<hbm>>
    tpu.wait_dma2 semaphore(%arg15 : memref<!tpu.dma_semaphore, #tpu.memory_space<semaphore_mem>>) src(%arg14 : memref<1x1024xf32, #tpu.memory_space<vmem>>) dst(%dma_wait3A_78 : memref<1x1024xf32, #tpu.memory_space<hbm>>)
    return
  }
}

</mosaic_0001>

<sc_bundles>
// kernel: kernel.3.cloned.1.call-start
scs
__scs_entry_jumppad:
0x0: {  	(pc) =	sbr.rel $0x88, $3  }
0x1: {  	(tag) =	ssettag $0x0;
	lr =	simm.s32 $0x1  }
0x2: {  	[smem:$0x3F9F] =	sst lr;
	_ =	strace $0xD0000000  }
0x3: {  	_ = 	snop  }
0x4: {  	_ = 	snop  }
0x5: {  	_ = 	snop  }
0x6: {  	_ = 	snop  }
0x7: {  	_ = 	snop  }
__scs_overlays_trampoline_lowered:
0x8: {  	[smem:$0x3FAE] =	sst s0  }
0x9: {  	[smem:$0x3FAF] =	sst s1  }
0xa: {  	[smem:$0x3FB0] =	sst s2  }
0xb: {  	[smem:$0x3FB1] =	sst s3  }
0xc: {  	[smem:$0x3FB2] =	sst s4  }
0xd: {  	[smem:$0x3FB3] =	sst s5  }
0xe: {  	[smem:$0x3FB4] =	sst s6  }
0xf: {  	[smem:$0x3FB5] =	sst s7  }
0x10: {  	[smem:$0x3FB6] =	sst s8  }
0x11: {  	[smem:$0x3FB7] =	sst s9;
	s0 =	simm.s32 @!p0 $0x0  }
0x12: {  	s1 =	sld [smem:$0x3F9D];
	s0 =	simm.s32 @p0 $0x1  }
0x13: {  	[smem:$0x3FB8] =	sst s0;
	s0 =	simm.s32 @!p1 $0x0  }
0x14: {  	s2 =	sld [smem:$0x3F9C];
	s0 =	simm.s32 @p1 $0x1  }
0x15: {  	[smem:$0x3FB9] =	sst s0;
	s0 =	simm.s32 @!p2 $0x0  }
0x16: {  	s3 =	sld [smem:$0x3FDB];
	s0 =	simm.s32 @p2 $0x1  }
0x17: {  	s4 =	simm.s32 $0x1BF5;
	[smem:$0x3FBB] =	sst s0  }
0x18: {  	s0 =	sld [smem:$0x3F9E];
	_ =	swait.ge [sflag:s4], $0x0  }
0x19: {  	s7 =	sld [smem:$0x3F9F]  }
0x1a: {  	s8 =	sadd.s32 $0xFFFFE003, lr  }
0x1b: {  	s9 =	sadd.s32 $0xFFFFFEF7, lr;
	s5 =	simm.s32 $0xFFFFFFFF;
	p2 =	slt.u32 s8, $0xFFFFF086  }
0x1c: {  	p1 =	slt.u32 s9, $0xF7A;
	s5 =	simm.s32 @!p2 $0x0  }
0x1d: {  	s5 =	simm.s32 @p1 $0x1;
	p0 =	seq.s32 s7, s2  }
0x1e: {  	s7 =	smul.u32 @!p0 $0xF7A, s2;
	p2 =	seq.s32 @!p0 s5, $0x0  }
0x1f: {  	s9 =	smul.u32 $0xF7A, s1;
	s8 =	simm.s32 @!p0 $0x1BF5;
	p2 =	por !p2, p0  }
0x20: {  	[sflag:s8] =	ssyncset.s32 @!p0 $0xFFFFF086;
	s6 =	sadd.s32 @!p0 s3, s7;
	s7 =	simm.s32 @!p0 $0x108  }
0x21: {  	s3 =	sadd.s32 s3, s9;
	s6 =	sadd.s32 @!p0 $0x88, s6;
	s7 =	simm.s32 @p2 $0x1082  }
0x22: {  	[simem:s7], [sflag:s8] =	dma.local @!p0 [hbm:s6], $0xF7A  }
0x23: {  	s9 =	sor.u32 $0xD0000000, s2;
	s6 =	simm.s32 $0x108;
	_ =	swait.ge @!p0 [sflag:s8], $0x0  }
0x24: {  	s3 =	sadd.s32 $0x88, s3;
	s6 =	simm.s32 @!p1 $0x1082;
	[sflag:s4] =	ssyncset.s32 $0xFFFFF086  }
0x25: {  	[simem:s6], [sflag:s4] =	dma.local [hbm:s3], $0xF7A  }
0x26: {  	[smem:$0x3F9F] =	sst s1;
	(tag) =	ssettag s2;
	_ =	strace s9  }
0x27: {  	s1 =	sld [smem:$0x3FAF]  }
0x28: {  	s2 =	sld [smem:$0x3FB0]  }
0x29: {  	s4 =	sld [smem:$0x3FB2]  }
0x2a: {  	p0 =	seq.s32 s5, $0x0;
	s5 =	sld [smem:$0x3FB3]  }
0x2b: {  	s6 =	sld [smem:$0x3FB4]  }
0x2c: {  	s7 =	sld [smem:$0x3FB5]  }
0x2d: {  	s3 =	simm.s32 $0x108;
	s8 =	sld [smem:$0x3FB6]  }
0x2e: {  	s3 =	simm.s32 @!p0 $0x1082;
	s9 =	sld [smem:$0x3FB7]  }
0x2f: {  	lr =	sadd.s32 s0, s3;
	s0 =	sld [smem:$0x3FAE]  }
0x30: {  	s3 =	sld [smem:$0x3FB1]  }
0x31: {  	[smem:$0x3FBA] =	sst s10  }
0x32: {  	s10 =	sld [smem:$0x3FB8];
	_ =	sdelay $0x3  }
0x33: {  	p0 =	seq.s32 s10, $0x1;
	s10 =	sld [smem:$0x3FBA];
	_ =	sdelay $0x3  }
0x34: {  	[smem:$0x3FBA] =	sst s10  }
0x35: {  	s10 =	sld [smem:$0x3FB9];
	_ =	sdelay $0x3  }
0x36: {  	p1 =	seq.s32 s10, $0x1;
	s10 =	sld [smem:$0x3FBA];
	_ =	sdelay $0x3  }
0x37: {  	[smem:$0x3FBA] =	sst s10  }
0x38: {  	s10 =	sld [smem:$0x3FBB]  }
0x39: {  	_ = 	snop;
	(pc) =	sbr.ind lr, $3  }
0x3a: {  	_ = 	snop  }
0x3b: {  	_ = 	snop  }
0x3c: {  	p2 =	seq.s32 s10, $0x1;
	s10 =	sld [smem:$0x3FBA]  }
0x3d: {  	_ =	shalt  }
0x3e: {  	_ =	shalt  }
0x3f: {  	_ =	shalt  }
0x40: {  	_ =	shalt  }
0x41: {  	_ =	shalt  }
0x42: {  	_ =	shalt  }
0x43: {  	_ =	shalt  }
0x44: {  	_ =	shalt  }
0x45: {  	_ =	shalt  }
0x46: {  	_ =	shalt  }
0x47: {  	_ =	shalt  }
0x48: {  	_ =	shalt  }
0x49: {  	_ =	shalt  }
0x4a: {  	_ =	shalt  }
0x4b: {  	_ =	shalt  }
0x4c: {  	_ =	shalt  }
0x4d: {  	_ =	shalt  }
0x4e: {  	_ =	shalt  }
0x4f: {  	_ =	shalt  }
0x50: {  	_ =	shalt  }
0x51: {  	_ =	shalt  }
0x52: {  	_ =	shalt  }
0x53: {  	_ =	shalt  }
0x54: {  	_ =	shalt  }
0x55: {  	_ =	shalt  }
0x56: {  	_ =	shalt  }
0x57: {  	_ =	shalt  }
0x58: {  	_ =	shalt  }
0x59: {  	_ =	shalt  }
0x5a: {  	_ =	shalt  }
0x5b: {  	_ =	shalt  }
0x5c: {  	_ =	shalt  }
0x5d: {  	_ =	shalt  }
0x5e: {  	_ =	shalt  }
0x5f: {  	_ =	shalt  }
0x60: {  	_ =	shalt  }
0x61: {  	_ =	shalt  }
0x62: {  	_ =	shalt  }
0x63: {  	_ =	shalt  }
0x64: {  	_ =	shalt  }
0x65: {  	_ =	shalt  }
0x66: {  	_ =	shalt  }
0x67: {  	_ =	shalt  }
0x68: {  	_ =	shalt  }
0x69: {  	_ =	shalt  }
0x6a: {  	_ =	shalt  }
0x6b: {  	_ =	shalt  }
0x6c: {  	_ =	shalt  }
0x6d: {  	_ =	shalt  }
0x6e: {  	_ =	shalt  }
0x6f: {  	_ =	shalt  }
0x70: {  	_ =	shalt  }
0x71: {  	_ =	shalt  }
0x72: {  	_ =	shalt  }
0x73: {  	_ =	shalt  }
0x74: {  	_ =	shalt  }
0x75: {  	_ =	shalt  }
0x76: {  	_ =	shalt  }
0x77: {  	_ =	shalt  }
0x78: {  	_ =	shalt  }
0x79: {  	_ =	shalt  }
0x7a: {  	_ =	shalt  }
0x7b: {  	_ =	shalt  }
0x7c: {  	_ =	shalt  }
0x7d: {  	_ =	shalt  }
0x7e: {  	_ =	shalt  }
0x7f: {  	_ =	shalt  }
0x80: {  	_ =	shalt  }
0x81: {  	_ =	shalt  }
0x82: {  	_ =	shalt  }
0x83: {  	_ =	shalt  }
0x84: {  	_ =	shalt  }
0x85: {  	_ =	shalt  }
0x86: {  	_ =	shalt  }
0x87: {  	_ =	shalt  }
.Lfunc_end0:
.L_simem_size_0:
called_computation_lowered:
.L_overlay_start_0:
0x88: {  	s2 =	sld [smem:$0x3FD9]  }
0x89: {  	s3 =	sld [smem:$0x3FFE];
	_ =	sdelay $0x1  }
0x8a: {  	s1 =	srdreg.scid  }
0x8b: {  	s0 =	sand.u32 $0x1, s1  }
0x8c: {  	s17 =	sshll.u32 s0, $0xA;
	s2 =	sadd.s32 s3, s2  }
0x8d: {  	s2 =	sadd.s32 s2, s17  }
0x8e: {  	[smem:$0x3FC6] =	sst s2  }
0x8f: {  	_ = 	snop  }
0x90: {  	s2 =	sld [smem:$0x3FC9]  }
0x91: {  	s18 =	sld [smem:$0x3FD0];
	(tm) =	ssettm $0x1  }
0x92: {  	s4 =	sld [smem:$0x3FFB];
	_ =	sdelay $0x3  }
0x93: {  	_ =	strace s4  }
0x94: {  	s4 =	sld [smem:$0x3FFC];
	_ =	sdelay $0x3  }
0x95: {  	_ =	strace s4  }
0x96: {  	s4 =	sld [smem:$0x3FFD];
	_ =	sdelay $0x3  }
0x97: {  	_ =	strace s4  }
0x98: {  	_ =	strace $0x8FFFFFFF  }
0x99: {  	s19 =	sld [smem:$0x3FDB];
	_ =	sdelay $0x1  }
0x9a: {  	s5 =	simm.s32 $_scs_section_size  }
0x9b: {  	s6 =	simm.s32 $_size__tile_overlayer_lowered;
	s7 =	simm.s32 $_tile_overlayer_lowered  }
0x9c: {  	s22 =	simm.s32 $0x1BFF;
	s21 =	sshll.u32 s7, $0x1;
	s4 =	sadd.s32 s5, s19  }
0x9d: {  	s8 =	simm.s32 $0x0;
	s20 =	sshll.u32 s6, $0x1;
	s6 =	sadd.s32 s21, s4  }
0x9e: {  	[timem:s8], [sflag:s22] =	dma.local [hbm:s6], s20  }
0x9f: {  	_ =	swait.ge [sflag:s22], s20  }
0xa0: {  	s5 =	ssub.s32 $0x0, s20;
	[sflag:s22] =	ssyncset.done $0x0  }
0xa1: {  	[sflag:s22] =	ssyncadd.s32 s5;
	_ =	sdelay $0x1  }
0xa2: {  	s23 =	simm.s32 $0x1B8B  }
0xa3: {  	_ =	swait.ge [sflag:s23], $0x1  }
0xa4: {  	[sflag:s23] =	ssyncset.done $0x0  }
0xa5: {  	s25 =	simm.s32 $0x1B8E;
	s24 =	sld [smem:$0x3FFE];
	[sflag:s23] =	ssyncadd.s32 $0xFFFFFFFF  }
0xa6: {  	s26 =	simm.s32 $execute0_lowered;
	[smem:$0x3FD2] =	sst s25  }
0xa7: {  	s6 =	sshll.u32 s26, $0x1;
	_ =	strace $0x80000046;
	[dreg:$0x1] =	wrdreg $0xFFFFFFFF  }
0xa8: {  	s28 =	simm.s32 $_size_execute0_lowered;
	s4 =	sadd.s32 s4, s6;
	[dreg:$0x0] =	wrdreg $0x0  }
0xa9: {  	s6 =	sshll.u32 s28, $0x1;
	[dreg:$0x2] =	wrdreg s4  }
0xaa: {  	[dreg:$0x3] =	wrdreg s6  }
0xab: {  	[dreg:$0x4] =	wrdreg $0xC0  }
0xac: {  	_ =	task [dreg:s8], $0x5FFFF  }
0xad: {  	[dreg:$0x1] =	wrdreg $0xFFFFFFFF  }
0xae: {  	[dreg:$0x0] =	wrdreg $0x60  }
0xaf: {  	[dreg:$0x2] =	wrdreg s2  }
0xb0: {  	[dreg:$0x3] =	wrdreg s24  }
0xb1: {  	[dreg:$0x4] =	wrdreg s18  }
0xb2: {  	[dreg:$0x5] =	wrdreg $0x9  }
0xb3: {  	_ =	task.clear_ibuf [dreg:s8], $0x6FFFF;
	_ =	strace $0x90000046  }
0xb4: {  	s29 =	simm.s32 $0x9;
	_ =	strace $0x80000048  }
0xb5: {  	_ =	swait.ge [sflag:s29], $0x1  }
0xb6: {  	[sflag:s29] =	ssyncadd.s32 $0xFFFFFFFF  }
0xb7: {  	_ =	strace $0x90000048  }
0xb8: {  	_ =	sfence  }
0xb9: {  	s30 =	sld [smem:$0x0];
	_ =	sdelay $0x2  }
0xba: {  	s31 =	sshll.u32 s1, $0xD;
	s1 =	sshrl.u32 s1, $0x2  }
0xbb: {  	s3 =	sand.u32 $0x4000, s31;
	s1 =	sadd.s32 s1, s30  }
0xbc: {  	s0 =	sor.u32 s3, s0;
	s1 =	sshll.u32 s1, $0x11  }
0xbd: {  	s0 =	sor.u32 s1, s0  }
0xbe: {  	s0 =	sadd.s32 $0x8F2B, s0  }
0xbf: {  	[sflag:s0] =	ssyncadd.remote.s32 $0x1  }
0xc0: {  	_ =	sfence.sel $0xFFFF  }
0xc1: {  	[dreg:$0x0] =	wrdreg $0xFFFFFFFF;
	(pc) =	sbr.abs _section_cstart, $3  }
0xc2: {  	[dreg:$0x1] =	wrdreg $0xFFFFFFFF  }
0xc3: {  	_ =	task.clear_ibuf [dreg:s8], $0x2FFFF;
	_ =	strace $0x9FFFFFFF  }
0xc4: {  	(tm) =	ssettm $0x7FFFFFFF  }
0xc5: {  	_ =	shalt  }
tec
execute0_lowered:
.L_overlay_start_1:
0x0: {  	(tag) =	ssettag $0x1  }
0x1: {  	s0 =	rddreg [dreg:$0x0]  }
0x2: {  	s1 =	rddreg [dreg:$0x1]  }
0x3: {  	s6 =	rddreg [dreg:$0x2];
	s2 =	srdreg.scid;
	s3 =	simm.s32 $0x0  }
0x4: {  	s4 =	stileid.u32;
	s2 =	sand.u32 $0x1, s2;
	[smem:$0x7FF] =	sst s3  }
0x5: {  	s4 =	sshll.u32 s4, $0x10;
	s1 =	sadd.s32 $0x400, s1;
	s5 =	sshll.u32 s2, $0xF  }
0x6: {  	s8 =	sadd.s32 $0x100000, s6;
	s9 =	sadd.s32 $0x200000, s6;
	s4 =	sor.u32 s5, s4  }
0x7: {  	_ =	strace $0x80000047;
	[dreg:$0x4] =	wrdreg s1;
	s23 =	sadd.s32 s4, s8  }
0x8: {  	s10 =	sadd.s32 $0x300000, s6;
	s24 =	sadd.s32 s4, s9;
	[dreg:$0x7] =	wrdreg s23  }
0x9: {  	s25 =	sadd.s32 s4, s10;
	[dreg:$0x8] =	wrdreg s24  }
0xa: {  	s5 =	sshrl.u32 s4, $0x3;
	s22 =	sadd.s32 s6, s4;
	[dreg:$0x9] =	wrdreg s25  }
0xb: {  	s0 =	sadd.s32 s0, s5;
	[dreg:$0x6] =	wrdreg s22  }
0xc: {  	s2 =	ssub.s32 $0x2, s2;
	s26 =	sadd.s32 $0x400, s22;
	[dreg:$0x5] =	wrdreg s0  }
0xd: {  	s21 =	sshrl.u32 s2, $0x1;
	s28 =	sadd.s32 $0x100400, s22;
	[dreg:$0xa] =	wrdreg s26  }
0xe: {  	s1 =	ssub.s32 s2, s21;
	s29 =	sadd.s32 $0x200400, s22;
	[dreg:$0xb] =	wrdreg s28  }
0xf: {  	s30 =	smax.u32 s1, $0x1;
	[dreg:$0xc] =	wrdreg s29  }
0x10: {  	s31 =	simm.s32 $0x1;
	s0 =	sadd.s32 $0x300400, s22;
	[dreg:$0xe] =	wrdreg s30  }
0x11: {  	s24 =	simm.s32 $0x400;
	s1 =	simm.s32 $0x0;
	[dreg:$0xd] =	wrdreg s0  }
.LBB2_1:
0x12: {  	[dreg:$0xf] =	wrdreg s1  }
0x13: {  	s0 =	rddreg [dreg:$0x4];
	s2 =	simm.s32 $0x2  }
0x14: {  	[tilespmem:s3], [sflag:$0x2] =	stream.linear.gather [hbm4b:s0+s3], $0x280, $0x38;
	[tilespmem:$0x14A80] =	vst v63  }
0x15: {  	_ =	swait.ge [sflag:s2], $0x280  }
0x16: {  	[sflag:s2] =	ssyncset.done $0x0  }
0x17: {  	s16 =	simm.s32 $0x280;
	s17 =	rddreg [dreg:$0x5];
	[sflag:s2] =	ssyncadd.s32 $0xFFFFFD80  }
0x18: {  	[tilespmem:s16], [sflag:$0x2] =	stream.linear.gather [hbm4b:s17+s3], $0x8000, $0x38;
	[tilespmem:$0x14A80] =	vst v63  }
0x19: {  	_ =	swait.ge [sflag:s2], $0x8000  }
0x1a: {  	[sflag:s2] =	ssyncset.done $0x0  }
0x1b: {  	[sflag:s2] =	ssyncadd.s32 $0xFFFF8000  }
0x1c: {  	v0 =	vld [tilespmem:s16+$0x0];
	_ =	sdelay $0x4  }
0x1d: {  	v5 =	vmul.u32 $0x19, v0;
	_ =	sdelay $0x5  }
0x1e: {  	v0 =	vld.idx.msk [tilespmem:v5+s3+$0x0], $0xffff  }
0x1f: {  	v1 =	vadd.s32 $0x1, v5;
	_ =	sdelay $0x1  }
0x20: {  	s18 =	sand.u32 $0x70, s3;
	s19 =	sand.u32 $0x1C00, s3  }
0x21: {  	s7 =	sor.u32 s18, s19  }
0x22: {  	[tilespmem:s7+$0x8280] =	vst v0  }
0x23: {  	v0 =	vld.idx.msk [tilespmem:v1+s3+$0x0], $0xffff  }
0x24: {  	v1 =	vadd.s32 $0x2, v5;
	_ =	sdelay $0x2  }
0x25: {  	s20 =	simm.s32 $0x290  }
0x26: {  	v2 =	vld [tilespmem:s20+$0x0];
	[tilespmem:s7+$0x8300] =	vst v0  }
0x27: {  	v0 =	vld.idx.msk [tilespmem:v1+s3+$0x0], $0xffff  }
0x28: {  	v1 =	vadd.s32 $0x3, v5;
	_ =	sdelay $0x2  }
0x29: {  	v6 =	vmul.u32 $0x19, v2  }
0x2a: {  	[tilespmem:s7+$0x8380] =	vst v0  }
0x2b: {  	v0 =	vld.idx.msk [tilespmem:v1+s3+$0x0], $0xffff  }
0x2c: {  	v1 =	vadd.s32 $0x4, v5;
	_ =	sdelay $0x2  }
0x2d: {  	v2 =	vld.idx.msk [tilespmem:v6+s3+$0x0], $0xffff  }
0x2e: {  	[tilespmem:s7+$0x8400] =	vst v0;
	v0 =	vadd.s32 $0x1, v6  }
0x2f: {  	s21 =	simm.s32 $0x10;
	s22 =	simm.s32 $0x80;
	v1 =	vld.idx.msk [tilespmem:v1+s3+$0x0], $0xffff  }
0x30: {  	s23 =	sand.u32 $0x70, s21;
	s5 =	sand.u32 $0x1C00, s22;
	v3 =	vadd.s32 $0x5, v5  }
0x31: {  	s0 =	sor.u32 s23, s5  }
0x32: {  	[tilespmem:s0+$0x8280] =	vst v2  }
0x33: {  	v0 =	vld.idx.msk [tilespmem:v0+s3+$0x0], $0xffff  }
0x34: {  	[tilespmem:s7+$0x8480] =	vst v1;
	v1 =	vadd.s32 $0x2, v6  }
0x35: {  	v2 =	vld.idx.msk [tilespmem:v3+s3+$0x0], $0xffff  }
0x36: {  	v3 =	vadd.s32 $0x6, v5  }
0x37: {  	s25 =	simm.s32 $0x2A0  }
0x38: {  	v4 =	vld [tilespmem:s25+$0x0];
	[tilespmem:s0+$0x8300] =	vst v0  }
0x39: {  	v0 =	vld.idx.msk [tilespmem:v1+s3+$0x0], $0xffff  }
0x3a: {  	[tilespmem:s7+$0x8500] =	vst v2;
	v2 =	vadd.s32 $0x3, v6  }
0x3b: {  	v3 =	vld.idx.msk [tilespmem:v3+s3+$0x0], $0xffff  }
0x3c: {  	v7 =	vadd.s32 $0x7, v5  }
0x3d: {  	v1 =	vmul.u32 $0x19, v4  }
0x3e: {  	[tilespmem:s0+$0x8380] =	vst v0  }
0x3f: {  	v0 =	vld.idx.msk [tilespmem:v2+s3+$0x0], $0xffff  }
0x40: {  	v2 =	vadd.s32 $0x4, v6;
	[tilespmem:s7+$0x8580] =	vst v3  }
0x41: {  	v3 =	vld.idx.msk [tilespmem:v7+s3+$0x0], $0xffff  }
0x42: {  	v4 =	vadd.s32 $0x8, v5  }
0x43: {  	v7 =	vld.idx.msk [tilespmem:v1+s3+$0x0], $0xffff  }
0x44: {  	s6 =	sor.u32 s3, s3;
	[tilespmem:s0+$0x8400] =	vst v0;
	v0 =	vadd.s32 $0x1, v1  }
0x45: {  	s26 =	simm.s32 $0x20;
	s12 =	simm.s32 $0x100;
	s16 =	sor.u32 $0x380, s6;
	v2 =	vld.idx.msk [tilespmem:v2+s3+$0x0], $0xffff  }
0x46: {  	s29 =	sand.u32 $0x70, s26;
	s11 =	sand.u32 $0x1C00, s12;
	[tilespmem:s16+$0x8280] =	vst v3;
	v3 =	vadd.s32 $0x5, v6  }
0x47: {  	s6 =	sor.u32 s29, s11;
	v4 =	vld.idx.msk [tilespmem:v4+s3+$0x0], $0xffff  }
0x48: {  	[tilespmem:s6+$0x8280] =	vst v7;
	v7 =	vadd.s32 $0x9, v5  }
0x49: {  	v0 =	vld.idx.msk [tilespmem:v0+s3+$0x0], $0xffff  }
0x4a: {  	[tilespmem:s0+$0x8480] =	vst v2;
	v2 =	vadd.s32 $0x2, v1  }
0x4b: {  	v3 =	vld.idx.msk [tilespmem:v3+s3+$0x0], $0xffff  }
0x4c: {  	[tilespmem:s7+$0xA280] =	vst v4;
	v4 =	vadd.s32 $0x6, v6  }
0x4d: {  	s30 =	simm.s32 $0x2B0;
	v7 =	vld.idx.msk [tilespmem:v7+s3+$0x0], $0xffff  }
0x4e: {  	v8 =	vld [tilespmem:s30+$0x0];
	[tilespmem:s6+$0x8300] =	vst v0;
	v0 =	vadd.s32 $0xA, v5  }
0x4f: {  	v2 =	vld.idx.msk [tilespmem:v2+s3+$0x0], $0xffff  }
0x50: {  	[tilespmem:s0+$0x8500] =	vst v3;
	v3 =	vadd.s32 $0x3, v1  }
0x51: {  	v4 =	vld.idx.msk [tilespmem:v4+s3+$0x0], $0xffff  }
0x52: {  	[tilespmem:s7+$0xA300] =	vst v7;
	v7 =	vadd.s32 $0x7, v6  }
0x53: {  	v9 =	vld.idx.msk [tilespmem:v0+s3+$0x0], $0xffff  }
0x54: {  	v0 =	vmul.u32 $0x19, v8;
	[tilespmem:s6+$0x8380] =	vst v2;
	v2 =	vadd.s32 $0xB, v5  }
0x55: {  	v3 =	vld.idx.msk [tilespmem:v3+s3+$0x0], $0xffff  }
0x56: {  	[tilespmem:s0+$0x8580] =	vst v4;
	v4 =	vadd.s32 $0x4, v1  }
0x57: {  	v7 =	vld.idx.msk [tilespmem:v7+s3+$0x0], $0xffff  }
0x58: {  	v8 =	vadd.s32 $0x8, v6;
	[tilespmem:s7+$0xA380] =	vst v9  }
0x59: {  	v2 =	vld.idx.msk [tilespmem:v2+s3+$0x0], $0xffff  }
0x5a: {  	s1 =	sor.u32 s22, s21;
	v9 =	vld.idx.msk [tilespmem:v0+s3+$0x0], $0xffff;
	[tilespmem:s6+$0x8400] =	vst v3;
	v3 =	vadd.s32 $0xC, v5  }
0x5b: {  	s17 =	sor.u32 $0x380, s1;
	v10 =	vadd.s32 $0x1, v0;
	v4 =	vld.idx.msk [tilespmem:v4+s3+$0x0], $0xffff  }
0x5c: {  	s18 =	simm.s32 $0x180;
	s11 =	simm.s32 $0x30;
	[tilespmem:s17+$0x8280] =	vst v7;
	v7 =	vadd.s32 $0x5, v1  }
0x5d: {  	s13 =	sand.u32 $0x1C00, s18;
	s19 =	sand.u32 $0x70, s11;
	v8 =	vld.idx.msk [tilespmem:v8+s3+$0x0], $0xffff  }
0x5e: {  	s1 =	sor.u32 s19, s13;
	[tilespmem:s7+$0xA400] =	vst v2;
	v2 =	vadd.s32 $0x9, v6  }
0x5f: {  	[tilespmem:s1+$0x8280] =	vst v9;
	v3 =	vld.idx.msk [tilespmem:v3+s3+$0x0], $0xffff  }
0x60: {  	v9 =	vld.idx.msk [tilespmem:v10+s3+$0x0], $0xffff;
	[tilespmem:s6+$0x8480] =	vst v4;
	v4 =	vadd.s32 $0xD, v5  }
0x61: {  	v10 =	vadd.s32 $0x2, v0;
	v7 =	vld.idx.msk [tilespmem:v7+s3+$0x0], $0xffff  }
0x62: {  	[tilespmem:s0+$0xA280] =	vst v8;
	v8 =	vadd.s32 $0x6, v1  }
0x63: {  	s20 =	simm.s32 $0x2C0;
	v2 =	vld.idx.msk [tilespmem:v2+s3+$0x0], $0xffff  }
0x64: {  	v11 =	vld [tilespmem:s20+$0x0];
	[tilespmem:s7+$0xA480] =	vst v3;
	v3 =	vadd.s32 $0xA, v6  }
0x65: {  	[tilespmem:s1+$0x8300] =	vst v9;
	v4 =	vld.idx.msk [tilespmem:v4+s3+$0x0], $0xffff  }
0x66: {  	v9 =	vld.idx.msk [tilespmem:v10+s3+$0x0], $0xffff;
	[tilespmem:s6+$0x8500] =	vst v7;
	v7 =	vadd.s32 $0xE, v5  }
0x67: {  	v10 =	vadd.s32 $0x3, v0;
	v8 =	vld.idx.msk [tilespmem:v8+s3+$0x0], $0xffff  }
0x68: {  	v12 =	vadd.s32 $0x7, v1;
	[tilespmem:s0+$0xA300] =	vst v2  }
0x69: {  	v3 =	vld.idx.msk [tilespmem:v3+s3+$0x0], $0xffff  }
0x6a: {  	v2 =	vmul.u32 $0x19, v11;
	[tilespmem:s7+$0xA500] =	vst v4;
	v4 =	vadd.s32 $0xB, v6  }
0x6b: {  	[tilespmem:s1+$0x8380] =	vst v9;
	v7 =	vld.idx.msk [tilespmem:v7+s3+$0x0], $0xffff  }
0x6c: {  	v9 =	vld.idx.msk [tilespmem:v10+s3+$0x0], $0xffff;
	[tilespmem:s6+$0x8580] =	vst v8;
	v8 =	vadd.s32 $0xF, v5  }
0x6d: {  	v10 =	vadd.s32 $0x4, v0;
	v11 =	vld.idx.msk [tilespmem:v12+s3+$0x0], $0xffff  }
0x6e: {  	[tilespmem:s0+$0xA380] =	vst v3;
	v3 =	vadd.s32 $0x8, v1  }
0x6f: {  	v4 =	vld.idx.msk [tilespmem:v4+s3+$0x0], $0xffff  }
0x70: {  	s5 =	sor.u32 s12, s26;
	v12 =	vld.idx.msk [tilespmem:v2+s3+$0x0], $0xffff;
	[tilespmem:s7+$0xA580] =	vst v7;
	v7 =	vadd.s32 $0xC, v6  }
0x71: {  	s12 =	sor.u32 $0x380, s5;
	[tilespmem:s1+$0x8400] =	vst v9;
	v9 =	vadd.s32 $0x1, v2;
	v8 =	vld.idx.msk [tilespmem:v8+s3+$0x0], $0xffff  }
0x72: {  	s14 =	simm.s32 $0x40;
	s15 =	simm.s32 $0x200;
	v10 =	vld.idx.msk [tilespmem:v10+s3+$0x0], $0xffff;
	[tilespmem:s12+$0x8280] =	vst v11;
	v11 =	vadd.s32 $0x10, v5  }
0x73: {  	s21 =	sand.u32 $0x70, s14;
	s22 =	sand.u32 $0x1C00, s15;
	v13 =	vadd.s32 $0x5, v0;
	v3 =	vld.idx.msk [tilespmem:v3+s3+$0x0], $0xffff  }
0x74: {  	s5 =	sor.u32 s21, s22;
	[tilespmem:s0+$0xA400] =	vst v4;
	v4 =	vadd.s32 $0x9, v1  }
0x75: {  	[tilespmem:s5+$0x8280] =	vst v12;
	v7 =	vld.idx.msk [tilespmem:v7+s3+$0x0], $0xffff  }
0x76: {  	v9 =	vld.idx.msk [tilespmem:v9+s3+$0x0], $0xffff;
	[tilespmem:s16+$0xA280] =	vst v8;
	v8 =	vadd.s32 $0xD, v6  }
0x77: {  	[tilespmem:s1+$0x8480] =	vst v10;
	v10 =	vld.idx.msk [tilespmem:v11+s3+$0x0], $0xffff;
	v11 =	vadd.s32 $0x2, v2  }
0x78: {  	v12 =	vld.idx.msk [tilespmem:v13+s3+$0x0], $0xffff;
	[tilespmem:s6+$0xA280] =	vst v3;
	v3 =	vadd.s32 $0x11, v5  }
0x79: {  	s23 =	simm.s32 $0x2D0;
	v13 =	vadd.s32 $0x6, v0;
	v4 =	vld.idx.msk [tilespmem:v4+s3+$0x0], $0xffff  }
0x7a: {  	v14 =	vld [tilespmem:s23+$0x0];
	[tilespmem:s0+$0xA480] =	vst v7;
	v7 =	vadd.s32 $0xA, v1  }
0x7b: {  	[tilespmem:s5+$0x8300] =	vst v9;
	v8 =	vld.idx.msk [tilespmem:v8+s3+$0x0], $0xffff  }
0x7c: {  	v9 =	vld.idx.msk [tilespmem:v11+s3+$0x0], $0xffff;
	[tilespmem:s7+$0xC280] =	vst v10;
	v10 =	vadd.s32 $0xE, v6  }
0x7d: {  	[tilespmem:s1+$0x8500] =	vst v12;
	v12 =	vadd.s32 $0x3, v2;
	v11 =	vld.idx.msk [tilespmem:v3+s3+$0x0], $0xffff  }
0x7e: {  	v13 =	vld.idx.msk [tilespmem:v13+s3+$0x0], $0xffff;
	[tilespmem:s6+$0xA300] =	vst v4;
	v4 =	vadd.s32 $0x12, v5  }
0x7f: {  	s25 =	simm.s32 $0x2E0;
	v15 =	vadd.s32 $0x7, v0;
	v7 =	vld.idx.msk [tilespmem:v7+s3+$0x0], $0xffff  }
0x80: {  	v16 =	vld [tilespmem:s25+$0x0];
	v3 =	vmul.u32 $0x19, v14;
	[tilespmem:s0+$0xA500] =	vst v8;
	v8 =	vadd.s32 $0xB, v1  }
0x81: {  	[tilespmem:s5+$0x8380] =	vst v9;
	v9 =	vld.idx.msk [tilespmem:v10+s3+$0x0], $0xffff  }
0x82: {  	v10 =	vld.idx.msk [tilespmem:v12+s3+$0x0], $0xffff;
	[tilespmem:s7+$0xC300] =	vst v11;
	v11 =	vadd.s32 $0xF, v6  }
0x83: {  	[tilespmem:s1+$0x8580] =	vst v13;
	v12 =	vadd.s32 $0x4, v2;
	v4 =	vld.idx.msk [tilespmem:v4+s3+$0x0], $0xffff  }
0x84: {  	v13 =	vld.idx.msk [tilespmem:v15+s3+$0x0], $0xffff;
	[tilespmem:s6+$0xA380] =	vst v7;
	v7 =	vadd.s32 $0x13, v5  }
0x85: {  	v14 =	vadd.s32 $0x8, v0;
	v8 =	vld.idx.msk [tilespmem:v8+s3+$0x0], $0xffff  }
0x86: {  	v15 =	vld.idx.msk [tilespmem:v3+s3+$0x0], $0xffff;
	[tilespmem:s0+$0xA580] =	vst v9;
	v9 =	vadd.s32 $0xC, v1  }
0x87: {  	s2 =	sor.u32 s18, s11;
	[tilespmem:s5+$0x8400] =	vst v10;
	v10 =	vld.idx.msk [tilespmem:v11+s3+$0x0], $0xffff;
	v11 =	vadd.s32 $0x1, v3  }
0x88: {  	s21 =	simm.s32 $0x280;
	s20 =	simm.s32 $0x50;
	s11 =	sor.u32 $0x380, s2;
	v12 =	vld.idx.msk [tilespmem:v12+s3+$0x0], $0xffff;
	[tilespmem:s7+$0xC380] =	vst v4;
	v4 =	vadd.s32 $0x10, v6  }
0x89: {  	s29 =	sand.u32 $0x1C00, s21;
	s26 =	sand.u32 $0x70, s20;
	[tilespmem:s11+$0x8280] =	vst v13;
	v13 =	vadd.s32 $0x5, v2;
	v7 =	vld.idx.msk [tilespmem:v7+s3+$0x0], $0xffff  }
0x8a: {  	s13 =	sor.u32 s26, s29;
	v14 =	vld.idx.msk [tilespmem:v14+s3+$0x0], $0xffff;
	[tilespmem:s6+$0xA400] =	vst v8  }
0x8b: {  	[tilespmem:s13+$0x8280] =	vst v15;
	v8 =	vadd.s32 $0x14, v5;
	v9 =	vld.idx.msk [tilespmem:v9+s3+$0x0], $0xffff  }
0x8c: {  	v15 =	vadd.s32 $0x9, v0;
	v11 =	vld.idx.msk [tilespmem:v11+s3+$0x0], $0xffff;
	[tilespmem:s17+$0xA280] =	vst v10  }
0x8d: {  	v10 =	vadd.s32 $0xD, v1;
	[tilespmem:s5+$0x8480] =	vst v12;
	v4 =	vld.idx.msk [tilespmem:v4+s3+$0x0], $0xffff  }
0x8e: {  	s30 =	simm.s32 $0x2F0;
	v12 =	vadd.s32 $0x2, v3;
	v13 =	vld.idx.msk [tilespmem:v13+s3+$0x0], $0xffff;
	[tilespmem:s7+$0xC400] =	vst v7  }
0x8f: {  	v18 =	vld [tilespmem:s30+$0x0];
	v7 =	vadd.s32 $0x11, v6;
	[tilespmem:s1+$0xA280] =	vst v14  }
0x90: {  	v14 =	vadd.s32 $0x6, v2;
	v8 =	vld.idx.msk [tilespmem:v8+s3+$0x0], $0xffff;
	[tilespmem:s6+$0xA480] =	vst v9  }
0x91: {  	v15 =	vld.idx.msk [tilespmem:v15+s3+$0x0], $0xffff;
	v9 =	vadd.s32 $0x15, v5;
	[tilespmem:s13+$0x8300] =	vst v11  }
0x92: {  	v11 =	vadd.s32 $0xA, v0;
	v10 =	vld.idx.msk [tilespmem:v10+s3+$0x0], $0xffff;
	[tilespmem:s0+$0xC280] =	vst v4  }
0x93: {  	v12 =	vld.idx.msk [tilespmem:v12+s3+$0x0], $0xffff;
	[tilespmem:s5+$0x8500] =	vst v13;
	v13 =	vadd.s32 $0xE, v1  }
0x94: {  	v17 =	vadd.s32 $0x3, v3;
	v4 =	vmul.u32 $0x19, v16;
	v7 =	vld.idx.msk [tilespmem:v7+s3+$0x0], $0xffff  }
0x95: {  	v14 =	vld.idx.msk [tilespmem:v14+s3+$0x0], $0xffff;
	[tilespmem:s7+$0xC480] =	vst v8  }
0x96: {  	[tilespmem:s1+$0xA300] =	vst v15;
	v8 =	vadd.s32 $0x12, v6;
	v9 =	vld.idx.msk [tilespmem:v9+s3+$0x0], $0xffff  }
0x97: {  	v15 =	vadd.s32 $0x7, v2;
	v11 =	vld.idx.msk [tilespmem:v11+s3+$0x0], $0xffff;
	[tilespmem:s6+$0xA500] =	vst v10  }
0x98: {  	v10 =	vadd.s32 $0x16, v5;
	[tilespmem:s13+$0x8380] =	vst v12;
	v13 =	vld.idx.msk [tilespmem:v13+s3+$0x0], $0xffff  }
0x99: {  	v12 =	vadd.s32 $0xB, v0;
	v16 =	vld.idx.msk [tilespmem:v17+s3+$0x0], $0xffff  }
0x9a: {  	[tilespmem:s0+$0xC300] =	vst v7;
	v7 =	vadd.s32 $0xF, v1;
	v17 =	vld.idx.msk [tilespmem:v4+s3+$0x0], $0xffff  }
0x9b: {  	[tilespmem:s5+$0x8580] =	vst v14;
	v8 =	vld.idx.msk [tilespmem:v8+s3+$0x0], $0xffff;
	v14 =	vadd.s32 $0x4, v3  }
0x9c: {  	v19 =	vadd.s32 $0x1, v4;
	v15 =	vld.idx.msk [tilespmem:v15+s3+$0x0], $0xffff;
	[tilespmem:s7+$0xC500] =	vst v9  }
0x9d: {  	s18 =	simm.s32 $0x60;
	s19 =	simm.s32 $0x300;
	v9 =	vadd.s32 $0x13, v6;
	[tilespmem:s1+$0xA380] =	vst v11;
	v10 =	vld.idx.msk [tilespmem:v10+s3+$0x0], $0xffff  }
0x9e: {  	s14 =	sor.u32 s15, s14;
	s15 =	sand.u32 $0x70, s18;
	s22 =	sand.u32 $0x1C00, s19;
	v11 =	vadd.s32 $0x8, v2;
	v12 =	vld.idx.msk [tilespmem:v12+s3+$0x0], $0xffff;
	[tilespmem:s6+$0xA580] =	vst v13  }
0x9f: {  	s15 =	sor.u32 s15, s22;
	v13 =	vadd.s32 $0x17, v5;
	[tilespmem:s13+$0x8400] =	vst v16;
	v7 =	vld.idx.msk [tilespmem:v7+s3+$0x0], $0xffff  }
0xa0: {  	v16 =	vadd.s32 $0xC, v0;
	[tilespmem:s15+$0x8280] =	vst v17;
	v14 =	vld.idx.msk [tilespmem:v14+s3+$0x0], $0xffff  }
0xa1: {  	s14 =	sor.u32 $0x380, s14;
	[tilespmem:s0+$0xC380] =	vst v8;
	v8 =	vadd.s32 $0x10, v1;
	v17 =	vld.idx.msk [tilespmem:v19+s3+$0x0], $0xffff  }
0xa2: {  	[tilespmem:s14+$0x8280] =	vst v15;
	v9 =	vld.idx.msk [tilespmem:v9+s3+$0x0], $0xffff;
	v15 =	vadd.s32 $0x5, v3  }
0xa3: {  	v11 =	vld.idx.msk [tilespmem:v11+s3+$0x0], $0xffff;
	[tilespmem:s7+$0xC580] =	vst v10;
	v10 =	vadd.s32 $0x14, v6  }
0xa4: {  	[tilespmem:s1+$0xA400] =	vst v12;
	v12 =	vld.idx.msk [tilespmem:v13+s3+$0x0], $0xffff;
	v13 =	vadd.s32 $0x9, v2  }
0xa5: {  	v5 =	vadd.s32 $0x18, v5;
	v16 =	vld.idx.msk [tilespmem:v16+s3+$0x0], $0xffff;
	[tilespmem:s12+$0xA280] =	vst v7  }
0xa6: {  	[tilespmem:s13+$0x8480] =	vst v14;
	v7 =	vadd.s32 $0xD, v0;
	v8 =	vld.idx.msk [tilespmem:v8+s3+$0x0], $0xffff  }
0xa7: {  	v14 =	vadd.s32 $0x2, v4;
	v15 =	vld.idx.msk [tilespmem:v15+s3+$0x0], $0xffff;
	[tilespmem:s0+$0xC400] =	vst v9  }
0xa8: {  	[tilespmem:s5+$0xA280] =	vst v11;
	v10 =	vld.idx.msk [tilespmem:v10+s3+$0x0], $0xffff  }
0xa9: {  	v9 =	vadd.s32 $0x11, v1;
	v13 =	vld.idx.msk [tilespmem:v13+s3+$0x0], $0xffff;
	[tilespmem:s16+$0xC280] =	vst v12  }
0xaa: {  	v11 =	vadd.s32 $0x6, v3;
	[tilespmem:s1+$0xA480] =	vst v16;
	v16 =	vld.idx.msk [tilespmem:v5+s3+$0x0], $0xffff  }
0xab: {  	[tilespmem:s15+$0x8300] =	vst v17;
	v12 =	vadd.s32 $0x15, v6;
	v17 =	vld.idx.msk [tilespmem:v7+s3+$0x0], $0xffff  }
0xac: {  	s26 =	simm.s32 $0x300;
	v5 =	vadd.s32 $0xA, v2;
	v14 =	vld.idx.msk [tilespmem:v14+s3+$0x0], $0xffff;
	[tilespmem:s6+$0xC280] =	vst v8  }
0xad: {  	v7 =	vld [tilespmem:s26+$0x0];
	[tilespmem:s13+$0x8500] =	vst v15;
	v8 =	vadd.s32 $0xE, v0  }
0xae: {  	v15 =	vadd.s32 $0x3, v4;
	v9 =	vld.idx.msk [tilespmem:v9+s3+$0x0], $0xffff;
	[tilespmem:s0+$0xC480] =	vst v10  }
0xaf: {  	v11 =	vld.idx.msk [tilespmem:v11+s3+$0x0], $0xffff;
	v10 =	vadd.s32 $0x12, v1;
	[tilespmem:s5+$0xA300] =	vst v13  }
0xb0: {  	v12 =	vld.idx.msk [tilespmem:v12+s3+$0x0], $0xffff;
	v13 =	vadd.s32 $0x7, v3;
	[tilespmem:s1+$0xA500] =	vst v17  }
0xb1: {  	s23 =	simm.s32 $0xE280;
	v19 =	vld.idx.msk [tilespmem:v5+s3+$0x0], $0xffff;
	v17 =	vadd.s32 $0x16, v6;
	[tilespmem:s15+$0x8380] =	vst v14  }
0xb2: {  	v5 =	vmul.u32 $0x19, v18;
	v14 =	vadd.s32 $0xB, v2;
	[tilespmem:s23+$0x0] =	vst v16;
	v8 =	vld.idx.msk [tilespmem:v8+s3+$0x0], $0xffff  }
0xb3: {  	v15 =	vld.idx.msk [tilespmem:v15+s3+$0x0], $0xffff;
	[tilespmem:s6+$0xC300] =	vst v9  }
0xb4: {  	[tilespmem:s13+$0x8580] =	vst v11;
	v9 =	vadd.s32 $0xF, v0;
	v10 =	vld.idx.msk [tilespmem:v10+s3+$0x0], $0xffff  }
0xb5: {  	v11 =	vadd.s32 $0x4, v4;
	v13 =	vld.idx.msk [tilespmem:v13+s3+$0x0], $0xffff;
	[tilespmem:s0+$0xC500] =	vst v12  }
0xb6: {  	v12 =	vadd.s32 $0x13, v1;
	[tilespmem:s5+$0xA380] =	vst v19;
	v17 =	vld.idx.msk [tilespmem:v17+s3+$0x0], $0xffff  }
0xb7: {  	v16 =	vadd.s32 $0x8, v3;
	v14 =	vld.idx.msk [tilespmem:v14+s3+$0x0], $0xffff;
	[tilespmem:s1+$0xA580] =	vst v8  }
0xb8: {  	s25 =	sor.u32 s21, s20;
	v18 =	vld.idx.msk [tilespmem:v5+s3+$0x0], $0xffff;
	v8 =	vadd.s32 $0x17, v6;
	[tilespmem:s15+$0x8400] =	vst v15  }
0xb9: {  	s7 =	sor.u32 $0x380, s25;
	v15 =	vadd.s32 $0xC, v2;
	v9 =	vld.idx.msk [tilespmem:v9+s3+$0x0], $0xffff;
	[tilespmem:s6+$0xC380] =	vst v10  }
0xba: {  	s21 =	simm.s32 $0x380;
	s22 =	simm.s32 $0x70;
	v11 =	vld.idx.msk [tilespmem:v11+s3+$0x0], $0xffff;
	v10 =	vadd.s32 $0x10, v0;
	[tilespmem:s7+$0x8280] =	vst v13  }
0xbb: {  	s30 =	sand.u32 $0x1C00, s21;
	s29 =	sand.u32 $0x70, s22;
	v19 =	vadd.s32 $0x1, v5;
	v12 =	vld.idx.msk [tilespmem:v12+s3+$0x0], $0xffff;
	[tilespmem:s0+$0xC580] =	vst v17  }
0xbc: {  	s16 =	sor.u32 s29, s30;
	v13 =	vadd.s32 $0x5, v4;
	v16 =	vld.idx.msk [tilespmem:v16+s3+$0x0], $0xffff;
	[tilespmem:s5+$0xA400] =	vst v14  }
0xbd: {  	v14 =	vadd.s32 $0x14, v1;
	v8 =	vld.idx.msk [tilespmem:v8+s3+$0x0], $0xffff;
	[tilespmem:s16+$0x8280] =	vst v18  }
0xbe: {  	v17 =	vadd.s32 $0x9, v3;
	v15 =	vld.idx.msk [tilespmem:v15+s3+$0x0], $0xffff;
	[tilespmem:s11+$0xA280] =	vst v9  }
0xbf: {  	v6 =	vadd.s32 $0x18, v6;
	[tilespmem:s15+$0x8480] =	vst v11;
	v10 =	vld.idx.msk [tilespmem:v10+s3+$0x0], $0xffff  }
0xc0: {  	v18 =	vld.idx.msk [tilespmem:v19+s3+$0x0], $0xffff;
	v9 =	vadd.s32 $0xD, v2;
	[tilespmem:s6+$0xC400] =	vst v12  }
0xc1: {  	v11 =	vadd.s32 $0x2, v5;
	v19 =	vld.idx.msk [tilespmem:v13+s3+$0x0], $0xffff;
	[tilespmem:s13+$0xA280] =	vst v16  }
0xc2: {  	v20 =	vadd.s32 $0x11, v0;
	v12 =	vld.idx.msk [tilespmem:v14+s3+$0x0], $0xffff;
	[tilespmem:s17+$0xC280] =	vst v8  }
0xc3: {  	v16 =	vadd.s32 $0x6, v4;
	v14 =	vld.idx.msk [tilespmem:v17+s3+$0x0], $0xffff;
	[tilespmem:s5+$0xA480] =	vst v15  }
0xc4: {  	v13 =	vld.idx.msk [tilespmem:v6+s3+$0x0], $0xffff;
	[tilespmem:s1+$0xC280] =	vst v10;
	v10 =	vadd.s32 $0x15, v1  }
0xc5: {  	[tilespmem:s16+$0x8300] =	vst v18;
	v15 =	vadd.s32 $0xA, v3;
	v8 =	vld.idx.msk [tilespmem:v9+s3+$0x0], $0xffff  }
0xc6: {  	v17 =	vld.idx.msk [tilespmem:v11+s3+$0x0], $0xffff  }
0xc7: {  	s28 =	simm.s32 $0x80;
	s20 =	simm.s32 $0xE280;
	s0 =	simm.s32 $0x90;
	v9 =	vadd.s32 $0xE, v2;
	[tilespmem:s15+$0x8500] =	vst v19;
	v11 =	vld.idx.msk [tilespmem:v20+s3+$0x0], $0xffff  }
.LBB2_2:
0xc8: {  	p0 =	sne.s32 s0, $0x3F0;
	v6 =	vadd.s32 $0x3, v5;
	v16 =	vld.idx.msk [tilespmem:v16+s3+$0x0], $0xffff;
	[tilespmem:s6+$0xC480] =	vst v12  }
0xc9: {  	v12 =	vadd.s32 $0x12, v0;
	s20 =	sadd.s32 $0x10, s20;
	[tilespmem:s13+$0xA300] =	vst v14;
	v10 =	vld.idx.msk [tilespmem:v10+s3+$0x0], $0xffff  }
0xca: {  	s26 =	sadd.s32 $0x10, s26;
	v14 =	vadd.s32 $0x7, v4;
	v15 =	vld.idx.msk [tilespmem:v15+s3+$0x0], $0xffff;
	[tilespmem:s20+$0x0] =	vst v13  }
0xcb: {  	v13 =	vld [tilespmem:s26+$0x0];
	[tilespmem:s5+$0xA500] =	vst v8;
	v8 =	vadd.s32 $0x16, v1  }
0xcc: {  	v18 =	vmul.u32 $0x19, v7;
	[tilespmem:s16+$0x8380] =	vst v17;
	v17 =	vadd.s32 $0xB, v3;
	v9 =	vld.idx.msk [tilespmem:v9+s3+$0x0], $0xffff  }
0xcd: {  	v6 =	vld.idx.msk [tilespmem:v6+s3+$0x0], $0xffff;
	[tilespmem:s1+$0xC300] =	vst v11  }
0xce: {  	v11 =	vadd.s32 $0xF, v2;
	[tilespmem:s15+$0x8580] =	vst v16;
	v12 =	vld.idx.msk [tilespmem:v12+s3+$0x0], $0xffff  }
0xcf: {  	v16 =	vadd.s32 $0x4, v5;
	v14 =	vld.idx.msk [tilespmem:v14+s3+$0x0], $0xffff;
	[tilespmem:s6+$0xC500] =	vst v10  }
0xd0: {  	v10 =	vadd.s32 $0x13, v0;
	[tilespmem:s13+$0xA380] =	vst v15;
	v8 =	vld.idx.msk [tilespmem:v8+s3+$0x0], $0xffff;
	v7 =	vmov v13  }
0xd1: {  	v13 =	vadd.s32 $0x8, v4;
	v15 =	vld.idx.msk [tilespmem:v17+s3+$0x0], $0xffff  }
0xd2: {  	v17 =	vld.idx.msk [tilespmem:v18+s3+$0x0], $0xffff;
	[tilespmem:s5+$0xA580] =	vst v9;
	v9 =	vadd.s32 $0x17, v1  }
0xd3: {  	s2 =	sor.u32 s19, s18;
	s19 =	smov.u32 s21;
	s18 =	smov.u32 s22;
	[tilespmem:s16+$0x8400] =	vst v6;
	v6 =	vadd.s32 $0xC, v3;
	v11 =	vld.idx.msk [tilespmem:v11+s3+$0x0], $0xffff  }
0xd4: {  	s22 =	smov.u32 s28;
	s28 =	smov.u32 s0;
	s2 =	sor.u32 $0x380, s2;
	v19 =	vadd.s32 $0x1, v18;
	v16 =	vld.idx.msk [tilespmem:v16+s3+$0x0], $0xffff;
	[tilespmem:s1+$0xC380] =	vst v12  }
0xd5: {  	s21 =	sadd.s32 $0x80, s21;
	v12 =	vadd.s32 $0x10, v2;
	[tilespmem:s2+$0x8280] =	vst v14;
	v10 =	vld.idx.msk [tilespmem:v10+s3+$0x0], $0xffff  }
0xd6: {  	s17 =	sand.u32 $0x70, s22;
	s25 =	sand.u32 $0x1C00, s21;
	v14 =	vadd.s32 $0x5, v5;
	v13 =	vld.idx.msk [tilespmem:v13+s3+$0x0], $0xffff;
	[tilespmem:s6+$0xC580] =	vst v8;
	s6 =	smov.u32 s1  }
0xd7: {  	s17 =	sor.u32 s17, s25;
	v8 =	vadd.s32 $0x14, v0;
	s1 =	smov.u32 s5;
	s5 =	smov.u32 s13;
	[tilespmem:s13+$0xA400] =	vst v15;
	v9 =	vld.idx.msk [tilespmem:v9+s3+$0x0], $0xffff  }
0xd8: {  	v15 =	vadd.s32 $0x9, v4;
	s13 =	smov.u32 s15;
	s15 =	smov.u32 s16;
	s16 =	smov.u32 s17;
	[tilespmem:s17+$0x8280] =	vst v17;
	v6 =	vld.idx.msk [tilespmem:v6+s3+$0x0], $0xffff  }
0xd9: {  	v17 =	vld.idx.msk [tilespmem:v19+s3+$0x0], $0xffff;
	[tilespmem:s14+$0xA280] =	vst v11;
	v11 =	vadd.s32 $0x18, v1;
	v1 =	vmovc v0;
	v0 =	vmovc v2;
	v2 =	vmov v3;
	v3 =	vmov v4  }
0xda: {  	v4 =	vmov v5;
	v5 =	vmov v18;
	[tilespmem:s15+$0x8480] =	vst v16;
	v19 =	vadd.s32 $0xD, v2;
	v20 =	vld.idx.msk [tilespmem:v12+s3+$0x0], $0xffff  }
0xdb: {  	v18 =	vadd.s32 $0x2, v5;
	v21 =	vld.idx.msk [tilespmem:v14+s3+$0x0], $0xffff;
	[tilespmem:s6+$0xC400] =	vst v10  }
0xdc: {  	v22 =	vadd.s32 $0x11, v0;
	[tilespmem:s13+$0xA280] =	vst v13;
	v12 =	vld.idx.msk [tilespmem:v8+s3+$0x0], $0xffff  }
.Ltmp0:
0xdd: {  	v16 =	vadd.s32 $0x6, v4;
	v14 =	vld.idx.msk [tilespmem:v15+s3+$0x0], $0xffff;
	[tilespmem:s12+$0xC280] =	vst v9;
	s12 =	smov.u32 s11;
	s11 =	smov.u32 s14;
	(pc) =	sbr.rel @p0 .LBB2_2-.Ltmp0, $4  }
0xde: {  	v10 =	vadd.s32 $0x15, v1;
	s14 =	smov.u32 s7;
	s7 =	smov.u32 s2;
	[tilespmem:s5+$0xA480] =	vst v6;
	v13 =	vld.idx.msk [tilespmem:v11+s3+$0x0], $0xffff  }
0xdf: {  	v15 =	vadd.s32 $0xA, v3;
	[tilespmem:s16+$0x8300] =	vst v17;
	v8 =	vld.idx.msk [tilespmem:v19+s3+$0x0], $0xffff  }
0xe0: {  	v17 =	vld.idx.msk [tilespmem:v18+s3+$0x0], $0xffff;
	[tilespmem:s1+$0xC280] =	vst v20  }
0xe1: {  	s0 =	sadd.s32 $0x10, s0;
	v9 =	vadd.s32 $0xE, v2;
	[tilespmem:s15+$0x8500] =	vst v21;
	v11 =	vld.idx.msk [tilespmem:v22+s3+$0x0], $0xffff  }
0xe2: {  	v6 =	vmul.u32 $0x19, v7;
	_ =	sdelay $0x5  }
0xe3: {  	v7 =	vld.idx.msk [tilespmem:v6+s3+$0x0], $0xffff  }
0xe4: {  	v18 =	vadd.s32 $0x1, v6  }
0xe5: {  	s2 =	sadd.s32 $0x80, s21  }
0xe6: {  	s0 =	sand.u32 $0x70, s28;
	s17 =	sand.u32 $0x1C00, s2  }
0xe7: {  	s0 =	sor.u32 s0, s17  }
0xe8: {  	[tilespmem:s0+$0x8280] =	vst v7  }
0xe9: {  	v7 =	vld.idx.msk [tilespmem:v18+s3+$0x0], $0xffff  }
0xea: {  	v18 =	vadd.s32 $0x2, v6;
	_ =	sdelay $0x3  }
0xeb: {  	[tilespmem:s0+$0x8300] =	vst v7  }
0xec: {  	v7 =	vadd.s32 $0x3, v5;
	v18 =	vld.idx.msk [tilespmem:v18+s3+$0x0], $0xffff  }
0xed: {  	v19 =	vadd.s32 $0x3, v6;
	_ =	sdelay $0x2  }
0xee: {  	[tilespmem:s16+$0x8380] =	vst v17  }
0xef: {  	v7 =	vld.idx.msk [tilespmem:v7+s3+$0x0], $0xffff;
	[tilespmem:s0+$0x8380] =	vst v18  }
0xf0: {  	v17 =	vadd.s32 $0x4, v5;
	v18 =	vld.idx.msk [tilespmem:v19+s3+$0x0], $0xffff  }
0xf1: {  	v19 =	vadd.s32 $0x4, v6;
	_ =	sdelay $0x2  }
0xf2: {  	[tilespmem:s16+$0x8400] =	vst v7  }
0xf3: {  	v7 =	vld.idx.msk [tilespmem:v17+s3+$0x0], $0xffff;
	[tilespmem:s0+$0x8400] =	vst v18  }
0xf4: {  	v17 =	vadd.s32 $0x5, v5;
	v18 =	vld.idx.msk [tilespmem:v19+s3+$0x0], $0xffff  }
0xf5: {  	v19 =	vadd.s32 $0x5, v6;
	_ =	sdelay $0x2  }
0xf6: {  	[tilespmem:s16+$0x8480] =	vst v7  }
0xf7: {  	v7 =	vld.idx.msk [tilespmem:v17+s3+$0x0], $0xffff;
	[tilespmem:s0+$0x8480] =	vst v18  }
0xf8: {  	v17 =	vadd.s32 $0x6, v5;
	v18 =	vld.idx.msk [tilespmem:v19+s3+$0x0], $0xffff  }
0xf9: {  	v19 =	vadd.s32 $0x6, v6;
	_ =	sdelay $0x2  }
0xfa: {  	v16 =	vld.idx.msk [tilespmem:v16+s3+$0x0], $0xffff;
	[tilespmem:s16+$0x8500] =	vst v7  }
0xfb: {  	v7 =	vadd.s32 $0x7, v4;
	v17 =	vld.idx.msk [tilespmem:v17+s3+$0x0], $0xffff;
	[tilespmem:s0+$0x8500] =	vst v18  }
0xfc: {  	v18 =	vadd.s32 $0x7, v5;
	v19 =	vld.idx.msk [tilespmem:v19+s3+$0x0], $0xffff  }
0xfd: {  	v20 =	vadd.s32 $0x7, v6;
	_ =	sdelay $0x1  }
0xfe: {  	[tilespmem:s15+$0x8580] =	vst v16  }
0xff: {  	v7 =	vld.idx.msk [tilespmem:v7+s3+$0x0], $0xffff;
	[tilespmem:s16+$0x8580] =	vst v17  }
0x100: {  	v16 =	vadd.s32 $0x8, v4;
	v17 =	vld.idx.msk [tilespmem:v18+s3+$0x0], $0xffff;
	[tilespmem:s0+$0x8580] =	vst v19  }
0x101: {  	v18 =	vadd.s32 $0x8, v5;
	v19 =	vld.idx.msk [tilespmem:v20+s3+$0x0], $0xffff  }
0x102: {  	s19 =	sor.u32 s19, s18;
	v58 =	vadd.s32 $0x8, v6  }
0x103: {  	s21 =	sor.u32 s21, s22;
	s17 =	sor.u32 $0x380, s19  }
0x104: {  	s18 =	sor.u32 $0x380, s21;
	s2 =	sor.u32 s2, s28;
	[tilespmem:s17+$0x8280] =	vst v7  }
0x105: {  	s22 =	sor.u32 $0x380, s2;
	v7 =	vld.idx.msk [tilespmem:v16+s3+$0x0], $0xffff;
	[tilespmem:s18+$0x8280] =	vst v17  }
0x106: {  	v16 =	vadd.s32 $0x9, v4;
	v17 =	vld.idx.msk [tilespmem:v18+s3+$0x0], $0xffff;
	[tilespmem:s22+$0x8280] =	vst v19  }
0x107: {  	v18 =	vadd.s32 $0x9, v5;
	v19 =	vld.idx.msk [tilespmem:v58+s3+$0x0], $0xffff  }
0x108: {  	v59 =	vadd.s32 $0x9, v6;
	_ =	sdelay $0x1  }
0x109: {  	[tilespmem:s15+$0xA280] =	vst v7  }
0x10a: {  	v7 =	vld.idx.msk [tilespmem:v16+s3+$0x0], $0xffff;
	[tilespmem:s16+$0xA280] =	vst v17  }
0x10b: {  	v16 =	vadd.s32 $0xA, v4;
	v17 =	vld.idx.msk [tilespmem:v18+s3+$0x0], $0xffff;
	[tilespmem:s0+$0xA280] =	vst v19  }
0x10c: {  	v18 =	vadd.s32 $0xA, v5;
	v19 =	vld.idx.msk [tilespmem:v59+s3+$0x0], $0xffff  }
0x10d: {  	v60 =	vadd.s32 $0xA, v6  }
0x10e: {  	[tilespmem:s13+$0xA300] =	vst v14  }
0x10f: {  	v14 =	vld.idx.msk [tilespmem:v15+s3+$0x0], $0xffff;
	[tilespmem:s15+$0xA300] =	vst v7  }
0x110: {  	v7 =	vadd.s32 $0xB, v3;
	v15 =	vld.idx.msk [tilespmem:v16+s3+$0x0], $0xffff;
	[tilespmem:s16+$0xA300] =	vst v17  }
0x111: {  	v16 =	vadd.s32 $0xB, v4;
	v17 =	vld.idx.msk [tilespmem:v18+s3+$0x0], $0xffff;
	[tilespmem:s0+$0xA300] =	vst v19  }
0x112: {  	v18 =	vadd.s32 $0xB, v5;
	v19 =	vld.idx.msk [tilespmem:v60+s3+$0x0], $0xffff  }
0x113: {  	v61 =	vadd.s32 $0xB, v6  }
0x114: {  	[tilespmem:s13+$0xA380] =	vst v14  }
0x115: {  	v7 =	vld.idx.msk [tilespmem:v7+s3+$0x0], $0xffff;
	[tilespmem:s15+$0xA380] =	vst v15  }
0x116: {  	v14 =	vadd.s32 $0xC, v3;
	v15 =	vld.idx.msk [tilespmem:v16+s3+$0x0], $0xffff;
	[tilespmem:s16+$0xA380] =	vst v17  }
0x117: {  	v16 =	vadd.s32 $0xC, v4;
	v17 =	vld.idx.msk [tilespmem:v18+s3+$0x0], $0xffff;
	[tilespmem:s0+$0xA380] =	vst v19  }
0x118: {  	v18 =	vadd.s32 $0xC, v5;
	v19 =	vld.idx.msk [tilespmem:v61+s3+$0x0], $0xffff  }
0x119: {  	[tilespmem:s6+$0xC480] =	vst v12;
	v62 =	vadd.s32 $0xC, v6  }
0x11a: {  	[tilespmem:s13+$0xA400] =	vst v7  }
0x11b: {  	v7 =	vld.idx.msk [tilespmem:v14+s3+$0x0], $0xffff;
	[tilespmem:s15+$0xA400] =	vst v15  }
0x11c: {  	v14 =	vadd.s32 $0xD, v3;
	v15 =	vld.idx.msk [tilespmem:v16+s3+$0x0], $0xffff;
	[tilespmem:s16+$0xA400] =	vst v17  }
0x11d: {  	s20 =	sadd.s32 $0x10, s20;
	v16 =	vadd.s32 $0xD, v4;
	v17 =	vld.idx.msk [tilespmem:v18+s3+$0x0], $0xffff;
	[tilespmem:s0+$0xA400] =	vst v19  }
0x11e: {  	v12 =	vadd.s32 $0xD, v5;
	[tilespmem:s20+$0x0] =	vst v13;
	v18 =	vld.idx.msk [tilespmem:v62+s3+$0x0], $0xffff  }
0x11f: {  	v13 =	vadd.s32 $0xD, v6;
	[tilespmem:s5+$0xA500] =	vst v8  }
0x120: {  	v10 =	vld.idx.msk [tilespmem:v10+s3+$0x0], $0xffff;
	[tilespmem:s13+$0xA480] =	vst v7  }
0x121: {  	v7 =	vld.idx.msk [tilespmem:v14+s3+$0x0], $0xffff;
	[tilespmem:s15+$0xA480] =	vst v15  }
0x122: {  	v14 =	vadd.s32 $0xE, v3;
	v15 =	vld.idx.msk [tilespmem:v16+s3+$0x0], $0xffff;
	[tilespmem:s16+$0xA480] =	vst v17  }
0x123: {  	v16 =	vadd.s32 $0xE, v4;
	v12 =	vld.idx.msk [tilespmem:v12+s3+$0x0], $0xffff;
	[tilespmem:s0+$0xA480] =	vst v18  }
0x124: {  	v8 =	vadd.s32 $0xE, v5;
	[tilespmem:s1+$0xC300] =	vst v11;
	v13 =	vld.idx.msk [tilespmem:v13+s3+$0x0], $0xffff  }
0x125: {  	v9 =	vld.idx.msk [tilespmem:v9+s3+$0x0], $0xffff;
	v11 =	vadd.s32 $0xE, v6;
	[tilespmem:s6+$0xC500] =	vst v10  }
0x126: {  	[tilespmem:s13+$0xA500] =	vst v7;
	v7 =	vadd.s32 $0xF, v2  }
0x127: {  	v17 =	vadd.s32 $0x12, v0;
	v14 =	vld.idx.msk [tilespmem:v14+s3+$0x0], $0xffff;
	[tilespmem:s15+$0xA500] =	vst v15  }
0x128: {  	v15 =	vadd.s32 $0xF, v3;
	v16 =	vld.idx.msk [tilespmem:v16+s3+$0x0], $0xffff;
	[tilespmem:s16+$0xA500] =	vst v12  }
0x129: {  	v12 =	vadd.s32 $0xF, v4;
	v8 =	vld.idx.msk [tilespmem:v8+s3+$0x0], $0xffff;
	[tilespmem:s0+$0xA500] =	vst v13  }
0x12a: {  	v10 =	vadd.s32 $0xF, v5;
	[tilespmem:s5+$0xA580] =	vst v9;
	v11 =	vld.idx.msk [tilespmem:v11+s3+$0x0], $0xffff  }
0x12b: {  	v9 =	vadd.s32 $0xF, v6;
	v7 =	vld.idx.msk [tilespmem:v7+s3+$0x0], $0xffff  }
0x12c: {  	v13 =	vld.idx.msk [tilespmem:v17+s3+$0x0], $0xffff;
	v17 =	vadd.s32 $0x16, v1;
	[tilespmem:s13+$0xA580] =	vst v14  }
0x12d: {  	v14 =	vadd.s32 $0x10, v2;
	v15 =	vld.idx.msk [tilespmem:v15+s3+$0x0], $0xffff;
	[tilespmem:s15+$0xA580] =	vst v16  }
0x12e: {  	v16 =	vadd.s32 $0x10, v3;
	v12 =	vld.idx.msk [tilespmem:v12+s3+$0x0], $0xffff;
	[tilespmem:s16+$0xA580] =	vst v8  }
0x12f: {  	v8 =	vadd.s32 $0x10, v4;
	v10 =	vld.idx.msk [tilespmem:v10+s3+$0x0], $0xffff;
	[tilespmem:s0+$0xA580] =	vst v11  }
0x130: {  	[tilespmem:s14+$0xA280] =	vst v7;
	v11 =	vadd.s32 $0x10, v5;
	v9 =	vld.idx.msk [tilespmem:v9+s3+$0x0], $0xffff  }
0x131: {  	v7 =	vadd.s32 $0x10, v6;
	[tilespmem:s1+$0xC380] =	vst v13;
	v13 =	vld.idx.msk [tilespmem:v17+s3+$0x0], $0xffff  }
0x132: {  	v17 =	vadd.s32 $0x13, v0;
	v14 =	vld.idx.msk [tilespmem:v14+s3+$0x0], $0xffff;
	[tilespmem:s7+$0xA280] =	vst v15  }
0x133: {  	v15 =	vadd.s32 $0x11, v2;
	v16 =	vld.idx.msk [tilespmem:v16+s3+$0x0], $0xffff;
	[tilespmem:s17+$0xA280] =	vst v12  }
0x134: {  	v12 =	vadd.s32 $0x11, v3;
	v8 =	vld.idx.msk [tilespmem:v8+s3+$0x0], $0xffff;
	[tilespmem:s18+$0xA280] =	vst v10  }
0x135: {  	v10 =	vadd.s32 $0x11, v4;
	v11 =	vld.idx.msk [tilespmem:v11+s3+$0x0], $0xffff;
	[tilespmem:s22+$0xA280] =	vst v9  }
0x136: {  	[tilespmem:s6+$0xC580] =	vst v13;
	v9 =	vadd.s32 $0x11, v5;
	v7 =	vld.idx.msk [tilespmem:v7+s3+$0x0], $0xffff  }
0x137: {  	v13 =	vld.idx.msk [tilespmem:v17+s3+$0x0], $0xffff;
	[tilespmem:s5+$0xC280] =	vst v14;
	v14 =	vadd.s32 $0x11, v6  }
0x138: {  	v17 =	vadd.s32 $0x17, v1;
	v15 =	vld.idx.msk [tilespmem:v15+s3+$0x0], $0xffff;
	[tilespmem:s13+$0xC280] =	vst v16  }
0x139: {  	v16 =	vadd.s32 $0x12, v2;
	v12 =	vld.idx.msk [tilespmem:v12+s3+$0x0], $0xffff;
	[tilespmem:s15+$0xC280] =	vst v8  }
0x13a: {  	v8 =	vadd.s32 $0x12, v3;
	v10 =	vld.idx.msk [tilespmem:v10+s3+$0x0], $0xffff;
	[tilespmem:s16+$0xC280] =	vst v11  }
0x13b: {  	v11 =	vadd.s32 $0x12, v4;
	v9 =	vld.idx.msk [tilespmem:v9+s3+$0x0], $0xffff;
	[tilespmem:s0+$0xC280] =	vst v7  }
0x13c: {  	[tilespmem:s1+$0xC400] =	vst v13;
	v7 =	vadd.s32 $0x12, v5;
	v13 =	vld.idx.msk [tilespmem:v14+s3+$0x0], $0xffff  }
0x13d: {  	[tilespmem:s5+$0xC300] =	vst v15;
	v15 =	vadd.s32 $0x12, v6;
	v14 =	vld.idx.msk [tilespmem:v17+s3+$0x0], $0xffff  }
0x13e: {  	v16 =	vld.idx.msk [tilespmem:v16+s3+$0x0], $0xffff;
	[tilespmem:s13+$0xC300] =	vst v12;
	v17 =	vadd.s32 $0x14, v0  }
0x13f: {  	v12 =	vadd.s32 $0x13, v2;
	v8 =	vld.idx.msk [tilespmem:v8+s3+$0x0], $0xffff;
	[tilespmem:s15+$0xC300] =	vst v10  }
0x140: {  	v10 =	vadd.s32 $0x13, v3;
	v11 =	vld.idx.msk [tilespmem:v11+s3+$0x0], $0xffff;
	[tilespmem:s16+$0xC300] =	vst v9  }
0x141: {  	v9 =	vadd.s32 $0x13, v4;
	v7 =	vld.idx.msk [tilespmem:v7+s3+$0x0], $0xffff;
	[tilespmem:s0+$0xC300] =	vst v13  }
0x142: {  	[tilespmem:s12+$0xC280] =	vst v14;
	v13 =	vadd.s32 $0x13, v5;
	v14 =	vld.idx.msk [tilespmem:v15+s3+$0x0], $0xffff  }
0x143: {  	[tilespmem:s5+$0xC380] =	vst v16;
	v16 =	vadd.s32 $0x13, v6;
	v15 =	vld.idx.msk [tilespmem:v17+s3+$0x0], $0xffff  }
0x144: {  	v1 =	vadd.s32 $0x18, v1;
	v12 =	vld.idx.msk [tilespmem:v12+s3+$0x0], $0xffff;
	[tilespmem:s13+$0xC380] =	vst v8  }
0x145: {  	v8 =	vadd.s32 $0x14, v2;
	v10 =	vld.idx.msk [tilespmem:v10+s3+$0x0], $0xffff;
	[tilespmem:s15+$0xC380] =	vst v11  }
0x146: {  	v11 =	vadd.s32 $0x14, v3;
	v9 =	vld.idx.msk [tilespmem:v9+s3+$0x0], $0xffff;
	[tilespmem:s16+$0xC380] =	vst v7  }
0x147: {  	v7 =	vadd.s32 $0x14, v4;
	v13 =	vld.idx.msk [tilespmem:v13+s3+$0x0], $0xffff;
	[tilespmem:s0+$0xC380] =	vst v14  }
0x148: {  	[tilespmem:s1+$0xC480] =	vst v15;
	v14 =	vadd.s32 $0x14, v5;
	v15 =	vld.idx.msk [tilespmem:v16+s3+$0x0], $0xffff  }
0x149: {  	v1 =	vld.idx.msk [tilespmem:v1+s3+$0x0], $0xffff;
	[tilespmem:s5+$0xC400] =	vst v12;
	v12 =	vadd.s32 $0x14, v6  }
0x14a: {  	v8 =	vld.idx.msk [tilespmem:v8+s3+$0x0], $0xffff;
	[tilespmem:s13+$0xC400] =	vst v10;
	v16 =	vadd.s32 $0x15, v0  }
0x14b: {  	v10 =	vadd.s32 $0x15, v2;
	v11 =	vld.idx.msk [tilespmem:v11+s3+$0x0], $0xffff;
	[tilespmem:s15+$0xC400] =	vst v9  }
0x14c: {  	v9 =	vadd.s32 $0x15, v3;
	v7 =	vld.idx.msk [tilespmem:v7+s3+$0x0], $0xffff;
	[tilespmem:s16+$0xC400] =	vst v13  }
0x14d: {  	s23 =	sadd.s32 $0x10, s20;
	v13 =	vadd.s32 $0x15, v4;
	v14 =	vld.idx.msk [tilespmem:v14+s3+$0x0], $0xffff;
	[tilespmem:s0+$0xC400] =	vst v15  }
0x14e: {  	[tilespmem:s23+$0x0] =	vst v1;
	v1 =	vadd.s32 $0x15, v5;
	v12 =	vld.idx.msk [tilespmem:v12+s3+$0x0], $0xffff  }
0x14f: {  	[tilespmem:s5+$0xC480] =	vst v8;
	v8 =	vadd.s32 $0x15, v6;
	v15 =	vld.idx.msk [tilespmem:v16+s3+$0x0], $0xffff  }
0x150: {  	v10 =	vld.idx.msk [tilespmem:v10+s3+$0x0], $0xffff;
	v16 =	vadd.s32 $0x16, v0;
	[tilespmem:s13+$0xC480] =	vst v11  }
0x151: {  	v11 =	vadd.s32 $0x16, v2;
	v9 =	vld.idx.msk [tilespmem:v9+s3+$0x0], $0xffff;
	[tilespmem:s15+$0xC480] =	vst v7  }
0x152: {  	v7 =	vadd.s32 $0x16, v3;
	v13 =	vld.idx.msk [tilespmem:v13+s3+$0x0], $0xffff;
	[tilespmem:s16+$0xC480] =	vst v14  }
0x153: {  	v14 =	vadd.s32 $0x16, v4;
	v1 =	vld.idx.msk [tilespmem:v1+s3+$0x0], $0xffff;
	[tilespmem:s0+$0xC480] =	vst v12  }
0x154: {  	[tilespmem:s1+$0xC500] =	vst v15;
	v12 =	vadd.s32 $0x16, v5;
	v8 =	vld.idx.msk [tilespmem:v8+s3+$0x0], $0xffff  }
0x155: {  	[tilespmem:s5+$0xC500] =	vst v10;
	v10 =	vadd.s32 $0x16, v6;
	v15 =	vld.idx.msk [tilespmem:v16+s3+$0x0], $0xffff  }
0x156: {  	v11 =	vld.idx.msk [tilespmem:v11+s3+$0x0], $0xffff;
	v16 =	vadd.s32 $0x17, v0;
	[tilespmem:s13+$0xC500] =	vst v9  }
0x157: {  	v9 =	vadd.s32 $0x17, v2;
	v7 =	vld.idx.msk [tilespmem:v7+s3+$0x0], $0xffff;
	[tilespmem:s15+$0xC500] =	vst v13  }
0x158: {  	v13 =	vadd.s32 $0x17, v3;
	v14 =	vld.idx.msk [tilespmem:v14+s3+$0x0], $0xffff;
	[tilespmem:s16+$0xC500] =	vst v1  }
0x159: {  	v1 =	vadd.s32 $0x17, v4;
	v12 =	vld.idx.msk [tilespmem:v12+s3+$0x0], $0xffff;
	[tilespmem:s0+$0xC500] =	vst v8  }
0x15a: {  	[tilespmem:s1+$0xC580] =	vst v15;
	v8 =	vadd.s32 $0x17, v5;
	v10 =	vld.idx.msk [tilespmem:v10+s3+$0x0], $0xffff  }
0x15b: {  	[tilespmem:s5+$0xC580] =	vst v11;
	v11 =	vadd.s32 $0x17, v6;
	v15 =	vld.idx.msk [tilespmem:v16+s3+$0x0], $0xffff  }
0x15c: {  	v0 =	vadd.s32 $0x18, v0;
	v9 =	vld.idx.msk [tilespmem:v9+s3+$0x0], $0xffff;
	[tilespmem:s13+$0xC580] =	vst v7  }
0x15d: {  	v2 =	vadd.s32 $0x18, v2;
	v7 =	vld.idx.msk [tilespmem:v13+s3+$0x0], $0xffff;
	[tilespmem:s15+$0xC580] =	vst v14  }
0x15e: {  	v3 =	vadd.s32 $0x18, v3;
	v1 =	vld.idx.msk [tilespmem:v1+s3+$0x0], $0xffff;
	[tilespmem:s16+$0xC580] =	vst v12  }
0x15f: {  	v4 =	vadd.s32 $0x18, v4;
	v8 =	vld.idx.msk [tilespmem:v8+s3+$0x0], $0xffff;
	[tilespmem:s0+$0xC580] =	vst v10  }
0x160: {  	v5 =	vadd.s32 $0x18, v5;
	[tilespmem:s11+$0xC280] =	vst v15;
	v10 =	vld.idx.msk [tilespmem:v11+s3+$0x0], $0xffff  }
0x161: {  	v6 =	vadd.s32 $0x18, v6;
	[tilespmem:s14+$0xC280] =	vst v9;
	v0 =	vld.idx.msk [tilespmem:v0+s3+$0x0], $0xffff  }
0x162: {  	v2 =	vld.idx.msk [tilespmem:v2+s3+$0x0], $0xffff;
	[tilespmem:s7+$0xC280] =	vst v7  }
0x163: {  	v3 =	vld.idx.msk [tilespmem:v3+s3+$0x0], $0xffff;
	[tilespmem:s17+$0xC280] =	vst v1  }
0x164: {  	v1 =	vld.idx.msk [tilespmem:v4+s3+$0x0], $0xffff;
	[tilespmem:s18+$0xC280] =	vst v8  }
0x165: {  	s25 =	sadd.s32 $0x10, s23;
	v4 =	vld.idx.msk [tilespmem:v5+s3+$0x0], $0xffff;
	[tilespmem:s22+$0xC280] =	vst v10  }
0x166: {  	s0 =	sadd.s32 $0x10, s25;
	[tilespmem:s25+$0x0] =	vst v0;
	v0 =	vld.idx.msk [tilespmem:v6+s3+$0x0], $0xffff  }
0x167: {  	[tilespmem:s0+$0x0] =	vst v2;
	s0 =	sadd.s32 $0x10, s0  }
0x168: {  	[tilespmem:s0+$0x0] =	vst v3;
	s0 =	sadd.s32 $0x10, s0  }
0x169: {  	[tilespmem:s0+$0x0] =	vst v1;
	s0 =	sadd.s32 $0x10, s0  }
0x16a: {  	[tilespmem:s0+$0x0] =	vst v4;
	s0 =	sadd.s32 $0x10, s0  }
0x16b: {  	[tilespmem:s0+$0x0] =	vst v0  }
0x16c: {  	s26 =	simm.s32 $0x0;
	s28 =	simm.s32 $0x8280;
	s0 =	rddreg [dreg:$0x6]  }
0x16d: {  	[hbm4b:s0+s26] =	stream.linear.scatter [tilespmem:s28], [sflag:$0x1], $0x2000, $0x38;
	[tilespmem:$0x14A80] =	vst v63  }
0x16e: {  	s30 =	simm.s32 $0xA280;
	s29 =	rddreg [dreg:$0x7]  }
0x16f: {  	[hbm4b:s29+s26] =	stream.linear.scatter [tilespmem:s30], [sflag:$0x1], $0x2000, $0x38;
	[tilespmem:$0x14A80] =	vst v63  }
0x170: {  	s2 =	simm.s32 $0xC280;
	s12 =	sand.u32 $0x3F0, s26;
	s1 =	rddreg [dreg:$0x8]  }
0x171: {  	[hbm4b:s1+s26] =	stream.linear.scatter [tilespmem:s2], [sflag:$0x1], $0x2000, $0x38;
	[tilespmem:$0x14A80] =	vst v63  }
0x172: {  	s11 =	simm.s32 $0xE280;
	s7 =	simm.s32 $0x80;
	s5 =	rddreg [dreg:$0x9]  }
0x173: {  	[hbm4b:s5+s7] =	stream.strided.scatter [tilespmem:s11], [sflag:$0x1], $0x400, s24, s7, $0x38;
	[tilespmem:$0x14A80] =	vst v63  }
0x174: {  	v0 =	vld [tilespmem:s12+$0x680];
	_ =	sdelay $0x4  }
0x175: {  	v5 =	vmul.u32 $0x19, v0;
	_ =	sdelay $0x5  }
0x176: {  	v0 =	vld.idx.msk [tilespmem:v5+s3+$0x0], $0xffff  }
0x177: {  	v1 =	vadd.s32 $0x1, v5;
	_ =	sdelay $0x1  }
0x178: {  	s13 =	sand.u32 $0x70, s26;
	s14 =	sand.u32 $0x1C00, s26  }
0x179: {  	s7 =	sor.u32 s13, s14  }
0x17a: {  	[tilespmem:s7+$0xE680] =	vst v0  }
0x17b: {  	v0 =	vld.idx.msk [tilespmem:v1+s3+$0x0], $0xffff  }
0x17c: {  	v1 =	vadd.s32 $0x2, v5;
	_ =	sdelay $0x1  }
0x17d: {  	s15 =	simm.s32 $0x10  }
0x17e: {  	s17 =	sand.u32 $0x3F0, s15  }
0x17f: {  	v2 =	vld [tilespmem:s17+$0x680];
	[tilespmem:s7+$0xE700] =	vst v0  }
0x180: {  	v0 =	vld.idx.msk [tilespmem:v1+s3+$0x0], $0xffff  }
0x181: {  	v1 =	vadd.s32 $0x3, v5;
	_ =	sdelay $0x2  }
0x182: {  	v6 =	vmul.u32 $0x19, v2  }
0x183: {  	[tilespmem:s7+$0xE780] =	vst v0  }
0x184: {  	v0 =	vld.idx.msk [tilespmem:v1+s3+$0x0], $0xffff  }
0x185: {  	v1 =	vadd.s32 $0x4, v5;
	_ =	sdelay $0x2  }
0x186: {  	v2 =	vld.idx.msk [tilespmem:v6+s3+$0x0], $0xffff  }
0x187: {  	[tilespmem:s7+$0xE800] =	vst v0;
	v0 =	vadd.s32 $0x1, v6  }
0x188: {  	s18 =	simm.s32 $0x80;
	v1 =	vld.idx.msk [tilespmem:v1+s3+$0x0], $0xffff  }
0x189: {  	s19 =	sand.u32 $0x70, s15;
	s20 =	sand.u32 $0x1C00, s18;
	v3 =	vadd.s32 $0x5, v5  }
0x18a: {  	s0 =	sor.u32 s19, s20  }
0x18b: {  	[tilespmem:s0+$0xE680] =	vst v2  }
0x18c: {  	v0 =	vld.idx.msk [tilespmem:v0+s3+$0x0], $0xffff  }
0x18d: {  	[tilespmem:s7+$0xE880] =	vst v1;
	v1 =	vadd.s32 $0x2, v6  }
0x18e: {  	v2 =	vld.idx.msk [tilespmem:v3+s3+$0x0], $0xffff  }
0x18f: {  	s21 =	simm.s32 $0x20;
	v3 =	vadd.s32 $0x6, v5  }
0x190: {  	s22 =	sand.u32 $0x3F0, s21  }
0x191: {  	v4 =	vld [tilespmem:s22+$0x680];
	[tilespmem:s0+$0xE700] =	vst v0  }
0x192: {  	v1 =	vld.idx.msk [tilespmem:v1+s3+$0x0], $0xffff  }
0x193: {  	[tilespmem:s7+$0xE900] =	vst v2;
	v2 =	vadd.s32 $0x3, v6  }
0x194: {  	v3 =	vld.idx.msk [tilespmem:v3+s3+$0x0], $0xffff  }
0x195: {  	v7 =	vadd.s32 $0x7, v5  }
0x196: {  	v0 =	vmul.u32 $0x19, v4  }
0x197: {  	[tilespmem:s0+$0xE780] =	vst v1  }
0x198: {  	v1 =	vld.idx.msk [tilespmem:v2+s3+$0x0], $0xffff  }
0x199: {  	v2 =	vadd.s32 $0x4, v6;
	[tilespmem:s7+$0xE980] =	vst v3  }
0x19a: {  	v3 =	vld.idx.msk [tilespmem:v7+s3+$0x0], $0xffff  }
0x19b: {  	v4 =	vadd.s32 $0x8, v5  }
0x19c: {  	v7 =	vld.idx.msk [tilespmem:v0+s3+$0x0], $0xffff  }
0x19d: {  	s6 =	sor.u32 s26, s26;
	[tilespmem:s0+$0xE800] =	vst v1;
	v1 =	vadd.s32 $0x1, v0  }
0x19e: {  	s23 =	simm.s32 $0x100;
	s16 =	sor.u32 $0x380, s6;
	v2 =	vld.idx.msk [tilespmem:v2+s3+$0x0], $0xffff  }
0x19f: {  	s25 =	sand.u32 $0x70, s21;
	s26 =	sand.u32 $0x1C00, s23;
	[tilespmem:s16+$0xE680] =	vst v3;
	v3 =	vadd.s32 $0x5, v6  }
0x1a0: {  	s6 =	sor.u32 s25, s26;
	v4 =	vld.idx.msk [tilespmem:v4+s3+$0x0], $0xffff  }
0x1a1: {  	[tilespmem:s6+$0xE680] =	vst v7;
	v7 =	vadd.s32 $0x9, v5  }
0x1a2: {  	v1 =	vld.idx.msk [tilespmem:v1+s3+$0x0], $0xffff  }
0x1a3: {  	[tilespmem:s0+$0xE880] =	vst v2;
	v2 =	vadd.s32 $0x2, v0  }
0x1a4: {  	v3 =	vld.idx.msk [tilespmem:v3+s3+$0x0], $0xffff  }
0x1a5: {  	s28 =	simm.s32 $0x30;
	[tilespmem:s7+$0x10680] =	vst v4;
	v4 =	vadd.s32 $0x6, v6  }
0x1a6: {  	s29 =	sand.u32 $0x3F0, s28;
	v7 =	vld.idx.msk [tilespmem:v7+s3+$0x0], $0xffff  }
0x1a7: {  	v8 =	vld [tilespmem:s29+$0x680];
	[tilespmem:s6+$0xE700] =	vst v1;
	v1 =	vadd.s32 $0xA, v5  }
0x1a8: {  	v2 =	vld.idx.msk [tilespmem:v2+s3+$0x0], $0xffff  }
0x1a9: {  	[tilespmem:s0+$0xE900] =	vst v3;
	v3 =	vadd.s32 $0x3, v0  }
0x1aa: {  	v4 =	vld.idx.msk [tilespmem:v4+s3+$0x0], $0xffff  }
0x1ab: {  	[tilespmem:s7+$0x10700] =	vst v7;
	v7 =	vadd.s32 $0x7, v6  }
0x1ac: {  	v9 =	vld.idx.msk [tilespmem:v1+s3+$0x0], $0xffff  }
0x1ad: {  	v1 =	vmul.u32 $0x19, v8;
	[tilespmem:s6+$0xE780] =	vst v2;
	v2 =	vadd.s32 $0xB, v5  }
0x1ae: {  	v3 =	vld.idx.msk [tilespmem:v3+s3+$0x0], $0xffff  }
0x1af: {  	[tilespmem:s0+$0xE980] =	vst v4;
	v4 =	vadd.s32 $0x4, v0  }
0x1b0: {  	v7 =	vld.idx.msk [tilespmem:v7+s3+$0x0], $0xffff  }
0x1b1: {  	v8 =	vadd.s32 $0x8, v6;
	[tilespmem:s7+$0x10780] =	vst v9  }
0x1b2: {  	v2 =	vld.idx.msk [tilespmem:v2+s3+$0x0], $0xffff  }
0x1b3: {  	s1 =	sor.u32 s18, s15;
	v9 =	vld.idx.msk [tilespmem:v1+s3+$0x0], $0xffff;
	[tilespmem:s6+$0xE800] =	vst v3;
	v3 =	vadd.s32 $0xC, v5  }
0x1b4: {  	s19 =	sor.u32 $0x380, s1;
	v10 =	vadd.s32 $0x1, v1;
	v4 =	vld.idx.msk [tilespmem:v4+s3+$0x0], $0xffff  }
0x1b5: {  	s30 =	simm.s32 $0x180;
	[tilespmem:s19+$0xE680] =	vst v7;
	v7 =	vadd.s32 $0x5, v0  }
0x1b6: {  	s13 =	sand.u32 $0x70, s28;
	s14 =	sand.u32 $0x1C00, s30;
	v8 =	vld.idx.msk [tilespmem:v8+s3+$0x0], $0xffff  }
0x1b7: {  	s1 =	sor.u32 s13, s14;
	[tilespmem:s7+$0x10800] =	vst v2;
	v2 =	vadd.s32 $0x9, v6  }
0x1b8: {  	[tilespmem:s1+$0xE680] =	vst v9;
	v3 =	vld.idx.msk [tilespmem:v3+s3+$0x0], $0xffff  }
0x1b9: {  	v9 =	vld.idx.msk [tilespmem:v10+s3+$0x0], $0xffff;
	[tilespmem:s6+$0xE880] =	vst v4;
	v4 =	vadd.s32 $0xD, v5  }
0x1ba: {  	v10 =	vadd.s32 $0x2, v1;
	v7 =	vld.idx.msk [tilespmem:v7+s3+$0x0], $0xffff  }
0x1bb: {  	s15 =	simm.s32 $0x40;
	[tilespmem:s0+$0x10680] =	vst v8;
	v8 =	vadd.s32 $0x6, v0  }
0x1bc: {  	s20 =	sand.u32 $0x3F0, s15;
	v2 =	vld.idx.msk [tilespmem:v2+s3+$0x0], $0xffff  }
0x1bd: {  	v11 =	vld [tilespmem:s20+$0x680];
	[tilespmem:s7+$0x10880] =	vst v3;
	v3 =	vadd.s32 $0xA, v6  }
0x1be: {  	[tilespmem:s1+$0xE700] =	vst v9;
	v4 =	vld.idx.msk [tilespmem:v4+s3+$0x0], $0xffff  }
0x1bf: {  	v9 =	vld.idx.msk [tilespmem:v10+s3+$0x0], $0xffff;
	[tilespmem:s6+$0xE900] =	vst v7;
	v7 =	vadd.s32 $0xE, v5  }
0x1c0: {  	v10 =	vadd.s32 $0x3, v1;
	v8 =	vld.idx.msk [tilespmem:v8+s3+$0x0], $0xffff  }
0x1c1: {  	v12 =	vadd.s32 $0x7, v0;
	[tilespmem:s0+$0x10700] =	vst v2  }
0x1c2: {  	v3 =	vld.idx.msk [tilespmem:v3+s3+$0x0], $0xffff  }
0x1c3: {  	v2 =	vmul.u32 $0x19, v11;
	[tilespmem:s7+$0x10900] =	vst v4;
	v4 =	vadd.s32 $0xB, v6  }
0x1c4: {  	[tilespmem:s1+$0xE780] =	vst v9;
	v7 =	vld.idx.msk [tilespmem:v7+s3+$0x0], $0xffff  }
0x1c5: {  	v9 =	vld.idx.msk [tilespmem:v10+s3+$0x0], $0xffff;
	[tilespmem:s6+$0xE980] =	vst v8;
	v8 =	vadd.s32 $0xF, v5  }
0x1c6: {  	v10 =	vadd.s32 $0x4, v1;
	v11 =	vld.idx.msk [tilespmem:v12+s3+$0x0], $0xffff  }
0x1c7: {  	[tilespmem:s0+$0x10780] =	vst v3;
	v3 =	vadd.s32 $0x8, v0  }
0x1c8: {  	v4 =	vld.idx.msk [tilespmem:v4+s3+$0x0], $0xffff  }
0x1c9: {  	s5 =	sor.u32 s23, s21;
	v12 =	vld.idx.msk [tilespmem:v2+s3+$0x0], $0xffff;
	[tilespmem:s7+$0x10980] =	vst v7;
	v7 =	vadd.s32 $0xC, v6  }
0x1ca: {  	s13 =	sor.u32 $0x380, s5;
	[tilespmem:s1+$0xE800] =	vst v9;
	v9 =	vadd.s32 $0x1, v2;
	v8 =	vld.idx.msk [tilespmem:v8+s3+$0x0], $0xffff  }
0x1cb: {  	s21 =	simm.s32 $0x200;
	v10 =	vld.idx.msk [tilespmem:v10+s3+$0x0], $0xffff;
	[tilespmem:s13+$0xE680] =	vst v11;
	v11 =	vadd.s32 $0x10, v5  }
0x1cc: {  	s22 =	sand.u32 $0x70, s15;
	s23 =	sand.u32 $0x1C00, s21;
	v13 =	vadd.s32 $0x5, v1;
	v3 =	vld.idx.msk [tilespmem:v3+s3+$0x0], $0xffff  }
0x1cd: {  	s5 =	sor.u32 s22, s23;
	[tilespmem:s0+$0x10800] =	vst v4;
	v4 =	vadd.s32 $0x9, v0  }
0x1ce: {  	[tilespmem:s5+$0xE680] =	vst v12;
	v7 =	vld.idx.msk [tilespmem:v7+s3+$0x0], $0xffff  }
0x1cf: {  	v9 =	vld.idx.msk [tilespmem:v9+s3+$0x0], $0xffff;
	[tilespmem:s16+$0x10680] =	vst v8;
	v8 =	vadd.s32 $0xD, v6  }
0x1d0: {  	[tilespmem:s1+$0xE880] =	vst v10;
	v10 =	vld.idx.msk [tilespmem:v11+s3+$0x0], $0xffff;
	v11 =	vadd.s32 $0x2, v2  }
0x1d1: {  	s22 =	simm.s32 $0x50;
	v12 =	vld.idx.msk [tilespmem:v13+s3+$0x0], $0xffff;
	[tilespmem:s6+$0x10680] =	vst v3;
	v3 =	vadd.s32 $0x11, v5  }
0x1d2: {  	s25 =	sand.u32 $0x3F0, s22;
	v13 =	vadd.s32 $0x6, v1;
	v4 =	vld.idx.msk [tilespmem:v4+s3+$0x0], $0xffff  }
0x1d3: {  	v14 =	vld [tilespmem:s25+$0x680];
	[tilespmem:s0+$0x10880] =	vst v7;
	v7 =	vadd.s32 $0xA, v0  }
0x1d4: {  	[tilespmem:s5+$0xE700] =	vst v9;
	v8 =	vld.idx.msk [tilespmem:v8+s3+$0x0], $0xffff  }
0x1d5: {  	v9 =	vld.idx.msk [tilespmem:v11+s3+$0x0], $0xffff;
	[tilespmem:s7+$0x12680] =	vst v10;
	v10 =	vadd.s32 $0xE, v6  }
0x1d6: {  	[tilespmem:s1+$0xE900] =	vst v12;
	v12 =	vadd.s32 $0x3, v2;
	v11 =	vld.idx.msk [tilespmem:v3+s3+$0x0], $0xffff  }
0x1d7: {  	s18 =	simm.s32 $0x70;
	v13 =	vld.idx.msk [tilespmem:v13+s3+$0x0], $0xffff;
	[tilespmem:s6+$0x10700] =	vst v4;
	v4 =	vadd.s32 $0x12, v5  }
0x1d8: {  	s2 =	sor.u32 s30, s28;
	s30 =	sand.u32 $0x3F0, s18;
	v15 =	vadd.s32 $0x7, v1;
	v7 =	vld.idx.msk [tilespmem:v7+s3+$0x0], $0xffff  }
0x1d9: {  	v18 =	vld [tilespmem:s30+$0x680];
	v3 =	vmul.u32 $0x19, v14;
	[tilespmem:s0+$0x10900] =	vst v8;
	v8 =	vadd.s32 $0xB, v0  }
0x1da: {  	[tilespmem:s5+$0xE780] =	vst v9;
	v9 =	vld.idx.msk [tilespmem:v10+s3+$0x0], $0xffff  }
0x1db: {  	v10 =	vld.idx.msk [tilespmem:v12+s3+$0x0], $0xffff;
	[tilespmem:s7+$0x12700] =	vst v11;
	v11 =	vadd.s32 $0xF, v6  }
0x1dc: {  	[tilespmem:s1+$0xE980] =	vst v13;
	v12 =	vadd.s32 $0x4, v2;
	v4 =	vld.idx.msk [tilespmem:v4+s3+$0x0], $0xffff  }
0x1dd: {  	v13 =	vld.idx.msk [tilespmem:v15+s3+$0x0], $0xffff;
	[tilespmem:s6+$0x10780] =	vst v7;
	v7 =	vadd.s32 $0x13, v5  }
0x1de: {  	v14 =	vadd.s32 $0x8, v1;
	v8 =	vld.idx.msk [tilespmem:v8+s3+$0x0], $0xffff  }
0x1df: {  	v15 =	vld.idx.msk [tilespmem:v3+s3+$0x0], $0xffff;
	[tilespmem:s0+$0x10980] =	vst v9;
	v9 =	vadd.s32 $0xC, v0  }
0x1e0: {  	[tilespmem:s5+$0xE800] =	vst v10;
	v10 =	vld.idx.msk [tilespmem:v11+s3+$0x0], $0xffff;
	v11 =	vadd.s32 $0x1, v3  }
0x1e1: {  	s11 =	sor.u32 $0x380, s2;
	s25 =	simm.s32 $0x280;
	v12 =	vld.idx.msk [tilespmem:v12+s3+$0x0], $0xffff;
	[tilespmem:s7+$0x12780] =	vst v4;
	v4 =	vadd.s32 $0x10, v6  }
0x1e2: {  	s28 =	sand.u32 $0x70, s22;
	s29 =	sand.u32 $0x1C00, s25;
	[tilespmem:s11+$0xE680] =	vst v13;
	v13 =	vadd.s32 $0x5, v2;
	v7 =	vld.idx.msk [tilespmem:v7+s3+$0x0], $0xffff  }
0x1e3: {  	s12 =	sor.u32 s28, s29;
	v14 =	vld.idx.msk [tilespmem:v14+s3+$0x0], $0xffff;
	[tilespmem:s6+$0x10800] =	vst v8  }
0x1e4: {  	[tilespmem:s12+$0xE680] =	vst v15;
	v8 =	vadd.s32 $0x14, v5;
	v9 =	vld.idx.msk [tilespmem:v9+s3+$0x0], $0xffff  }
0x1e5: {  	v15 =	vadd.s32 $0x9, v1;
	v11 =	vld.idx.msk [tilespmem:v11+s3+$0x0], $0xffff;
	[tilespmem:s19+$0x10680] =	vst v10  }
0x1e6: {  	s17 =	simm.s32 $0x60;
	v10 =	vadd.s32 $0xD, v0;
	[tilespmem:s5+$0xE880] =	vst v12;
	v4 =	vld.idx.msk [tilespmem:v4+s3+$0x0], $0xffff  }
0x1e7: {  	s26 =	sand.u32 $0x3F0, s17;
	v12 =	vadd.s32 $0x2, v3;
	v13 =	vld.idx.msk [tilespmem:v13+s3+$0x0], $0xffff;
	[tilespmem:s7+$0x12800] =	vst v7  }
0x1e8: {  	v16 =	vld [tilespmem:s26+$0x680];
	v7 =	vadd.s32 $0x11, v6;
	[tilespmem:s1+$0x10680] =	vst v14  }
0x1e9: {  	v14 =	vadd.s32 $0x6, v2;
	v8 =	vld.idx.msk [tilespmem:v8+s3+$0x0], $0xffff;
	[tilespmem:s6+$0x10880] =	vst v9  }
0x1ea: {  	v15 =	vld.idx.msk [tilespmem:v15+s3+$0x0], $0xffff;
	v9 =	vadd.s32 $0x15, v5;
	[tilespmem:s12+$0xE700] =	vst v11  }
0x1eb: {  	v11 =	vadd.s32 $0xA, v1;
	v10 =	vld.idx.msk [tilespmem:v10+s3+$0x0], $0xffff;
	[tilespmem:s0+$0x12680] =	vst v4  }
0x1ec: {  	v12 =	vld.idx.msk [tilespmem:v12+s3+$0x0], $0xffff;
	[tilespmem:s5+$0xE900] =	vst v13;
	v13 =	vadd.s32 $0xE, v0  }
0x1ed: {  	v17 =	vadd.s32 $0x3, v3;
	v4 =	vmul.u32 $0x19, v16;
	v7 =	vld.idx.msk [tilespmem:v7+s3+$0x0], $0xffff  }
0x1ee: {  	v14 =	vld.idx.msk [tilespmem:v14+s3+$0x0], $0xffff;
	[tilespmem:s7+$0x12880] =	vst v8  }
0x1ef: {  	[tilespmem:s1+$0x10700] =	vst v15;
	v8 =	vadd.s32 $0x12, v6;
	v9 =	vld.idx.msk [tilespmem:v9+s3+$0x0], $0xffff  }
0x1f0: {  	v15 =	vadd.s32 $0x7, v2;
	v11 =	vld.idx.msk [tilespmem:v11+s3+$0x0], $0xffff;
	[tilespmem:s6+$0x10900] =	vst v10  }
0x1f1: {  	v10 =	vadd.s32 $0x16, v5;
	[tilespmem:s12+$0xE780] =	vst v12;
	v13 =	vld.idx.msk [tilespmem:v13+s3+$0x0], $0xffff  }
0x1f2: {  	v12 =	vadd.s32 $0xB, v1;
	v16 =	vld.idx.msk [tilespmem:v17+s3+$0x0], $0xffff  }
0x1f3: {  	[tilespmem:s0+$0x12700] =	vst v7;
	v7 =	vadd.s32 $0xF, v0;
	v17 =	vld.idx.msk [tilespmem:v4+s3+$0x0], $0xffff  }
0x1f4: {  	[tilespmem:s5+$0xE980] =	vst v14;
	v8 =	vld.idx.msk [tilespmem:v8+s3+$0x0], $0xffff;
	v14 =	vadd.s32 $0x4, v3  }
0x1f5: {  	s20 =	sor.u32 s21, s15;
	v19 =	vadd.s32 $0x1, v4;
	v15 =	vld.idx.msk [tilespmem:v15+s3+$0x0], $0xffff;
	[tilespmem:s7+$0x12900] =	vst v9  }
0x1f6: {  	s14 =	sor.u32 $0x380, s20;
	s20 =	simm.s32 $0x300;
	v9 =	vadd.s32 $0x13, v6;
	[tilespmem:s1+$0x10780] =	vst v11;
	v10 =	vld.idx.msk [tilespmem:v10+s3+$0x0], $0xffff  }
0x1f7: {  	s21 =	sand.u32 $0x70, s17;
	s23 =	sand.u32 $0x1C00, s20;
	v11 =	vadd.s32 $0x8, v2;
	v12 =	vld.idx.msk [tilespmem:v12+s3+$0x0], $0xffff;
	[tilespmem:s6+$0x10980] =	vst v13  }
0x1f8: {  	s15 =	sor.u32 s21, s23;
	v13 =	vadd.s32 $0x17, v5;
	[tilespmem:s12+$0xE800] =	vst v16;
	v7 =	vld.idx.msk [tilespmem:v7+s3+$0x0], $0xffff  }
0x1f9: {  	v16 =	vadd.s32 $0xC, v1;
	[tilespmem:s15+$0xE680] =	vst v17;
	v14 =	vld.idx.msk [tilespmem:v14+s3+$0x0], $0xffff  }
0x1fa: {  	[tilespmem:s0+$0x12780] =	vst v8;
	v8 =	vadd.s32 $0x10, v0;
	v17 =	vld.idx.msk [tilespmem:v19+s3+$0x0], $0xffff  }
0x1fb: {  	[tilespmem:s14+$0xE680] =	vst v15;
	v9 =	vld.idx.msk [tilespmem:v9+s3+$0x0], $0xffff;
	v15 =	vadd.s32 $0x5, v3  }
0x1fc: {  	v11 =	vld.idx.msk [tilespmem:v11+s3+$0x0], $0xffff;
	[tilespmem:s7+$0x12980] =	vst v10;
	v10 =	vadd.s32 $0x14, v6  }
0x1fd: {  	[tilespmem:s1+$0x10800] =	vst v12;
	v12 =	vld.idx.msk [tilespmem:v13+s3+$0x0], $0xffff;
	v13 =	vadd.s32 $0x9, v2  }
0x1fe: {  	v5 =	vadd.s32 $0x18, v5;
	v16 =	vld.idx.msk [tilespmem:v16+s3+$0x0], $0xffff;
	[tilespmem:s13+$0x10680] =	vst v7  }
0x1ff: {  	[tilespmem:s12+$0xE880] =	vst v14;
	v7 =	vadd.s32 $0xD, v1;
	v8 =	vld.idx.msk [tilespmem:v8+s3+$0x0], $0xffff  }
0x200: {  	v14 =	vadd.s32 $0x2, v4;
	v15 =	vld.idx.msk [tilespmem:v15+s3+$0x0], $0xffff;
	[tilespmem:s0+$0x12800] =	vst v9  }
0x201: {  	[tilespmem:s5+$0x10680] =	vst v11;
	v10 =	vld.idx.msk [tilespmem:v10+s3+$0x0], $0xffff  }
0x202: {  	v9 =	vadd.s32 $0x11, v0;
	v13 =	vld.idx.msk [tilespmem:v13+s3+$0x0], $0xffff;
	[tilespmem:s16+$0x12680] =	vst v12  }
0x203: {  	v11 =	vadd.s32 $0x6, v3;
	[tilespmem:s1+$0x10880] =	vst v16;
	v16 =	vld.idx.msk [tilespmem:v5+s3+$0x0], $0xffff  }
0x204: {  	s21 =	simm.s32 $0x80;
	[tilespmem:s15+$0xE700] =	vst v17;
	v12 =	vadd.s32 $0x15, v6;
	v17 =	vld.idx.msk [tilespmem:v7+s3+$0x0], $0xffff  }
0x205: {  	s26 =	sand.u32 $0x3F0, s21;
	v5 =	vadd.s32 $0xA, v2;
	v14 =	vld.idx.msk [tilespmem:v14+s3+$0x0], $0xffff;
	[tilespmem:s6+$0x12680] =	vst v8  }
0x206: {  	v7 =	vld [tilespmem:s26+$0x680];
	[tilespmem:s12+$0xE900] =	vst v15;
	v8 =	vadd.s32 $0xE, v1  }
0x207: {  	v15 =	vadd.s32 $0x3, v4;
	v9 =	vld.idx.msk [tilespmem:v9+s3+$0x0], $0xffff;
	[tilespmem:s0+$0x12880] =	vst v10  }
0x208: {  	v11 =	vld.idx.msk [tilespmem:v11+s3+$0x0], $0xffff;
	v10 =	vadd.s32 $0x12, v0;
	[tilespmem:s5+$0x10700] =	vst v13  }
0x209: {  	v12 =	vld.idx.msk [tilespmem:v12+s3+$0x0], $0xffff;
	v13 =	vadd.s32 $0x7, v3;
	[tilespmem:s1+$0x10900] =	vst v17  }
0x20a: {  	s7 =	simm.s32 $0x14680;
	v19 =	vld.idx.msk [tilespmem:v5+s3+$0x0], $0xffff;
	v17 =	vadd.s32 $0x16, v6;
	[tilespmem:s15+$0xE780] =	vst v14  }
0x20b: {  	v5 =	vmul.u32 $0x19, v18;
	v14 =	vadd.s32 $0xB, v2;
	[tilespmem:s7+$0x0] =	vst v16;
	v8 =	vld.idx.msk [tilespmem:v8+s3+$0x0], $0xffff  }
0x20c: {  	v15 =	vld.idx.msk [tilespmem:v15+s3+$0x0], $0xffff;
	[tilespmem:s6+$0x12700] =	vst v9  }
0x20d: {  	[tilespmem:s12+$0xE980] =	vst v11;
	v9 =	vadd.s32 $0xF, v1;
	v10 =	vld.idx.msk [tilespmem:v10+s3+$0x0], $0xffff  }
0x20e: {  	v11 =	vadd.s32 $0x4, v4;
	v13 =	vld.idx.msk [tilespmem:v13+s3+$0x0], $0xffff;
	[tilespmem:s0+$0x12900] =	vst v12  }
0x20f: {  	v12 =	vadd.s32 $0x13, v0;
	[tilespmem:s5+$0x10780] =	vst v19;
	v17 =	vld.idx.msk [tilespmem:v17+s3+$0x0], $0xffff  }
0x210: {  	v16 =	vadd.s32 $0x8, v3;
	v14 =	vld.idx.msk [tilespmem:v14+s3+$0x0], $0xffff;
	[tilespmem:s1+$0x10980] =	vst v8  }
0x211: {  	s28 =	sor.u32 s25, s22;
	v18 =	vld.idx.msk [tilespmem:v5+s3+$0x0], $0xffff;
	v8 =	vadd.s32 $0x17, v6;
	[tilespmem:s15+$0xE800] =	vst v15  }
0x212: {  	s16 =	sor.u32 $0x380, s28;
	v15 =	vadd.s32 $0xC, v2;
	v9 =	vld.idx.msk [tilespmem:v9+s3+$0x0], $0xffff;
	[tilespmem:s6+$0x12780] =	vst v10  }
0x213: {  	s22 =	simm.s32 $0x380;
	v19 =	vadd.s32 $0x1, v5;
	v11 =	vld.idx.msk [tilespmem:v11+s3+$0x0], $0xffff;
	[tilespmem:s16+$0xE680] =	vst v13  }
0x214: {  	s29 =	sand.u32 $0x70, s18;
	s30 =	sand.u32 $0x1C00, s22;
	v10 =	vadd.s32 $0x10, v1;
	v12 =	vld.idx.msk [tilespmem:v12+s3+$0x0], $0xffff;
	[tilespmem:s0+$0x12980] =	vst v17  }
0x215: {  	v13 =	vadd.s32 $0x5, v4;
	v16 =	vld.idx.msk [tilespmem:v16+s3+$0x0], $0xffff;
	s0 =	sor.u32 s29, s30;
	[tilespmem:s5+$0x10800] =	vst v14  }
0x216: {  	v17 =	vadd.s32 $0x14, v0;
	v8 =	vld.idx.msk [tilespmem:v8+s3+$0x0], $0xffff;
	[tilespmem:s0+$0xE680] =	vst v18  }
0x217: {  	v18 =	vadd.s32 $0x9, v3;
	v15 =	vld.idx.msk [tilespmem:v15+s3+$0x0], $0xffff;
	[tilespmem:s11+$0x10680] =	vst v9  }
0x218: {  	v19 =	vld.idx.msk [tilespmem:v19+s3+$0x0], $0xffff;
	[tilespmem:s15+$0xE880] =	vst v11;
	v11 =	vadd.s32 $0xD, v2  }
0x219: {  	v6 =	vadd.s32 $0x18, v6;
	v63 =	vld.idx.msk [tilespmem:v10+s3+$0x0], $0xffff;
	[tilespmem:s6+$0x12800] =	vst v12  }
0x21a: {  	v21 =	vadd.s32 $0x2, v5;
	v14 =	vld.idx.msk [tilespmem:v13+s3+$0x0], $0xffff;
	[tilespmem:s12+$0x10680] =	vst v16  }
0x21b: {  	v9 =	vld.idx.msk [tilespmem:v17+s3+$0x0], $0xffff;
	[tilespmem:s19+$0x12680] =	vst v8;
	v8 =	vadd.s32 $0x11, v1  }
0x21c: {  	v12 =	vld.idx.msk [tilespmem:v18+s3+$0x0], $0xffff;
	[tilespmem:s5+$0x10880] =	vst v15;
	v15 =	vadd.s32 $0x6, v4  }
0x21d: {  	v10 =	vld.idx.msk [tilespmem:v11+s3+$0x0], $0xffff;
	v11 =	vadd.s32 $0x15, v0  }
0x21e: {  	v13 =	vadd.s32 $0xA, v3;
	v6 =	vld.idx.msk [tilespmem:v6+s3+$0x0], $0xffff;
	[tilespmem:s0+$0xE700] =	vst v19  }
0x21f: {  	s19 =	simm.s32 $0x90;
	v16 =	vld.idx.msk [tilespmem:v21+s3+$0x0], $0xffff;
	[tilespmem:s1+$0x12680] =	vst v63  }
.LBB2_4:
0x220: {  	p0 =	sne.s32 s19, $0x3F0;
	[tilespmem:s15+$0xE900] =	vst v14;
	v14 =	vadd.s32 $0xE, v2;
	v8 =	vld.idx.msk [tilespmem:v8+s3+$0x0], $0xffff  }
0x221: {  	v17 =	vadd.s32 $0x3, v5;
	v15 =	vld.idx.msk [tilespmem:v15+s3+$0x0], $0xffff;
	[tilespmem:s6+$0x12880] =	vst v9  }
0x222: {  	s7 =	sadd.s32 $0x10, s7;
	v9 =	vadd.s32 $0x12, v1;
	[tilespmem:s12+$0x10700] =	vst v12;
	v11 =	vld.idx.msk [tilespmem:v11+s3+$0x0], $0xffff  }
0x223: {  	s2 =	sand.u32 $0x3F0, s19;
	v12 =	vadd.s32 $0x7, v4;
	v13 =	vld.idx.msk [tilespmem:v13+s3+$0x0], $0xffff;
	[tilespmem:s7+$0x0] =	vst v6  }
0x224: {  	v6 =	vld [tilespmem:s2+$0x680];
	[tilespmem:s5+$0x10900] =	vst v10;
	v10 =	vadd.s32 $0x16, v0  }
0x225: {  	v18 =	vmul.u32 $0x19, v7;
	[tilespmem:s0+$0xE780] =	vst v16;
	v16 =	vadd.s32 $0xB, v3;
	v14 =	vld.idx.msk [tilespmem:v14+s3+$0x0], $0xffff  }
0x226: {  	v17 =	vld.idx.msk [tilespmem:v17+s3+$0x0], $0xffff;
	[tilespmem:s1+$0x12700] =	vst v8  }
0x227: {  	v8 =	vadd.s32 $0xF, v2;
	[tilespmem:s15+$0xE980] =	vst v15;
	v9 =	vld.idx.msk [tilespmem:v9+s3+$0x0], $0xffff  }
0x228: {  	v15 =	vadd.s32 $0x4, v5;
	v12 =	vld.idx.msk [tilespmem:v12+s3+$0x0], $0xffff;
	[tilespmem:s6+$0x12900] =	vst v11  }
0x229: {  	v11 =	vadd.s32 $0x13, v1;
	[tilespmem:s12+$0x10780] =	vst v13;
	v10 =	vld.idx.msk [tilespmem:v10+s3+$0x0], $0xffff;
	v7 =	vmov v6  }
0x22a: {  	v6 =	vadd.s32 $0x8, v4;
	v13 =	vld.idx.msk [tilespmem:v16+s3+$0x0], $0xffff  }
0x22b: {  	v16 =	vld.idx.msk [tilespmem:v18+s3+$0x0], $0xffff;
	[tilespmem:s5+$0x10980] =	vst v14;
	v14 =	vadd.s32 $0x17, v0  }
0x22c: {  	s2 =	sor.u32 s20, s17;
	s20 =	smov.u32 s22;
	s17 =	smov.u32 s18;
	[tilespmem:s0+$0xE800] =	vst v17;
	v17 =	vadd.s32 $0xC, v3;
	v8 =	vld.idx.msk [tilespmem:v8+s3+$0x0], $0xffff  }
0x22d: {  	v19 =	vadd.s32 $0x1, v18;
	s18 =	smov.u32 s21;
	s21 =	smov.u32 s19;
	s2 =	sor.u32 $0x380, s2;
	v15 =	vld.idx.msk [tilespmem:v15+s3+$0x0], $0xffff;
	[tilespmem:s1+$0x12780] =	vst v9  }
0x22e: {  	s22 =	sadd.s32 $0x80, s22;
	v9 =	vadd.s32 $0x10, v2;
	[tilespmem:s2+$0xE680] =	vst v12;
	v11 =	vld.idx.msk [tilespmem:v11+s3+$0x0], $0xffff  }
0x22f: {  	s25 =	sand.u32 $0x70, s18;
	s26 =	sand.u32 $0x1C00, s22;
	v12 =	vadd.s32 $0x5, v5;
	v6 =	vld.idx.msk [tilespmem:v6+s3+$0x0], $0xffff;
	[tilespmem:s6+$0x12980] =	vst v10;
	s6 =	smov.u32 s1  }
0x230: {  	s25 =	sor.u32 s25, s26;
	v10 =	vadd.s32 $0x14, v1;
	s1 =	smov.u32 s5;
	s5 =	smov.u32 s12;
	[tilespmem:s12+$0x10800] =	vst v13;
	v13 =	vld.idx.msk [tilespmem:v14+s3+$0x0], $0xffff  }
0x231: {  	s12 =	smov.u32 s15;
	s15 =	smov.u32 s0;
	s0 =	smov.u32 s25;
	[tilespmem:s25+$0xE680] =	vst v16;
	v16 =	vadd.s32 $0x9, v4;
	v17 =	vld.idx.msk [tilespmem:v17+s3+$0x0], $0xffff  }
0x232: {  	v20 =	vadd.s32 $0x18, v0;
	v0 =	vmovc v1;
	v1 =	vmovc v2;
	v2 =	vmov v3;
	v3 =	vmov v4;
	v19 =	vld.idx.msk [tilespmem:v19+s3+$0x0], $0xffff;
	[tilespmem:s14+$0x10680] =	vst v8  }
0x233: {  	v21 =	vadd.s32 $0xD, v2;
	v4 =	vmov v5;
	v5 =	vmov v18;
	[tilespmem:s15+$0xE880] =	vst v15;
	v22 =	vld.idx.msk [tilespmem:v9+s3+$0x0], $0xffff  }
0x234: {  	v18 =	vadd.s32 $0x2, v5;
	v14 =	vld.idx.msk [tilespmem:v12+s3+$0x0], $0xffff;
	[tilespmem:s6+$0x12800] =	vst v11  }
.Ltmp1:
0x235: {  	v8 =	vadd.s32 $0x11, v1;
	[tilespmem:s12+$0x10680] =	vst v6;
	v9 =	vld.idx.msk [tilespmem:v10+s3+$0x0], $0xffff;
	(pc) =	sbr.rel @p0 .LBB2_4-.Ltmp1, $4  }
0x236: {  	v15 =	vadd.s32 $0x6, v4;
	v12 =	vld.idx.msk [tilespmem:v16+s3+$0x0], $0xffff;
	[tilespmem:s13+$0x12680] =	vst v13;
	s13 =	smov.u32 s11;
	s11 =	smov.u32 s14;
	s14 =	smov.u32 s16  }
0x237: {  	v11 =	vadd.s32 $0x15, v0;
	s16 =	smov.u32 s2;
	[tilespmem:s5+$0x10880] =	vst v17;
	v6 =	vld.idx.msk [tilespmem:v20+s3+$0x0], $0xffff  }
0x238: {  	v13 =	vadd.s32 $0xA, v3;
	[tilespmem:s0+$0xE700] =	vst v19;
	v10 =	vld.idx.msk [tilespmem:v21+s3+$0x0], $0xffff  }
0x239: {  	s19 =	sadd.s32 $0x10, s19;
	v16 =	vld.idx.msk [tilespmem:v18+s3+$0x0], $0xffff;
	[tilespmem:s1+$0x12680] =	vst v22  }
0x23a: {  	v7 =	vmul.u32 $0x19, v7;
	_ =	sdelay $0x5  }
0x23b: {  	v17 =	vld.idx.msk [tilespmem:v7+s3+$0x0], $0xffff  }
0x23c: {  	v18 =	vadd.s32 $0x1, v7  }
0x23d: {  	s2 =	sadd.s32 $0x80, s22  }
0x23e: {  	s19 =	sand.u32 $0x70, s21;
	s25 =	sand.u32 $0x1C00, s2  }
0x23f: {  	s19 =	sor.u32 s19, s25  }
0x240: {  	[tilespmem:s19+$0xE680] =	vst v17  }
0x241: {  	v17 =	vld.idx.msk [tilespmem:v18+s3+$0x0], $0xffff  }
0x242: {  	v43 =	vadd.s32 $0x2, v7;
	_ =	sdelay $0x3  }
0x243: {  	[tilespmem:s19+$0xE700] =	vst v17  }
0x244: {  	v44 =	vadd.s32 $0x3, v5;
	v18 =	vld.idx.msk [tilespmem:v43+s3+$0x0], $0xffff  }
0x245: {  	v19 =	vadd.s32 $0x3, v7;
	_ =	sdelay $0x2  }
0x246: {  	[tilespmem:s0+$0xE780] =	vst v16  }
0x247: {  	v16 =	vld.idx.msk [tilespmem:v44+s3+$0x0], $0xffff;
	[tilespmem:s19+$0xE780] =	vst v18  }
0x248: {  	v45 =	vadd.s32 $0x4, v5;
	v18 =	vld.idx.msk [tilespmem:v19+s3+$0x0], $0xffff  }
0x249: {  	v46 =	vadd.s32 $0x4, v7;
	_ =	sdelay $0x2  }
0x24a: {  	[tilespmem:s0+$0xE800] =	vst v16  }
0x24b: {  	v16 =	vld.idx.msk [tilespmem:v45+s3+$0x0], $0xffff;
	[tilespmem:s19+$0xE800] =	vst v18  }
0x24c: {  	v47 =	vadd.s32 $0x5, v5;
	v18 =	vld.idx.msk [tilespmem:v46+s3+$0x0], $0xffff  }
0x24d: {  	v48 =	vadd.s32 $0x5, v7;
	_ =	sdelay $0x2  }
0x24e: {  	[tilespmem:s0+$0xE880] =	vst v16  }
0x24f: {  	v16 =	vld.idx.msk [tilespmem:v47+s3+$0x0], $0xffff;
	[tilespmem:s19+$0xE880] =	vst v18  }
0x250: {  	v49 =	vadd.s32 $0x6, v5;
	v18 =	vld.idx.msk [tilespmem:v48+s3+$0x0], $0xffff  }
0x251: {  	v50 =	vadd.s32 $0x6, v7;
	_ =	sdelay $0x1  }
0x252: {  	[tilespmem:s15+$0xE900] =	vst v14  }
0x253: {  	v14 =	vld.idx.msk [tilespmem:v15+s3+$0x0], $0xffff;
	[tilespmem:s0+$0xE900] =	vst v16  }
0x254: {  	v51 =	vadd.s32 $0x7, v4;
	v16 =	vld.idx.msk [tilespmem:v49+s3+$0x0], $0xffff;
	[tilespmem:s19+$0xE900] =	vst v18  }
0x255: {  	v52 =	vadd.s32 $0x7, v5;
	v18 =	vld.idx.msk [tilespmem:v50+s3+$0x0], $0xffff  }
0x256: {  	v53 =	vadd.s32 $0x7, v7;
	_ =	sdelay $0x1  }
0x257: {  	[tilespmem:s15+$0xE980] =	vst v14  }
0x258: {  	v14 =	vld.idx.msk [tilespmem:v51+s3+$0x0], $0xffff;
	[tilespmem:s0+$0xE980] =	vst v16  }
0x259: {  	v54 =	vadd.s32 $0x8, v4;
	v16 =	vld.idx.msk [tilespmem:v52+s3+$0x0], $0xffff;
	[tilespmem:s19+$0xE980] =	vst v18  }
0x25a: {  	v55 =	vadd.s32 $0x8, v5;
	v18 =	vld.idx.msk [tilespmem:v53+s3+$0x0], $0xffff  }
0x25b: {  	s17 =	sor.u32 s20, s17;
	v56 =	vadd.s32 $0x8, v7  }
0x25c: {  	s28 =	sor.u32 s22, s18;
	s29 =	sor.u32 $0x380, s17  }
0x25d: {  	s2 =	sor.u32 s2, s21;
	s30 =	sor.u32 $0x380, s28;
	[tilespmem:s29+$0xE680] =	vst v14  }
0x25e: {  	s2 =	sor.u32 $0x380, s2;
	v14 =	vld.idx.msk [tilespmem:v54+s3+$0x0], $0xffff;
	[tilespmem:s30+$0xE680] =	vst v16  }
0x25f: {  	v57 =	vadd.s32 $0x9, v4;
	v16 =	vld.idx.msk [tilespmem:v55+s3+$0x0], $0xffff;
	[tilespmem:s2+$0xE680] =	vst v18  }
0x260: {  	v58 =	vadd.s32 $0x9, v5;
	v18 =	vld.idx.msk [tilespmem:v56+s3+$0x0], $0xffff  }
0x261: {  	v59 =	vadd.s32 $0x9, v7;
	_ =	sdelay $0x1  }
0x262: {  	[tilespmem:s15+$0x10680] =	vst v14  }
0x263: {  	v14 =	vld.idx.msk [tilespmem:v57+s3+$0x0], $0xffff;
	[tilespmem:s0+$0x10680] =	vst v16  }
0x264: {  	v60 =	vadd.s32 $0xA, v4;
	v16 =	vld.idx.msk [tilespmem:v58+s3+$0x0], $0xffff;
	[tilespmem:s19+$0x10680] =	vst v18  }
0x265: {  	v61 =	vadd.s32 $0xA, v5;
	v18 =	vld.idx.msk [tilespmem:v59+s3+$0x0], $0xffff  }
0x266: {  	[tilespmem:s12+$0x10700] =	vst v12;
	v62 =	vadd.s32 $0xA, v7  }
0x267: {  	v12 =	vld.idx.msk [tilespmem:v13+s3+$0x0], $0xffff  }
0x268: {  	v63 =	vadd.s32 $0xB, v3;
	[tilespmem:s15+$0x10700] =	vst v14  }
0x269: {  	v14 =	vld.idx.msk [tilespmem:v60+s3+$0x0], $0xffff;
	[tilespmem:s0+$0x10700] =	vst v16  }
0x26a: {  	v21 =	vadd.s32 $0xB, v4;
	v16 =	vld.idx.msk [tilespmem:v61+s3+$0x0], $0xffff;
	[tilespmem:s19+$0x10700] =	vst v18  }
0x26b: {  	v22 =	vadd.s32 $0xB, v5;
	v18 =	vld.idx.msk [tilespmem:v62+s3+$0x0], $0xffff  }
0x26c: {  	v23 =	vadd.s32 $0xB, v7;
	[tilespmem:s12+$0x10780] =	vst v12  }
0x26d: {  	v12 =	vld.idx.msk [tilespmem:v63+s3+$0x0], $0xffff  }
0x26e: {  	v24 =	vadd.s32 $0xC, v3;
	[tilespmem:s15+$0x10780] =	vst v14  }
0x26f: {  	v14 =	vld.idx.msk [tilespmem:v21+s3+$0x0], $0xffff;
	[tilespmem:s0+$0x10780] =	vst v16  }
0x270: {  	v25 =	vadd.s32 $0xC, v4;
	v16 =	vld.idx.msk [tilespmem:v22+s3+$0x0], $0xffff;
	[tilespmem:s19+$0x10780] =	vst v18  }
0x271: {  	v26 =	vadd.s32 $0xC, v5;
	v18 =	vld.idx.msk [tilespmem:v23+s3+$0x0], $0xffff  }
0x272: {  	v27 =	vadd.s32 $0xC, v7;
	[tilespmem:s12+$0x10800] =	vst v12  }
0x273: {  	v12 =	vld.idx.msk [tilespmem:v24+s3+$0x0], $0xffff  }
0x274: {  	v28 =	vadd.s32 $0xD, v3;
	[tilespmem:s15+$0x10800] =	vst v14  }
0x275: {  	v14 =	vld.idx.msk [tilespmem:v25+s3+$0x0], $0xffff;
	[tilespmem:s0+$0x10800] =	vst v16  }
0x276: {  	v29 =	vadd.s32 $0xD, v4;
	v16 =	vld.idx.msk [tilespmem:v26+s3+$0x0], $0xffff;
	[tilespmem:s19+$0x10800] =	vst v18  }
0x277: {  	v30 =	vadd.s32 $0xD, v5;
	[tilespmem:s6+$0x12880] =	vst v9;
	v18 =	vld.idx.msk [tilespmem:v27+s3+$0x0], $0xffff  }
0x278: {  	s20 =	sadd.s32 $0x10, s7;
	v31 =	vadd.s32 $0xD, v7;
	[tilespmem:s12+$0x10880] =	vst v12  }
0x279: {  	v32 =	vadd.s32 $0xE, v2;
	[tilespmem:s20+$0x0] =	vst v6;
	v13 =	vld.idx.msk [tilespmem:v28+s3+$0x0], $0xffff  }
0x27a: {  	v33 =	vadd.s32 $0xE, v3;
	v8 =	vld.idx.msk [tilespmem:v8+s3+$0x0], $0xffff;
	[tilespmem:s15+$0x10880] =	vst v14  }
0x27b: {  	v15 =	vld.idx.msk [tilespmem:v29+s3+$0x0], $0xffff;
	[tilespmem:s0+$0x10880] =	vst v16  }
0x27c: {  	v34 =	vadd.s32 $0xE, v4;
	v17 =	vld.idx.msk [tilespmem:v30+s3+$0x0], $0xffff;
	[tilespmem:s19+$0x10880] =	vst v18  }
0x27d: {  	v35 =	vadd.s32 $0xE, v5;
	[tilespmem:s5+$0x10900] =	vst v10;
	v18 =	vld.idx.msk [tilespmem:v31+s3+$0x0], $0xffff  }
0x27e: {  	v36 =	vadd.s32 $0xE, v7;
	v12 =	vld.idx.msk [tilespmem:v32+s3+$0x0], $0xffff;
	[tilespmem:s12+$0x10900] =	vst v13  }
0x27f: {  	v38 =	vadd.s32 $0xF, v2;
	[tilespmem:s1+$0x12700] =	vst v8;
	v14 =	vld.idx.msk [tilespmem:v33+s3+$0x0], $0xffff  }
0x280: {  	v39 =	vadd.s32 $0xF, v3;
	v11 =	vld.idx.msk [tilespmem:v11+s3+$0x0], $0xffff;
	[tilespmem:s15+$0x10900] =	vst v15  }
0x281: {  	v37 =	vadd.s32 $0x16, v0;
	v16 =	vld.idx.msk [tilespmem:v34+s3+$0x0], $0xffff;
	[tilespmem:s0+$0x10900] =	vst v17  }
0x282: {  	v40 =	vadd.s32 $0xF, v4;
	v9 =	vld.idx.msk [tilespmem:v35+s3+$0x0], $0xffff;
	[tilespmem:s19+$0x10900] =	vst v18  }
0x283: {  	v41 =	vadd.s32 $0xF, v5;
	[tilespmem:s5+$0x10980] =	vst v12;
	v10 =	vld.idx.msk [tilespmem:v36+s3+$0x0], $0xffff  }
0x284: {  	v42 =	vadd.s32 $0xF, v7;
	[tilespmem:s12+$0x10980] =	vst v14;
	v15 =	vld.idx.msk [tilespmem:v38+s3+$0x0], $0xffff  }
0x285: {  	v44 =	vadd.s32 $0x10, v2;
	[tilespmem:s6+$0x12900] =	vst v11;
	v17 =	vld.idx.msk [tilespmem:v39+s3+$0x0], $0xffff  }
0x286: {  	v45 =	vadd.s32 $0x10, v3;
	v13 =	vld.idx.msk [tilespmem:v37+s3+$0x0], $0xffff;
	[tilespmem:s15+$0x10980] =	vst v16  }
0x287: {  	v43 =	vadd.s32 $0x17, v0;
	[tilespmem:s0+$0x10980] =	vst v9;
	v18 =	vld.idx.msk [tilespmem:v40+s3+$0x0], $0xffff  }
0x288: {  	v46 =	vadd.s32 $0x10, v4;
	v11 =	vld.idx.msk [tilespmem:v41+s3+$0x0], $0xffff;
	[tilespmem:s19+$0x10980] =	vst v10  }
0x289: {  	v47 =	vadd.s32 $0x10, v5;
	[tilespmem:s14+$0x10680] =	vst v15;
	v12 =	vld.idx.msk [tilespmem:v42+s3+$0x0], $0xffff  }
0x28a: {  	v48 =	vadd.s32 $0x10, v7;
	v16 =	vld.idx.msk [tilespmem:v44+s3+$0x0], $0xffff;
	[tilespmem:s16+$0x10680] =	vst v17  }
0x28b: {  	v49 =	vadd.s32 $0x11, v2;
	[tilespmem:s6+$0x12980] =	vst v13;
	v9 =	vld.idx.msk [tilespmem:v45+s3+$0x0], $0xffff  }
0x28c: {  	v50 =	vadd.s32 $0x11, v3;
	v14 =	vld.idx.msk [tilespmem:v43+s3+$0x0], $0xffff;
	[tilespmem:s29+$0x10680] =	vst v18  }
0x28d: {  	v55 =	vadd.s32 $0x12, v1;
	[tilespmem:s30+$0x10680] =	vst v11;
	v10 =	vld.idx.msk [tilespmem:v46+s3+$0x0], $0xffff  }
0x28e: {  	v51 =	vadd.s32 $0x11, v4;
	v13 =	vld.idx.msk [tilespmem:v47+s3+$0x0], $0xffff;
	[tilespmem:s2+$0x10680] =	vst v12  }
0x28f: {  	v52 =	vadd.s32 $0x11, v5;
	[tilespmem:s5+$0x12680] =	vst v16;
	v53 =	vld.idx.msk [tilespmem:v48+s3+$0x0], $0xffff  }
0x290: {  	v54 =	vadd.s32 $0x11, v7;
	v17 =	vld.idx.msk [tilespmem:v49+s3+$0x0], $0xffff;
	[tilespmem:s12+$0x12680] =	vst v9  }
0x291: {  	[tilespmem:s13+$0x12680] =	vst v14;
	v56 =	vadd.s32 $0x12, v2;
	v18 =	vld.idx.msk [tilespmem:v50+s3+$0x0], $0xffff  }
0x292: {  	v57 =	vadd.s32 $0x12, v3;
	v60 =	vld.idx.msk [tilespmem:v55+s3+$0x0], $0xffff;
	[tilespmem:s15+$0x12680] =	vst v10  }
0x293: {  	v62 =	vadd.s32 $0x13, v1;
	[tilespmem:s0+$0x12680] =	vst v13;
	v11 =	vld.idx.msk [tilespmem:v51+s3+$0x0], $0xffff  }
0x294: {  	v58 =	vadd.s32 $0x12, v4;
	v12 =	vld.idx.msk [tilespmem:v52+s3+$0x0], $0xffff;
	[tilespmem:s19+$0x12680] =	vst v53  }
0x295: {  	v59 =	vadd.s32 $0x12, v5;
	[tilespmem:s5+$0x12700] =	vst v17;
	v14 =	vld.idx.msk [tilespmem:v54+s3+$0x0], $0xffff  }
0x296: {  	v61 =	vadd.s32 $0x12, v7;
	v9 =	vld.idx.msk [tilespmem:v56+s3+$0x0], $0xffff;
	[tilespmem:s12+$0x12700] =	vst v18  }
0x297: {  	v63 =	vadd.s32 $0x13, v2;
	[tilespmem:s1+$0x12780] =	vst v60;
	v10 =	vld.idx.msk [tilespmem:v57+s3+$0x0], $0xffff  }
0x298: {  	v21 =	vadd.s32 $0x13, v3;
	v25 =	vld.idx.msk [tilespmem:v62+s3+$0x0], $0xffff;
	[tilespmem:s15+$0x12700] =	vst v11  }
0x299: {  	v27 =	vadd.s32 $0x14, v1;
	[tilespmem:s0+$0x12700] =	vst v12;
	v13 =	vld.idx.msk [tilespmem:v58+s3+$0x0], $0xffff  }
0x29a: {  	v22 =	vadd.s32 $0x13, v4;
	v8 =	vld.idx.msk [tilespmem:v59+s3+$0x0], $0xffff;
	[tilespmem:s19+$0x12700] =	vst v14  }
0x29b: {  	v23 =	vadd.s32 $0x13, v5;
	[tilespmem:s5+$0x12780] =	vst v9;
	v24 =	vld.idx.msk [tilespmem:v61+s3+$0x0], $0xffff  }
0x29c: {  	v26 =	vadd.s32 $0x13, v7;
	v18 =	vld.idx.msk [tilespmem:v63+s3+$0x0], $0xffff;
	[tilespmem:s12+$0x12780] =	vst v10  }
0x29d: {  	v28 =	vadd.s32 $0x14, v2;
	[tilespmem:s1+$0x12800] =	vst v25;
	v11 =	vld.idx.msk [tilespmem:v21+s3+$0x0], $0xffff  }
0x29e: {  	v29 =	vadd.s32 $0x14, v3;
	v16 =	vld.idx.msk [tilespmem:v27+s3+$0x0], $0xffff;
	[tilespmem:s15+$0x12780] =	vst v13  }
0x29f: {  	v33 =	vadd.s32 $0x15, v1;
	[tilespmem:s0+$0x12780] =	vst v8;
	v12 =	vld.idx.msk [tilespmem:v22+s3+$0x0], $0xffff  }
0x2a0: {  	v30 =	vadd.s32 $0x14, v4;
	v14 =	vld.idx.msk [tilespmem:v23+s3+$0x0], $0xffff;
	[tilespmem:s19+$0x12780] =	vst v24  }
0x2a1: {  	v31 =	vadd.s32 $0x14, v5;
	[tilespmem:s5+$0x12800] =	vst v18;
	v9 =	vld.idx.msk [tilespmem:v26+s3+$0x0], $0xffff  }
0x2a2: {  	v32 =	vadd.s32 $0x14, v7;
	v10 =	vld.idx.msk [tilespmem:v28+s3+$0x0], $0xffff;
	[tilespmem:s12+$0x12800] =	vst v11  }
0x2a3: {  	v34 =	vadd.s32 $0x15, v2;
	[tilespmem:s1+$0x12880] =	vst v16;
	v13 =	vld.idx.msk [tilespmem:v29+s3+$0x0], $0xffff  }
0x2a4: {  	v35 =	vadd.s32 $0x15, v3;
	v39 =	vld.idx.msk [tilespmem:v33+s3+$0x0], $0xffff;
	[tilespmem:s15+$0x12800] =	vst v12  }
0x2a5: {  	v41 =	vadd.s32 $0x16, v1;
	[tilespmem:s0+$0x12800] =	vst v14;
	v8 =	vld.idx.msk [tilespmem:v30+s3+$0x0], $0xffff  }
0x2a6: {  	v36 =	vadd.s32 $0x15, v4;
	v15 =	vld.idx.msk [tilespmem:v31+s3+$0x0], $0xffff;
	[tilespmem:s19+$0x12800] =	vst v9  }
0x2a7: {  	v37 =	vadd.s32 $0x15, v5;
	[tilespmem:s5+$0x12880] =	vst v10;
	v38 =	vld.idx.msk [tilespmem:v32+s3+$0x0], $0xffff  }
0x2a8: {  	v40 =	vadd.s32 $0x15, v7;
	v11 =	vld.idx.msk [tilespmem:v34+s3+$0x0], $0xffff;
	[tilespmem:s12+$0x12880] =	vst v13  }
0x2a9: {  	[tilespmem:s1+$0x12900] =	vst v39;
	v42 =	vadd.s32 $0x16, v2;
	v12 =	vld.idx.msk [tilespmem:v35+s3+$0x0], $0xffff  }
0x2aa: {  	v43 =	vadd.s32 $0x16, v3;
	v17 =	vld.idx.msk [tilespmem:v41+s3+$0x0], $0xffff;
	[tilespmem:s15+$0x12880] =	vst v8  }
0x2ab: {  	v47 =	vadd.s32 $0x17, v1;
	[tilespmem:s0+$0x12880] =	vst v15;
	v14 =	vld.idx.msk [tilespmem:v36+s3+$0x0], $0xffff  }
0x2ac: {  	v44 =	vadd.s32 $0x16, v4;
	v9 =	vld.idx.msk [tilespmem:v37+s3+$0x0], $0xffff;
	[tilespmem:s19+$0x12880] =	vst v38  }
0x2ad: {  	v45 =	vadd.s32 $0x16, v5;
	[tilespmem:s5+$0x12900] =	vst v11;
	v10 =	vld.idx.msk [tilespmem:v40+s3+$0x0], $0xffff  }
0x2ae: {  	v46 =	vadd.s32 $0x16, v7;
	v13 =	vld.idx.msk [tilespmem:v42+s3+$0x0], $0xffff;
	[tilespmem:s12+$0x12900] =	vst v12  }
0x2af: {  	[tilespmem:s1+$0x12980] =	vst v17;
	v48 =	vadd.s32 $0x17, v2;
	v8 =	vld.idx.msk [tilespmem:v43+s3+$0x0], $0xffff  }
0x2b0: {  	v49 =	vadd.s32 $0x17, v3;
	v52 =	vld.idx.msk [tilespmem:v47+s3+$0x0], $0xffff;
	[tilespmem:s15+$0x12900] =	vst v14  }
0x2b1: {  	v55 =	vadd.s32 $0x18, v0;
	[tilespmem:s0+$0x12900] =	vst v9;
	v15 =	vld.idx.msk [tilespmem:v44+s3+$0x0], $0xffff  }
0x2b2: {  	v50 =	vadd.s32 $0x17, v4;
	v16 =	vld.idx.msk [tilespmem:v45+s3+$0x0], $0xffff;
	[tilespmem:s19+$0x12900] =	vst v10  }
0x2b3: {  	v51 =	vadd.s32 $0x17, v5;
	[tilespmem:s5+$0x12980] =	vst v13;
	v11 =	vld.idx.msk [tilespmem:v46+s3+$0x0], $0xffff  }
0x2b4: {  	v53 =	vadd.s32 $0x17, v7;
	v54 =	vld.idx.msk [tilespmem:v48+s3+$0x0], $0xffff;
	[tilespmem:s12+$0x12980] =	vst v8  }
0x2b5: {  	v57 =	vadd.s32 $0x18, v1;
	[tilespmem:s11+$0x12680] =	vst v52;
	v56 =	vld.idx.msk [tilespmem:v49+s3+$0x0], $0xffff  }
0x2b6: {  	v0 =	vld.idx.msk [tilespmem:v55+s3+$0x0], $0xffff;
	v58 =	vadd.s32 $0x18, v2;
	[tilespmem:s15+$0x12980] =	vst v15  }
0x2b7: {  	v59 =	vadd.s32 $0x18, v3;
	[tilespmem:s0+$0x12980] =	vst v16;
	v9 =	vld.idx.msk [tilespmem:v50+s3+$0x0], $0xffff  }
0x2b8: {  	v60 =	vadd.s32 $0x18, v4;
	v10 =	vld.idx.msk [tilespmem:v51+s3+$0x0], $0xffff;
	[tilespmem:s19+$0x12980] =	vst v11  }
0x2b9: {  	v61 =	vadd.s32 $0x18, v5;
	[tilespmem:s14+$0x12680] =	vst v54;
	v11 =	vld.idx.msk [tilespmem:v53+s3+$0x0], $0xffff  }
0x2ba: {  	v1 =	vld.idx.msk [tilespmem:v57+s3+$0x0], $0xffff;
	v7 =	vadd.s32 $0x18, v7;
	[tilespmem:s16+$0x12680] =	vst v56;
	s0 =	sadd.s32 $0x10, s20  }
0x2bb: {  	v2 =	vld.idx.msk [tilespmem:v58+s3+$0x0], $0xffff;
	[tilespmem:s0+$0x0] =	vst v0  }
0x2bc: {  	v3 =	vld.idx.msk [tilespmem:v59+s3+$0x0], $0xffff;
	[tilespmem:s29+$0x12680] =	vst v9  }
0x2bd: {  	[tilespmem:s30+$0x12680] =	vst v10;
	v4 =	vld.idx.msk [tilespmem:v60+s3+$0x0], $0xffff  }
0x2be: {  	s0 =	sadd.s32 $0x10, s0;
	v62 =	vld.idx.msk [tilespmem:v61+s3+$0x0], $0xffff;
	[tilespmem:s2+$0x12680] =	vst v11  }
0x2bf: {  	[tilespmem:s0+$0x0] =	vst v1;
	s0 =	sadd.s32 $0x10, s0;
	v63 =	vld.idx.msk [tilespmem:v7+s3+$0x0], $0xffff  }
0x2c0: {  	[tilespmem:s0+$0x0] =	vst v2;
	s0 =	sadd.s32 $0x10, s0  }
0x2c1: {  	[tilespmem:s0+$0x0] =	vst v3;
	s0 =	sadd.s32 $0x10, s0  }
0x2c2: {  	[tilespmem:s0+$0x0] =	vst v4;
	s0 =	sadd.s32 $0x10, s0  }
0x2c3: {  	[tilespmem:s0+$0x0] =	vst v62;
	s0 =	sadd.s32 $0x10, s0  }
0x2c4: {  	[tilespmem:s0+$0x0] =	vst v63  }
0x2c5: {  	s21 =	simm.s32 $0xE680;
	s0 =	rddreg [dreg:$0xa]  }
0x2c6: {  	[hbm4b:s0+s3] =	stream.linear.scatter [tilespmem:s21], [sflag:$0x1], $0x2000, $0x38;
	[tilespmem:$0x14A80] =	vst v63  }
0x2c7: {  	s23 =	simm.s32 $0x10680;
	s22 =	rddreg [dreg:$0xb]  }
0x2c8: {  	[hbm4b:s22+s3] =	stream.linear.scatter [tilespmem:s23], [sflag:$0x1], $0x2000, $0x38;
	[tilespmem:$0x14A80] =	vst v63  }
0x2c9: {  	s26 =	simm.s32 $0x12680;
	s1 =	simm.s32 $0x1;
	s25 =	rddreg [dreg:$0xc]  }
0x2ca: {  	[hbm4b:s25+s3] =	stream.linear.scatter [tilespmem:s26], [sflag:$0x1], $0x2000, $0x38;
	[tilespmem:$0x14A80] =	vst v63  }
0x2cb: {  	s29 =	simm.s32 $0x80;
	s30 =	simm.s32 $0x14680;
	s28 =	rddreg [dreg:$0xd]  }
0x2cc: {  	[hbm4b:s28+s29] =	stream.strided.scatter [tilespmem:s30], [sflag:$0x1], $0x400, s24, s29, $0x38;
	[tilespmem:$0x14A80] =	vst v63  }
.LBB2_6:
0x2cd: {  	_ =	swait.ge [sflag:s31], $0x2000  }
0x2ce: {  	[sflag:s31] =	ssyncset.done $0x0  }
0x2cf: {  	[sflag:s31] =	ssyncadd.s32 $0xFFFFE000  }
0x2d0: {  	_ =	swait.ge [sflag:s31], $0x2000  }
0x2d1: {  	[sflag:s31] =	ssyncset.done $0x0  }
0x2d2: {  	[sflag:s31] =	ssyncadd.s32 $0xFFFFE000  }
0x2d3: {  	_ =	swait.ge [sflag:s31], $0x2000  }
0x2d4: {  	s5 =	sshll.u32 s1, $0xB;
	[sflag:s31] =	ssyncset.done $0x0  }
0x2d5: {  	s11 =	simm.s32 $0x0;
	s0 =	sand.u32 $0x3FFFF800, s5;
	[sflag:s31] =	ssyncadd.s32 $0xFFFFE000  }
0x2d6: {  	s22 =	sand.u32 $0x380, s11;
	s16 =	sor.u32 $0x280, s0;
	_ =	swait.ge [sflag:s31], $0x400  }
0x2d7: {  	s2 =	sand.u32 $0x70, s11;
	s0 =	sadd.s32 s22, s16;
	[sflag:s31] =	ssyncset.done $0x0  }
0x2d8: {  	s0 =	sadd.s32 s2, s0;
	[sflag:s31] =	ssyncadd.s32 $0xFFFFFC00  }
0x2d9: {  	v0 =	vld [tilespmem:s0+$0x0];
	_ =	sdelay $0x4  }
0x2da: {  	v5 =	vmul.u32 $0x19, v0;
	_ =	sdelay $0x5  }
0x2db: {  	v0 =	vld.idx.msk [tilespmem:v5+s3+$0x0], $0xffff  }
0x2dc: {  	v1 =	vadd.s32 $0x1, v5;
	_ =	sdelay $0x1  }
0x2dd: {  	s23 =	sand.u32 $0x1C00, s11  }
0x2de: {  	s7 =	sor.u32 s2, s23  }
0x2df: {  	[tilespmem:s7+$0x8280] =	vst v0  }
0x2e0: {  	v0 =	vld.idx.msk [tilespmem:v1+s3+$0x0], $0xffff  }
0x2e1: {  	s25 =	simm.s32 $0x10;
	v1 =	vadd.s32 $0x2, v5  }
0x2e2: {  	s15 =	sand.u32 $0x380, s25  }
0x2e3: {  	s12 =	sand.u32 $0x70, s25;
	s0 =	sadd.s32 s15, s16  }
0x2e4: {  	s0 =	sadd.s32 s12, s0  }
0x2e5: {  	v2 =	vld [tilespmem:s0+$0x0];
	[tilespmem:s7+$0x8300] =	vst v0  }
0x2e6: {  	v0 =	vld.idx.msk [tilespmem:v1+s3+$0x0], $0xffff  }
0x2e7: {  	v1 =	vadd.s32 $0x3, v5;
	_ =	sdelay $0x2  }
0x2e8: {  	v6 =	vmul.u32 $0x19, v2  }
0x2e9: {  	[tilespmem:s7+$0x8380] =	vst v0  }
0x2ea: {  	v0 =	vld.idx.msk [tilespmem:v1+s3+$0x0], $0xffff  }
0x2eb: {  	v1 =	vadd.s32 $0x4, v5;
	_ =	sdelay $0x2  }
0x2ec: {  	v2 =	vld.idx.msk [tilespmem:v6+s3+$0x0], $0xffff  }
0x2ed: {  	[tilespmem:s7+$0x8400] =	vst v0;
	v0 =	vadd.s32 $0x1, v6  }
0x2ee: {  	s6 =	simm.s32 $0x80;
	v1 =	vld.idx.msk [tilespmem:v1+s3+$0x0], $0xffff  }
0x2ef: {  	s17 =	sand.u32 $0x1C00, s6;
	v3 =	vadd.s32 $0x5, v5  }
0x2f0: {  	s19 =	sor.u32 s12, s17  }
0x2f1: {  	[tilespmem:s19+$0x8280] =	vst v2  }
0x2f2: {  	v0 =	vld.idx.msk [tilespmem:v0+s3+$0x0], $0xffff  }
0x2f3: {  	s0 =	simm.s32 $0x20;
	[tilespmem:s7+$0x8480] =	vst v1;
	v1 =	vadd.s32 $0x2, v6  }
0x2f4: {  	s18 =	sand.u32 $0x380, s0;
	v2 =	vld.idx.msk [tilespmem:v3+s3+$0x0], $0xffff  }
0x2f5: {  	s13 =	sand.u32 $0x70, s0;
	s12 =	sadd.s32 s18, s16;
	v3 =	vadd.s32 $0x6, v5  }
0x2f6: {  	s12 =	sadd.s32 s13, s12  }
0x2f7: {  	v4 =	vld [tilespmem:s12+$0x0];
	[tilespmem:s19+$0x8300] =	vst v0  }
0x2f8: {  	v0 =	vld.idx.msk [tilespmem:v1+s3+$0x0], $0xffff  }
0x2f9: {  	[tilespmem:s7+$0x8500] =	vst v2;
	v2 =	vadd.s32 $0x3, v6  }
0x2fa: {  	v3 =	vld.idx.msk [tilespmem:v3+s3+$0x0], $0xffff  }
0x2fb: {  	v7 =	vadd.s32 $0x7, v5  }
0x2fc: {  	v1 =	vmul.u32 $0x19, v4  }
0x2fd: {  	[tilespmem:s19+$0x8380] =	vst v0  }
0x2fe: {  	v0 =	vld.idx.msk [tilespmem:v2+s3+$0x0], $0xffff  }
0x2ff: {  	v2 =	vadd.s32 $0x4, v6;
	[tilespmem:s7+$0x8580] =	vst v3  }
0x300: {  	v3 =	vld.idx.msk [tilespmem:v7+s3+$0x0], $0xffff  }
0x301: {  	v4 =	vadd.s32 $0x8, v5  }
0x302: {  	v7 =	vld.idx.msk [tilespmem:v1+s3+$0x0], $0xffff  }
0x303: {  	s11 =	sor.u32 s11, s11;
	[tilespmem:s19+$0x8400] =	vst v0;
	v0 =	vadd.s32 $0x1, v1  }
0x304: {  	s20 =	simm.s32 $0x100;
	s26 =	sor.u32 $0x380, s11;
	v2 =	vld.idx.msk [tilespmem:v2+s3+$0x0], $0xffff  }
0x305: {  	s21 =	sand.u32 $0x1C00, s20;
	[tilespmem:s26+$0x8280] =	vst v3;
	v3 =	vadd.s32 $0x5, v6  }
0x306: {  	s12 =	sor.u32 s13, s21;
	v4 =	vld.idx.msk [tilespmem:v4+s3+$0x0], $0xffff  }
0x307: {  	[tilespmem:s12+$0x8280] =	vst v7;
	v7 =	vadd.s32 $0x9, v5  }
0x308: {  	v0 =	vld.idx.msk [tilespmem:v0+s3+$0x0], $0xffff  }
0x309: {  	s13 =	simm.s32 $0x30;
	[tilespmem:s19+$0x8480] =	vst v2;
	v2 =	vadd.s32 $0x2, v1  }
0x30a: {  	s14 =	sand.u32 $0x380, s13;
	v3 =	vld.idx.msk [tilespmem:v3+s3+$0x0], $0xffff  }
0x30b: {  	s15 =	sand.u32 $0x70, s13;
	s14 =	sadd.s32 s14, s16;
	[tilespmem:s7+$0xA280] =	vst v4;
	v4 =	vadd.s32 $0x6, v6  }
0x30c: {  	s14 =	sadd.s32 s15, s14;
	v7 =	vld.idx.msk [tilespmem:v7+s3+$0x0], $0xffff  }
0x30d: {  	v8 =	vld [tilespmem:s14+$0x0];
	[tilespmem:s12+$0x8300] =	vst v0;
	v0 =	vadd.s32 $0xA, v5  }
0x30e: {  	v2 =	vld.idx.msk [tilespmem:v2+s3+$0x0], $0xffff  }
0x30f: {  	[tilespmem:s19+$0x8500] =	vst v3;
	v3 =	vadd.s32 $0x3, v1  }
0x310: {  	v4 =	vld.idx.msk [tilespmem:v4+s3+$0x0], $0xffff  }
0x311: {  	[tilespmem:s7+$0xA300] =	vst v7;
	v7 =	vadd.s32 $0x7, v6  }
0x312: {  	v9 =	vld.idx.msk [tilespmem:v0+s3+$0x0], $0xffff  }
0x313: {  	v0 =	vmul.u32 $0x19, v8;
	[tilespmem:s12+$0x8380] =	vst v2;
	v2 =	vadd.s32 $0xB, v5  }
0x314: {  	v3 =	vld.idx.msk [tilespmem:v3+s3+$0x0], $0xffff  }
0x315: {  	[tilespmem:s19+$0x8580] =	vst v4;
	v4 =	vadd.s32 $0x4, v1  }
0x316: {  	v7 =	vld.idx.msk [tilespmem:v7+s3+$0x0], $0xffff  }
0x317: {  	v8 =	vadd.s32 $0x8, v6;
	[tilespmem:s7+$0xA380] =	vst v9  }
0x318: {  	v2 =	vld.idx.msk [tilespmem:v2+s3+$0x0], $0xffff  }
0x319: {  	s2 =	sor.u32 s6, s25;
	v9 =	vld.idx.msk [tilespmem:v0+s3+$0x0], $0xffff;
	[tilespmem:s12+$0x8400] =	vst v3;
	v3 =	vadd.s32 $0xC, v5  }
0x31a: {  	s21 =	sor.u32 $0x380, s2;
	v10 =	vadd.s32 $0x1, v0;
	v4 =	vld.idx.msk [tilespmem:v4+s3+$0x0], $0xffff  }
0x31b: {  	s2 =	simm.s32 $0x180;
	[tilespmem:s21+$0x8280] =	vst v7;
	v7 =	vadd.s32 $0x5, v1  }
0x31c: {  	s22 =	sand.u32 $0x1C00, s2;
	v8 =	vld.idx.msk [tilespmem:v8+s3+$0x0], $0xffff  }
0x31d: {  	s6 =	sor.u32 s15, s22;
	[tilespmem:s7+$0xA400] =	vst v2;
	v2 =	vadd.s32 $0x9, v6  }
0x31e: {  	[tilespmem:s6+$0x8280] =	vst v9;
	v3 =	vld.idx.msk [tilespmem:v3+s3+$0x0], $0xffff  }
0x31f: {  	s17 =	simm.s32 $0x40;
	v9 =	vld.idx.msk [tilespmem:v10+s3+$0x0], $0xffff;
	[tilespmem:s12+$0x8480] =	vst v4;
	v4 =	vadd.s32 $0xD, v5  }
0x320: {  	s23 =	sand.u32 $0x380, s17;
	v10 =	vadd.s32 $0x2, v0;
	v7 =	vld.idx.msk [tilespmem:v7+s3+$0x0], $0xffff  }
0x321: {  	s25 =	sand.u32 $0x70, s17;
	s14 =	sadd.s32 s23, s16;
	[tilespmem:s19+$0xA280] =	vst v8;
	v8 =	vadd.s32 $0x6, v1  }
0x322: {  	s14 =	sadd.s32 s25, s14;
	v2 =	vld.idx.msk [tilespmem:v2+s3+$0x0], $0xffff  }
0x323: {  	v11 =	vld [tilespmem:s14+$0x0];
	[tilespmem:s7+$0xA480] =	vst v3;
	v3 =	vadd.s32 $0xA, v6  }
0x324: {  	[tilespmem:s6+$0x8300] =	vst v9;
	v4 =	vld.idx.msk [tilespmem:v4+s3+$0x0], $0xffff  }
0x325: {  	v9 =	vld.idx.msk [tilespmem:v10+s3+$0x0], $0xffff;
	[tilespmem:s12+$0x8500] =	vst v7;
	v7 =	vadd.s32 $0xE, v5  }
0x326: {  	v10 =	vadd.s32 $0x3, v0;
	v8 =	vld.idx.msk [tilespmem:v8+s3+$0x0], $0xffff  }
0x327: {  	v12 =	vadd.s32 $0x7, v1;
	[tilespmem:s19+$0xA300] =	vst v2  }
0x328: {  	v3 =	vld.idx.msk [tilespmem:v3+s3+$0x0], $0xffff  }
0x329: {  	v2 =	vmul.u32 $0x19, v11;
	[tilespmem:s7+$0xA500] =	vst v4;
	v4 =	vadd.s32 $0xB, v6  }
0x32a: {  	[tilespmem:s6+$0x8380] =	vst v9;
	v7 =	vld.idx.msk [tilespmem:v7+s3+$0x0], $0xffff  }
0x32b: {  	v9 =	vld.idx.msk [tilespmem:v10+s3+$0x0], $0xffff;
	[tilespmem:s12+$0x8580] =	vst v8;
	v8 =	vadd.s32 $0xF, v5  }
0x32c: {  	v10 =	vadd.s32 $0x4, v0;
	v11 =	vld.idx.msk [tilespmem:v12+s3+$0x0], $0xffff  }
0x32d: {  	[tilespmem:s19+$0xA380] =	vst v3;
	v3 =	vadd.s32 $0x8, v1  }
0x32e: {  	v4 =	vld.idx.msk [tilespmem:v4+s3+$0x0], $0xffff  }
0x32f: {  	s0 =	sor.u32 s20, s0;
	v12 =	vld.idx.msk [tilespmem:v2+s3+$0x0], $0xffff;
	[tilespmem:s7+$0xA580] =	vst v7;
	v7 =	vadd.s32 $0xC, v6  }
0x330: {  	s14 =	sor.u32 $0x380, s0;
	[tilespmem:s6+$0x8400] =	vst v9;
	v9 =	vadd.s32 $0x1, v2;
	v8 =	vld.idx.msk [tilespmem:v8+s3+$0x0], $0xffff  }
0x331: {  	s18 =	simm.s32 $0x200;
	v10 =	vld.idx.msk [tilespmem:v10+s3+$0x0], $0xffff;
	[tilespmem:s14+$0x8280] =	vst v11;
	v11 =	vadd.s32 $0x10, v5  }
0x332: {  	s20 =	sand.u32 $0x1C00, s18;
	v13 =	vadd.s32 $0x5, v0;
	v3 =	vld.idx.msk [tilespmem:v3+s3+$0x0], $0xffff  }
0x333: {  	s11 =	sor.u32 s25, s20;
	[tilespmem:s19+$0xA400] =	vst v4;
	v4 =	vadd.s32 $0x9, v1  }
0x334: {  	[tilespmem:s11+$0x8280] =	vst v12;
	v7 =	vld.idx.msk [tilespmem:v7+s3+$0x0], $0xffff  }
0x335: {  	s29 =	simm.s32 $0x50;
	v9 =	vld.idx.msk [tilespmem:v9+s3+$0x0], $0xffff;
	[tilespmem:s26+$0xA280] =	vst v8;
	v8 =	vadd.s32 $0xD, v6  }
0x336: {  	s22 =	sand.u32 $0x380, s29;
	[tilespmem:s6+$0x8480] =	vst v10;
	v10 =	vld.idx.msk [tilespmem:v11+s3+$0x0], $0xffff;
	v11 =	vadd.s32 $0x2, v2  }
0x337: {  	s23 =	sand.u32 $0x70, s29;
	s0 =	sadd.s32 s22, s16;
	v12 =	vld.idx.msk [tilespmem:v13+s3+$0x0], $0xffff;
	[tilespmem:s12+$0xA280] =	vst v3;
	v3 =	vadd.s32 $0x11, v5  }
0x338: {  	s0 =	sadd.s32 s23, s0;
	v13 =	vadd.s32 $0x6, v0;
	v4 =	vld.idx.msk [tilespmem:v4+s3+$0x0], $0xffff  }
0x339: {  	v14 =	vld [tilespmem:s0+$0x0];
	[tilespmem:s19+$0xA480] =	vst v7;
	v7 =	vadd.s32 $0xA, v1  }
0x33a: {  	[tilespmem:s11+$0x8300] =	vst v9;
	v8 =	vld.idx.msk [tilespmem:v8+s3+$0x0], $0xffff  }
0x33b: {  	s0 =	simm.s32 $0x60;
	v9 =	vld.idx.msk [tilespmem:v11+s3+$0x0], $0xffff;
	[tilespmem:s7+$0xC280] =	vst v10;
	v10 =	vadd.s32 $0xE, v6  }
0x33c: {  	s20 =	sand.u32 $0x380, s0;
	[tilespmem:s6+$0x8500] =	vst v12;
	v12 =	vadd.s32 $0x3, v2;
	v11 =	vld.idx.msk [tilespmem:v3+s3+$0x0], $0xffff  }
0x33d: {  	s28 =	sand.u32 $0x70, s0;
	s20 =	sadd.s32 s20, s16;
	v13 =	vld.idx.msk [tilespmem:v13+s3+$0x0], $0xffff;
	[tilespmem:s12+$0xA300] =	vst v4;
	v4 =	vadd.s32 $0x12, v5  }
0x33e: {  	s20 =	sadd.s32 s28, s20;
	v15 =	vadd.s32 $0x7, v0;
	v7 =	vld.idx.msk [tilespmem:v7+s3+$0x0], $0xffff  }
0x33f: {  	v16 =	vld [tilespmem:s20+$0x0];
	v3 =	vmul.u32 $0x19, v14;
	[tilespmem:s19+$0xA500] =	vst v8;
	v8 =	vadd.s32 $0xB, v1  }
0x340: {  	[tilespmem:s11+$0x8380] =	vst v9;
	v9 =	vld.idx.msk [tilespmem:v10+s3+$0x0], $0xffff  }
0x341: {  	v10 =	vld.idx.msk [tilespmem:v12+s3+$0x0], $0xffff;
	[tilespmem:s7+$0xC300] =	vst v11;
	v11 =	vadd.s32 $0xF, v6  }
0x342: {  	[tilespmem:s6+$0x8580] =	vst v13;
	v12 =	vadd.s32 $0x4, v2;
	v4 =	vld.idx.msk [tilespmem:v4+s3+$0x0], $0xffff  }
0x343: {  	v13 =	vld.idx.msk [tilespmem:v15+s3+$0x0], $0xffff;
	[tilespmem:s12+$0xA380] =	vst v7;
	v7 =	vadd.s32 $0x13, v5  }
0x344: {  	v14 =	vadd.s32 $0x8, v0;
	v8 =	vld.idx.msk [tilespmem:v8+s3+$0x0], $0xffff  }
0x345: {  	v15 =	vld.idx.msk [tilespmem:v3+s3+$0x0], $0xffff;
	[tilespmem:s19+$0xA580] =	vst v9;
	v9 =	vadd.s32 $0xC, v1  }
0x346: {  	s2 =	sor.u32 s2, s13;
	[tilespmem:s11+$0x8400] =	vst v10;
	v10 =	vld.idx.msk [tilespmem:v11+s3+$0x0], $0xffff;
	v11 =	vadd.s32 $0x1, v3  }
0x347: {  	s13 =	sor.u32 $0x380, s2;
	s25 =	simm.s32 $0x280;
	v12 =	vld.idx.msk [tilespmem:v12+s3+$0x0], $0xffff;
	[tilespmem:s7+$0xC380] =	vst v4;
	v4 =	vadd.s32 $0x10, v6  }
0x348: {  	s22 =	sand.u32 $0x1C00, s25;
	[tilespmem:s13+$0x8280] =	vst v13;
	v13 =	vadd.s32 $0x5, v2;
	v7 =	vld.idx.msk [tilespmem:v7+s3+$0x0], $0xffff  }
0x349: {  	s15 =	sor.u32 s23, s22;
	v14 =	vld.idx.msk [tilespmem:v14+s3+$0x0], $0xffff;
	[tilespmem:s12+$0xA400] =	vst v8  }
0x34a: {  	s20 =	simm.s32 $0x70;
	[tilespmem:s15+$0x8280] =	vst v15;
	v8 =	vadd.s32 $0x14, v5;
	v9 =	vld.idx.msk [tilespmem:v9+s3+$0x0], $0xffff  }
0x34b: {  	s22 =	sand.u32 $0x380, s20;
	v15 =	vadd.s32 $0x9, v0;
	v11 =	vld.idx.msk [tilespmem:v11+s3+$0x0], $0xffff;
	[tilespmem:s21+$0xA280] =	vst v10  }
0x34c: {  	s2 =	sand.u32 $0x70, s20;
	s22 =	sadd.s32 s22, s16;
	v10 =	vadd.s32 $0xD, v1;
	[tilespmem:s11+$0x8480] =	vst v12;
	v4 =	vld.idx.msk [tilespmem:v4+s3+$0x0], $0xffff  }
0x34d: {  	s22 =	sadd.s32 s2, s22;
	v12 =	vadd.s32 $0x2, v3;
	v13 =	vld.idx.msk [tilespmem:v13+s3+$0x0], $0xffff;
	[tilespmem:s7+$0xC400] =	vst v7  }
0x34e: {  	v18 =	vld [tilespmem:s22+$0x0];
	v7 =	vadd.s32 $0x11, v6;
	[tilespmem:s6+$0xA280] =	vst v14  }
0x34f: {  	v14 =	vadd.s32 $0x6, v2;
	v8 =	vld.idx.msk [tilespmem:v8+s3+$0x0], $0xffff;
	[tilespmem:s12+$0xA480] =	vst v9  }
0x350: {  	v15 =	vld.idx.msk [tilespmem:v15+s3+$0x0], $0xffff;
	v9 =	vadd.s32 $0x15, v5;
	[tilespmem:s15+$0x8300] =	vst v11  }
0x351: {  	v11 =	vadd.s32 $0xA, v0;
	v10 =	vld.idx.msk [tilespmem:v10+s3+$0x0], $0xffff;
	[tilespmem:s19+$0xC280] =	vst v4  }
0x352: {  	v12 =	vld.idx.msk [tilespmem:v12+s3+$0x0], $0xffff;
	[tilespmem:s11+$0x8500] =	vst v13;
	v13 =	vadd.s32 $0xE, v1  }
0x353: {  	v17 =	vadd.s32 $0x3, v3;
	v4 =	vmul.u32 $0x19, v16;
	v7 =	vld.idx.msk [tilespmem:v7+s3+$0x0], $0xffff  }
0x354: {  	v14 =	vld.idx.msk [tilespmem:v14+s3+$0x0], $0xffff;
	[tilespmem:s7+$0xC480] =	vst v8  }
0x355: {  	[tilespmem:s6+$0xA300] =	vst v15;
	v8 =	vadd.s32 $0x12, v6;
	v9 =	vld.idx.msk [tilespmem:v9+s3+$0x0], $0xffff  }
0x356: {  	v15 =	vadd.s32 $0x7, v2;
	v11 =	vld.idx.msk [tilespmem:v11+s3+$0x0], $0xffff;
	[tilespmem:s12+$0xA500] =	vst v10  }
0x357: {  	v10 =	vadd.s32 $0x16, v5;
	[tilespmem:s15+$0x8380] =	vst v12;
	v13 =	vld.idx.msk [tilespmem:v13+s3+$0x0], $0xffff  }
0x358: {  	v12 =	vadd.s32 $0xB, v0;
	v16 =	vld.idx.msk [tilespmem:v17+s3+$0x0], $0xffff  }
0x359: {  	[tilespmem:s19+$0xC300] =	vst v7;
	v7 =	vadd.s32 $0xF, v1;
	v17 =	vld.idx.msk [tilespmem:v4+s3+$0x0], $0xffff  }
0x35a: {  	[tilespmem:s11+$0x8580] =	vst v14;
	v8 =	vld.idx.msk [tilespmem:v8+s3+$0x0], $0xffff;
	v14 =	vadd.s32 $0x4, v3  }
0x35b: {  	v19 =	vadd.s32 $0x1, v4;
	v15 =	vld.idx.msk [tilespmem:v15+s3+$0x0], $0xffff;
	[tilespmem:s7+$0xC500] =	vst v9  }
0x35c: {  	s22 =	simm.s32 $0x300;
	v9 =	vadd.s32 $0x13, v6;
	[tilespmem:s6+$0xA380] =	vst v11;
	v10 =	vld.idx.msk [tilespmem:v10+s3+$0x0], $0xffff  }
0x35d: {  	s23 =	sand.u32 $0x1C00, s22;
	v11 =	vadd.s32 $0x8, v2;
	v12 =	vld.idx.msk [tilespmem:v12+s3+$0x0], $0xffff;
	[tilespmem:s12+$0xA580] =	vst v13  }
0x35e: {  	s17 =	sor.u32 s18, s17;
	s18 =	sor.u32 s28, s23;
	v13 =	vadd.s32 $0x17, v5;
	[tilespmem:s15+$0x8400] =	vst v16;
	v7 =	vld.idx.msk [tilespmem:v7+s3+$0x0], $0xffff  }
0x35f: {  	v16 =	vadd.s32 $0xC, v0;
	[tilespmem:s18+$0x8280] =	vst v17;
	v14 =	vld.idx.msk [tilespmem:v14+s3+$0x0], $0xffff  }
0x360: {  	s17 =	sor.u32 $0x380, s17;
	[tilespmem:s19+$0xC380] =	vst v8;
	v8 =	vadd.s32 $0x10, v1;
	v17 =	vld.idx.msk [tilespmem:v19+s3+$0x0], $0xffff  }
0x361: {  	[tilespmem:s17+$0x8280] =	vst v15;
	v9 =	vld.idx.msk [tilespmem:v9+s3+$0x0], $0xffff;
	v15 =	vadd.s32 $0x5, v3  }
0x362: {  	v11 =	vld.idx.msk [tilespmem:v11+s3+$0x0], $0xffff;
	[tilespmem:s7+$0xC580] =	vst v10;
	v10 =	vadd.s32 $0x14, v6  }
0x363: {  	[tilespmem:s6+$0xA400] =	vst v12;
	v12 =	vld.idx.msk [tilespmem:v13+s3+$0x0], $0xffff;
	v13 =	vadd.s32 $0x9, v2  }
0x364: {  	v5 =	vadd.s32 $0x18, v5;
	v16 =	vld.idx.msk [tilespmem:v16+s3+$0x0], $0xffff;
	[tilespmem:s14+$0xA280] =	vst v7  }
0x365: {  	[tilespmem:s15+$0x8480] =	vst v14;
	v7 =	vadd.s32 $0xD, v0;
	v8 =	vld.idx.msk [tilespmem:v8+s3+$0x0], $0xffff  }
0x366: {  	v14 =	vadd.s32 $0x2, v4;
	v15 =	vld.idx.msk [tilespmem:v15+s3+$0x0], $0xffff;
	[tilespmem:s19+$0xC400] =	vst v9  }
0x367: {  	[tilespmem:s11+$0xA280] =	vst v11;
	v10 =	vld.idx.msk [tilespmem:v10+s3+$0x0], $0xffff  }
0x368: {  	s28 =	simm.s32 $0x80;
	v9 =	vadd.s32 $0x11, v1;
	v13 =	vld.idx.msk [tilespmem:v13+s3+$0x0], $0xffff;
	[tilespmem:s26+$0xC280] =	vst v12  }
0x369: {  	s23 =	sand.u32 $0x380, s28;
	v11 =	vadd.s32 $0x6, v3;
	[tilespmem:s6+$0xA480] =	vst v16;
	v16 =	vld.idx.msk [tilespmem:v5+s3+$0x0], $0xffff  }
0x36a: {  	s30 =	sand.u32 $0x70, s28;
	s7 =	sadd.s32 s23, s16;
	[tilespmem:s18+$0x8300] =	vst v17;
	v12 =	vadd.s32 $0x15, v6;
	v17 =	vld.idx.msk [tilespmem:v7+s3+$0x0], $0xffff  }
0x36b: {  	s7 =	sadd.s32 s30, s7;
	v5 =	vadd.s32 $0xA, v2;
	v14 =	vld.idx.msk [tilespmem:v14+s3+$0x0], $0xffff  }
0x36c: {  	v7 =	vld [tilespmem:s7+$0x0];
	[tilespmem:s12+$0xC280] =	vst v8;
	v8 =	vadd.s32 $0xE, v0  }
0x36d: {  	[tilespmem:s15+$0x8500] =	vst v15;
	v15 =	vadd.s32 $0x3, v4;
	v9 =	vld.idx.msk [tilespmem:v9+s3+$0x0], $0xffff  }
0x36e: {  	v11 =	vld.idx.msk [tilespmem:v11+s3+$0x0], $0xffff;
	[tilespmem:s19+$0xC480] =	vst v10;
	v10 =	vadd.s32 $0x12, v1  }
0x36f: {  	[tilespmem:s11+$0xA300] =	vst v13;
	v12 =	vld.idx.msk [tilespmem:v12+s3+$0x0], $0xffff;
	v13 =	vadd.s32 $0x7, v3  }
0x370: {  	v19 =	vld.idx.msk [tilespmem:v5+s3+$0x0], $0xffff;
	[tilespmem:s6+$0xA500] =	vst v17;
	v17 =	vadd.s32 $0x16, v6  }
0x371: {  	v5 =	vmul.u32 $0x19, v18;
	[tilespmem:s18+$0x8380] =	vst v14;
	v14 =	vadd.s32 $0xB, v2;
	v8 =	vld.idx.msk [tilespmem:v8+s3+$0x0], $0xffff  }
0x372: {  	v15 =	vld.idx.msk [tilespmem:v15+s3+$0x0], $0xffff;
	[tilespmem:s12+$0xC300] =	vst v9  }
0x373: {  	[tilespmem:s15+$0x8580] =	vst v11;
	v9 =	vadd.s32 $0xF, v0;
	v10 =	vld.idx.msk [tilespmem:v10+s3+$0x0], $0xffff  }
0x374: {  	v11 =	vadd.s32 $0x4, v4;
	v13 =	vld.idx.msk [tilespmem:v13+s3+$0x0], $0xffff;
	[tilespmem:s19+$0xC500] =	vst v12  }
0x375: {  	s26 =	simm.s32 $0xE280;
	v12 =	vadd.s32 $0x13, v1;
	[tilespmem:s11+$0xA380] =	vst v19;
	v17 =	vld.idx.msk [tilespmem:v17+s3+$0x0], $0xffff  }
0x376: {  	[tilespmem:s26+$0x0] =	vst v16;
	v16 =	vadd.s32 $0x8, v3;
	v14 =	vld.idx.msk [tilespmem:v14+s3+$0x0], $0xffff  }
0x377: {  	v18 =	vld.idx.msk [tilespmem:v5+s3+$0x0], $0xffff;
	[tilespmem:s6+$0xA580] =	vst v8;
	v8 =	vadd.s32 $0x17, v6  }
0x378: {  	s25 =	sor.u32 s25, s29;
	[tilespmem:s18+$0x8400] =	vst v15;
	v15 =	vadd.s32 $0xC, v2;
	v9 =	vld.idx.msk [tilespmem:v9+s3+$0x0], $0xffff  }
0x379: {  	s7 =	sor.u32 $0x380, s25;
	v19 =	vadd.s32 $0x1, v5;
	v11 =	vld.idx.msk [tilespmem:v11+s3+$0x0], $0xffff;
	[tilespmem:s12+$0xC380] =	vst v10  }
0x37a: {  	s29 =	simm.s32 $0x380;
	v10 =	vadd.s32 $0x10, v0;
	[tilespmem:s7+$0x8280] =	vst v13;
	v12 =	vld.idx.msk [tilespmem:v12+s3+$0x0], $0xffff  }
0x37b: {  	v20 =	vadd.s32 $0x5, v4;
	s23 =	sand.u32 $0x1C00, s29;
	v16 =	vld.idx.msk [tilespmem:v16+s3+$0x0], $0xffff;
	[tilespmem:s19+$0xC580] =	vst v17  }
0x37c: {  	s19 =	sor.u32 s2, s23;
	[tilespmem:s11+$0xA400] =	vst v14;
	v14 =	vadd.s32 $0x14, v1;
	v8 =	vld.idx.msk [tilespmem:v8+s3+$0x0], $0xffff  }
0x37d: {  	v21 =	vadd.s32 $0x9, v3;
	[tilespmem:s19+$0x8280] =	vst v18;
	v22 =	vld.idx.msk [tilespmem:v15+s3+$0x0], $0xffff  }
0x37e: {  	v6 =	vadd.s32 $0x18, v6;
	v17 =	vld.idx.msk [tilespmem:v19+s3+$0x0], $0xffff;
	[tilespmem:s13+$0xA280] =	vst v9  }
0x37f: {  	[tilespmem:s18+$0x8480] =	vst v11;
	v9 =	vadd.s32 $0xD, v2;
	v13 =	vld.idx.msk [tilespmem:v10+s3+$0x0], $0xffff  }
0x380: {  	v18 =	vadd.s32 $0x2, v5;
	v15 =	vld.idx.msk [tilespmem:v20+s3+$0x0], $0xffff;
	[tilespmem:s12+$0xC400] =	vst v12  }
0x381: {  	v11 =	vadd.s32 $0x11, v0;
	[tilespmem:s15+$0xA280] =	vst v16;
	v10 =	vld.idx.msk [tilespmem:v14+s3+$0x0], $0xffff  }
0x382: {  	v16 =	vadd.s32 $0x6, v4;
	v14 =	vld.idx.msk [tilespmem:v21+s3+$0x0], $0xffff;
	[tilespmem:s21+$0xC280] =	vst v8  }
0x383: {  	s21 =	simm.s32 $0x90;
	v8 =	vadd.s32 $0x15, v1;
	[tilespmem:s11+$0xA480] =	vst v22;
	v12 =	vld.idx.msk [tilespmem:v6+s3+$0x0], $0xffff  }
.LBB2_7:
0x384: {  	p0 =	sne.s32 s21, $0x3F0;
	[tilespmem:s19+$0x8300] =	vst v17;
	v6 =	vadd.s32 $0xA, v3;
	v9 =	vld.idx.msk [tilespmem:v9+s3+$0x0], $0xffff  }
0x385: {  	v17 =	vld.idx.msk [tilespmem:v18+s3+$0x0], $0xffff;
	[tilespmem:s6+$0xC280] =	vst v13  }
0x386: {  	v13 =	vadd.s32 $0xE, v2;
	[tilespmem:s18+$0x8500] =	vst v15;
	v11 =	vld.idx.msk [tilespmem:v11+s3+$0x0], $0xffff  }
0x387: {  	s25 =	sand.u32 $0x380, s21;
	v15 =	vadd.s32 $0x3, v5;
	v16 =	vld.idx.msk [tilespmem:v16+s3+$0x0], $0xffff;
	[tilespmem:s12+$0xC480] =	vst v10  }
0x388: {  	s2 =	sand.u32 $0x70, s21;
	s26 =	sadd.s32 $0x10, s26;
	s25 =	sadd.s32 s25, s16;
	v10 =	vadd.s32 $0x12, v0;
	[tilespmem:s15+$0xA300] =	vst v14;
	v8 =	vld.idx.msk [tilespmem:v8+s3+$0x0], $0xffff  }
0x389: {  	s25 =	sadd.s32 s2, s25;
	v14 =	vadd.s32 $0x7, v4;
	v6 =	vld.idx.msk [tilespmem:v6+s3+$0x0], $0xffff;
	[tilespmem:s26+$0x0] =	vst v12  }
0x38a: {  	v12 =	vld [tilespmem:s25+$0x0];
	[tilespmem:s11+$0xA500] =	vst v9;
	v9 =	vadd.s32 $0x16, v1  }
0x38b: {  	v18 =	vmul.u32 $0x19, v7;
	[tilespmem:s19+$0x8380] =	vst v17;
	v17 =	vadd.s32 $0xB, v3;
	v13 =	vld.idx.msk [tilespmem:v13+s3+$0x0], $0xffff  }
0x38c: {  	v15 =	vld.idx.msk [tilespmem:v15+s3+$0x0], $0xffff;
	[tilespmem:s6+$0xC300] =	vst v11  }
0x38d: {  	v11 =	vadd.s32 $0xF, v2;
	[tilespmem:s18+$0x8580] =	vst v16;
	v10 =	vld.idx.msk [tilespmem:v10+s3+$0x0], $0xffff  }
0x38e: {  	v16 =	vadd.s32 $0x4, v5;
	v14 =	vld.idx.msk [tilespmem:v14+s3+$0x0], $0xffff;
	[tilespmem:s12+$0xC500] =	vst v8  }
0x38f: {  	[tilespmem:s15+$0xA380] =	vst v6;
	v6 =	vadd.s32 $0x13, v0;
	v8 =	vld.idx.msk [tilespmem:v9+s3+$0x0], $0xffff;
	v7 =	vmov v12  }
0x390: {  	v9 =	vadd.s32 $0x8, v4;
	v12 =	vld.idx.msk [tilespmem:v17+s3+$0x0], $0xffff  }
0x391: {  	v17 =	vld.idx.msk [tilespmem:v18+s3+$0x0], $0xffff;
	[tilespmem:s11+$0xA580] =	vst v13;
	v13 =	vadd.s32 $0x17, v1  }
0x392: {  	s25 =	sor.u32 s22, s0;
	s22 =	smov.u32 s29;
	s0 =	smov.u32 s20;
	[tilespmem:s19+$0x8400] =	vst v15;
	v15 =	vadd.s32 $0xC, v3;
	v11 =	vld.idx.msk [tilespmem:v11+s3+$0x0], $0xffff  }
0x393: {  	v19 =	vadd.s32 $0x1, v18;
	s20 =	smov.u32 s28;
	s28 =	smov.u32 s21;
	s25 =	sor.u32 $0x380, s25;
	v16 =	vld.idx.msk [tilespmem:v16+s3+$0x0], $0xffff;
	[tilespmem:s6+$0xC380] =	vst v10  }
0x394: {  	s29 =	sadd.s32 $0x80, s29;
	v10 =	vadd.s32 $0x10, v2;
	[tilespmem:s25+$0x8280] =	vst v14;
	v6 =	vld.idx.msk [tilespmem:v6+s3+$0x0], $0xffff  }
0x395: {  	s23 =	sand.u32 $0x1C00, s29;
	v14 =	vadd.s32 $0x5, v5;
	v20 =	vld.idx.msk [tilespmem:v9+s3+$0x0], $0xffff;
	[tilespmem:s12+$0xC580] =	vst v8;
	s12 =	smov.u32 s6;
	s6 =	smov.u32 s11  }
0x396: {  	s23 =	sor.u32 s30, s23;
	s30 =	smov.u32 s2;
	v8 =	vadd.s32 $0x14, v0;
	s11 =	smov.u32 s15;
	[tilespmem:s15+$0xA400] =	vst v12;
	v12 =	vld.idx.msk [tilespmem:v13+s3+$0x0], $0xffff  }
0x397: {  	v21 =	vadd.s32 $0x9, v4;
	s15 =	smov.u32 s18;
	s18 =	smov.u32 s19;
	s19 =	smov.u32 s23;
	[tilespmem:s23+$0x8280] =	vst v17;
	v22 =	vld.idx.msk [tilespmem:v15+s3+$0x0], $0xffff  }
0x398: {  	v17 =	vld.idx.msk [tilespmem:v19+s3+$0x0], $0xffff;
	[tilespmem:s17+$0xA280] =	vst v11;
	v19 =	vadd.s32 $0x18, v1;
	v1 =	vmovc v0;
	v0 =	vmovc v2;
	v2 =	vmov v3;
	v3 =	vmov v4  }
.Ltmp2:
0x399: {  	v4 =	vmov v5;
	v5 =	vmov v18;
	[tilespmem:s18+$0x8480] =	vst v16;
	v9 =	vadd.s32 $0xD, v2;
	v13 =	vld.idx.msk [tilespmem:v10+s3+$0x0], $0xffff;
	(pc) =	sbr.rel @p0 .LBB2_7-.Ltmp2, $4  }
0x39a: {  	v18 =	vadd.s32 $0x2, v5;
	v15 =	vld.idx.msk [tilespmem:v14+s3+$0x0], $0xffff;
	[tilespmem:s12+$0xC400] =	vst v6  }
0x39b: {  	v11 =	vadd.s32 $0x11, v0;
	[tilespmem:s15+$0xA280] =	vst v20;
	v10 =	vld.idx.msk [tilespmem:v8+s3+$0x0], $0xffff  }
0x39c: {  	v16 =	vadd.s32 $0x6, v4;
	v14 =	vld.idx.msk [tilespmem:v21+s3+$0x0], $0xffff;
	[tilespmem:s14+$0xC280] =	vst v12;
	s14 =	smov.u32 s13;
	s13 =	smov.u32 s17;
	s17 =	smov.u32 s7  }
0x39d: {  	s21 =	sadd.s32 $0x10, s21;
	v8 =	vadd.s32 $0x15, v1;
	s7 =	smov.u32 s25;
	[tilespmem:s11+$0xA480] =	vst v22;
	v12 =	vld.idx.msk [tilespmem:v19+s3+$0x0], $0xffff  }
0x39e: {  	v6 =	vmul.u32 $0x19, v7;
	_ =	sdelay $0x5  }
0x39f: {  	v7 =	vld.idx.msk [tilespmem:v6+s3+$0x0], $0xffff  }
0x3a0: {  	v19 =	vadd.s32 $0x1, v6  }
0x3a1: {  	s2 =	sadd.s32 $0x80, s29  }
0x3a2: {  	s16 =	sand.u32 $0x1C00, s2  }
0x3a3: {  	s16 =	sor.u32 s30, s16  }
0x3a4: {  	[tilespmem:s16+$0x8280] =	vst v7  }
0x3a5: {  	v7 =	vld.idx.msk [tilespmem:v19+s3+$0x0], $0xffff  }
0x3a6: {  	v19 =	vadd.s32 $0x2, v6;
	_ =	sdelay $0x2  }
0x3a7: {  	[tilespmem:s19+$0x8300] =	vst v17  }
0x3a8: {  	v17 =	vld.idx.msk [tilespmem:v18+s3+$0x0], $0xffff;
	[tilespmem:s16+$0x8300] =	vst v7  }
0x3a9: {  	v7 =	vadd.s32 $0x3, v5;
	v18 =	vld.idx.msk [tilespmem:v19+s3+$0x0], $0xffff  }
0x3aa: {  	v19 =	vadd.s32 $0x3, v6;
	_ =	sdelay $0x2  }
0x3ab: {  	[tilespmem:s19+$0x8380] =	vst v17  }
0x3ac: {  	v7 =	vld.idx.msk [tilespmem:v7+s3+$0x0], $0xffff;
	[tilespmem:s16+$0x8380] =	vst v18  }
0x3ad: {  	v17 =	vadd.s32 $0x4, v5;
	v18 =	vld.idx.msk [tilespmem:v19+s3+$0x0], $0xffff  }
0x3ae: {  	v19 =	vadd.s32 $0x4, v6;
	_ =	sdelay $0x2  }
0x3af: {  	[tilespmem:s19+$0x8400] =	vst v7  }
0x3b0: {  	v7 =	vld.idx.msk [tilespmem:v17+s3+$0x0], $0xffff;
	[tilespmem:s16+$0x8400] =	vst v18  }
0x3b1: {  	v17 =	vadd.s32 $0x5, v5;
	v18 =	vld.idx.msk [tilespmem:v19+s3+$0x0], $0xffff  }
0x3b2: {  	v19 =	vadd.s32 $0x5, v6;
	_ =	sdelay $0x2  }
0x3b3: {  	[tilespmem:s19+$0x8480] =	vst v7  }
0x3b4: {  	v7 =	vld.idx.msk [tilespmem:v17+s3+$0x0], $0xffff;
	[tilespmem:s16+$0x8480] =	vst v18  }
0x3b5: {  	v17 =	vadd.s32 $0x6, v5;
	v18 =	vld.idx.msk [tilespmem:v19+s3+$0x0], $0xffff  }
0x3b6: {  	v19 =	vadd.s32 $0x6, v6;
	_ =	sdelay $0x1  }
0x3b7: {  	[tilespmem:s18+$0x8500] =	vst v15  }
0x3b8: {  	v15 =	vld.idx.msk [tilespmem:v16+s3+$0x0], $0xffff;
	[tilespmem:s19+$0x8500] =	vst v7  }
0x3b9: {  	v7 =	vadd.s32 $0x7, v4;
	v16 =	vld.idx.msk [tilespmem:v17+s3+$0x0], $0xffff;
	[tilespmem:s16+$0x8500] =	vst v18  }
0x3ba: {  	v17 =	vadd.s32 $0x7, v5;
	v18 =	vld.idx.msk [tilespmem:v19+s3+$0x0], $0xffff  }
0x3bb: {  	v19 =	vadd.s32 $0x7, v6;
	_ =	sdelay $0x1  }
0x3bc: {  	[tilespmem:s18+$0x8580] =	vst v15  }
0x3bd: {  	v7 =	vld.idx.msk [tilespmem:v7+s3+$0x0], $0xffff;
	[tilespmem:s19+$0x8580] =	vst v16  }
0x3be: {  	v15 =	vadd.s32 $0x8, v4;
	v16 =	vld.idx.msk [tilespmem:v17+s3+$0x0], $0xffff;
	[tilespmem:s16+$0x8580] =	vst v18  }
0x3bf: {  	v17 =	vadd.s32 $0x8, v5;
	v18 =	vld.idx.msk [tilespmem:v19+s3+$0x0], $0xffff  }
0x3c0: {  	s0 =	sor.u32 s22, s0;
	v19 =	vadd.s32 $0x8, v6  }
0x3c1: {  	s20 =	sor.u32 s29, s20;
	s0 =	sor.u32 $0x380, s0  }
0x3c2: {  	s20 =	sor.u32 $0x380, s20;
	s2 =	sor.u32 s2, s28;
	[tilespmem:s0+$0x8280] =	vst v7  }
0x3c3: {  	s21 =	sor.u32 $0x380, s2;
	v7 =	vld.idx.msk [tilespmem:v15+s3+$0x0], $0xffff;
	[tilespmem:s20+$0x8280] =	vst v16  }
0x3c4: {  	v15 =	vadd.s32 $0x9, v4;
	v16 =	vld.idx.msk [tilespmem:v17+s3+$0x0], $0xffff;
	[tilespmem:s21+$0x8280] =	vst v18  }
0x3c5: {  	v17 =	vadd.s32 $0x9, v5;
	v18 =	vld.idx.msk [tilespmem:v19+s3+$0x0], $0xffff  }
0x3c6: {  	v19 =	vadd.s32 $0x9, v6;
	_ =	sdelay $0x1  }
0x3c7: {  	[tilespmem:s18+$0xA280] =	vst v7  }
0x3c8: {  	v7 =	vadd.s32 $0xA, v3;
	v15 =	vld.idx.msk [tilespmem:v15+s3+$0x0], $0xffff;
	[tilespmem:s19+$0xA280] =	vst v16  }
0x3c9: {  	v16 =	vadd.s32 $0xA, v4;
	v17 =	vld.idx.msk [tilespmem:v17+s3+$0x0], $0xffff;
	[tilespmem:s16+$0xA280] =	vst v18  }
0x3ca: {  	v18 =	vadd.s32 $0xA, v5;
	v19 =	vld.idx.msk [tilespmem:v19+s3+$0x0], $0xffff  }
0x3cb: {  	v20 =	vadd.s32 $0xA, v6  }
0x3cc: {  	[tilespmem:s15+$0xA300] =	vst v14  }
0x3cd: {  	v7 =	vld.idx.msk [tilespmem:v7+s3+$0x0], $0xffff;
	[tilespmem:s18+$0xA300] =	vst v15  }
0x3ce: {  	v14 =	vadd.s32 $0xB, v3;
	v15 =	vld.idx.msk [tilespmem:v16+s3+$0x0], $0xffff;
	[tilespmem:s19+$0xA300] =	vst v17  }
0x3cf: {  	v16 =	vadd.s32 $0xB, v4;
	v17 =	vld.idx.msk [tilespmem:v18+s3+$0x0], $0xffff;
	[tilespmem:s16+$0xA300] =	vst v19  }
0x3d0: {  	v18 =	vadd.s32 $0xB, v5;
	v19 =	vld.idx.msk [tilespmem:v20+s3+$0x0], $0xffff  }
0x3d1: {  	v62 =	vadd.s32 $0xB, v6  }
0x3d2: {  	[tilespmem:s15+$0xA380] =	vst v7  }
0x3d3: {  	v7 =	vld.idx.msk [tilespmem:v14+s3+$0x0], $0xffff;
	[tilespmem:s18+$0xA380] =	vst v15  }
0x3d4: {  	v14 =	vadd.s32 $0xC, v3;
	v15 =	vld.idx.msk [tilespmem:v16+s3+$0x0], $0xffff;
	[tilespmem:s19+$0xA380] =	vst v17  }
0x3d5: {  	v16 =	vadd.s32 $0xC, v4;
	v17 =	vld.idx.msk [tilespmem:v18+s3+$0x0], $0xffff;
	[tilespmem:s16+$0xA380] =	vst v19  }
0x3d6: {  	[tilespmem:s6+$0xC280] =	vst v13;
	v18 =	vadd.s32 $0xC, v5;
	v19 =	vld.idx.msk [tilespmem:v62+s3+$0x0], $0xffff  }
0x3d7: {  	v13 =	vadd.s32 $0xC, v6;
	[tilespmem:s12+$0xC480] =	vst v10  }
0x3d8: {  	v9 =	vld.idx.msk [tilespmem:v9+s3+$0x0], $0xffff;
	[tilespmem:s15+$0xA400] =	vst v7  }
0x3d9: {  	v7 =	vld.idx.msk [tilespmem:v14+s3+$0x0], $0xffff;
	[tilespmem:s18+$0xA400] =	vst v15  }
0x3da: {  	v14 =	vadd.s32 $0xD, v3;
	v15 =	vld.idx.msk [tilespmem:v16+s3+$0x0], $0xffff;
	[tilespmem:s19+$0xA400] =	vst v17  }
0x3db: {  	s2 =	sadd.s32 $0x10, s26;
	v16 =	vadd.s32 $0xD, v4;
	v17 =	vld.idx.msk [tilespmem:v18+s3+$0x0], $0xffff;
	[tilespmem:s16+$0xA400] =	vst v19  }
0x3dc: {  	v10 =	vadd.s32 $0xD, v5;
	[tilespmem:s2+$0x0] =	vst v12;
	v13 =	vld.idx.msk [tilespmem:v13+s3+$0x0], $0xffff  }
0x3dd: {  	v11 =	vld.idx.msk [tilespmem:v11+s3+$0x0], $0xffff;
	v12 =	vadd.s32 $0xD, v6;
	[tilespmem:s11+$0xA500] =	vst v9  }
0x3de: {  	v8 =	vld.idx.msk [tilespmem:v8+s3+$0x0], $0xffff;
	[tilespmem:s15+$0xA480] =	vst v7;
	v7 =	vadd.s32 $0xE, v2  }
0x3df: {  	v14 =	vld.idx.msk [tilespmem:v14+s3+$0x0], $0xffff;
	[tilespmem:s18+$0xA480] =	vst v15  }
0x3e0: {  	v15 =	vadd.s32 $0xE, v3;
	v16 =	vld.idx.msk [tilespmem:v16+s3+$0x0], $0xffff;
	[tilespmem:s19+$0xA480] =	vst v17  }
0x3e1: {  	v17 =	vadd.s32 $0xE, v4;
	v10 =	vld.idx.msk [tilespmem:v10+s3+$0x0], $0xffff;
	[tilespmem:s16+$0xA480] =	vst v13  }
0x3e2: {  	v9 =	vadd.s32 $0xE, v5;
	[tilespmem:s6+$0xC300] =	vst v11;
	v12 =	vld.idx.msk [tilespmem:v12+s3+$0x0], $0xffff  }
0x3e3: {  	v11 =	vadd.s32 $0xE, v6;
	[tilespmem:s12+$0xC500] =	vst v8;
	v7 =	vld.idx.msk [tilespmem:v7+s3+$0x0], $0xffff  }
0x3e4: {  	[tilespmem:s15+$0xA500] =	vst v14;
	v14 =	vadd.s32 $0xF, v2  }
0x3e5: {  	v13 =	vadd.s32 $0x12, v0;
	v15 =	vld.idx.msk [tilespmem:v15+s3+$0x0], $0xffff;
	[tilespmem:s18+$0xA500] =	vst v16  }
0x3e6: {  	v16 =	vadd.s32 $0xF, v3;
	v17 =	vld.idx.msk [tilespmem:v17+s3+$0x0], $0xffff;
	[tilespmem:s19+$0xA500] =	vst v10  }
0x3e7: {  	v10 =	vadd.s32 $0xF, v4;
	v9 =	vld.idx.msk [tilespmem:v9+s3+$0x0], $0xffff;
	[tilespmem:s16+$0xA500] =	vst v12  }
0x3e8: {  	v8 =	vadd.s32 $0xF, v5;
	[tilespmem:s11+$0xA580] =	vst v7;
	v11 =	vld.idx.msk [tilespmem:v11+s3+$0x0], $0xffff  }
0x3e9: {  	v7 =	vadd.s32 $0xF, v6;
	v14 =	vld.idx.msk [tilespmem:v14+s3+$0x0], $0xffff  }
0x3ea: {  	v12 =	vld.idx.msk [tilespmem:v13+s3+$0x0], $0xffff;
	v13 =	vadd.s32 $0x16, v1;
	[tilespmem:s15+$0xA580] =	vst v15  }
0x3eb: {  	v15 =	vadd.s32 $0x10, v2;
	v16 =	vld.idx.msk [tilespmem:v16+s3+$0x0], $0xffff;
	[tilespmem:s18+$0xA580] =	vst v17  }
0x3ec: {  	v17 =	vadd.s32 $0x10, v3;
	v10 =	vld.idx.msk [tilespmem:v10+s3+$0x0], $0xffff;
	[tilespmem:s19+$0xA580] =	vst v9  }
0x3ed: {  	v9 =	vadd.s32 $0x10, v4;
	v8 =	vld.idx.msk [tilespmem:v8+s3+$0x0], $0xffff;
	[tilespmem:s16+$0xA580] =	vst v11  }
0x3ee: {  	[tilespmem:s17+$0xA280] =	vst v14;
	v11 =	vadd.s32 $0x10, v5;
	v7 =	vld.idx.msk [tilespmem:v7+s3+$0x0], $0xffff  }
0x3ef: {  	[tilespmem:s6+$0xC380] =	vst v12;
	v12 =	vld.idx.msk [tilespmem:v13+s3+$0x0], $0xffff;
	v13 =	vadd.s32 $0x10, v6  }
0x3f0: {  	v14 =	vadd.s32 $0x13, v0;
	v15 =	vld.idx.msk [tilespmem:v15+s3+$0x0], $0xffff;
	[tilespmem:s7+$0xA280] =	vst v16  }
0x3f1: {  	v16 =	vadd.s32 $0x11, v2;
	v17 =	vld.idx.msk [tilespmem:v17+s3+$0x0], $0xffff;
	[tilespmem:s0+$0xA280] =	vst v10  }
0x3f2: {  	v10 =	vadd.s32 $0x11, v3;
	v9 =	vld.idx.msk [tilespmem:v9+s3+$0x0], $0xffff;
	[tilespmem:s20+$0xA280] =	vst v8  }
0x3f3: {  	v8 =	vadd.s32 $0x11, v4;
	v11 =	vld.idx.msk [tilespmem:v11+s3+$0x0], $0xffff;
	[tilespmem:s21+$0xA280] =	vst v7  }
0x3f4: {  	[tilespmem:s12+$0xC580] =	vst v12;
	v7 =	vadd.s32 $0x11, v5;
	v12 =	vld.idx.msk [tilespmem:v13+s3+$0x0], $0xffff  }
0x3f5: {  	[tilespmem:s11+$0xC280] =	vst v15;
	v13 =	vld.idx.msk [tilespmem:v14+s3+$0x0], $0xffff;
	v14 =	vadd.s32 $0x11, v6  }
0x3f6: {  	v15 =	vadd.s32 $0x17, v1;
	v16 =	vld.idx.msk [tilespmem:v16+s3+$0x0], $0xffff;
	[tilespmem:s15+$0xC280] =	vst v17  }
0x3f7: {  	v17 =	vadd.s32 $0x12, v2;
	v10 =	vld.idx.msk [tilespmem:v10+s3+$0x0], $0xffff;
	[tilespmem:s18+$0xC280] =	vst v9  }
0x3f8: {  	v9 =	vadd.s32 $0x12, v3;
	v8 =	vld.idx.msk [tilespmem:v8+s3+$0x0], $0xffff;
	[tilespmem:s19+$0xC280] =	vst v11  }
0x3f9: {  	v11 =	vadd.s32 $0x12, v4;
	v7 =	vld.idx.msk [tilespmem:v7+s3+$0x0], $0xffff;
	[tilespmem:s16+$0xC280] =	vst v12  }
0x3fa: {  	[tilespmem:s6+$0xC400] =	vst v13;
	v12 =	vadd.s32 $0x12, v5;
	v13 =	vld.idx.msk [tilespmem:v14+s3+$0x0], $0xffff  }
0x3fb: {  	[tilespmem:s11+$0xC300] =	vst v16;
	v14 =	vld.idx.msk [tilespmem:v15+s3+$0x0], $0xffff;
	v15 =	vadd.s32 $0x12, v6  }
0x3fc: {  	v16 =	vadd.s32 $0x14, v0;
	v17 =	vld.idx.msk [tilespmem:v17+s3+$0x0], $0xffff;
	[tilespmem:s15+$0xC300] =	vst v10  }
0x3fd: {  	v10 =	vadd.s32 $0x13, v2;
	v9 =	vld.idx.msk [tilespmem:v9+s3+$0x0], $0xffff;
	[tilespmem:s18+$0xC300] =	vst v8  }
0x3fe: {  	v8 =	vadd.s32 $0x13, v3;
	v11 =	vld.idx.msk [tilespmem:v11+s3+$0x0], $0xffff;
	[tilespmem:s19+$0xC300] =	vst v7  }
0x3ff: {  	v7 =	vadd.s32 $0x13, v4;
	v12 =	vld.idx.msk [tilespmem:v12+s3+$0x0], $0xffff;
	[tilespmem:s16+$0xC300] =	vst v13  }
0x400: {  	[tilespmem:s14+$0xC280] =	vst v14;
	v13 =	vadd.s32 $0x13, v5;
	v14 =	vld.idx.msk [tilespmem:v15+s3+$0x0], $0xffff  }
0x401: {  	[tilespmem:s11+$0xC380] =	vst v17;
	v15 =	vld.idx.msk [tilespmem:v16+s3+$0x0], $0xffff;
	v16 =	vadd.s32 $0x13, v6  }
0x402: {  	v1 =	vadd.s32 $0x18, v1;
	v10 =	vld.idx.msk [tilespmem:v10+s3+$0x0], $0xffff;
	[tilespmem:s15+$0xC380] =	vst v9  }
0x403: {  	v9 =	vadd.s32 $0x14, v2;
	v8 =	vld.idx.msk [tilespmem:v8+s3+$0x0], $0xffff;
	[tilespmem:s18+$0xC380] =	vst v11  }
0x404: {  	v11 =	vadd.s32 $0x14, v3;
	v7 =	vld.idx.msk [tilespmem:v7+s3+$0x0], $0xffff;
	[tilespmem:s19+$0xC380] =	vst v12  }
0x405: {  	v12 =	vadd.s32 $0x14, v4;
	v13 =	vld.idx.msk [tilespmem:v13+s3+$0x0], $0xffff;
	[tilespmem:s16+$0xC380] =	vst v14  }
0x406: {  	[tilespmem:s6+$0xC480] =	vst v15;
	v14 =	vadd.s32 $0x14, v5;
	v15 =	vld.idx.msk [tilespmem:v16+s3+$0x0], $0xffff  }
0x407: {  	v1 =	vld.idx.msk [tilespmem:v1+s3+$0x0], $0xffff;
	[tilespmem:s11+$0xC400] =	vst v10;
	v10 =	vadd.s32 $0x14, v6  }
0x408: {  	v9 =	vld.idx.msk [tilespmem:v9+s3+$0x0], $0xffff;
	[tilespmem:s15+$0xC400] =	vst v8;
	v16 =	vadd.s32 $0x15, v0  }
0x409: {  	v8 =	vadd.s32 $0x15, v2;
	v11 =	vld.idx.msk [tilespmem:v11+s3+$0x0], $0xffff;
	[tilespmem:s18+$0xC400] =	vst v7  }
0x40a: {  	v7 =	vadd.s32 $0x15, v3;
	v12 =	vld.idx.msk [tilespmem:v12+s3+$0x0], $0xffff;
	[tilespmem:s19+$0xC400] =	vst v13  }
0x40b: {  	s23 =	sadd.s32 $0x10, s2;
	v13 =	vadd.s32 $0x15, v4;
	v14 =	vld.idx.msk [tilespmem:v14+s3+$0x0], $0xffff;
	[tilespmem:s16+$0xC400] =	vst v15  }
0x40c: {  	[tilespmem:s23+$0x0] =	vst v1;
	v1 =	vadd.s32 $0x15, v5;
	v10 =	vld.idx.msk [tilespmem:v10+s3+$0x0], $0xffff  }
0x40d: {  	[tilespmem:s11+$0xC480] =	vst v9;
	v9 =	vadd.s32 $0x15, v6;
	v15 =	vld.idx.msk [tilespmem:v16+s3+$0x0], $0xffff  }
0x40e: {  	v8 =	vld.idx.msk [tilespmem:v8+s3+$0x0], $0xffff;
	v16 =	vadd.s32 $0x16, v0;
	[tilespmem:s15+$0xC480] =	vst v11  }
0x40f: {  	v11 =	vadd.s32 $0x16, v2;
	v7 =	vld.idx.msk [tilespmem:v7+s3+$0x0], $0xffff;
	[tilespmem:s18+$0xC480] =	vst v12  }
0x410: {  	v12 =	vadd.s32 $0x16, v3;
	v13 =	vld.idx.msk [tilespmem:v13+s3+$0x0], $0xffff;
	[tilespmem:s19+$0xC480] =	vst v14  }
0x411: {  	v14 =	vadd.s32 $0x16, v4;
	v1 =	vld.idx.msk [tilespmem:v1+s3+$0x0], $0xffff;
	[tilespmem:s16+$0xC480] =	vst v10  }
0x412: {  	[tilespmem:s6+$0xC500] =	vst v15;
	v10 =	vadd.s32 $0x16, v5;
	v9 =	vld.idx.msk [tilespmem:v9+s3+$0x0], $0xffff  }
0x413: {  	[tilespmem:s11+$0xC500] =	vst v8;
	v8 =	vadd.s32 $0x16, v6;
	v15 =	vld.idx.msk [tilespmem:v16+s3+$0x0], $0xffff  }
0x414: {  	v11 =	vld.idx.msk [tilespmem:v11+s3+$0x0], $0xffff;
	v16 =	vadd.s32 $0x17, v0;
	[tilespmem:s15+$0xC500] =	vst v7  }
0x415: {  	v7 =	vadd.s32 $0x17, v2;
	v12 =	vld.idx.msk [tilespmem:v12+s3+$0x0], $0xffff;
	[tilespmem:s18+$0xC500] =	vst v13  }
0x416: {  	v13 =	vadd.s32 $0x17, v3;
	v14 =	vld.idx.msk [tilespmem:v14+s3+$0x0], $0xffff;
	[tilespmem:s19+$0xC500] =	vst v1  }
0x417: {  	v1 =	vadd.s32 $0x17, v4;
	v10 =	vld.idx.msk [tilespmem:v10+s3+$0x0], $0xffff;
	[tilespmem:s16+$0xC500] =	vst v9  }
0x418: {  	[tilespmem:s6+$0xC580] =	vst v15;
	v9 =	vadd.s32 $0x17, v5;
	v8 =	vld.idx.msk [tilespmem:v8+s3+$0x0], $0xffff  }
0x419: {  	[tilespmem:s11+$0xC580] =	vst v11;
	v11 =	vadd.s32 $0x17, v6;
	v15 =	vld.idx.msk [tilespmem:v16+s3+$0x0], $0xffff  }
0x41a: {  	v0 =	vadd.s32 $0x18, v0;
	v7 =	vld.idx.msk [tilespmem:v7+s3+$0x0], $0xffff;
	[tilespmem:s15+$0xC580] =	vst v12  }
0x41b: {  	v2 =	vadd.s32 $0x18, v2;
	v12 =	vld.idx.msk [tilespmem:v13+s3+$0x0], $0xffff;
	[tilespmem:s18+$0xC580] =	vst v14  }
0x41c: {  	v3 =	vadd.s32 $0x18, v3;
	v1 =	vld.idx.msk [tilespmem:v1+s3+$0x0], $0xffff;
	[tilespmem:s19+$0xC580] =	vst v10  }
0x41d: {  	v4 =	vadd.s32 $0x18, v4;
	v9 =	vld.idx.msk [tilespmem:v9+s3+$0x0], $0xffff;
	[tilespmem:s16+$0xC580] =	vst v8  }
0x41e: {  	v5 =	vadd.s32 $0x18, v5;
	[tilespmem:s13+$0xC280] =	vst v15;
	v8 =	vld.idx.msk [tilespmem:v11+s3+$0x0], $0xffff  }
0x41f: {  	v6 =	vadd.s32 $0x18, v6;
	[tilespmem:s17+$0xC280] =	vst v7;
	v0 =	vld.idx.msk [tilespmem:v0+s3+$0x0], $0xffff  }
0x420: {  	v2 =	vld.idx.msk [tilespmem:v2+s3+$0x0], $0xffff;
	[tilespmem:s7+$0xC280] =	vst v12  }
0x421: {  	v3 =	vld.idx.msk [tilespmem:v3+s3+$0x0], $0xffff;
	[tilespmem:s0+$0xC280] =	vst v1  }
0x422: {  	v1 =	vld.idx.msk [tilespmem:v4+s3+$0x0], $0xffff;
	[tilespmem:s20+$0xC280] =	vst v9  }
0x423: {  	s25 =	sadd.s32 $0x10, s23;
	v4 =	vld.idx.msk [tilespmem:v5+s3+$0x0], $0xffff;
	[tilespmem:s21+$0xC280] =	vst v8  }
0x424: {  	s0 =	sadd.s32 $0x10, s25;
	[tilespmem:s25+$0x0] =	vst v0;
	v0 =	vld.idx.msk [tilespmem:v6+s3+$0x0], $0xffff  }
0x425: {  	[tilespmem:s0+$0x0] =	vst v2;
	s0 =	sadd.s32 $0x10, s0  }
0x426: {  	[tilespmem:s0+$0x0] =	vst v3;
	s0 =	sadd.s32 $0x10, s0  }
0x427: {  	[tilespmem:s0+$0x0] =	vst v1;
	s0 =	sadd.s32 $0x10, s0  }
0x428: {  	s26 =	sadd.s32 s4, s5;
	s5 =	rddreg [dreg:$0x2];
	[tilespmem:s0+$0x0] =	vst v4;
	s0 =	sadd.s32 $0x10, s0  }
0x429: {  	s11 =	simm.s32 $0x0;
	s6 =	simm.s32 $0x8280;
	[tilespmem:s0+$0x0] =	vst v0;
	s0 =	sadd.s32 s5, s26  }
0x42a: {  	[hbm4b:s0+s11] =	stream.linear.scatter [tilespmem:s6], [sflag:$0x1], $0x2000, $0x38;
	[tilespmem:$0x14A80] =	vst v63  }
0x42b: {  	s12 =	simm.s32 $0xA280;
	s7 =	sadd.s32 s26, s8  }
0x42c: {  	[hbm4b:s7+s11] =	stream.linear.scatter [tilespmem:s12], [sflag:$0x1], $0x2000, $0x38;
	[tilespmem:$0x14A80] =	vst v63  }
0x42d: {  	s14 =	simm.s32 $0xC280;
	s13 =	sadd.s32 s26, s9  }
0x42e: {  	[hbm4b:s13+s11] =	stream.linear.scatter [tilespmem:s14], [sflag:$0x1], $0x2000, $0x38;
	[tilespmem:$0x14A80] =	vst v63  }
0x42f: {  	s15 =	sadd.s32 s26, s10;
	s17 =	simm.s32 $0xE280;
	s16 =	simm.s32 $0x80  }
0x430: {  	[hbm4b:s15+s16] =	stream.strided.scatter [tilespmem:s17], [sflag:$0x1], $0x400, s24, s16, $0x38;
	[tilespmem:$0x14A80] =	vst v63  }
0x431: {  	_ =	swait.ge [sflag:s31], $0x2000  }
0x432: {  	[sflag:s31] =	ssyncset.done $0x0  }
0x433: {  	[sflag:s31] =	ssyncadd.s32 $0xFFFFE000  }
0x434: {  	_ =	swait.ge [sflag:s31], $0x2000  }
0x435: {  	[sflag:s31] =	ssyncset.done $0x0  }
0x436: {  	[sflag:s31] =	ssyncadd.s32 $0xFFFFE000  }
0x437: {  	s18 =	sshllo.u32 s1, $0x1;
	_ =	swait.ge [sflag:s31], $0x2000  }
0x438: {  	s5 =	sshll.u32 s18, $0xA;
	[sflag:s31] =	ssyncset.done $0x0  }
0x439: {  	s0 =	sand.u32 $0x3FFFFC00, s5;
	[sflag:s31] =	ssyncadd.s32 $0xFFFFE000  }
0x43a: {  	s19 =	sand.u32 $0x380, s11;
	s15 =	sor.u32 $0x280, s0;
	_ =	swait.ge [sflag:s31], $0x400  }
0x43b: {  	s20 =	sand.u32 $0x70, s11;
	s0 =	sadd.s32 s19, s15;
	[sflag:s31] =	ssyncset.done $0x0  }
0x43c: {  	s0 =	sadd.s32 s20, s0;
	[sflag:s31] =	ssyncadd.s32 $0xFFFFFC00  }
0x43d: {  	v0 =	vld [tilespmem:s0+$0x0];
	_ =	sdelay $0x4  }
0x43e: {  	v5 =	vmul.u32 $0x19, v0;
	_ =	sdelay $0x5  }
0x43f: {  	v0 =	vld.idx.msk [tilespmem:v5+s3+$0x0], $0xffff  }
0x440: {  	v1 =	vadd.s32 $0x1, v5;
	_ =	sdelay $0x1  }
0x441: {  	s21 =	sand.u32 $0x1C00, s11  }
0x442: {  	s7 =	sor.u32 s20, s21  }
0x443: {  	[tilespmem:s7+$0xE680] =	vst v0  }
0x444: {  	v0 =	vld.idx.msk [tilespmem:v1+s3+$0x0], $0xffff  }
0x445: {  	s22 =	simm.s32 $0x10;
	v1 =	vadd.s32 $0x2, v5  }
0x446: {  	s23 =	sand.u32 $0x380, s22  }
0x447: {  	s25 =	sand.u32 $0x70, s22;
	s0 =	sadd.s32 s23, s15  }
0x448: {  	s0 =	sadd.s32 s25, s0  }
0x449: {  	v2 =	vld [tilespmem:s0+$0x0];
	[tilespmem:s7+$0xE700] =	vst v0  }
0x44a: {  	v0 =	vld.idx.msk [tilespmem:v1+s3+$0x0], $0xffff  }
0x44b: {  	v1 =	vadd.s32 $0x3, v5;
	_ =	sdelay $0x2  }
0x44c: {  	v6 =	vmul.u32 $0x19, v2  }
0x44d: {  	[tilespmem:s7+$0xE780] =	vst v0  }
0x44e: {  	v0 =	vld.idx.msk [tilespmem:v1+s3+$0x0], $0xffff  }
0x44f: {  	v1 =	vadd.s32 $0x4, v5;
	_ =	sdelay $0x2  }
0x450: {  	v2 =	vld.idx.msk [tilespmem:v6+s3+$0x0], $0xffff  }
0x451: {  	[tilespmem:s7+$0xE800] =	vst v0;
	v0 =	vadd.s32 $0x1, v6  }
0x452: {  	s26 =	simm.s32 $0x80;
	v1 =	vld.idx.msk [tilespmem:v1+s3+$0x0], $0xffff  }
0x453: {  	s13 =	sand.u32 $0x1C00, s26;
	v3 =	vadd.s32 $0x5, v5  }
0x454: {  	s0 =	sor.u32 s25, s13  }
0x455: {  	[tilespmem:s0+$0xE680] =	vst v2  }
0x456: {  	v0 =	vld.idx.msk [tilespmem:v0+s3+$0x0], $0xffff  }
0x457: {  	s2 =	simm.s32 $0x20;
	[tilespmem:s7+$0xE880] =	vst v1;
	v1 =	vadd.s32 $0x2, v6  }
0x458: {  	s16 =	sand.u32 $0x380, s2;
	v2 =	vld.idx.msk [tilespmem:v3+s3+$0x0], $0xffff  }
0x459: {  	s17 =	sand.u32 $0x70, s2;
	s12 =	sadd.s32 s16, s15;
	v3 =	vadd.s32 $0x6, v5  }
0x45a: {  	s12 =	sadd.s32 s17, s12  }
0x45b: {  	v4 =	vld [tilespmem:s12+$0x0];
	[tilespmem:s0+$0xE700] =	vst v0  }
0x45c: {  	v1 =	vld.idx.msk [tilespmem:v1+s3+$0x0], $0xffff  }
0x45d: {  	[tilespmem:s7+$0xE900] =	vst v2;
	v2 =	vadd.s32 $0x3, v6  }
0x45e: {  	v3 =	vld.idx.msk [tilespmem:v3+s3+$0x0], $0xffff  }
0x45f: {  	v7 =	vadd.s32 $0x7, v5  }
0x460: {  	v0 =	vmul.u32 $0x19, v4  }
0x461: {  	[tilespmem:s0+$0xE780] =	vst v1  }
0x462: {  	v1 =	vld.idx.msk [tilespmem:v2+s3+$0x0], $0xffff  }
0x463: {  	v2 =	vadd.s32 $0x4, v6;
	[tilespmem:s7+$0xE980] =	vst v3  }
0x464: {  	v3 =	vld.idx.msk [tilespmem:v7+s3+$0x0], $0xffff  }
0x465: {  	v4 =	vadd.s32 $0x8, v5  }
0x466: {  	v7 =	vld.idx.msk [tilespmem:v0+s3+$0x0], $0xffff  }
0x467: {  	s11 =	sor.u32 s11, s11;
	[tilespmem:s0+$0xE800] =	vst v1;
	v1 =	vadd.s32 $0x1, v0  }
0x468: {  	s19 =	sor.u32 $0x380, s11;
	s11 =	simm.s32 $0x100;
	v2 =	vld.idx.msk [tilespmem:v2+s3+$0x0], $0xffff  }
0x469: {  	s18 =	sand.u32 $0x1C00, s11;
	[tilespmem:s19+$0xE680] =	vst v3;
	v3 =	vadd.s32 $0x5, v6  }
0x46a: {  	s12 =	sor.u32 s17, s18;
	v4 =	vld.idx.msk [tilespmem:v4+s3+$0x0], $0xffff  }
0x46b: {  	[tilespmem:s12+$0xE680] =	vst v7;
	v7 =	vadd.s32 $0x9, v5  }
0x46c: {  	v1 =	vld.idx.msk [tilespmem:v1+s3+$0x0], $0xffff  }
0x46d: {  	s13 =	simm.s32 $0x30;
	[tilespmem:s0+$0xE880] =	vst v2;
	v2 =	vadd.s32 $0x2, v0  }
0x46e: {  	s20 =	sand.u32 $0x380, s13;
	v3 =	vld.idx.msk [tilespmem:v3+s3+$0x0], $0xffff  }
0x46f: {  	s21 =	sand.u32 $0x70, s13;
	s16 =	sadd.s32 s20, s15;
	[tilespmem:s7+$0x10680] =	vst v4;
	v4 =	vadd.s32 $0x6, v6  }
0x470: {  	s16 =	sadd.s32 s21, s16;
	v7 =	vld.idx.msk [tilespmem:v7+s3+$0x0], $0xffff  }
0x471: {  	v8 =	vld [tilespmem:s16+$0x0];
	[tilespmem:s12+$0xE700] =	vst v1;
	v1 =	vadd.s32 $0xA, v5  }
0x472: {  	v2 =	vld.idx.msk [tilespmem:v2+s3+$0x0], $0xffff  }
0x473: {  	[tilespmem:s0+$0xE900] =	vst v3;
	v3 =	vadd.s32 $0x3, v0  }
0x474: {  	v4 =	vld.idx.msk [tilespmem:v4+s3+$0x0], $0xffff  }
0x475: {  	[tilespmem:s7+$0x10700] =	vst v7;
	v7 =	vadd.s32 $0x7, v6  }
0x476: {  	v9 =	vld.idx.msk [tilespmem:v1+s3+$0x0], $0xffff  }
0x477: {  	v1 =	vmul.u32 $0x19, v8;
	[tilespmem:s12+$0xE780] =	vst v2;
	v2 =	vadd.s32 $0xB, v5  }
0x478: {  	v3 =	vld.idx.msk [tilespmem:v3+s3+$0x0], $0xffff  }
0x479: {  	[tilespmem:s0+$0xE980] =	vst v4;
	v4 =	vadd.s32 $0x4, v0  }
0x47a: {  	v7 =	vld.idx.msk [tilespmem:v7+s3+$0x0], $0xffff  }
0x47b: {  	v8 =	vadd.s32 $0x8, v6;
	[tilespmem:s7+$0x10780] =	vst v9  }
0x47c: {  	v2 =	vld.idx.msk [tilespmem:v2+s3+$0x0], $0xffff  }
0x47d: {  	s6 =	sor.u32 s26, s22;
	v9 =	vld.idx.msk [tilespmem:v1+s3+$0x0], $0xffff;
	[tilespmem:s12+$0xE800] =	vst v3;
	v3 =	vadd.s32 $0xC, v5  }
0x47e: {  	s22 =	sor.u32 $0x380, s6;
	v10 =	vadd.s32 $0x1, v1;
	v4 =	vld.idx.msk [tilespmem:v4+s3+$0x0], $0xffff  }
0x47f: {  	s14 =	simm.s32 $0x180;
	[tilespmem:s22+$0xE680] =	vst v7;
	v7 =	vadd.s32 $0x5, v0  }
0x480: {  	s23 =	sand.u32 $0x1C00, s14;
	v8 =	vld.idx.msk [tilespmem:v8+s3+$0x0], $0xffff  }
0x481: {  	s6 =	sor.u32 s21, s23;
	[tilespmem:s7+$0x10800] =	vst v2;
	v2 =	vadd.s32 $0x9, v6  }
0x482: {  	[tilespmem:s6+$0xE680] =	vst v9;
	v3 =	vld.idx.msk [tilespmem:v3+s3+$0x0], $0xffff  }
0x483: {  	s17 =	simm.s32 $0x40;
	v9 =	vld.idx.msk [tilespmem:v10+s3+$0x0], $0xffff;
	[tilespmem:s12+$0xE880] =	vst v4;
	v4 =	vadd.s32 $0xD, v5  }
0x484: {  	s25 =	sand.u32 $0x380, s17;
	v10 =	vadd.s32 $0x2, v1;
	v7 =	vld.idx.msk [tilespmem:v7+s3+$0x0], $0xffff  }
0x485: {  	s26 =	sand.u32 $0x70, s17;
	s16 =	sadd.s32 s25, s15;
	[tilespmem:s0+$0x10680] =	vst v8;
	v8 =	vadd.s32 $0x6, v0  }
0x486: {  	s16 =	sadd.s32 s26, s16;
	v2 =	vld.idx.msk [tilespmem:v2+s3+$0x0], $0xffff  }
0x487: {  	v11 =	vld [tilespmem:s16+$0x0];
	[tilespmem:s7+$0x10880] =	vst v3;
	v3 =	vadd.s32 $0xA, v6  }
0x488: {  	[tilespmem:s6+$0xE700] =	vst v9;
	v4 =	vld.idx.msk [tilespmem:v4+s3+$0x0], $0xffff  }
0x489: {  	v9 =	vld.idx.msk [tilespmem:v10+s3+$0x0], $0xffff;
	[tilespmem:s12+$0xE900] =	vst v7;
	v7 =	vadd.s32 $0xE, v5  }
0x48a: {  	v10 =	vadd.s32 $0x3, v1;
	v8 =	vld.idx.msk [tilespmem:v8+s3+$0x0], $0xffff  }
0x48b: {  	v12 =	vadd.s32 $0x7, v0;
	[tilespmem:s0+$0x10700] =	vst v2  }
0x48c: {  	v3 =	vld.idx.msk [tilespmem:v3+s3+$0x0], $0xffff  }
0x48d: {  	v2 =	vmul.u32 $0x19, v11;
	[tilespmem:s7+$0x10900] =	vst v4;
	v4 =	vadd.s32 $0xB, v6  }
0x48e: {  	[tilespmem:s6+$0xE780] =	vst v9;
	v7 =	vld.idx.msk [tilespmem:v7+s3+$0x0], $0xffff  }
0x48f: {  	v9 =	vld.idx.msk [tilespmem:v10+s3+$0x0], $0xffff;
	[tilespmem:s12+$0xE980] =	vst v8;
	v8 =	vadd.s32 $0xF, v5  }
0x490: {  	v10 =	vadd.s32 $0x4, v1;
	v11 =	vld.idx.msk [tilespmem:v12+s3+$0x0], $0xffff  }
0x491: {  	[tilespmem:s0+$0x10780] =	vst v3;
	v3 =	vadd.s32 $0x8, v0  }
0x492: {  	v4 =	vld.idx.msk [tilespmem:v4+s3+$0x0], $0xffff  }
0x493: {  	s2 =	sor.u32 s11, s2;
	v12 =	vld.idx.msk [tilespmem:v2+s3+$0x0], $0xffff;
	[tilespmem:s7+$0x10980] =	vst v7;
	v7 =	vadd.s32 $0xC, v6  }
0x494: {  	s16 =	sor.u32 $0x380, s2;
	[tilespmem:s6+$0xE800] =	vst v9;
	v9 =	vadd.s32 $0x1, v2;
	v8 =	vld.idx.msk [tilespmem:v8+s3+$0x0], $0xffff  }
0x495: {  	s18 =	simm.s32 $0x200;
	v10 =	vld.idx.msk [tilespmem:v10+s3+$0x0], $0xffff;
	[tilespmem:s16+$0xE680] =	vst v11;
	v11 =	vadd.s32 $0x10, v5  }
0x496: {  	s11 =	sand.u32 $0x1C00, s18;
	v13 =	vadd.s32 $0x5, v1;
	v3 =	vld.idx.msk [tilespmem:v3+s3+$0x0], $0xffff  }
0x497: {  	s11 =	sor.u32 s26, s11;
	[tilespmem:s0+$0x10800] =	vst v4;
	v4 =	vadd.s32 $0x9, v0  }
0x498: {  	[tilespmem:s11+$0xE680] =	vst v12;
	v7 =	vld.idx.msk [tilespmem:v7+s3+$0x0], $0xffff  }
0x499: {  	s29 =	simm.s32 $0x50;
	v9 =	vld.idx.msk [tilespmem:v9+s3+$0x0], $0xffff;
	[tilespmem:s19+$0x10680] =	vst v8;
	v8 =	vadd.s32 $0xD, v6  }
0x49a: {  	s21 =	sand.u32 $0x380, s29;
	[tilespmem:s6+$0xE880] =	vst v10;
	v10 =	vld.idx.msk [tilespmem:v11+s3+$0x0], $0xffff;
	v11 =	vadd.s32 $0x2, v2  }
0x49b: {  	s23 =	sand.u32 $0x70, s29;
	s20 =	sadd.s32 s21, s15;
	v12 =	vld.idx.msk [tilespmem:v13+s3+$0x0], $0xffff;
	[tilespmem:s12+$0x10680] =	vst v3;
	v3 =	vadd.s32 $0x11, v5  }
0x49c: {  	s20 =	sadd.s32 s23, s20;
	v13 =	vadd.s32 $0x6, v1;
	v4 =	vld.idx.msk [tilespmem:v4+s3+$0x0], $0xffff  }
0x49d: {  	v14 =	vld [tilespmem:s20+$0x0];
	[tilespmem:s0+$0x10880] =	vst v7;
	v7 =	vadd.s32 $0xA, v0  }
0x49e: {  	[tilespmem:s11+$0xE700] =	vst v9;
	v8 =	vld.idx.msk [tilespmem:v8+s3+$0x0], $0xffff  }
0x49f: {  	s20 =	simm.s32 $0x60;
	v9 =	vld.idx.msk [tilespmem:v11+s3+$0x0], $0xffff;
	[tilespmem:s7+$0x12680] =	vst v10;
	v10 =	vadd.s32 $0xE, v6  }
0x4a0: {  	s26 =	sand.u32 $0x380, s20;
	[tilespmem:s6+$0xE900] =	vst v12;
	v12 =	vadd.s32 $0x3, v2;
	v11 =	vld.idx.msk [tilespmem:v3+s3+$0x0], $0xffff  }
0x4a1: {  	s28 =	sand.u32 $0x70, s20;
	s21 =	sadd.s32 s26, s15;
	v13 =	vld.idx.msk [tilespmem:v13+s3+$0x0], $0xffff;
	[tilespmem:s12+$0x10700] =	vst v4;
	v4 =	vadd.s32 $0x12, v5  }
0x4a2: {  	s21 =	sadd.s32 s28, s21;
	v15 =	vadd.s32 $0x7, v1;
	v7 =	vld.idx.msk [tilespmem:v7+s3+$0x0], $0xffff  }
0x4a3: {  	v16 =	vld [tilespmem:s21+$0x0];
	v3 =	vmul.u32 $0x19, v14;
	[tilespmem:s0+$0x10900] =	vst v8;
	v8 =	vadd.s32 $0xB, v0  }
0x4a4: {  	[tilespmem:s11+$0xE780] =	vst v9;
	v9 =	vld.idx.msk [tilespmem:v10+s3+$0x0], $0xffff  }
0x4a5: {  	v10 =	vld.idx.msk [tilespmem:v12+s3+$0x0], $0xffff;
	[tilespmem:s7+$0x12700] =	vst v11;
	v11 =	vadd.s32 $0xF, v6  }
0x4a6: {  	[tilespmem:s6+$0xE980] =	vst v13;
	v12 =	vadd.s32 $0x4, v2;
	v4 =	vld.idx.msk [tilespmem:v4+s3+$0x0], $0xffff  }
0x4a7: {  	v13 =	vld.idx.msk [tilespmem:v15+s3+$0x0], $0xffff;
	[tilespmem:s12+$0x10780] =	vst v7;
	v7 =	vadd.s32 $0x13, v5  }
0x4a8: {  	v14 =	vadd.s32 $0x8, v1;
	v8 =	vld.idx.msk [tilespmem:v8+s3+$0x0], $0xffff  }
0x4a9: {  	v15 =	vld.idx.msk [tilespmem:v3+s3+$0x0], $0xffff;
	[tilespmem:s0+$0x10980] =	vst v9;
	v9 =	vadd.s32 $0xC, v0  }
0x4aa: {  	s13 =	sor.u32 s14, s13;
	[tilespmem:s11+$0xE800] =	vst v10;
	v10 =	vld.idx.msk [tilespmem:v11+s3+$0x0], $0xffff;
	v11 =	vadd.s32 $0x1, v3  }
0x4ab: {  	s13 =	sor.u32 $0x380, s13;
	s25 =	simm.s32 $0x280;
	v12 =	vld.idx.msk [tilespmem:v12+s3+$0x0], $0xffff;
	[tilespmem:s7+$0x12780] =	vst v4;
	v4 =	vadd.s32 $0x10, v6  }
0x4ac: {  	s21 =	sand.u32 $0x1C00, s25;
	[tilespmem:s13+$0xE680] =	vst v13;
	v13 =	vadd.s32 $0x5, v2;
	v7 =	vld.idx.msk [tilespmem:v7+s3+$0x0], $0xffff  }
0x4ad: {  	s14 =	sor.u32 s23, s21;
	v14 =	vld.idx.msk [tilespmem:v14+s3+$0x0], $0xffff;
	[tilespmem:s12+$0x10800] =	vst v8  }
0x4ae: {  	s21 =	simm.s32 $0x70;
	[tilespmem:s14+$0xE680] =	vst v15;
	v8 =	vadd.s32 $0x14, v5;
	v9 =	vld.idx.msk [tilespmem:v9+s3+$0x0], $0xffff  }
0x4af: {  	s23 =	sand.u32 $0x380, s21;
	v15 =	vadd.s32 $0x9, v1;
	v11 =	vld.idx.msk [tilespmem:v11+s3+$0x0], $0xffff;
	[tilespmem:s22+$0x10680] =	vst v10  }
0x4b0: {  	s2 =	sand.u32 $0x70, s21;
	s23 =	sadd.s32 s23, s15;
	v10 =	vadd.s32 $0xD, v0;
	[tilespmem:s11+$0xE880] =	vst v12;
	v4 =	vld.idx.msk [tilespmem:v4+s3+$0x0], $0xffff  }
0x4b1: {  	s23 =	sadd.s32 s2, s23;
	v12 =	vadd.s32 $0x2, v3;
	v13 =	vld.idx.msk [tilespmem:v13+s3+$0x0], $0xffff;
	[tilespmem:s7+$0x12800] =	vst v7  }
0x4b2: {  	v18 =	vld [tilespmem:s23+$0x0];
	v7 =	vadd.s32 $0x11, v6;
	[tilespmem:s6+$0x10680] =	vst v14  }
0x4b3: {  	v14 =	vadd.s32 $0x6, v2;
	v8 =	vld.idx.msk [tilespmem:v8+s3+$0x0], $0xffff;
	[tilespmem:s12+$0x10880] =	vst v9  }
0x4b4: {  	v15 =	vld.idx.msk [tilespmem:v15+s3+$0x0], $0xffff;
	v9 =	vadd.s32 $0x15, v5;
	[tilespmem:s14+$0xE700] =	vst v11  }
0x4b5: {  	v11 =	vadd.s32 $0xA, v1;
	v10 =	vld.idx.msk [tilespmem:v10+s3+$0x0], $0xffff;
	[tilespmem:s0+$0x12680] =	vst v4  }
0x4b6: {  	v12 =	vld.idx.msk [tilespmem:v12+s3+$0x0], $0xffff;
	[tilespmem:s11+$0xE900] =	vst v13;
	v13 =	vadd.s32 $0xE, v0  }
0x4b7: {  	v17 =	vadd.s32 $0x3, v3;
	v4 =	vmul.u32 $0x19, v16;
	v7 =	vld.idx.msk [tilespmem:v7+s3+$0x0], $0xffff  }
0x4b8: {  	v14 =	vld.idx.msk [tilespmem:v14+s3+$0x0], $0xffff;
	[tilespmem:s7+$0x12880] =	vst v8  }
0x4b9: {  	[tilespmem:s6+$0x10700] =	vst v15;
	v8 =	vadd.s32 $0x12, v6;
	v9 =	vld.idx.msk [tilespmem:v9+s3+$0x0], $0xffff  }
0x4ba: {  	v15 =	vadd.s32 $0x7, v2;
	v11 =	vld.idx.msk [tilespmem:v11+s3+$0x0], $0xffff;
	[tilespmem:s12+$0x10900] =	vst v10  }
0x4bb: {  	v10 =	vadd.s32 $0x16, v5;
	[tilespmem:s14+$0xE780] =	vst v12;
	v13 =	vld.idx.msk [tilespmem:v13+s3+$0x0], $0xffff  }
0x4bc: {  	v12 =	vadd.s32 $0xB, v1;
	v16 =	vld.idx.msk [tilespmem:v17+s3+$0x0], $0xffff  }
0x4bd: {  	[tilespmem:s0+$0x12700] =	vst v7;
	v7 =	vadd.s32 $0xF, v0;
	v17 =	vld.idx.msk [tilespmem:v4+s3+$0x0], $0xffff  }
0x4be: {  	[tilespmem:s11+$0xE980] =	vst v14;
	v8 =	vld.idx.msk [tilespmem:v8+s3+$0x0], $0xffff;
	v14 =	vadd.s32 $0x4, v3  }
0x4bf: {  	v19 =	vadd.s32 $0x1, v4;
	v15 =	vld.idx.msk [tilespmem:v15+s3+$0x0], $0xffff;
	[tilespmem:s7+$0x12900] =	vst v9  }
0x4c0: {  	s26 =	simm.s32 $0x300;
	v9 =	vadd.s32 $0x13, v6;
	[tilespmem:s6+$0x10780] =	vst v11;
	v10 =	vld.idx.msk [tilespmem:v10+s3+$0x0], $0xffff  }
0x4c1: {  	s23 =	sand.u32 $0x1C00, s26;
	v11 =	vadd.s32 $0x8, v2;
	v12 =	vld.idx.msk [tilespmem:v12+s3+$0x0], $0xffff;
	[tilespmem:s12+$0x10980] =	vst v13  }
0x4c2: {  	s17 =	sor.u32 s18, s17;
	s18 =	sor.u32 s28, s23;
	v13 =	vadd.s32 $0x17, v5;
	[tilespmem:s14+$0xE800] =	vst v16;
	v7 =	vld.idx.msk [tilespmem:v7+s3+$0x0], $0xffff  }
0x4c3: {  	v16 =	vadd.s32 $0xC, v1;
	[tilespmem:s18+$0xE680] =	vst v17;
	v14 =	vld.idx.msk [tilespmem:v14+s3+$0x0], $0xffff  }
0x4c4: {  	s17 =	sor.u32 $0x380, s17;
	[tilespmem:s0+$0x12780] =	vst v8;
	v8 =	vadd.s32 $0x10, v0;
	v17 =	vld.idx.msk [tilespmem:v19+s3+$0x0], $0xffff  }
0x4c5: {  	[tilespmem:s17+$0xE680] =	vst v15;
	v9 =	vld.idx.msk [tilespmem:v9+s3+$0x0], $0xffff;
	v15 =	vadd.s32 $0x5, v3  }
0x4c6: {  	v11 =	vld.idx.msk [tilespmem:v11+s3+$0x0], $0xffff;
	[tilespmem:s7+$0x12980] =	vst v10;
	v10 =	vadd.s32 $0x14, v6  }
0x4c7: {  	[tilespmem:s6+$0x10800] =	vst v12;
	v12 =	vld.idx.msk [tilespmem:v13+s3+$0x0], $0xffff;
	v13 =	vadd.s32 $0x9, v2  }
0x4c8: {  	v5 =	vadd.s32 $0x18, v5;
	v16 =	vld.idx.msk [tilespmem:v16+s3+$0x0], $0xffff;
	[tilespmem:s16+$0x10680] =	vst v7  }
0x4c9: {  	[tilespmem:s14+$0xE880] =	vst v14;
	v7 =	vadd.s32 $0xD, v1;
	v8 =	vld.idx.msk [tilespmem:v8+s3+$0x0], $0xffff  }
0x4ca: {  	v14 =	vadd.s32 $0x2, v4;
	v15 =	vld.idx.msk [tilespmem:v15+s3+$0x0], $0xffff;
	[tilespmem:s0+$0x12800] =	vst v9  }
0x4cb: {  	v9 =	vadd.s32 $0x11, v0;
	[tilespmem:s11+$0x10680] =	vst v11;
	v10 =	vld.idx.msk [tilespmem:v10+s3+$0x0], $0xffff  }
0x4cc: {  	v11 =	vadd.s32 $0x6, v3;
	v13 =	vld.idx.msk [tilespmem:v13+s3+$0x0], $0xffff;
	[tilespmem:s19+$0x12680] =	vst v12  }
0x4cd: {  	[tilespmem:s6+$0x10880] =	vst v16;
	v16 =	vld.idx.msk [tilespmem:v5+s3+$0x0], $0xffff  }
0x4ce: {  	s28 =	simm.s32 $0x80;
	[tilespmem:s18+$0xE700] =	vst v17;
	v12 =	vadd.s32 $0x15, v6;
	v17 =	vld.idx.msk [tilespmem:v7+s3+$0x0], $0xffff  }
0x4cf: {  	s19 =	sand.u32 $0x380, s28;
	v5 =	vadd.s32 $0xA, v2;
	v14 =	vld.idx.msk [tilespmem:v14+s3+$0x0], $0xffff;
	[tilespmem:s12+$0x12680] =	vst v8  }
0x4d0: {  	s30 =	sand.u32 $0x70, s28;
	s7 =	sadd.s32 s19, s15;
	[tilespmem:s14+$0xE900] =	vst v15;
	v8 =	vadd.s32 $0xE, v1;
	v9 =	vld.idx.msk [tilespmem:v9+s3+$0x0], $0xffff  }
0x4d1: {  	v15 =	vadd.s32 $0x3, v4;
	s7 =	sadd.s32 s30, s7;
	v11 =	vld.idx.msk [tilespmem:v11+s3+$0x0], $0xffff;
	[tilespmem:s0+$0x12880] =	vst v10  }
0x4d2: {  	v10 =	vadd.s32 $0x12, v0;
	v7 =	vld [tilespmem:s7+$0x0];
	[tilespmem:s11+$0x10700] =	vst v13  }
0x4d3: {  	v12 =	vld.idx.msk [tilespmem:v12+s3+$0x0], $0xffff;
	v13 =	vadd.s32 $0x7, v3;
	[tilespmem:s6+$0x10900] =	vst v17  }
0x4d4: {  	s7 =	simm.s32 $0x14680;
	v19 =	vld.idx.msk [tilespmem:v5+s3+$0x0], $0xffff;
	v17 =	vadd.s32 $0x16, v6;
	[tilespmem:s18+$0xE780] =	vst v14  }
0x4d5: {  	v5 =	vmul.u32 $0x19, v18;
	v14 =	vadd.s32 $0xB, v2;
	[tilespmem:s7+$0x0] =	vst v16;
	v8 =	vld.idx.msk [tilespmem:v8+s3+$0x0], $0xffff  }
0x4d6: {  	v15 =	vld.idx.msk [tilespmem:v15+s3+$0x0], $0xffff;
	[tilespmem:s12+$0x12700] =	vst v9  }
0x4d7: {  	[tilespmem:s14+$0xE980] =	vst v11;
	v9 =	vadd.s32 $0xF, v1;
	v10 =	vld.idx.msk [tilespmem:v10+s3+$0x0], $0xffff  }
0x4d8: {  	v11 =	vadd.s32 $0x4, v4;
	v13 =	vld.idx.msk [tilespmem:v13+s3+$0x0], $0xffff;
	[tilespmem:s0+$0x12900] =	vst v12  }
0x4d9: {  	v12 =	vadd.s32 $0x13, v0;
	[tilespmem:s11+$0x10780] =	vst v19;
	v17 =	vld.idx.msk [tilespmem:v17+s3+$0x0], $0xffff  }
0x4da: {  	v16 =	vadd.s32 $0x8, v3;
	v14 =	vld.idx.msk [tilespmem:v14+s3+$0x0], $0xffff;
	[tilespmem:s6+$0x10980] =	vst v8  }
0x4db: {  	s23 =	sor.u32 s25, s29;
	v18 =	vld.idx.msk [tilespmem:v5+s3+$0x0], $0xffff;
	v8 =	vadd.s32 $0x17, v6;
	[tilespmem:s18+$0xE800] =	vst v15  }
0x4dc: {  	s19 =	sor.u32 $0x380, s23;
	v15 =	vadd.s32 $0xC, v2;
	v9 =	vld.idx.msk [tilespmem:v9+s3+$0x0], $0xffff;
	[tilespmem:s12+$0x12780] =	vst v10  }
0x4dd: {  	s29 =	simm.s32 $0x380;
	v19 =	vadd.s32 $0x1, v5;
	v11 =	vld.idx.msk [tilespmem:v11+s3+$0x0], $0xffff;
	[tilespmem:s19+$0xE680] =	vst v13  }
0x4de: {  	s25 =	sand.u32 $0x1C00, s29;
	v10 =	vadd.s32 $0x10, v1;
	v12 =	vld.idx.msk [tilespmem:v12+s3+$0x0], $0xffff;
	[tilespmem:s0+$0x12980] =	vst v17  }
0x4df: {  	v13 =	vadd.s32 $0x5, v4;
	v17 =	vld.idx.msk [tilespmem:v16+s3+$0x0], $0xffff;
	s0 =	sor.u32 s2, s25;
	[tilespmem:s11+$0x10800] =	vst v14  }
0x4e0: {  	v63 =	vadd.s32 $0x14, v0;
	v21 =	vld.idx.msk [tilespmem:v8+s3+$0x0], $0xffff;
	[tilespmem:s0+$0xE680] =	vst v18  }
0x4e1: {  	v18 =	vadd.s32 $0x9, v3;
	v22 =	vld.idx.msk [tilespmem:v15+s3+$0x0], $0xffff;
	[tilespmem:s13+$0x10680] =	vst v9  }
0x4e2: {  	v6 =	vadd.s32 $0x18, v6;
	v16 =	vld.idx.msk [tilespmem:v19+s3+$0x0], $0xffff;
	[tilespmem:s18+$0xE880] =	vst v11  }
0x4e3: {  	v8 =	vld.idx.msk [tilespmem:v10+s3+$0x0], $0xffff;
	v10 =	vadd.s32 $0xD, v2;
	[tilespmem:s12+$0x12800] =	vst v12  }
0x4e4: {  	v14 =	vld.idx.msk [tilespmem:v13+s3+$0x0], $0xffff;
	[tilespmem:s14+$0x10680] =	vst v17;
	v17 =	vadd.s32 $0x2, v5  }
0x4e5: {  	v9 =	vadd.s32 $0x11, v1;
	v11 =	vld.idx.msk [tilespmem:v63+s3+$0x0], $0xffff  }
0x4e6: {  	v15 =	vadd.s32 $0x6, v4;
	v13 =	vld.idx.msk [tilespmem:v18+s3+$0x0], $0xffff;
	[tilespmem:s22+$0x12680] =	vst v21  }
0x4e7: {  	v12 =	vadd.s32 $0x15, v0;
	s22 =	simm.s32 $0x90;
	[tilespmem:s11+$0x10880] =	vst v22;
	v6 =	vld.idx.msk [tilespmem:v6+s3+$0x0], $0xffff  }
.LBB2_9:
0x4e8: {  	p0 =	sne.s32 s22, $0x3F0;
	[tilespmem:s0+$0xE700] =	vst v16;
	v16 =	vadd.s32 $0xA, v3;
	v10 =	vld.idx.msk [tilespmem:v10+s3+$0x0], $0xffff  }
0x4e9: {  	v17 =	vld.idx.msk [tilespmem:v17+s3+$0x0], $0xffff;
	[tilespmem:s6+$0x12680] =	vst v8  }
0x4ea: {  	v8 =	vadd.s32 $0xE, v2;
	[tilespmem:s18+$0xE900] =	vst v14;
	v9 =	vld.idx.msk [tilespmem:v9+s3+$0x0], $0xffff  }
0x4eb: {  	s23 =	sand.u32 $0x380, s22;
	v14 =	vadd.s32 $0x3, v5;
	v15 =	vld.idx.msk [tilespmem:v15+s3+$0x0], $0xffff;
	[tilespmem:s12+$0x12880] =	vst v11  }
0x4ec: {  	s2 =	sand.u32 $0x70, s22;
	s7 =	sadd.s32 $0x10, s7;
	s23 =	sadd.s32 s23, s15;
	v11 =	vadd.s32 $0x12, v1;
	[tilespmem:s14+$0x10700] =	vst v13;
	v12 =	vld.idx.msk [tilespmem:v12+s3+$0x0], $0xffff  }
0x4ed: {  	s23 =	sadd.s32 s2, s23;
	v13 =	vadd.s32 $0x7, v4;
	v16 =	vld.idx.msk [tilespmem:v16+s3+$0x0], $0xffff;
	[tilespmem:s7+$0x0] =	vst v6  }
0x4ee: {  	v6 =	vld [tilespmem:s23+$0x0];
	[tilespmem:s11+$0x10900] =	vst v10;
	v10 =	vadd.s32 $0x16, v0  }
0x4ef: {  	v18 =	vmul.u32 $0x19, v7;
	[tilespmem:s0+$0xE780] =	vst v17;
	v17 =	vadd.s32 $0xB, v3;
	v8 =	vld.idx.msk [tilespmem:v8+s3+$0x0], $0xffff  }
0x4f0: {  	v14 =	vld.idx.msk [tilespmem:v14+s3+$0x0], $0xffff;
	[tilespmem:s6+$0x12700] =	vst v9  }
0x4f1: {  	v9 =	vadd.s32 $0xF, v2;
	[tilespmem:s18+$0xE980] =	vst v15;
	v11 =	vld.idx.msk [tilespmem:v11+s3+$0x0], $0xffff  }
0x4f2: {  	v15 =	vadd.s32 $0x4, v5;
	v13 =	vld.idx.msk [tilespmem:v13+s3+$0x0], $0xffff;
	[tilespmem:s12+$0x12900] =	vst v12  }
0x4f3: {  	v12 =	vadd.s32 $0x13, v1;
	[tilespmem:s14+$0x10780] =	vst v16;
	v10 =	vld.idx.msk [tilespmem:v10+s3+$0x0], $0xffff;
	v7 =	vmov v6  }
0x4f4: {  	v6 =	vadd.s32 $0x8, v4;
	v16 =	vld.idx.msk [tilespmem:v17+s3+$0x0], $0xffff  }
0x4f5: {  	v17 =	vld.idx.msk [tilespmem:v18+s3+$0x0], $0xffff;
	[tilespmem:s11+$0x10980] =	vst v8;
	v8 =	vadd.s32 $0x17, v0  }
0x4f6: {  	s23 =	sor.u32 s26, s20;
	s26 =	smov.u32 s29;
	s20 =	smov.u32 s21;
	[tilespmem:s0+$0xE800] =	vst v14;
	v14 =	vadd.s32 $0xC, v3;
	v9 =	vld.idx.msk [tilespmem:v9+s3+$0x0], $0xffff  }
0x4f7: {  	v19 =	vadd.s32 $0x1, v18;
	s21 =	smov.u32 s28;
	s28 =	smov.u32 s22;
	s25 =	sor.u32 $0x380, s23;
	v15 =	vld.idx.msk [tilespmem:v15+s3+$0x0], $0xffff;
	[tilespmem:s6+$0x12780] =	vst v11  }
0x4f8: {  	s29 =	sadd.s32 $0x80, s29;
	v11 =	vadd.s32 $0x10, v2;
	[tilespmem:s25+$0xE680] =	vst v13;
	v12 =	vld.idx.msk [tilespmem:v12+s3+$0x0], $0xffff  }
0x4f9: {  	s23 =	sand.u32 $0x1C00, s29;
	v13 =	vadd.s32 $0x5, v5;
	v6 =	vld.idx.msk [tilespmem:v6+s3+$0x0], $0xffff;
	[tilespmem:s12+$0x12980] =	vst v10;
	s12 =	smov.u32 s6;
	s6 =	smov.u32 s11  }
0x4fa: {  	v20 =	vadd.s32 $0x14, v1;
	s23 =	sor.u32 s30, s23;
	s30 =	smov.u32 s2;
	s11 =	smov.u32 s14;
	[tilespmem:s14+$0x10800] =	vst v16;
	v21 =	vld.idx.msk [tilespmem:v8+s3+$0x0], $0xffff  }
0x4fb: {  	v22 =	vadd.s32 $0x9, v4;
	s14 =	smov.u32 s18;
	s18 =	smov.u32 s0;
	s0 =	smov.u32 s23;
	[tilespmem:s23+$0xE680] =	vst v17;
	v23 =	vld.idx.msk [tilespmem:v14+s3+$0x0], $0xffff  }
0x4fc: {  	v16 =	vld.idx.msk [tilespmem:v19+s3+$0x0], $0xffff;
	[tilespmem:s17+$0x10680] =	vst v9;
	v19 =	vadd.s32 $0x18, v0;
	v0 =	vmovc v1;
	v1 =	vmovc v2;
	v2 =	vmov v3;
	v3 =	vmov v4  }
.Ltmp3:
0x4fd: {  	v4 =	vmov v5;
	v5 =	vmov v18;
	[tilespmem:s18+$0xE880] =	vst v15;
	v10 =	vadd.s32 $0xD, v2;
	v8 =	vld.idx.msk [tilespmem:v11+s3+$0x0], $0xffff;
	(pc) =	sbr.rel @p0 .LBB2_9-.Ltmp3, $4  }
0x4fe: {  	v17 =	vadd.s32 $0x2, v5;
	v14 =	vld.idx.msk [tilespmem:v13+s3+$0x0], $0xffff;
	[tilespmem:s12+$0x12800] =	vst v12  }
0x4ff: {  	v9 =	vadd.s32 $0x11, v1;
	[tilespmem:s14+$0x10680] =	vst v6;
	v11 =	vld.idx.msk [tilespmem:v20+s3+$0x0], $0xffff  }
0x500: {  	v15 =	vadd.s32 $0x6, v4;
	v13 =	vld.idx.msk [tilespmem:v22+s3+$0x0], $0xffff;
	[tilespmem:s16+$0x12680] =	vst v21;
	s16 =	smov.u32 s13;
	s13 =	smov.u32 s17;
	s17 =	smov.u32 s19  }
0x501: {  	s22 =	sadd.s32 $0x10, s22;
	v12 =	vadd.s32 $0x15, v0;
	s19 =	smov.u32 s25;
	[tilespmem:s11+$0x10880] =	vst v23;
	v6 =	vld.idx.msk [tilespmem:v19+s3+$0x0], $0xffff  }
0x502: {  	v7 =	vmul.u32 $0x19, v7;
	_ =	sdelay $0x5  }
0x503: {  	v18 =	vld.idx.msk [tilespmem:v7+s3+$0x0], $0xffff  }
0x504: {  	v19 =	vadd.s32 $0x1, v7  }
0x505: {  	s2 =	sadd.s32 $0x80, s29  }
0x506: {  	s15 =	sand.u32 $0x1C00, s2  }
0x507: {  	s15 =	sor.u32 s30, s15  }
0x508: {  	[tilespmem:s15+$0xE680] =	vst v18  }
0x509: {  	v18 =	vld.idx.msk [tilespmem:v19+s3+$0x0], $0xffff  }
0x50a: {  	v40 =	vadd.s32 $0x2, v7;
	_ =	sdelay $0x2  }
0x50b: {  	[tilespmem:s0+$0xE700] =	vst v16  }
0x50c: {  	v16 =	vld.idx.msk [tilespmem:v17+s3+$0x0], $0xffff;
	[tilespmem:s15+$0xE700] =	vst v18  }
0x50d: {  	v41 =	vadd.s32 $0x3, v5;
	v18 =	vld.idx.msk [tilespmem:v40+s3+$0x0], $0xffff  }
0x50e: {  	v42 =	vadd.s32 $0x3, v7;
	_ =	sdelay $0x2  }
0x50f: {  	[tilespmem:s0+$0xE780] =	vst v16  }
0x510: {  	v16 =	vld.idx.msk [tilespmem:v41+s3+$0x0], $0xffff;
	[tilespmem:s15+$0xE780] =	vst v18  }
0x511: {  	v43 =	vadd.s32 $0x4, v5;
	v18 =	vld.idx.msk [tilespmem:v42+s3+$0x0], $0xffff  }
0x512: {  	v44 =	vadd.s32 $0x4, v7;
	_ =	sdelay $0x2  }
0x513: {  	[tilespmem:s0+$0xE800] =	vst v16  }
0x514: {  	v16 =	vld.idx.msk [tilespmem:v43+s3+$0x0], $0xffff;
	[tilespmem:s15+$0xE800] =	vst v18  }
0x515: {  	v45 =	vadd.s32 $0x5, v5;
	v18 =	vld.idx.msk [tilespmem:v44+s3+$0x0], $0xffff  }
0x516: {  	v46 =	vadd.s32 $0x5, v7;
	_ =	sdelay $0x2  }
0x517: {  	[tilespmem:s0+$0xE880] =	vst v16  }
0x518: {  	v16 =	vld.idx.msk [tilespmem:v45+s3+$0x0], $0xffff;
	[tilespmem:s15+$0xE880] =	vst v18  }
0x519: {  	v47 =	vadd.s32 $0x6, v5;
	v18 =	vld.idx.msk [tilespmem:v46+s3+$0x0], $0xffff  }
0x51a: {  	v48 =	vadd.s32 $0x6, v7;
	_ =	sdelay $0x1  }
0x51b: {  	[tilespmem:s18+$0xE900] =	vst v14  }
0x51c: {  	v14 =	vld.idx.msk [tilespmem:v15+s3+$0x0], $0xffff;
	[tilespmem:s0+$0xE900] =	vst v16  }
0x51d: {  	v49 =	vadd.s32 $0x7, v4;
	v16 =	vld.idx.msk [tilespmem:v47+s3+$0x0], $0xffff;
	[tilespmem:s15+$0xE900] =	vst v18  }
0x51e: {  	v50 =	vadd.s32 $0x7, v5;
	v18 =	vld.idx.msk [tilespmem:v48+s3+$0x0], $0xffff  }
0x51f: {  	v51 =	vadd.s32 $0x7, v7;
	_ =	sdelay $0x1  }
0x520: {  	[tilespmem:s18+$0xE980] =	vst v14  }
0x521: {  	v14 =	vld.idx.msk [tilespmem:v49+s3+$0x0], $0xffff;
	[tilespmem:s0+$0xE980] =	vst v16  }
0x522: {  	v52 =	vadd.s32 $0x8, v4;
	v16 =	vld.idx.msk [tilespmem:v50+s3+$0x0], $0xffff;
	[tilespmem:s15+$0xE980] =	vst v18  }
0x523: {  	v53 =	vadd.s32 $0x8, v5;
	v18 =	vld.idx.msk [tilespmem:v51+s3+$0x0], $0xffff  }
0x524: {  	s20 =	sor.u32 s26, s20;
	v54 =	vadd.s32 $0x8, v7  }
0x525: {  	s22 =	sor.u32 s29, s21;
	s29 =	sor.u32 $0x380, s20  }
0x526: {  	s2 =	sor.u32 s2, s28;
	s30 =	sor.u32 $0x380, s22;
	[tilespmem:s29+$0xE680] =	vst v14  }
0x527: {  	s2 =	sor.u32 $0x380, s2;
	v14 =	vld.idx.msk [tilespmem:v52+s3+$0x0], $0xffff;
	[tilespmem:s30+$0xE680] =	vst v16  }
0x528: {  	v55 =	vadd.s32 $0x9, v4;
	v16 =	vld.idx.msk [tilespmem:v53+s3+$0x0], $0xffff;
	[tilespmem:s2+$0xE680] =	vst v18  }
0x529: {  	v56 =	vadd.s32 $0x9, v5;
	v18 =	vld.idx.msk [tilespmem:v54+s3+$0x0], $0xffff  }
0x52a: {  	v57 =	vadd.s32 $0x9, v7  }
0x52b: {  	v58 =	vadd.s32 $0xA, v3  }
0x52c: {  	[tilespmem:s18+$0x10680] =	vst v14  }
0x52d: {  	v15 =	vld.idx.msk [tilespmem:v55+s3+$0x0], $0xffff;
	[tilespmem:s0+$0x10680] =	vst v16  }
0x52e: {  	v59 =	vadd.s32 $0xA, v4;
	v17 =	vld.idx.msk [tilespmem:v56+s3+$0x0], $0xffff;
	[tilespmem:s15+$0x10680] =	vst v18  }
0x52f: {  	v60 =	vadd.s32 $0xA, v5;
	[tilespmem:s14+$0x10700] =	vst v13;
	v19 =	vld.idx.msk [tilespmem:v57+s3+$0x0], $0xffff  }
0x530: {  	v20 =	vadd.s32 $0xA, v7;
	v13 =	vld.idx.msk [tilespmem:v58+s3+$0x0], $0xffff  }
0x531: {  	v61 =	vadd.s32 $0xB, v3  }
0x532: {  	[tilespmem:s18+$0x10700] =	vst v15  }
0x533: {  	v15 =	vld.idx.msk [tilespmem:v59+s3+$0x0], $0xffff;
	[tilespmem:s0+$0x10700] =	vst v17  }
0x534: {  	v62 =	vadd.s32 $0xB, v4;
	v17 =	vld.idx.msk [tilespmem:v60+s3+$0x0], $0xffff;
	[tilespmem:s15+$0x10700] =	vst v19  }
0x535: {  	v63 =	vadd.s32 $0xB, v5;
	[tilespmem:s14+$0x10780] =	vst v13;
	v19 =	vld.idx.msk [tilespmem:v20+s3+$0x0], $0xffff  }
0x536: {  	v24 =	vadd.s32 $0xB, v7;
	v13 =	vld.idx.msk [tilespmem:v61+s3+$0x0], $0xffff  }
0x537: {  	v25 =	vadd.s32 $0xC, v3  }
0x538: {  	[tilespmem:s18+$0x10780] =	vst v15  }
0x539: {  	v15 =	vld.idx.msk [tilespmem:v62+s3+$0x0], $0xffff;
	[tilespmem:s0+$0x10780] =	vst v17  }
0x53a: {  	v26 =	vadd.s32 $0xC, v4;
	v17 =	vld.idx.msk [tilespmem:v63+s3+$0x0], $0xffff;
	[tilespmem:s15+$0x10780] =	vst v19  }
0x53b: {  	v27 =	vadd.s32 $0xC, v5;
	[tilespmem:s14+$0x10800] =	vst v13;
	v19 =	vld.idx.msk [tilespmem:v24+s3+$0x0], $0xffff  }
0x53c: {  	v28 =	vadd.s32 $0xC, v7;
	v13 =	vld.idx.msk [tilespmem:v25+s3+$0x0], $0xffff  }
0x53d: {  	v29 =	vadd.s32 $0xD, v3;
	[tilespmem:s6+$0x12680] =	vst v8  }
0x53e: {  	v10 =	vld.idx.msk [tilespmem:v10+s3+$0x0], $0xffff;
	[tilespmem:s18+$0x10800] =	vst v15  }
0x53f: {  	v35 =	vadd.s32 $0xE, v2;
	v15 =	vld.idx.msk [tilespmem:v26+s3+$0x0], $0xffff;
	[tilespmem:s0+$0x10800] =	vst v17  }
0x540: {  	v30 =	vadd.s32 $0xD, v4;
	v17 =	vld.idx.msk [tilespmem:v27+s3+$0x0], $0xffff;
	[tilespmem:s15+$0x10800] =	vst v19  }
0x541: {  	v31 =	vadd.s32 $0xD, v5;
	[tilespmem:s14+$0x10880] =	vst v13;
	v32 =	vld.idx.msk [tilespmem:v28+s3+$0x0], $0xffff  }
0x542: {  	[tilespmem:s12+$0x12880] =	vst v11;
	v33 =	vadd.s32 $0xD, v7;
	v14 =	vld.idx.msk [tilespmem:v29+s3+$0x0], $0xffff  }
0x543: {  	v36 =	vadd.s32 $0xE, v3;
	v12 =	vld.idx.msk [tilespmem:v12+s3+$0x0], $0xffff;
	[tilespmem:s11+$0x10900] =	vst v10  }
0x544: {  	v34 =	vadd.s32 $0x16, v0;
	[tilespmem:s18+$0x10880] =	vst v15;
	v15 =	vld.idx.msk [tilespmem:v35+s3+$0x0], $0xffff  }
0x545: {  	v42 =	vadd.s32 $0xF, v2;
	v16 =	vld.idx.msk [tilespmem:v30+s3+$0x0], $0xffff;
	[tilespmem:s0+$0x10880] =	vst v17  }
0x546: {  	v37 =	vadd.s32 $0xE, v4;
	v11 =	vld.idx.msk [tilespmem:v31+s3+$0x0], $0xffff;
	[tilespmem:s15+$0x10880] =	vst v32  }
0x547: {  	v38 =	vadd.s32 $0xE, v5;
	[tilespmem:s14+$0x10900] =	vst v14;
	v19 =	vld.idx.msk [tilespmem:v33+s3+$0x0], $0xffff  }
0x548: {  	[tilespmem:s12+$0x12900] =	vst v12;
	v40 =	vadd.s32 $0xE, v7;
	v17 =	vld.idx.msk [tilespmem:v36+s3+$0x0], $0xffff  }
0x549: {  	v39 =	vld.idx.msk [tilespmem:v34+s3+$0x0], $0xffff;
	v43 =	vadd.s32 $0xF, v3;
	[tilespmem:s11+$0x10980] =	vst v15  }
0x54a: {  	v41 =	vadd.s32 $0x17, v0;
	[tilespmem:s18+$0x10900] =	vst v16;
	v16 =	vld.idx.msk [tilespmem:v42+s3+$0x0], $0xffff  }
0x54b: {  	v47 =	vadd.s32 $0x10, v2;
	v18 =	vld.idx.msk [tilespmem:v37+s3+$0x0], $0xffff;
	[tilespmem:s0+$0x10900] =	vst v11  }
0x54c: {  	v44 =	vadd.s32 $0xF, v4;
	v12 =	vld.idx.msk [tilespmem:v38+s3+$0x0], $0xffff;
	[tilespmem:s15+$0x10900] =	vst v19  }
0x54d: {  	v45 =	vadd.s32 $0xF, v5;
	[tilespmem:s14+$0x10980] =	vst v17;
	v13 =	vld.idx.msk [tilespmem:v40+s3+$0x0], $0xffff  }
0x54e: {  	[tilespmem:s12+$0x12980] =	vst v39;
	v46 =	vadd.s32 $0xF, v7;
	v11 =	vld.idx.msk [tilespmem:v43+s3+$0x0], $0xffff  }
0x54f: {  	v14 =	vld.idx.msk [tilespmem:v41+s3+$0x0], $0xffff;
	v48 =	vadd.s32 $0x10, v3;
	[tilespmem:s17+$0x10680] =	vst v16  }
0x550: {  	[tilespmem:s18+$0x10980] =	vst v18;
	v17 =	vld.idx.msk [tilespmem:v47+s3+$0x0], $0xffff  }
0x551: {  	v52 =	vadd.s32 $0x11, v2;
	v18 =	vld.idx.msk [tilespmem:v44+s3+$0x0], $0xffff;
	[tilespmem:s0+$0x10980] =	vst v12  }
0x552: {  	v49 =	vadd.s32 $0x10, v4;
	v10 =	vld.idx.msk [tilespmem:v45+s3+$0x0], $0xffff;
	[tilespmem:s15+$0x10980] =	vst v13  }
0x553: {  	v50 =	vadd.s32 $0x10, v5;
	[tilespmem:s19+$0x10680] =	vst v11;
	v15 =	vld.idx.msk [tilespmem:v46+s3+$0x0], $0xffff  }
0x554: {  	[tilespmem:s16+$0x12680] =	vst v14;
	v51 =	vadd.s32 $0x10, v7;
	v12 =	vld.idx.msk [tilespmem:v48+s3+$0x0], $0xffff  }
0x555: {  	v9 =	vld.idx.msk [tilespmem:v9+s3+$0x0], $0xffff;
	v53 =	vadd.s32 $0x11, v3;
	[tilespmem:s11+$0x12680] =	vst v17  }
0x556: {  	v57 =	vadd.s32 $0x12, v1;
	[tilespmem:s29+$0x10680] =	vst v18;
	v11 =	vld.idx.msk [tilespmem:v52+s3+$0x0], $0xffff  }
0x557: {  	v58 =	vadd.s32 $0x12, v2;
	[tilespmem:s30+$0x10680] =	vst v10;
	v13 =	vld.idx.msk [tilespmem:v49+s3+$0x0], $0xffff  }
0x558: {  	v54 =	vadd.s32 $0x11, v4;
	v14 =	vld.idx.msk [tilespmem:v50+s3+$0x0], $0xffff;
	[tilespmem:s2+$0x10680] =	vst v15  }
0x559: {  	v55 =	vadd.s32 $0x11, v5;
	[tilespmem:s14+$0x12680] =	vst v12;
	v15 =	vld.idx.msk [tilespmem:v51+s3+$0x0], $0xffff  }
0x55a: {  	[tilespmem:s6+$0x12700] =	vst v9;
	v56 =	vadd.s32 $0x11, v7;
	v18 =	vld.idx.msk [tilespmem:v53+s3+$0x0], $0xffff  }
0x55b: {  	v59 =	vadd.s32 $0x12, v3;
	v62 =	vld.idx.msk [tilespmem:v57+s3+$0x0], $0xffff;
	[tilespmem:s11+$0x12700] =	vst v11  }
0x55c: {  	v21 =	vadd.s32 $0x13, v1;
	v12 =	vld.idx.msk [tilespmem:v58+s3+$0x0], $0xffff;
	[tilespmem:s18+$0x12680] =	vst v13  }
0x55d: {  	v22 =	vadd.s32 $0x13, v2;
	[tilespmem:s0+$0x12680] =	vst v14;
	v10 =	vld.idx.msk [tilespmem:v54+s3+$0x0], $0xffff  }
0x55e: {  	v60 =	vadd.s32 $0x12, v4;
	v8 =	vld.idx.msk [tilespmem:v55+s3+$0x0], $0xffff;
	[tilespmem:s15+$0x12680] =	vst v15  }
0x55f: {  	v61 =	vadd.s32 $0x12, v5;
	[tilespmem:s14+$0x12700] =	vst v18;
	v15 =	vld.idx.msk [tilespmem:v56+s3+$0x0], $0xffff  }
0x560: {  	v63 =	vadd.s32 $0x12, v7;
	[tilespmem:s6+$0x12780] =	vst v62;
	v13 =	vld.idx.msk [tilespmem:v59+s3+$0x0], $0xffff  }
0x561: {  	v23 =	vadd.s32 $0x13, v3;
	v16 =	vld.idx.msk [tilespmem:v21+s3+$0x0], $0xffff;
	[tilespmem:s11+$0x12780] =	vst v12  }
0x562: {  	v27 =	vadd.s32 $0x14, v1;
	v18 =	vld.idx.msk [tilespmem:v22+s3+$0x0], $0xffff;
	[tilespmem:s18+$0x12700] =	vst v10  }
0x563: {  	v28 =	vadd.s32 $0x14, v2;
	[tilespmem:s0+$0x12700] =	vst v8;
	v14 =	vld.idx.msk [tilespmem:v60+s3+$0x0], $0xffff  }
0x564: {  	v24 =	vadd.s32 $0x13, v4;
	v9 =	vld.idx.msk [tilespmem:v61+s3+$0x0], $0xffff;
	[tilespmem:s15+$0x12700] =	vst v15  }
0x565: {  	v25 =	vadd.s32 $0x13, v5;
	[tilespmem:s14+$0x12780] =	vst v13;
	v11 =	vld.idx.msk [tilespmem:v63+s3+$0x0], $0xffff  }
0x566: {  	v26 =	vadd.s32 $0x13, v7;
	[tilespmem:s6+$0x12800] =	vst v16;
	v10 =	vld.idx.msk [tilespmem:v23+s3+$0x0], $0xffff  }
0x567: {  	v29 =	vadd.s32 $0x14, v3;
	v16 =	vld.idx.msk [tilespmem:v27+s3+$0x0], $0xffff;
	[tilespmem:s11+$0x12800] =	vst v18  }
0x568: {  	v33 =	vadd.s32 $0x15, v1;
	v13 =	vld.idx.msk [tilespmem:v28+s3+$0x0], $0xffff;
	[tilespmem:s18+$0x12780] =	vst v14  }
0x569: {  	v34 =	vadd.s32 $0x15, v2;
	[tilespmem:s0+$0x12780] =	vst v9;
	v8 =	vld.idx.msk [tilespmem:v24+s3+$0x0], $0xffff  }
0x56a: {  	v30 =	vadd.s32 $0x14, v4;
	v15 =	vld.idx.msk [tilespmem:v25+s3+$0x0], $0xffff;
	[tilespmem:s15+$0x12780] =	vst v11  }
0x56b: {  	v31 =	vadd.s32 $0x14, v5;
	[tilespmem:s14+$0x12800] =	vst v10;
	v12 =	vld.idx.msk [tilespmem:v26+s3+$0x0], $0xffff  }
0x56c: {  	[tilespmem:s6+$0x12880] =	vst v16;
	v32 =	vadd.s32 $0x14, v7;
	v14 =	vld.idx.msk [tilespmem:v29+s3+$0x0], $0xffff  }
0x56d: {  	v35 =	vadd.s32 $0x15, v3;
	v39 =	vld.idx.msk [tilespmem:v33+s3+$0x0], $0xffff;
	[tilespmem:s11+$0x12880] =	vst v13  }
0x56e: {  	v41 =	vadd.s32 $0x16, v1;
	v10 =	vld.idx.msk [tilespmem:v34+s3+$0x0], $0xffff;
	[tilespmem:s18+$0x12800] =	vst v8  }
0x56f: {  	v42 =	vadd.s32 $0x16, v2;
	[tilespmem:s0+$0x12800] =	vst v15;
	v9 =	vld.idx.msk [tilespmem:v30+s3+$0x0], $0xffff  }
0x570: {  	v36 =	vadd.s32 $0x15, v4;
	v11 =	vld.idx.msk [tilespmem:v31+s3+$0x0], $0xffff;
	[tilespmem:s15+$0x12800] =	vst v12  }
0x571: {  	v37 =	vadd.s32 $0x15, v5;
	[tilespmem:s14+$0x12880] =	vst v14;
	v38 =	vld.idx.msk [tilespmem:v32+s3+$0x0], $0xffff  }
0x572: {  	v40 =	vadd.s32 $0x15, v7;
	[tilespmem:s6+$0x12900] =	vst v39;
	v8 =	vld.idx.msk [tilespmem:v35+s3+$0x0], $0xffff  }
0x573: {  	v43 =	vadd.s32 $0x16, v3;
	v17 =	vld.idx.msk [tilespmem:v41+s3+$0x0], $0xffff;
	[tilespmem:s11+$0x12900] =	vst v10  }
0x574: {  	v47 =	vadd.s32 $0x17, v1;
	v14 =	vld.idx.msk [tilespmem:v42+s3+$0x0], $0xffff;
	[tilespmem:s18+$0x12880] =	vst v9  }
0x575: {  	v48 =	vadd.s32 $0x17, v2;
	[tilespmem:s0+$0x12880] =	vst v11;
	v15 =	vld.idx.msk [tilespmem:v36+s3+$0x0], $0xffff  }
0x576: {  	v44 =	vadd.s32 $0x16, v4;
	v12 =	vld.idx.msk [tilespmem:v37+s3+$0x0], $0xffff;
	[tilespmem:s15+$0x12880] =	vst v38  }
0x577: {  	v45 =	vadd.s32 $0x16, v5;
	[tilespmem:s14+$0x12900] =	vst v8;
	v13 =	vld.idx.msk [tilespmem:v40+s3+$0x0], $0xffff  }
0x578: {  	v46 =	vadd.s32 $0x16, v7;
	[tilespmem:s6+$0x12980] =	vst v17;
	v9 =	vld.idx.msk [tilespmem:v43+s3+$0x0], $0xffff  }
0x579: {  	v49 =	vadd.s32 $0x17, v3;
	v52 =	vld.idx.msk [tilespmem:v47+s3+$0x0], $0xffff;
	[tilespmem:s11+$0x12980] =	vst v14  }
0x57a: {  	v8 =	vld.idx.msk [tilespmem:v48+s3+$0x0], $0xffff;
	[tilespmem:s18+$0x12900] =	vst v15  }
0x57b: {  	v54 =	vadd.s32 $0x18, v0;
	[tilespmem:s0+$0x12900] =	vst v12;
	v11 =	vld.idx.msk [tilespmem:v44+s3+$0x0], $0xffff  }
0x57c: {  	v50 =	vadd.s32 $0x17, v4;
	v16 =	vld.idx.msk [tilespmem:v45+s3+$0x0], $0xffff;
	[tilespmem:s15+$0x12900] =	vst v13  }
0x57d: {  	v51 =	vadd.s32 $0x17, v5;
	[tilespmem:s14+$0x12980] =	vst v9;
	v10 =	vld.idx.msk [tilespmem:v46+s3+$0x0], $0xffff  }
0x57e: {  	v53 =	vadd.s32 $0x17, v7;
	[tilespmem:s13+$0x12680] =	vst v52;
	v9 =	vld.idx.msk [tilespmem:v49+s3+$0x0], $0xffff  }
0x57f: {  	v55 =	vadd.s32 $0x18, v1;
	[tilespmem:s17+$0x12680] =	vst v8  }
0x580: {  	v0 =	vld.idx.msk [tilespmem:v54+s3+$0x0], $0xffff;
	v56 =	vadd.s32 $0x18, v2;
	[tilespmem:s18+$0x12980] =	vst v11  }
0x581: {  	v58 =	vadd.s32 $0x18, v3;
	[tilespmem:s0+$0x12980] =	vst v16;
	v11 =	vld.idx.msk [tilespmem:v50+s3+$0x0], $0xffff  }
0x582: {  	v60 =	vadd.s32 $0x18, v4;
	v57 =	vld.idx.msk [tilespmem:v51+s3+$0x0], $0xffff;
	[tilespmem:s15+$0x12980] =	vst v10  }
0x583: {  	v61 =	vadd.s32 $0x18, v5;
	[tilespmem:s19+$0x12680] =	vst v9;
	s18 =	sadd.s32 $0x10, s7;
	v59 =	vld.idx.msk [tilespmem:v53+s3+$0x0], $0xffff  }
0x584: {  	v7 =	vadd.s32 $0x18, v7;
	v1 =	vld.idx.msk [tilespmem:v55+s3+$0x0], $0xffff;
	[tilespmem:s18+$0x0] =	vst v6;
	s0 =	sadd.s32 $0x10, s18  }
0x585: {  	v2 =	vld.idx.msk [tilespmem:v56+s3+$0x0], $0xffff;
	[tilespmem:s0+$0x0] =	vst v0  }
0x586: {  	v3 =	vld.idx.msk [tilespmem:v58+s3+$0x0], $0xffff;
	[tilespmem:s29+$0x12680] =	vst v11  }
0x587: {  	[tilespmem:s30+$0x12680] =	vst v57;
	v4 =	vld.idx.msk [tilespmem:v60+s3+$0x0], $0xffff  }
0x588: {  	s0 =	sadd.s32 $0x10, s0;
	v62 =	vld.idx.msk [tilespmem:v61+s3+$0x0], $0xffff;
	[tilespmem:s2+$0x12680] =	vst v59  }
0x589: {  	[tilespmem:s0+$0x0] =	vst v1;
	s0 =	sadd.s32 $0x10, s0;
	v63 =	vld.idx.msk [tilespmem:v7+s3+$0x0], $0xffff  }
0x58a: {  	[tilespmem:s0+$0x0] =	vst v2;
	s0 =	sadd.s32 $0x10, s0  }
0x58b: {  	[tilespmem:s0+$0x0] =	vst v3;
	s0 =	sadd.s32 $0x10, s0  }
0x58c: {  	[tilespmem:s0+$0x0] =	vst v4;
	s0 =	sadd.s32 $0x10, s0  }
0x58d: {  	s20 =	rddreg [dreg:$0x2];
	s19 =	sadd.s32 s4, s5;
	[tilespmem:s0+$0x0] =	vst v62;
	s0 =	sadd.s32 $0x10, s0  }
0x58e: {  	s21 =	simm.s32 $0xE680;
	s1 =	sadd.s32 $0x1, s1;
	[tilespmem:s0+$0x0] =	vst v63;
	s0 =	sadd.s32 s20, s19  }
0x58f: {  	[hbm4b:s0+s3] =	stream.linear.scatter [tilespmem:s21], [sflag:$0x1], $0x2000, $0x38;
	[tilespmem:$0x14A80] =	vst v63  }
0x590: {  	s23 =	simm.s32 $0x10680;
	p0 =	sne.s32 s1, $0x10;
	s22 =	sadd.s32 s19, s8  }
0x591: {  	[hbm4b:s22+s3] =	stream.linear.scatter [tilespmem:s23], [sflag:$0x1], $0x2000, $0x38;
	[tilespmem:$0x14A80] =	vst v63  }
.Ltmp4:
0x592: {  	_ = 	snop;
	(pc) =	sbr.rel @p0 .LBB2_6-.Ltmp4, $4  }
0x593: {  	s26 =	simm.s32 $0x12680;
	s25 =	sadd.s32 s19, s9  }
0x594: {  	[hbm4b:s25+s3] =	stream.linear.scatter [tilespmem:s26], [sflag:$0x1], $0x2000, $0x38;
	[tilespmem:$0x14A80] =	vst v63  }
0x595: {  	s28 =	sadd.s32 s19, s10;
	s29 =	simm.s32 $0x80;
	s30 =	simm.s32 $0x14680  }
0x596: {  	[hbm4b:s28+s29] =	stream.strided.scatter [tilespmem:s30], [sflag:$0x1], $0x400, s24, s29, $0x38;
	[tilespmem:$0x14A80] =	vst v63  }
0x597: {  	_ =	swait.ge [sflag:s31], $0x2000  }
0x598: {  	[sflag:s31] =	ssyncset.done $0x0  }
0x599: {  	[sflag:s31] =	ssyncadd.s32 $0xFFFFE000  }
0x59a: {  	_ =	swait.ge [sflag:s31], $0x2000  }
0x59b: {  	[sflag:s31] =	ssyncset.done $0x0  }
0x59c: {  	[sflag:s31] =	ssyncadd.s32 $0xFFFFE000  }
0x59d: {  	_ =	swait.ge [sflag:s31], $0x2000  }
0x59e: {  	[sflag:s31] =	ssyncset.done $0x0  }
0x59f: {  	[sflag:s31] =	ssyncadd.s32 $0xFFFFE000  }
0x5a0: {  	_ =	swait.ge [sflag:s31], $0x400  }
0x5a1: {  	[sflag:s31] =	ssyncset.done $0x0  }
0x5a2: {  	[sflag:s31] =	ssyncadd.s32 $0xFFFFFC00  }
0x5a3: {  	_ =	swait.ge [sflag:s31], $0x2000  }
0x5a4: {  	[sflag:s31] =	ssyncset.done $0x0  }
0x5a5: {  	[sflag:s31] =	ssyncadd.s32 $0xFFFFE000  }
0x5a6: {  	_ =	swait.ge [sflag:s31], $0x2000  }
0x5a7: {  	[sflag:s31] =	ssyncset.done $0x0  }
0x5a8: {  	[sflag:s31] =	ssyncadd.s32 $0xFFFFE000  }
0x5a9: {  	_ =	swait.ge [sflag:s31], $0x2000  }
0x5aa: {  	[sflag:s31] =	ssyncset.done $0x0  }
0x5ab: {  	[sflag:s31] =	ssyncadd.s32 $0xFFFFE000  }
0x5ac: {  	_ =	swait.ge [sflag:s31], $0x400  }
0x5ad: {  	s1 =	rddreg [dreg:$0xf]  }
0x5ae: {  	s0 =	rddreg [dreg:$0xe];
	s1 =	sadd.s32 $0x1, s1  }
0x5af: {  	p0 =	sne.s32 s1, s0  }
.Ltmp5:
0x5b0: {  	_ = 	snop;
	(pc) =	sbr.rel @p0 .LBB2_1-.Ltmp5, $3  }
0x5b1: {  	_ =	sdelay $0x1  }
0x5b2: {  	[sflag:s31] =	ssyncset.done $0x0  }
0x5b3: {  	[sflag:s31] =	ssyncadd.s32 $0xFFFFFC00  }
0x5b4: {  	_ =	sfence.sel $0x180000  }
0x5b5: {  	[bflag:$0x0] =	sbarrier.arrive $0xFFFF  }
0x5b6: {  	_ =	strace $0x90000047  }
0x5b7: {  	s0 =	stileid.u32;
	[bflag:$0x2] =	sbarrier.arrive $0xFFFF  }
0x5b8: {  	p0 =	sne.s32 s0, $0x0;
	s0 =	rddreg [dreg:$0x3]  }
0x5b9: {  	s0 =	sadd.s32 @!p0 $0x100000, s0  }
0x5ba: {  	[sflag:s0] =	ssyncadd.tile.s32 @!p0 $0x1;
	_ =	shalt  }
.Lfunc_end2:
_tile_overlayer_lowered:
.L_overlay_start_2:
0x5bb: {  	(tag) =	ssettag $0x2  }
0x5bc: {  	s0 =	rddreg [dreg:$0x0];
	s2 =	stileid.u32  }
0x5bd: {  	s1 =	rddreg [dreg:$0x1];
	p0 =	sne.s32 s2, $0x0  }
0x5be: {  	s3 =	rddreg [dreg:$0x2];
	[bflag:$0x3] =	sbarrier.arrive $0xFFFF;
	s2 =	simm.s32 @!p0 $0x1C02  }
0x5bf: {  	[timem:s3], [sflag:s2] =	dma.local @!p0 [hbm:s0], s1  }
0x5c0: {  	s0 =	simm.s32 @!p0 $0x2  }
0x5c1: {  	_ =	swait.ge @!p0 [sflag:s0], s1  }
0x5c2: {  	s1 =	ssub.s32 @!p0 $0x0, s1;
	[sflag:s0] =	ssyncset.done @!p0 $0x0  }
0x5c3: {  	[sflag:s0] =	ssyncadd.s32 @!p0 s1  }
0x5c4: {  	[bflag:$0x3] =	sbarrier.arrive $0xFFFF  }
0x5c5: {  	_ =	shalt  }

</sc_bundles>
